<compile_context>
chip_gen: v7x
topology: tpu7x:2x2x1
jax: 0.10.2.dev20260603
libtpu: 0.0.44.dev20260713+nightly
codegen_flags: <defaults>
</compile_context>

<pallas_src>
import functools

import jax
import jax.numpy as jnp
from jax import lax
from jax.experimental import pallas as pl
from jax.experimental.pallas import tpu as pltpu
from jax.experimental.pallas import tpu_sc as plsc

N_NODES = 10000
N_EDGES = 160000
NC, NS = 2, 16
NW = NC * NS
CH = 128
CPW = 40
E_PAD = NW * CPW * CH
NB = 8
N_PAD = 10240
RPT = N_PAD // NS
PAD_IDX = N_NODES

def _mesh():
    return plsc.VectorSubcoreMesh(core_axis_name="c", subcore_axis_name="s")


FD = 8


def _newton_rsqrt(x):
    yi = jnp.int32(0x5F3759DF) - (plsc.bitcast(x, jnp.int32) >> 1)
    y = plsc.bitcast(yi, jnp.float32)
    for _ in range(3):
        y = y * (1.5 - 0.5 * x * y * y)
    return jnp.where(x > 0, y, 0.0)


@functools.lru_cache(maxsize=None)
def _make_deg_kernel():

    @functools.partial(
        pl.kernel,
        out_type=jax.ShapeDtypeStruct((NC, N_PAD, FD), jnp.float32),
        mesh=_mesh(),
        scratch_types=(
            [pltpu.VMEM((CPW, CH), jnp.int32)]
            + [pltpu.VMEM((CH, FD), jnp.float32)]
            + [pltpu.VMEM_SHARED((N_PAD, FD), jnp.float32)]
            + [pltpu.SemaphoreType.DMA] * NB
        ),
        compiler_params=pltpu.CompilerParams(use_tc_tiling_on_sc=False),
    )
    def deg_kernel(src_hbm, zerosd_hbm, ones_hbm, deg_out, sidx, ones_v, deg,
                   *sems):
        c = lax.axis_index("c")
        s = lax.axis_index("s")
        w = s * NC + c
        tslice = pl.ds(s * RPT, RPT)
        pltpu.sync_copy(zerosd_hbm.at[tslice], deg.at[tslice])
        pltpu.sync_copy(ones_hbm, ones_v)
        pltpu.sync_copy(src_hbm.at[pl.ds(pl.multiple_of(w * CPW, 8), CPW)],
                        sidx)
        plsc.subcore_barrier()

        def rnd(g, carry):
            ds = [pltpu.async_copy(ones_v, deg.at[sidx.at[g * NB + b]],
                                   sems[b], add=True)
                  for b in range(NB)]
            for d in ds:
                d.wait()
            return carry

        lax.fori_loop(0, CPW // NB, rnd, 0)
        plsc.subcore_barrier()
        pltpu.sync_copy(deg.at[tslice], deg_out.at[c].at[tslice])

    return deg_kernel


@functools.lru_cache(maxsize=None)
def _make_sc1_kernel():
    F = 32

    @functools.partial(
        pl.kernel,
        out_type=jax.ShapeDtypeStruct((NC, N_PAD, F), jnp.float32),
        mesh=_mesh(),
        scratch_types=(
            [pltpu.VMEM((CPW, CH), jnp.int32)] * 2
            + [pltpu.VMEM((RPT, F), jnp.float32)]
            + [pltpu.VMEM((RPT, FD), jnp.float32)] * 2
            + [pltpu.VMEM((RPT,), jnp.float32)]
            + [pltpu.VMEM((CH, F), jnp.float32)] * NB
            + [pltpu.VMEM_SHARED((N_PAD, F), jnp.float32)] * 2
            + [pltpu.SemaphoreType.DMA] * (2 * NB)
        ),
        compiler_params=pltpu.CompilerParams(use_tc_tiling_on_sc=False,
                                             needs_layout_passes=False),
    )
    def sc1_kernel(y1_hbm, src_hbm, dst_hbm, zeros_hbm, deg_hbm, acc_out,
                   *bufs):
        sidx, didx, ytile, degb0, degb1, disb = bufs[:6]
        rows = bufs[6:6 + NB]
        acc, u_s = bufs[6 + NB:8 + NB]
        gsem = bufs[8 + NB:8 + 2 * NB]
        ssem = bufs[8 + 2 * NB:8 + 3 * NB]
        c = lax.axis_index("c")
        s = lax.axis_index("s")
        w = s * NC + c
        tslice = pl.ds(s * RPT, RPT)
        pltpu.sync_copy(zeros_hbm.at[tslice], acc.at[tslice])
        pltpu.sync_copy(y1_hbm.at[tslice], ytile)
        pltpu.sync_copy(deg_hbm.at[0].at[tslice], degb0)
        pltpu.sync_copy(deg_hbm.at[1].at[tslice], degb1)
        rbase = pl.multiple_of(w * CPW, 8)
        pltpu.sync_copy(src_hbm.at[pl.ds(rbase, CPW)], sidx)
        pltpu.sync_copy(dst_hbm.at[pl.ds(rbase, CPW)], didx)

        col0 = jnp.zeros((16,), jnp.int32)
        lanes = lax.iota(jnp.int32, 16)

        def dis_grp(g, carry):
            dvals = (plsc.load_gather(degb0, [g * 16 + lanes, col0])
                     + plsc.load_gather(degb1, [g * 16 + lanes, col0]))
            disb[pl.ds(g * 16, 16)] = _newton_rsqrt(dvals)
            return carry

        lax.fori_loop(0, RPT // 16, dis_grp, 0)

        def scale_grp(g, carry):
            dvec = disb[pl.ds(g * 16, 16)]
            for b in range(16):
                r = g * 16 + b
                d = dvec[b]
                ytile[r, pl.ds(0, 16)] = ytile[r, pl.ds(0, 16)] * d
                ytile[r, pl.ds(16, 16)] = ytile[r, pl.ds(16, 16)] * d
            return carry

        lax.fori_loop(0, RPT // 16, scale_grp, 0)
        pltpu.sync_copy(ytile, u_s.at[tslice])
        plsc.subcore_barrier()

        def rnd(g, carry):
            gds = [pltpu.async_copy(u_s.at[sidx.at[g * NB + b]], rows[b],
                                    gsem[b])
                   for b in range(NB)]
            sds = []
            for b in range(NB):
                gds[b].wait()
                sds.append(pltpu.async_copy(rows[b],
                                            acc.at[didx.at[g * NB + b]],
                                            ssem[b], add=True))
            for d in sds:
                d.wait()
            return carry

        lax.fori_loop(0, CPW // NB, rnd, 0)
        plsc.subcore_barrier()
        pltpu.sync_copy(acc.at[tslice], acc_out.at[c].at[tslice])

    return sc1_kernel


@functools.lru_cache(maxsize=None)
def _make_scatter_kernel(F):

    @functools.partial(
        pl.kernel,
        out_type=jax.ShapeDtypeStruct((NC, N_PAD, F), jnp.float32),
        mesh=_mesh(),
        scratch_types=(
            [pltpu.VMEM((CPW, CH), jnp.int32)] * 2
            + [pltpu.VMEM((CH, F), jnp.float32)] * NB
            + [pltpu.VMEM_SHARED((N_PAD, F), jnp.float32)] * 2
            + [pltpu.SemaphoreType.DMA] * (2 * NB)
        ),
        compiler_params=pltpu.CompilerParams(use_tc_tiling_on_sc=False),
    )
    def scatter_kernel(u_hbm, src_hbm, dst_hbm, zeros_hbm, out_hbm,
                       sidx, didx, *bufs):
        rows = bufs[:NB]
        acc = bufs[NB]
        u_s = bufs[NB + 1]
        gsem = bufs[NB + 2:2 * NB + 2]
        ssem = bufs[2 * NB + 2:]
        c = lax.axis_index("c")
        s = lax.axis_index("s")
        w = s * NC + c
        pltpu.sync_copy(zeros_hbm.at[pl.ds(s * RPT, RPT)],
                        acc.at[pl.ds(s * RPT, RPT)])
        pltpu.sync_copy(u_hbm.at[pl.ds(s * RPT, RPT)],
                        u_s.at[pl.ds(s * RPT, RPT)])
        rbase = pl.multiple_of(w * CPW, 8)
        pltpu.sync_copy(src_hbm.at[pl.ds(rbase, CPW)], sidx)
        pltpu.sync_copy(dst_hbm.at[pl.ds(rbase, CPW)], didx)
        plsc.subcore_barrier()

        def rnd(g, carry):
            gds = [pltpu.async_copy(u_s.at[sidx.at[g * NB + b]], rows[b],
                                    gsem[b])
                   for b in range(NB)]
            sds = []
            for b in range(NB):
                gds[b].wait()
                sds.append(pltpu.async_copy(rows[b],
                                            acc.at[didx.at[g * NB + b]],
                                            ssem[b], add=True))
            for d in sds:
                d.wait()
            return carry

        lax.fori_loop(0, CPW // NB, rnd, 0)
        plsc.subcore_barrier()
        pltpu.sync_copy(acc.at[pl.ds(s * RPT, RPT)],
                        out_hbm.at[c].at[pl.ds(s * RPT, RPT)])

    return scatter_kernel



def _t1_body(x_ref, w0_ref, w1_ref, y0_ref, y1_ref):
    xv = x_ref[...]
    y0_ref[...] = jnp.dot(xv, w0_ref[...], preferred_element_type=jnp.float32)
    y1_ref[...] = jnp.dot(xv, w1_ref[...], preferred_element_type=jnp.float32)


def _t2_body(y0_ref, accp_ref, degp_ref, b1_ref, w20_ref, w21_ref,
             z0_ref, u2_ref, dis_ref):
    deg = degp_ref[0, :N_NODES, :1] + degp_ref[1, :N_NODES, :1]
    dis = jnp.where(deg > 0, lax.rsqrt(jnp.maximum(deg, 1e-12)), 0.0)
    dis_ref[...] = dis
    tx = dis * (accp_ref[0, :N_NODES] + accp_ref[1, :N_NODES])
    h = jnp.maximum(y0_ref[...] - tx + b1_ref[...], 0.0)
    z0_ref[...] = jnp.dot(h, w20_ref[...], preferred_element_type=jnp.float32)
    u2_ref[...] = dis * jnp.dot(h, w21_ref[...],
                                preferred_element_type=jnp.float32)


def _t3_body(z0_ref, accp_ref, dis_ref, b2_ref, out_ref):
    tx = dis_ref[...] * (accp_ref[0, :N_NODES] + accp_ref[1, :N_NODES])
    o = z0_ref[...] - tx + b2_ref[...]
    m = jnp.max(o, axis=1, keepdims=True)
    e = jnp.exp(o - m)
    out_ref[...] = o - m - jnp.log(jnp.sum(e, axis=1, keepdims=True))


def kernel(x, edge_index, W1_0, W1_1, b1, W2_0, W2_1, b2):
    ei2 = jnp.pad(edge_index, ((0, 0), (0, E_PAD - N_EDGES)),
                  constant_values=PAD_IDX)
    src_pad = ei2[0].reshape(-1, CH)
    dst_pad = ei2[1].reshape(-1, CH)
    ones_ch = jnp.ones((CH, FD), jnp.float32)
    zeros8 = jnp.zeros((N_PAD, FD), jnp.float32)
    zeros32 = jnp.zeros((N_PAD, 32), jnp.float32)
    zeros40 = jnp.zeros((N_PAD, 40), jnp.float32)

    degp = _make_deg_kernel()(src_pad, zeros8, ones_ch)

    y0, y1 = pl.pallas_call(
        _t1_body,
        out_shape=[
            jax.ShapeDtypeStruct((N_NODES, 32), jnp.float32),
            jax.ShapeDtypeStruct((N_NODES, 32), jnp.float32),
        ],
    )(x, W1_0, W1_1)

    y1p = jnp.pad(y1, ((0, N_PAD - N_NODES), (0, 0)))
    acc1 = _make_sc1_kernel()(y1p, src_pad, dst_pad, zeros32, degp)

    z0, u2, dis = pl.pallas_call(
        _t2_body,
        out_shape=[
            jax.ShapeDtypeStruct((N_NODES, 40), jnp.float32),
            jax.ShapeDtypeStruct((N_NODES, 40), jnp.float32),
            jax.ShapeDtypeStruct((N_NODES, 1), jnp.float32),
        ],
    )(y0, acc1, degp, b1, W2_0, W2_1)

    u2p = jnp.pad(u2, ((0, N_PAD - N_NODES), (0, 0)))
    acc2 = _make_scatter_kernel(40)(u2p, src_pad, dst_pad, zeros40)

    out = pl.pallas_call(
        _t3_body,
        out_shape=jax.ShapeDtypeStruct((N_NODES, 40), jnp.float32),
    )(z0, acc2, dis, b2)
    return out

# --- scband reference (transcript-rebuilt; emitter-appended) ---
"""Pipeline reference for scband-cheb-net-8323646620239 (READ-ONLY COPY).

The authoritative reference and input builder live on the scoring server;
editing this copy changes nothing except your own understanding.
"""

import jax, jax.numpy as jnp
import numpy as np

N, E, F_IN, HID, C = 10000, 160000, 256, 32, 40


def setup_inputs(seed: int = 0) -> dict:
    key = jax.random.key(seed)
    ks = jax.random.split(key, 8)
    x = jax.random.normal(ks[0], (N, F_IN), dtype=jnp.float32)
    edge_index = jax.random.randint(ks[1], (2, E), 0, N, dtype=jnp.int32)
    # ChebConv K=2 has two linear weights per layer (one per Chebyshev order) + bias
    W1_0 = jax.random.normal(ks[2], (F_IN, HID), dtype=jnp.float32) * (1.0 / np.sqrt(F_IN))
    W1_1 = jax.random.normal(ks[3], (F_IN, HID), dtype=jnp.float32) * (1.0 / np.sqrt(F_IN))
    b1 = jnp.zeros((HID,), dtype=jnp.float32)
    W2_0 = jax.random.normal(ks[4], (HID, C), dtype=jnp.float32) * (1.0 / np.sqrt(HID))
    W2_1 = jax.random.normal(ks[5], (HID, C), dtype=jnp.float32) * (1.0 / np.sqrt(HID))
    b2 = jnp.zeros((C,), dtype=jnp.float32)
    return {"x": x, "edge_index": edge_index, "W1_0": W1_0, "W1_1": W1_1, "b1": b1,
            "W2_0": W2_0, "W2_1": W2_1, "b2": b2}


def _cheb_conv_k2(x, edge_index, W0, W1, b):
    # PyG ChebConv with K=2, sym normalization, lambda_max=2.0:
    #   L_hat = (2/lambda_max) * (I - D^-1/2 A D^-1/2) - I = -D^-1/2 A D^-1/2
    #   out = Tx_0 @ W0 + Tx_1 @ W1 + b, Tx_0 = x, Tx_1 = L_hat x
    src = edge_index[0]
    dst = edge_index[1]
    n = x.shape[0]
    ones = jnp.ones((src.shape[0],), dtype=x.dtype)
    deg = jnp.zeros((n,), dtype=x.dtype).at[src].add(ones)
    deg_inv_sqrt = jnp.where(deg > 0, jax.lax.rsqrt(jnp.maximum(deg, 1e-12)), 0.0)
    norm = -deg_inv_sqrt[src] * deg_inv_sqrt[dst]  # per-edge weight of L_hat
    msg = norm[:, None] * jnp.take(x, src, axis=0)
    Tx1 = jnp.zeros_like(x).at[dst].add(msg)
    return x @ W0 + Tx1 @ W1 + b


def reference(x, edge_index, W1_0, W1_1, b1, W2_0, W2_1, b2):
    h = jax.nn.relu(_cheb_conv_k2(x, edge_index, W1_0, W1_1, b1))
    # dropout is identity in eval mode
    out = _cheb_conv_k2(h, edge_index, W2_0, W2_1, b2)
    return jax.nn.log_softmax(out, axis=1)

if __name__ == "__main__":
    import jax
    _d = setup_inputs()
    print(jax.jit(kernel)(*tuple(_d.values())))

</pallas_src>

<mosaic_0001>
#map = affine_map<(d0, d1) -> (0, 0)>
#map1 = affine_map<(d0, d1) -> (0, 0, 0)>
module attributes {stable_mosaic.version = 14 : i64} {
  func.func @scatter_kernel(%arg0: i32, %arg1: i32, %arg2: memref<10240x40xf32, #tpu.memory_space<hbm>>, %arg3: memref<1280x128xi32, #tpu.memory_space<hbm>>, %arg4: memref<1280x128xi32, #tpu.memory_space<hbm>>, %arg5: memref<10240x40xf32, #tpu.memory_space<hbm>>, %arg6: memref<2x10240x40xf32, #tpu.memory_space<hbm>>, %arg7: memref<40x128xi32, #tpu.memory_space<vmem>>, %arg8: memref<40x128xi32, #tpu.memory_space<vmem>>, %arg9: memref<128x40xf32, #tpu.memory_space<vmem>>, %arg10: memref<128x40xf32, #tpu.memory_space<vmem>>, %arg11: memref<128x40xf32, #tpu.memory_space<vmem>>, %arg12: memref<128x40xf32, #tpu.memory_space<vmem>>, %arg13: memref<128x40xf32, #tpu.memory_space<vmem>>, %arg14: memref<128x40xf32, #tpu.memory_space<vmem>>, %arg15: memref<128x40xf32, #tpu.memory_space<vmem>>, %arg16: memref<128x40xf32, #tpu.memory_space<vmem>>, %arg17: memref<10240x40xf32, #tpu.memory_space<vmem_shared>>, %arg18: memref<10240x40xf32, #tpu.memory_space<vmem_shared>>, %arg19: memref<!tpu.dma_semaphore, #tpu.memory_space<semaphore_mem>>, %arg20: memref<!tpu.dma_semaphore, #tpu.memory_space<semaphore_mem>>, %arg21: memref<!tpu.dma_semaphore, #tpu.memory_space<semaphore_mem>>, %arg22: memref<!tpu.dma_semaphore, #tpu.memory_space<semaphore_mem>>, %arg23: memref<!tpu.dma_semaphore, #tpu.memory_space<semaphore_mem>>, %arg24: memref<!tpu.dma_semaphore, #tpu.memory_space<semaphore_mem>>, %arg25: memref<!tpu.dma_semaphore, #tpu.memory_space<semaphore_mem>>, %arg26: memref<!tpu.dma_semaphore, #tpu.memory_space<semaphore_mem>>, %arg27: memref<!tpu.dma_semaphore, #tpu.memory_space<semaphore_mem>>, %arg28: memref<!tpu.dma_semaphore, #tpu.memory_space<semaphore_mem>>, %arg29: memref<!tpu.dma_semaphore, #tpu.memory_space<semaphore_mem>>, %arg30: memref<!tpu.dma_semaphore, #tpu.memory_space<semaphore_mem>>, %arg31: memref<!tpu.dma_semaphore, #tpu.memory_space<semaphore_mem>>, %arg32: memref<!tpu.dma_semaphore, #tpu.memory_space<semaphore_mem>>, %arg33: memref<!tpu.dma_semaphore, #tpu.memory_space<semaphore_mem>>, %arg34: memref<!tpu.dma_semaphore, #tpu.memory_space<semaphore_mem>>) attributes {dimension_semantics = [#tpu.dimension_semantics<core_parallel>, #tpu.dimension_semantics<subcore_parallel>], iteration_bounds = array<i64: 2, 16>, scalar_prefetch = 0 : i64, scratch_operands = 28 : i64, tpu.core_type = #tpu.core_type<sc_vector_subcore>, window_params = [{transform_indices = #map}, {transform_indices = #map}, {transform_indices = #map}, {transform_indices = #map}, {transform_indices = #map1}]} {
    %mul3A = arith.constant 2 : i32
    %mul3A_0 = arith.muli %arg1, %mul3A : i32
    %add3A = arith.addi %mul3A_0, %arg0 : i32
    %mul3A_1 = arith.constant 640 : i32
    %mul3A_2 = arith.muli %arg1, %mul3A_1 : i32
    %mul3A_3 = arith.constant 640 : i32
    %mul3A_4 = arith.muli %arg1, %mul3A_3 : i32
    "tpu.region"() ({
      %run_scoped3A = tpu.sem_alloc : memref<!tpu.dma_semaphore, #tpu.memory_space<semaphore_mem>>
      %dma_start3A = arith.constant 0 : i32
      %dma_start3A_21 = tpu.memref_slice %arg17[%mul3A_4, %dma_start3A] : memref<10240x40xf32, #tpu.memory_space<vmem_shared>> -> memref<640x40xf32, #tpu.memory_space<vmem_shared>>
      %dma_start3A_22 = arith.constant 0 : i32
      %dma_start3A_23 = tpu.memref_slice %arg5[%mul3A_2, %dma_start3A_22] : memref<10240x40xf32, #tpu.memory_space<hbm>> -> memref<640x40xf32, #tpu.memory_space<hbm>>
      tpu.enqueue_dma source(%dma_start3A_23 : memref<640x40xf32, #tpu.memory_space<hbm>>) target(%dma_start3A_21 : memref<640x40xf32, #tpu.memory_space<vmem_shared>>) target_semaphore(%run_scoped3A : memref<!tpu.dma_semaphore, #tpu.memory_space<semaphore_mem>>)
      %dma_wait3A = arith.constant 0 : i32
      %dma_wait3A_24 = tpu.memref_slice %arg17[%mul3A_4, %dma_wait3A] : memref<10240x40xf32, #tpu.memory_space<vmem_shared>> -> memref<640x40xf32, #tpu.memory_space<vmem_shared>>
      %dma_wait3A_25 = arith.constant 0 : i32
      %dma_wait3A_26 = tpu.memref_slice %arg5[%mul3A_2, %dma_wait3A_25] : memref<10240x40xf32, #tpu.memory_space<hbm>> -> memref<640x40xf32, #tpu.memory_space<hbm>>
      tpu.wait_dma2 semaphore(%run_scoped3A : memref<!tpu.dma_semaphore, #tpu.memory_space<semaphore_mem>>) src(%dma_wait3A_26 : memref<640x40xf32, #tpu.memory_space<hbm>>) dst(%dma_wait3A_24 : memref<640x40xf32, #tpu.memory_space<vmem_shared>>)
      tpu.yield
    }) : () -> ()
    %mul3A_5 = arith.constant 640 : i32
    %mul3A_6 = arith.muli %arg1, %mul3A_5 : i32
    %mul3A_7 = arith.constant 640 : i32
    %mul3A_8 = arith.muli %arg1, %mul3A_7 : i32
    "tpu.region"() ({
      %run_scoped3A = tpu.sem_alloc : memref<!tpu.dma_semaphore, #tpu.memory_space<semaphore_mem>>
      %dma_start3A = arith.constant 0 : i32
      %dma_start3A_21 = tpu.memref_slice %arg18[%mul3A_8, %dma_start3A] : memref<10240x40xf32, #tpu.memory_space<vmem_shared>> -> memref<640x40xf32, #tpu.memory_space<vmem_shared>>
      %dma_start3A_22 = arith.constant 0 : i32
      %dma_start3A_23 = tpu.memref_slice %arg2[%mul3A_6, %dma_start3A_22] : memref<10240x40xf32, #tpu.memory_space<hbm>> -> memref<640x40xf32, #tpu.memory_space<hbm>>
      tpu.enqueue_dma source(%dma_start3A_23 : memref<640x40xf32, #tpu.memory_space<hbm>>) target(%dma_start3A_21 : memref<640x40xf32, #tpu.memory_space<vmem_shared>>) target_semaphore(%run_scoped3A : memref<!tpu.dma_semaphore, #tpu.memory_space<semaphore_mem>>)
      %dma_wait3A = arith.constant 0 : i32
      %dma_wait3A_24 = tpu.memref_slice %arg18[%mul3A_8, %dma_wait3A] : memref<10240x40xf32, #tpu.memory_space<vmem_shared>> -> memref<640x40xf32, #tpu.memory_space<vmem_shared>>
      %dma_wait3A_25 = arith.constant 0 : i32
      %dma_wait3A_26 = tpu.memref_slice %arg2[%mul3A_6, %dma_wait3A_25] : memref<10240x40xf32, #tpu.memory_space<hbm>> -> memref<640x40xf32, #tpu.memory_space<hbm>>
      tpu.wait_dma2 semaphore(%run_scoped3A : memref<!tpu.dma_semaphore, #tpu.memory_space<semaphore_mem>>) src(%dma_wait3A_26 : memref<640x40xf32, #tpu.memory_space<hbm>>) dst(%dma_wait3A_24 : memref<640x40xf32, #tpu.memory_space<vmem_shared>>)
      tpu.yield
    }) : () -> ()
    %mul3A_9 = arith.constant 40 : i32
    %mul3A_10 = arith.muli %add3A, %mul3A_9 : i32
    %multiple_of3A = tpu.assume_multiple %mul3A_10, 8 : i32
    "tpu.region"() ({
      %run_scoped3A = tpu.sem_alloc : memref<!tpu.dma_semaphore, #tpu.memory_space<semaphore_mem>>
      %dma_start3A = arith.constant 0 : i32
      %dma_start3A_21 = tpu.memref_slice %arg3[%multiple_of3A, %dma_start3A] : memref<1280x128xi32, #tpu.memory_space<hbm>> -> memref<40x128xi32, #tpu.memory_space<hbm>>
      %dma_start3A_22 = arith.constant 0 : i32
      %dma_start3A_23 = tpu.memref_slice %arg3[%multiple_of3A, %dma_start3A_22] : memref<1280x128xi32, #tpu.memory_space<hbm>> -> memref<40x128xi32, #tpu.memory_space<hbm>>
      tpu.enqueue_dma source(%dma_start3A_23 : memref<40x128xi32, #tpu.memory_space<hbm>>) target(%arg7 : memref<40x128xi32, #tpu.memory_space<vmem>>) target_semaphore(%run_scoped3A : memref<!tpu.dma_semaphore, #tpu.memory_space<semaphore_mem>>)
      %dma_wait3A = arith.constant 0 : i32
      %dma_wait3A_24 = tpu.memref_slice %arg3[%multiple_of3A, %dma_wait3A] : memref<1280x128xi32, #tpu.memory_space<hbm>> -> memref<40x128xi32, #tpu.memory_space<hbm>>
      %dma_wait3A_25 = arith.constant 0 : i32
      %dma_wait3A_26 = tpu.memref_slice %arg3[%multiple_of3A, %dma_wait3A_25] : memref<1280x128xi32, #tpu.memory_space<hbm>> -> memref<40x128xi32, #tpu.memory_space<hbm>>
      tpu.wait_dma2 semaphore(%run_scoped3A : memref<!tpu.dma_semaphore, #tpu.memory_space<semaphore_mem>>) src(%dma_wait3A_26 : memref<40x128xi32, #tpu.memory_space<hbm>>) dst(%arg7 : memref<40x128xi32, #tpu.memory_space<vmem>>)
      tpu.yield
    }) : () -> ()
    "tpu.region"() ({
      %run_scoped3A = tpu.sem_alloc : memref<!tpu.dma_semaphore, #tpu.memory_space<semaphore_mem>>
      %dma_start3A = arith.constant 0 : i32
      %dma_start3A_21 = tpu.memref_slice %arg4[%multiple_of3A, %dma_start3A] : memref<1280x128xi32, #tpu.memory_space<hbm>> -> memref<40x128xi32, #tpu.memory_space<hbm>>
      %dma_start3A_22 = arith.constant 0 : i32
      %dma_start3A_23 = tpu.memref_slice %arg4[%multiple_of3A, %dma_start3A_22] : memref<1280x128xi32, #tpu.memory_space<hbm>> -> memref<40x128xi32, #tpu.memory_space<hbm>>
      tpu.enqueue_dma source(%dma_start3A_23 : memref<40x128xi32, #tpu.memory_space<hbm>>) target(%arg8 : memref<40x128xi32, #tpu.memory_space<vmem>>) target_semaphore(%run_scoped3A : memref<!tpu.dma_semaphore, #tpu.memory_space<semaphore_mem>>)
      %dma_wait3A = arith.constant 0 : i32
      %dma_wait3A_24 = tpu.memref_slice %arg4[%multiple_of3A, %dma_wait3A] : memref<1280x128xi32, #tpu.memory_space<hbm>> -> memref<40x128xi32, #tpu.memory_space<hbm>>
      %dma_wait3A_25 = arith.constant 0 : i32
      %dma_wait3A_26 = tpu.memref_slice %arg4[%multiple_of3A, %dma_wait3A_25] : memref<1280x128xi32, #tpu.memory_space<hbm>> -> memref<40x128xi32, #tpu.memory_space<hbm>>
      tpu.wait_dma2 semaphore(%run_scoped3A : memref<!tpu.dma_semaphore, #tpu.memory_space<semaphore_mem>>) src(%dma_wait3A_26 : memref<40x128xi32, #tpu.memory_space<hbm>>) dst(%arg8 : memref<40x128xi32, #tpu.memory_space<vmem>>)
      tpu.yield
    }) : () -> ()
    %barrier3A = arith.constant 0 : index
    tpu.barrier barrier_id(%barrier3A)
    %scan3A = arith.constant 0 : i32
    %scan3A_11 = arith.constant 0 : i32
    %scan3A_12 = arith.constant 5 : i32
    %scan3A_13 = arith.addi %scan3A_11, %scan3A_12 : i32
    %scan3A_14 = arith.constant 1 : i32
    scf.for %scan3A_21 = %scan3A_11 to %scan3A_13 step %scan3A_14  : i32 {
      %mul3A_22 = arith.constant 8 : i32
      %mul3A_23 = arith.muli %scan3A_21, %mul3A_22 : i32
      %add3A_24 = arith.constant 0 : i32
      %add3A_25 = arith.addi %mul3A_23, %add3A_24 : i32
      %dma_start3A = arith.constant 0 : i32
      %dma_start3A_26 = tpu.memref_slice %arg7[%add3A_25, %dma_start3A] : memref<40x128xi32, #tpu.memory_space<vmem>> -> memref<1x128xi32, #tpu.memory_space<vmem>>
      %dma_start3A_27 = tpu.memref_squeeze %dma_start3A_26 : memref<1x128xi32, #tpu.memory_space<vmem>> -> memref<128xi32, #tpu.memory_space<vmem>>
      %dma_start3A_28 = arith.constant 0 : i32
      %dma_start3A_29 = arith.constant 0 : i32
      %dma_start3A_30 = tpu.memref_slice %arg18[%dma_start3A_28, %dma_start3A_29] : memref<10240x40xf32, #tpu.memory_space<vmem_shared>> -> memref<10240x40xf32, #tpu.memory_space<vmem_shared>>
      tpu.enqueue_indirect_dma source(%dma_start3A_30 : memref<10240x40xf32, #tpu.memory_space<vmem_shared>>) target(%arg9 : memref<128x40xf32, #tpu.memory_space<vmem>>) offsets(%dma_start3A_27 : memref<128xi32, #tpu.memory_space<vmem>>) semaphore(%arg19 : memref<!tpu.dma_semaphore, #tpu.memory_space<semaphore_mem>>)
      %mul3A_31 = arith.constant 8 : i32
      %mul3A_32 = arith.muli %scan3A_21, %mul3A_31 : i32
      %add3A_33 = arith.constant 1 : i32
      %add3A_34 = arith.addi %mul3A_32, %add3A_33 : i32
      %dma_start3A_35 = arith.constant 0 : i32
      %dma_start3A_36 = tpu.memref_slice %arg7[%add3A_34, %dma_start3A_35] : memref<40x128xi32, #tpu.memory_space<vmem>> -> memref<1x128xi32, #tpu.memory_space<vmem>>
      %dma_start3A_37 = tpu.memref_squeeze %dma_start3A_36 : memref<1x128xi32, #tpu.memory_space<vmem>> -> memref<128xi32, #tpu.memory_space<vmem>>
      %dma_start3A_38 = arith.constant 0 : i32
      %dma_start3A_39 = arith.constant 0 : i32
      %dma_start3A_40 = tpu.memref_slice %arg18[%dma_start3A_38, %dma_start3A_39] : memref<10240x40xf32, #tpu.memory_space<vmem_shared>> -> memref<10240x40xf32, #tpu.memory_space<vmem_shared>>
      tpu.enqueue_indirect_dma source(%dma_start3A_40 : memref<10240x40xf32, #tpu.memory_space<vmem_shared>>) target(%arg10 : memref<128x40xf32, #tpu.memory_space<vmem>>) offsets(%dma_start3A_37 : memref<128xi32, #tpu.memory_space<vmem>>) semaphore(%arg20 : memref<!tpu.dma_semaphore, #tpu.memory_space<semaphore_mem>>)
      %mul3A_41 = arith.constant 8 : i32
      %mul3A_42 = arith.muli %scan3A_21, %mul3A_41 : i32
      %add3A_43 = arith.constant 2 : i32
      %add3A_44 = arith.addi %mul3A_42, %add3A_43 : i32
      %dma_start3A_45 = arith.constant 0 : i32
      %dma_start3A_46 = tpu.memref_slice %arg7[%add3A_44, %dma_start3A_45] : memref<40x128xi32, #tpu.memory_space<vmem>> -> memref<1x128xi32, #tpu.memory_space<vmem>>
      %dma_start3A_47 = tpu.memref_squeeze %dma_start3A_46 : memref<1x128xi32, #tpu.memory_space<vmem>> -> memref<128xi32, #tpu.memory_space<vmem>>
      %dma_start3A_48 = arith.constant 0 : i32
      %dma_start3A_49 = arith.constant 0 : i32
      %dma_start3A_50 = tpu.memref_slice %arg18[%dma_start3A_48, %dma_start3A_49] : memref<10240x40xf32, #tpu.memory_space<vmem_shared>> -> memref<10240x40xf32, #tpu.memory_space<vmem_shared>>
      tpu.enqueue_indirect_dma source(%dma_start3A_50 : memref<10240x40xf32, #tpu.memory_space<vmem_shared>>) target(%arg11 : memref<128x40xf32, #tpu.memory_space<vmem>>) offsets(%dma_start3A_47 : memref<128xi32, #tpu.memory_space<vmem>>) semaphore(%arg21 : memref<!tpu.dma_semaphore, #tpu.memory_space<semaphore_mem>>)
      %mul3A_51 = arith.constant 8 : i32
      %mul3A_52 = arith.muli %scan3A_21, %mul3A_51 : i32
      %add3A_53 = arith.constant 3 : i32
      %add3A_54 = arith.addi %mul3A_52, %add3A_53 : i32
      %dma_start3A_55 = arith.constant 0 : i32
      %dma_start3A_56 = tpu.memref_slice %arg7[%add3A_54, %dma_start3A_55] : memref<40x128xi32, #tpu.memory_space<vmem>> -> memref<1x128xi32, #tpu.memory_space<vmem>>
      %dma_start3A_57 = tpu.memref_squeeze %dma_start3A_56 : memref<1x128xi32, #tpu.memory_space<vmem>> -> memref<128xi32, #tpu.memory_space<vmem>>
      %dma_start3A_58 = arith.constant 0 : i32
      %dma_start3A_59 = arith.constant 0 : i32
      %dma_start3A_60 = tpu.memref_slice %arg18[%dma_start3A_58, %dma_start3A_59] : memref<10240x40xf32, #tpu.memory_space<vmem_shared>> -> memref<10240x40xf32, #tpu.memory_space<vmem_shared>>
      tpu.enqueue_indirect_dma source(%dma_start3A_60 : memref<10240x40xf32, #tpu.memory_space<vmem_shared>>) target(%arg12 : memref<128x40xf32, #tpu.memory_space<vmem>>) offsets(%dma_start3A_57 : memref<128xi32, #tpu.memory_space<vmem>>) semaphore(%arg22 : memref<!tpu.dma_semaphore, #tpu.memory_space<semaphore_mem>>)
      %mul3A_61 = arith.constant 8 : i32
      %mul3A_62 = arith.muli %scan3A_21, %mul3A_61 : i32
      %add3A_63 = arith.constant 4 : i32
      %add3A_64 = arith.addi %mul3A_62, %add3A_63 : i32
      %dma_start3A_65 = arith.constant 0 : i32
      %dma_start3A_66 = tpu.memref_slice %arg7[%add3A_64, %dma_start3A_65] : memref<40x128xi32, #tpu.memory_space<vmem>> -> memref<1x128xi32, #tpu.memory_space<vmem>>
      %dma_start3A_67 = tpu.memref_squeeze %dma_start3A_66 : memref<1x128xi32, #tpu.memory_space<vmem>> -> memref<128xi32, #tpu.memory_space<vmem>>
      %dma_start3A_68 = arith.constant 0 : i32
      %dma_start3A_69 = arith.constant 0 : i32
      %dma_start3A_70 = tpu.memref_slice %arg18[%dma_start3A_68, %dma_start3A_69] : memref<10240x40xf32, #tpu.memory_space<vmem_shared>> -> memref<10240x40xf32, #tpu.memory_space<vmem_shared>>
      tpu.enqueue_indirect_dma source(%dma_start3A_70 : memref<10240x40xf32, #tpu.memory_space<vmem_shared>>) target(%arg13 : memref<128x40xf32, #tpu.memory_space<vmem>>) offsets(%dma_start3A_67 : memref<128xi32, #tpu.memory_space<vmem>>) semaphore(%arg23 : memref<!tpu.dma_semaphore, #tpu.memory_space<semaphore_mem>>)
      %mul3A_71 = arith.constant 8 : i32
      %mul3A_72 = arith.muli %scan3A_21, %mul3A_71 : i32
      %add3A_73 = arith.constant 5 : i32
      %add3A_74 = arith.addi %mul3A_72, %add3A_73 : i32
      %dma_start3A_75 = arith.constant 0 : i32
      %dma_start3A_76 = tpu.memref_slice %arg7[%add3A_74, %dma_start3A_75] : memref<40x128xi32, #tpu.memory_space<vmem>> -> memref<1x128xi32, #tpu.memory_space<vmem>>
      %dma_start3A_77 = tpu.memref_squeeze %dma_start3A_76 : memref<1x128xi32, #tpu.memory_space<vmem>> -> memref<128xi32, #tpu.memory_space<vmem>>
      %dma_start3A_78 = arith.constant 0 : i32
      %dma_start3A_79 = arith.constant 0 : i32
      %dma_start3A_80 = tpu.memref_slice %arg18[%dma_start3A_78, %dma_start3A_79] : memref<10240x40xf32, #tpu.memory_space<vmem_shared>> -> memref<10240x40xf32, #tpu.memory_space<vmem_shared>>
      tpu.enqueue_indirect_dma source(%dma_start3A_80 : memref<10240x40xf32, #tpu.memory_space<vmem_shared>>) target(%arg14 : memref<128x40xf32, #tpu.memory_space<vmem>>) offsets(%dma_start3A_77 : memref<128xi32, #tpu.memory_space<vmem>>) semaphore(%arg24 : memref<!tpu.dma_semaphore, #tpu.memory_space<semaphore_mem>>)
      %mul3A_81 = arith.constant 8 : i32
      %mul3A_82 = arith.muli %scan3A_21, %mul3A_81 : i32
      %add3A_83 = arith.constant 6 : i32
      %add3A_84 = arith.addi %mul3A_82, %add3A_83 : i32
      %dma_start3A_85 = arith.constant 0 : i32
      %dma_start3A_86 = tpu.memref_slice %arg7[%add3A_84, %dma_start3A_85] : memref<40x128xi32, #tpu.memory_space<vmem>> -> memref<1x128xi32, #tpu.memory_space<vmem>>
      %dma_start3A_87 = tpu.memref_squeeze %dma_start3A_86 : memref<1x128xi32, #tpu.memory_space<vmem>> -> memref<128xi32, #tpu.memory_space<vmem>>
      %dma_start3A_88 = arith.constant 0 : i32
      %dma_start3A_89 = arith.constant 0 : i32
      %dma_start3A_90 = tpu.memref_slice %arg18[%dma_start3A_88, %dma_start3A_89] : memref<10240x40xf32, #tpu.memory_space<vmem_shared>> -> memref<10240x40xf32, #tpu.memory_space<vmem_shared>>
      tpu.enqueue_indirect_dma source(%dma_start3A_90 : memref<10240x40xf32, #tpu.memory_space<vmem_shared>>) target(%arg15 : memref<128x40xf32, #tpu.memory_space<vmem>>) offsets(%dma_start3A_87 : memref<128xi32, #tpu.memory_space<vmem>>) semaphore(%arg25 : memref<!tpu.dma_semaphore, #tpu.memory_space<semaphore_mem>>)
      %mul3A_91 = arith.constant 8 : i32
      %mul3A_92 = arith.muli %scan3A_21, %mul3A_91 : i32
      %add3A_93 = arith.constant 7 : i32
      %add3A_94 = arith.addi %mul3A_92, %add3A_93 : i32
      %dma_start3A_95 = arith.constant 0 : i32
      %dma_start3A_96 = tpu.memref_slice %arg7[%add3A_94, %dma_start3A_95] : memref<40x128xi32, #tpu.memory_space<vmem>> -> memref<1x128xi32, #tpu.memory_space<vmem>>
      %dma_start3A_97 = tpu.memref_squeeze %dma_start3A_96 : memref<1x128xi32, #tpu.memory_space<vmem>> -> memref<128xi32, #tpu.memory_space<vmem>>
      %dma_start3A_98 = arith.constant 0 : i32
      %dma_start3A_99 = arith.constant 0 : i32
      %dma_start3A_100 = tpu.memref_slice %arg18[%dma_start3A_98, %dma_start3A_99] : memref<10240x40xf32, #tpu.memory_space<vmem_shared>> -> memref<10240x40xf32, #tpu.memory_space<vmem_shared>>
      tpu.enqueue_indirect_dma source(%dma_start3A_100 : memref<10240x40xf32, #tpu.memory_space<vmem_shared>>) target(%arg16 : memref<128x40xf32, #tpu.memory_space<vmem>>) offsets(%dma_start3A_97 : memref<128xi32, #tpu.memory_space<vmem>>) semaphore(%arg26 : memref<!tpu.dma_semaphore, #tpu.memory_space<semaphore_mem>>)
      %dma_wait3A = arith.constant 0 : i32
      %dma_wait3A_101 = tpu.memref_slice %arg7[%add3A_25, %dma_wait3A] : memref<40x128xi32, #tpu.memory_space<vmem>> -> memref<1x128xi32, #tpu.memory_space<vmem>>
      %dma_wait3A_102 = tpu.memref_squeeze %dma_wait3A_101 : memref<1x128xi32, #tpu.memory_space<vmem>> -> memref<128xi32, #tpu.memory_space<vmem>>
      %dma_wait3A_103 = arith.constant 0 : i32
      %dma_wait3A_104 = arith.constant 0 : i32
      %dma_wait3A_105 = tpu.memref_slice %arg18[%dma_wait3A_103, %dma_wait3A_104] : memref<10240x40xf32, #tpu.memory_space<vmem_shared>> -> memref<10240x40xf32, #tpu.memory_space<vmem_shared>>
      tpu.wait_indirect_dma semaphore(%arg19 : memref<!tpu.dma_semaphore, #tpu.memory_space<semaphore_mem>>) src(%dma_wait3A_105 : memref<10240x40xf32, #tpu.memory_space<vmem_shared>>) dst(%arg9 : memref<128x40xf32, #tpu.memory_space<vmem>>)
      %mul3A_106 = arith.constant 8 : i32
      %mul3A_107 = arith.muli %scan3A_21, %mul3A_106 : i32
      %add3A_108 = arith.constant 0 : i32
      %add3A_109 = arith.addi %mul3A_107, %add3A_108 : i32
      %dma_start3A_110 = arith.constant 0 : i32
      %dma_start3A_111 = tpu.memref_slice %arg8[%add3A_109, %dma_start3A_110] : memref<40x128xi32, #tpu.memory_space<vmem>> -> memref<1x128xi32, #tpu.memory_space<vmem>>
      %dma_start3A_112 = tpu.memref_squeeze %dma_start3A_111 : memref<1x128xi32, #tpu.memory_space<vmem>> -> memref<128xi32, #tpu.memory_space<vmem>>
      %dma_start3A_113 = arith.constant 0 : i32
      %dma_start3A_114 = arith.constant 0 : i32
      %dma_start3A_115 = tpu.memref_slice %arg17[%dma_start3A_113, %dma_start3A_114] : memref<10240x40xf32, #tpu.memory_space<vmem_shared>> -> memref<10240x40xf32, #tpu.memory_space<vmem_shared>>
      tpu.enqueue_indirect_dma source(%arg9 : memref<128x40xf32, #tpu.memory_space<vmem>>) target(%dma_start3A_115 : memref<10240x40xf32, #tpu.memory_space<vmem_shared>>) offsets(%dma_start3A_112 : memref<128xi32, #tpu.memory_space<vmem>>) semaphore(%arg27 : memref<!tpu.dma_semaphore, #tpu.memory_space<semaphore_mem>>) {add = true}
      %dma_wait3A_116 = arith.constant 0 : i32
      %dma_wait3A_117 = tpu.memref_slice %arg7[%add3A_34, %dma_wait3A_116] : memref<40x128xi32, #tpu.memory_space<vmem>> -> memref<1x128xi32, #tpu.memory_space<vmem>>
      %dma_wait3A_118 = tpu.memref_squeeze %dma_wait3A_117 : memref<1x128xi32, #tpu.memory_space<vmem>> -> memref<128xi32, #tpu.memory_space<vmem>>
      %dma_wait3A_119 = arith.constant 0 : i32
      %dma_wait3A_120 = arith.constant 0 : i32
      %dma_wait3A_121 = tpu.memref_slice %arg18[%dma_wait3A_119, %dma_wait3A_120] : memref<10240x40xf32, #tpu.memory_space<vmem_shared>> -> memref<10240x40xf32, #tpu.memory_space<vmem_shared>>
      tpu.wait_indirect_dma semaphore(%arg20 : memref<!tpu.dma_semaphore, #tpu.memory_space<semaphore_mem>>) src(%dma_wait3A_121 : memref<10240x40xf32, #tpu.memory_space<vmem_shared>>) dst(%arg10 : memref<128x40xf32, #tpu.memory_space<vmem>>)
      %mul3A_122 = arith.constant 8 : i32
      %mul3A_123 = arith.muli %scan3A_21, %mul3A_122 : i32
      %add3A_124 = arith.constant 1 : i32
      %add3A_125 = arith.addi %mul3A_123, %add3A_124 : i32
      %dma_start3A_126 = arith.constant 0 : i32
      %dma_start3A_127 = tpu.memref_slice %arg8[%add3A_125, %dma_start3A_126] : memref<40x128xi32, #tpu.memory_space<vmem>> -> memref<1x128xi32, #tpu.memory_space<vmem>>
      %dma_start3A_128 = tpu.memref_squeeze %dma_start3A_127 : memref<1x128xi32, #tpu.memory_space<vmem>> -> memref<128xi32, #tpu.memory_space<vmem>>
      %dma_start3A_129 = arith.constant 0 : i32
      %dma_start3A_130 = arith.constant 0 : i32
      %dma_start3A_131 = tpu.memref_slice %arg17[%dma_start3A_129, %dma_start3A_130] : memref<10240x40xf32, #tpu.memory_space<vmem_shared>> -> memref<10240x40xf32, #tpu.memory_space<vmem_shared>>
      tpu.enqueue_indirect_dma source(%arg10 : memref<128x40xf32, #tpu.memory_space<vmem>>) target(%dma_start3A_131 : memref<10240x40xf32, #tpu.memory_space<vmem_shared>>) offsets(%dma_start3A_128 : memref<128xi32, #tpu.memory_space<vmem>>) semaphore(%arg28 : memref<!tpu.dma_semaphore, #tpu.memory_space<semaphore_mem>>) {add = true}
      %dma_wait3A_132 = arith.constant 0 : i32
      %dma_wait3A_133 = tpu.memref_slice %arg7[%add3A_44, %dma_wait3A_132] : memref<40x128xi32, #tpu.memory_space<vmem>> -> memref<1x128xi32, #tpu.memory_space<vmem>>
      %dma_wait3A_134 = tpu.memref_squeeze %dma_wait3A_133 : memref<1x128xi32, #tpu.memory_space<vmem>> -> memref<128xi32, #tpu.memory_space<vmem>>
      %dma_wait3A_135 = arith.constant 0 : i32
      %dma_wait3A_136 = arith.constant 0 : i32
      %dma_wait3A_137 = tpu.memref_slice %arg18[%dma_wait3A_135, %dma_wait3A_136] : memref<10240x40xf32, #tpu.memory_space<vmem_shared>> -> memref<10240x40xf32, #tpu.memory_space<vmem_shared>>
      tpu.wait_indirect_dma semaphore(%arg21 : memref<!tpu.dma_semaphore, #tpu.memory_space<semaphore_mem>>) src(%dma_wait3A_137 : memref<10240x40xf32, #tpu.memory_space<vmem_shared>>) dst(%arg11 : memref<128x40xf32, #tpu.memory_space<vmem>>)
      %mul3A_138 = arith.constant 8 : i32
      %mul3A_139 = arith.muli %scan3A_21, %mul3A_138 : i32
      %add3A_140 = arith.constant 2 : i32
      %add3A_141 = arith.addi %mul3A_139, %add3A_140 : i32
      %dma_start3A_142 = arith.constant 0 : i32
      %dma_start3A_143 = tpu.memref_slice %arg8[%add3A_141, %dma_start3A_142] : memref<40x128xi32, #tpu.memory_space<vmem>> -> memref<1x128xi32, #tpu.memory_space<vmem>>
      %dma_start3A_144 = tpu.memref_squeeze %dma_start3A_143 : memref<1x128xi32, #tpu.memory_space<vmem>> -> memref<128xi32, #tpu.memory_space<vmem>>
      %dma_start3A_145 = arith.constant 0 : i32
      %dma_start3A_146 = arith.constant 0 : i32
      %dma_start3A_147 = tpu.memref_slice %arg17[%dma_start3A_145, %dma_start3A_146] : memref<10240x40xf32, #tpu.memory_space<vmem_shared>> -> memref<10240x40xf32, #tpu.memory_space<vmem_shared>>
      tpu.enqueue_indirect_dma source(%arg11 : memref<128x40xf32, #tpu.memory_space<vmem>>) target(%dma_start3A_147 : memref<10240x40xf32, #tpu.memory_space<vmem_shared>>) offsets(%dma_start3A_144 : memref<128xi32, #tpu.memory_space<vmem>>) semaphore(%arg29 : memref<!tpu.dma_semaphore, #tpu.memory_space<semaphore_mem>>) {add = true}
      %dma_wait3A_148 = arith.constant 0 : i32
      %dma_wait3A_149 = tpu.memref_slice %arg7[%add3A_54, %dma_wait3A_148] : memref<40x128xi32, #tpu.memory_space<vmem>> -> memref<1x128xi32, #tpu.memory_space<vmem>>
      %dma_wait3A_150 = tpu.memref_squeeze %dma_wait3A_149 : memref<1x128xi32, #tpu.memory_space<vmem>> -> memref<128xi32, #tpu.memory_space<vmem>>
      %dma_wait3A_151 = arith.constant 0 : i32
      %dma_wait3A_152 = arith.constant 0 : i32
      %dma_wait3A_153 = tpu.memref_slice %arg18[%dma_wait3A_151, %dma_wait3A_152] : memref<10240x40xf32, #tpu.memory_space<vmem_shared>> -> memref<10240x40xf32, #tpu.memory_space<vmem_shared>>
      tpu.wait_indirect_dma semaphore(%arg22 : memref<!tpu.dma_semaphore, #tpu.memory_space<semaphore_mem>>) src(%dma_wait3A_153 : memref<10240x40xf32, #tpu.memory_space<vmem_shared>>) dst(%arg12 : memref<128x40xf32, #tpu.memory_space<vmem>>)
      %mul3A_154 = arith.constant 8 : i32
      %mul3A_155 = arith.muli %scan3A_21, %mul3A_154 : i32
      %add3A_156 = arith.constant 3 : i32
      %add3A_157 = arith.addi %mul3A_155, %add3A_156 : i32
      %dma_start3A_158 = arith.constant 0 : i32
      %dma_start3A_159 = tpu.memref_slice %arg8[%add3A_157, %dma_start3A_158] : memref<40x128xi32, #tpu.memory_space<vmem>> -> memref<1x128xi32, #tpu.memory_space<vmem>>
      %dma_start3A_160 = tpu.memref_squeeze %dma_start3A_159 : memref<1x128xi32, #tpu.memory_space<vmem>> -> memref<128xi32, #tpu.memory_space<vmem>>
      %dma_start3A_161 = arith.constant 0 : i32
      %dma_start3A_162 = arith.constant 0 : i32
      %dma_start3A_163 = tpu.memref_slice %arg17[%dma_start3A_161, %dma_start3A_162] : memref<10240x40xf32, #tpu.memory_space<vmem_shared>> -> memref<10240x40xf32, #tpu.memory_space<vmem_shared>>
      tpu.enqueue_indirect_dma source(%arg12 : memref<128x40xf32, #tpu.memory_space<vmem>>) target(%dma_start3A_163 : memref<10240x40xf32, #tpu.memory_space<vmem_shared>>) offsets(%dma_start3A_160 : memref<128xi32, #tpu.memory_space<vmem>>) semaphore(%arg30 : memref<!tpu.dma_semaphore, #tpu.memory_space<semaphore_mem>>) {add = true}
      %dma_wait3A_164 = arith.constant 0 : i32
      %dma_wait3A_165 = tpu.memref_slice %arg7[%add3A_64, %dma_wait3A_164] : memref<40x128xi32, #tpu.memory_space<vmem>> -> memref<1x128xi32, #tpu.memory_space<vmem>>
      %dma_wait3A_166 = tpu.memref_squeeze %dma_wait3A_165 : memref<1x128xi32, #tpu.memory_space<vmem>> -> memref<128xi32, #tpu.memory_space<vmem>>
      %dma_wait3A_167 = arith.constant 0 : i32
      %dma_wait3A_168 = arith.constant 0 : i32
      %dma_wait3A_169 = tpu.memref_slice %arg18[%dma_wait3A_167, %dma_wait3A_168] : memref<10240x40xf32, #tpu.memory_space<vmem_shared>> -> memref<10240x40xf32, #tpu.memory_space<vmem_shared>>
      tpu.wait_indirect_dma semaphore(%arg23 : memref<!tpu.dma_semaphore, #tpu.memory_space<semaphore_mem>>) src(%dma_wait3A_169 : memref<10240x40xf32, #tpu.memory_space<vmem_shared>>) dst(%arg13 : memref<128x40xf32, #tpu.memory_space<vmem>>)
      %mul3A_170 = arith.constant 8 : i32
      %mul3A_171 = arith.muli %scan3A_21, %mul3A_170 : i32
      %add3A_172 = arith.constant 4 : i32
      %add3A_173 = arith.addi %mul3A_171, %add3A_172 : i32
      %dma_start3A_174 = arith.constant 0 : i32
      %dma_start3A_175 = tpu.memref_slice %arg8[%add3A_173, %dma_start3A_174] : memref<40x128xi32, #tpu.memory_space<vmem>> -> memref<1x128xi32, #tpu.memory_space<vmem>>
      %dma_start3A_176 = tpu.memref_squeeze %dma_start3A_175 : memref<1x128xi32, #tpu.memory_space<vmem>> -> memref<128xi32, #tpu.memory_space<vmem>>
      %dma_start3A_177 = arith.constant 0 : i32
      %dma_start3A_178 = arith.constant 0 : i32
      %dma_start3A_179 = tpu.memref_slice %arg17[%dma_start3A_177, %dma_start3A_178] : memref<10240x40xf32, #tpu.memory_space<vmem_shared>> -> memref<10240x40xf32, #tpu.memory_space<vmem_shared>>
      tpu.enqueue_indirect_dma source(%arg13 : memref<128x40xf32, #tpu.memory_space<vmem>>) target(%dma_start3A_179 : memref<10240x40xf32, #tpu.memory_space<vmem_shared>>) offsets(%dma_start3A_176 : memref<128xi32, #tpu.memory_space<vmem>>) semaphore(%arg31 : memref<!tpu.dma_semaphore, #tpu.memory_space<semaphore_mem>>) {add = true}
      %dma_wait3A_180 = arith.constant 0 : i32
      %dma_wait3A_181 = tpu.memref_slice %arg7[%add3A_74, %dma_wait3A_180] : memref<40x128xi32, #tpu.memory_space<vmem>> -> memref<1x128xi32, #tpu.memory_space<vmem>>
      %dma_wait3A_182 = tpu.memref_squeeze %dma_wait3A_181 : memref<1x128xi32, #tpu.memory_space<vmem>> -> memref<128xi32, #tpu.memory_space<vmem>>
      %dma_wait3A_183 = arith.constant 0 : i32
      %dma_wait3A_184 = arith.constant 0 : i32
      %dma_wait3A_185 = tpu.memref_slice %arg18[%dma_wait3A_183, %dma_wait3A_184] : memref<10240x40xf32, #tpu.memory_space<vmem_shared>> -> memref<10240x40xf32, #tpu.memory_space<vmem_shared>>
      tpu.wait_indirect_dma semaphore(%arg24 : memref<!tpu.dma_semaphore, #tpu.memory_space<semaphore_mem>>) src(%dma_wait3A_185 : memref<10240x40xf32, #tpu.memory_space<vmem_shared>>) dst(%arg14 : memref<128x40xf32, #tpu.memory_space<vmem>>)
      %mul3A_186 = arith.constant 8 : i32
      %mul3A_187 = arith.muli %scan3A_21, %mul3A_186 : i32
      %add3A_188 = arith.constant 5 : i32
      %add3A_189 = arith.addi %mul3A_187, %add3A_188 : i32
      %dma_start3A_190 = arith.constant 0 : i32
      %dma_start3A_191 = tpu.memref_slice %arg8[%add3A_189, %dma_start3A_190] : memref<40x128xi32, #tpu.memory_space<vmem>> -> memref<1x128xi32, #tpu.memory_space<vmem>>
      %dma_start3A_192 = tpu.memref_squeeze %dma_start3A_191 : memref<1x128xi32, #tpu.memory_space<vmem>> -> memref<128xi32, #tpu.memory_space<vmem>>
      %dma_start3A_193 = arith.constant 0 : i32
      %dma_start3A_194 = arith.constant 0 : i32
      %dma_start3A_195 = tpu.memref_slice %arg17[%dma_start3A_193, %dma_start3A_194] : memref<10240x40xf32, #tpu.memory_space<vmem_shared>> -> memref<10240x40xf32, #tpu.memory_space<vmem_shared>>
      tpu.enqueue_indirect_dma source(%arg14 : memref<128x40xf32, #tpu.memory_space<vmem>>) target(%dma_start3A_195 : memref<10240x40xf32, #tpu.memory_space<vmem_shared>>) offsets(%dma_start3A_192 : memref<128xi32, #tpu.memory_space<vmem>>) semaphore(%arg32 : memref<!tpu.dma_semaphore, #tpu.memory_space<semaphore_mem>>) {add = true}
      %dma_wait3A_196 = arith.constant 0 : i32
      %dma_wait3A_197 = tpu.memref_slice %arg7[%add3A_84, %dma_wait3A_196] : memref<40x128xi32, #tpu.memory_space<vmem>> -> memref<1x128xi32, #tpu.memory_space<vmem>>
      %dma_wait3A_198 = tpu.memref_squeeze %dma_wait3A_197 : memref<1x128xi32, #tpu.memory_space<vmem>> -> memref<128xi32, #tpu.memory_space<vmem>>
      %dma_wait3A_199 = arith.constant 0 : i32
      %dma_wait3A_200 = arith.constant 0 : i32
      %dma_wait3A_201 = tpu.memref_slice %arg18[%dma_wait3A_199, %dma_wait3A_200] : memref<10240x40xf32, #tpu.memory_space<vmem_shared>> -> memref<10240x40xf32, #tpu.memory_space<vmem_shared>>
      tpu.wait_indirect_dma semaphore(%arg25 : memref<!tpu.dma_semaphore, #tpu.memory_space<semaphore_mem>>) src(%dma_wait3A_201 : memref<10240x40xf32, #tpu.memory_space<vmem_shared>>) dst(%arg15 : memref<128x40xf32, #tpu.memory_space<vmem>>)
      %mul3A_202 = arith.constant 8 : i32
      %mul3A_203 = arith.muli %scan3A_21, %mul3A_202 : i32
      %add3A_204 = arith.constant 6 : i32
      %add3A_205 = arith.addi %mul3A_203, %add3A_204 : i32
      %dma_start3A_206 = arith.constant 0 : i32
      %dma_start3A_207 = tpu.memref_slice %arg8[%add3A_205, %dma_start3A_206] : memref<40x128xi32, #tpu.memory_space<vmem>> -> memref<1x128xi32, #tpu.memory_space<vmem>>
      %dma_start3A_208 = tpu.memref_squeeze %dma_start3A_207 : memref<1x128xi32, #tpu.memory_space<vmem>> -> memref<128xi32, #tpu.memory_space<vmem>>
      %dma_start3A_209 = arith.constant 0 : i32
      %dma_start3A_210 = arith.constant 0 : i32
      %dma_start3A_211 = tpu.memref_slice %arg17[%dma_start3A_209, %dma_start3A_210] : memref<10240x40xf32, #tpu.memory_space<vmem_shared>> -> memref<10240x40xf32, #tpu.memory_space<vmem_shared>>
      tpu.enqueue_indirect_dma source(%arg15 : memref<128x40xf32, #tpu.memory_space<vmem>>) target(%dma_start3A_211 : memref<10240x40xf32, #tpu.memory_space<vmem_shared>>) offsets(%dma_start3A_208 : memref<128xi32, #tpu.memory_space<vmem>>) semaphore(%arg33 : memref<!tpu.dma_semaphore, #tpu.memory_space<semaphore_mem>>) {add = true}
      %dma_wait3A_212 = arith.constant 0 : i32
      %dma_wait3A_213 = tpu.memref_slice %arg7[%add3A_94, %dma_wait3A_212] : memref<40x128xi32, #tpu.memory_space<vmem>> -> memref<1x128xi32, #tpu.memory_space<vmem>>
      %dma_wait3A_214 = tpu.memref_squeeze %dma_wait3A_213 : memref<1x128xi32, #tpu.memory_space<vmem>> -> memref<128xi32, #tpu.memory_space<vmem>>
      %dma_wait3A_215 = arith.constant 0 : i32
      %dma_wait3A_216 = arith.constant 0 : i32
      %dma_wait3A_217 = tpu.memref_slice %arg18[%dma_wait3A_215, %dma_wait3A_216] : memref<10240x40xf32, #tpu.memory_space<vmem_shared>> -> memref<10240x40xf32, #tpu.memory_space<vmem_shared>>
      tpu.wait_indirect_dma semaphore(%arg26 : memref<!tpu.dma_semaphore, #tpu.memory_space<semaphore_mem>>) src(%dma_wait3A_217 : memref<10240x40xf32, #tpu.memory_space<vmem_shared>>) dst(%arg16 : memref<128x40xf32, #tpu.memory_space<vmem>>)
      %mul3A_218 = arith.constant 8 : i32
      %mul3A_219 = arith.muli %scan3A_21, %mul3A_218 : i32
      %add3A_220 = arith.constant 7 : i32
      %add3A_221 = arith.addi %mul3A_219, %add3A_220 : i32
      %dma_start3A_222 = arith.constant 0 : i32
      %dma_start3A_223 = tpu.memref_slice %arg8[%add3A_221, %dma_start3A_222] : memref<40x128xi32, #tpu.memory_space<vmem>> -> memref<1x128xi32, #tpu.memory_space<vmem>>
      %dma_start3A_224 = tpu.memref_squeeze %dma_start3A_223 : memref<1x128xi32, #tpu.memory_space<vmem>> -> memref<128xi32, #tpu.memory_space<vmem>>
      %dma_start3A_225 = arith.constant 0 : i32
      %dma_start3A_226 = arith.constant 0 : i32
      %dma_start3A_227 = tpu.memref_slice %arg17[%dma_start3A_225, %dma_start3A_226] : memref<10240x40xf32, #tpu.memory_space<vmem_shared>> -> memref<10240x40xf32, #tpu.memory_space<vmem_shared>>
      tpu.enqueue_indirect_dma source(%arg16 : memref<128x40xf32, #tpu.memory_space<vmem>>) target(%dma_start3A_227 : memref<10240x40xf32, #tpu.memory_space<vmem_shared>>) offsets(%dma_start3A_224 : memref<128xi32, #tpu.memory_space<vmem>>) semaphore(%arg34 : memref<!tpu.dma_semaphore, #tpu.memory_space<semaphore_mem>>) {add = true}
      %dma_wait3A_228 = arith.constant 0 : i32
      %dma_wait3A_229 = tpu.memref_slice %arg8[%add3A_109, %dma_wait3A_228] : memref<40x128xi32, #tpu.memory_space<vmem>> -> memref<1x128xi32, #tpu.memory_space<vmem>>
      %dma_wait3A_230 = tpu.memref_squeeze %dma_wait3A_229 : memref<1x128xi32, #tpu.memory_space<vmem>> -> memref<128xi32, #tpu.memory_space<vmem>>
      %dma_wait3A_231 = arith.constant 0 : i32
      %dma_wait3A_232 = arith.constant 0 : i32
      %dma_wait3A_233 = tpu.memref_slice %arg17[%dma_wait3A_231, %dma_wait3A_232] : memref<10240x40xf32, #tpu.memory_space<vmem_shared>> -> memref<10240x40xf32, #tpu.memory_space<vmem_shared>>
      tpu.wait_indirect_dma semaphore(%arg27 : memref<!tpu.dma_semaphore, #tpu.memory_space<semaphore_mem>>) src(%arg9 : memref<128x40xf32, #tpu.memory_space<vmem>>) dst(%dma_wait3A_233 : memref<10240x40xf32, #tpu.memory_space<vmem_shared>>)
      %dma_wait3A_234 = arith.constant 0 : i32
      %dma_wait3A_235 = tpu.memref_slice %arg8[%add3A_125, %dma_wait3A_234] : memref<40x128xi32, #tpu.memory_space<vmem>> -> memref<1x128xi32, #tpu.memory_space<vmem>>
      %dma_wait3A_236 = tpu.memref_squeeze %dma_wait3A_235 : memref<1x128xi32, #tpu.memory_space<vmem>> -> memref<128xi32, #tpu.memory_space<vmem>>
      %dma_wait3A_237 = arith.constant 0 : i32
      %dma_wait3A_238 = arith.constant 0 : i32
      %dma_wait3A_239 = tpu.memref_slice %arg17[%dma_wait3A_237, %dma_wait3A_238] : memref<10240x40xf32, #tpu.memory_space<vmem_shared>> -> memref<10240x40xf32, #tpu.memory_space<vmem_shared>>
      tpu.wait_indirect_dma semaphore(%arg28 : memref<!tpu.dma_semaphore, #tpu.memory_space<semaphore_mem>>) src(%arg10 : memref<128x40xf32, #tpu.memory_space<vmem>>) dst(%dma_wait3A_239 : memref<10240x40xf32, #tpu.memory_space<vmem_shared>>)
      %dma_wait3A_240 = arith.constant 0 : i32
      %dma_wait3A_241 = tpu.memref_slice %arg8[%add3A_141, %dma_wait3A_240] : memref<40x128xi32, #tpu.memory_space<vmem>> -> memref<1x128xi32, #tpu.memory_space<vmem>>
      %dma_wait3A_242 = tpu.memref_squeeze %dma_wait3A_241 : memref<1x128xi32, #tpu.memory_space<vmem>> -> memref<128xi32, #tpu.memory_space<vmem>>
      %dma_wait3A_243 = arith.constant 0 : i32
      %dma_wait3A_244 = arith.constant 0 : i32
      %dma_wait3A_245 = tpu.memref_slice %arg17[%dma_wait3A_243, %dma_wait3A_244] : memref<10240x40xf32, #tpu.memory_space<vmem_shared>> -> memref<10240x40xf32, #tpu.memory_space<vmem_shared>>
      tpu.wait_indirect_dma semaphore(%arg29 : memref<!tpu.dma_semaphore, #tpu.memory_space<semaphore_mem>>) src(%arg11 : memref<128x40xf32, #tpu.memory_space<vmem>>) dst(%dma_wait3A_245 : memref<10240x40xf32, #tpu.memory_space<vmem_shared>>)
      %dma_wait3A_246 = arith.constant 0 : i32
      %dma_wait3A_247 = tpu.memref_slice %arg8[%add3A_157, %dma_wait3A_246] : memref<40x128xi32, #tpu.memory_space<vmem>> -> memref<1x128xi32, #tpu.memory_space<vmem>>
      %dma_wait3A_248 = tpu.memref_squeeze %dma_wait3A_247 : memref<1x128xi32, #tpu.memory_space<vmem>> -> memref<128xi32, #tpu.memory_space<vmem>>
      %dma_wait3A_249 = arith.constant 0 : i32
      %dma_wait3A_250 = arith.constant 0 : i32
      %dma_wait3A_251 = tpu.memref_slice %arg17[%dma_wait3A_249, %dma_wait3A_250] : memref<10240x40xf32, #tpu.memory_space<vmem_shared>> -> memref<10240x40xf32, #tpu.memory_space<vmem_shared>>
      tpu.wait_indirect_dma semaphore(%arg30 : memref<!tpu.dma_semaphore, #tpu.memory_space<semaphore_mem>>) src(%arg12 : memref<128x40xf32, #tpu.memory_space<vmem>>) dst(%dma_wait3A_251 : memref<10240x40xf32, #tpu.memory_space<vmem_shared>>)
      %dma_wait3A_252 = arith.constant 0 : i32
      %dma_wait3A_253 = tpu.memref_slice %arg8[%add3A_173, %dma_wait3A_252] : memref<40x128xi32, #tpu.memory_space<vmem>> -> memref<1x128xi32, #tpu.memory_space<vmem>>
      %dma_wait3A_254 = tpu.memref_squeeze %dma_wait3A_253 : memref<1x128xi32, #tpu.memory_space<vmem>> -> memref<128xi32, #tpu.memory_space<vmem>>
      %dma_wait3A_255 = arith.constant 0 : i32
      %dma_wait3A_256 = arith.constant 0 : i32
      %dma_wait3A_257 = tpu.memref_slice %arg17[%dma_wait3A_255, %dma_wait3A_256] : memref<10240x40xf32, #tpu.memory_space<vmem_shared>> -> memref<10240x40xf32, #tpu.memory_space<vmem_shared>>
      tpu.wait_indirect_dma semaphore(%arg31 : memref<!tpu.dma_semaphore, #tpu.memory_space<semaphore_mem>>) src(%arg13 : memref<128x40xf32, #tpu.memory_space<vmem>>) dst(%dma_wait3A_257 : memref<10240x40xf32, #tpu.memory_space<vmem_shared>>)
      %dma_wait3A_258 = arith.constant 0 : i32
      %dma_wait3A_259 = tpu.memref_slice %arg8[%add3A_189, %dma_wait3A_258] : memref<40x128xi32, #tpu.memory_space<vmem>> -> memref<1x128xi32, #tpu.memory_space<vmem>>
      %dma_wait3A_260 = tpu.memref_squeeze %dma_wait3A_259 : memref<1x128xi32, #tpu.memory_space<vmem>> -> memref<128xi32, #tpu.memory_space<vmem>>
      %dma_wait3A_261 = arith.constant 0 : i32
      %dma_wait3A_262 = arith.constant 0 : i32
      %dma_wait3A_263 = tpu.memref_slice %arg17[%dma_wait3A_261, %dma_wait3A_262] : memref<10240x40xf32, #tpu.memory_space<vmem_shared>> -> memref<10240x40xf32, #tpu.memory_space<vmem_shared>>
      tpu.wait_indirect_dma semaphore(%arg32 : memref<!tpu.dma_semaphore, #tpu.memory_space<semaphore_mem>>) src(%arg14 : memref<128x40xf32, #tpu.memory_space<vmem>>) dst(%dma_wait3A_263 : memref<10240x40xf32, #tpu.memory_space<vmem_shared>>)
      %dma_wait3A_264 = arith.constant 0 : i32
      %dma_wait3A_265 = tpu.memref_slice %arg8[%add3A_205, %dma_wait3A_264] : memref<40x128xi32, #tpu.memory_space<vmem>> -> memref<1x128xi32, #tpu.memory_space<vmem>>
      %dma_wait3A_266 = tpu.memref_squeeze %dma_wait3A_265 : memref<1x128xi32, #tpu.memory_space<vmem>> -> memref<128xi32, #tpu.memory_space<vmem>>
      %dma_wait3A_267 = arith.constant 0 : i32
      %dma_wait3A_268 = arith.constant 0 : i32
      %dma_wait3A_269 = tpu.memref_slice %arg17[%dma_wait3A_267, %dma_wait3A_268] : memref<10240x40xf32, #tpu.memory_space<vmem_shared>> -> memref<10240x40xf32, #tpu.memory_space<vmem_shared>>
      tpu.wait_indirect_dma semaphore(%arg33 : memref<!tpu.dma_semaphore, #tpu.memory_space<semaphore_mem>>) src(%arg15 : memref<128x40xf32, #tpu.memory_space<vmem>>) dst(%dma_wait3A_269 : memref<10240x40xf32, #tpu.memory_space<vmem_shared>>)
      %dma_wait3A_270 = arith.constant 0 : i32
      %dma_wait3A_271 = tpu.memref_slice %arg8[%add3A_221, %dma_wait3A_270] : memref<40x128xi32, #tpu.memory_space<vmem>> -> memref<1x128xi32, #tpu.memory_space<vmem>>
      %dma_wait3A_272 = tpu.memref_squeeze %dma_wait3A_271 : memref<1x128xi32, #tpu.memory_space<vmem>> -> memref<128xi32, #tpu.memory_space<vmem>>
      %dma_wait3A_273 = arith.constant 0 : i32
      %dma_wait3A_274 = arith.constant 0 : i32
      %dma_wait3A_275 = tpu.memref_slice %arg17[%dma_wait3A_273, %dma_wait3A_274] : memref<10240x40xf32, #tpu.memory_space<vmem_shared>> -> memref<10240x40xf32, #tpu.memory_space<vmem_shared>>
      tpu.wait_indirect_dma semaphore(%arg34 : memref<!tpu.dma_semaphore, #tpu.memory_space<semaphore_mem>>) src(%arg16 : memref<128x40xf32, #tpu.memory_space<vmem>>) dst(%dma_wait3A_275 : memref<10240x40xf32, #tpu.memory_space<vmem_shared>>)
    }
    %scan3A_15 = arith.constant 5 : i32
    %barrier3A_16 = arith.constant 0 : index
    tpu.barrier barrier_id(%barrier3A_16)
    %mul3A_17 = arith.constant 640 : i32
    %mul3A_18 = arith.muli %arg1, %mul3A_17 : i32
    %mul3A_19 = arith.constant 640 : i32
    %mul3A_20 = arith.muli %arg1, %mul3A_19 : i32
    "tpu.region"() ({
      %run_scoped3A = tpu.sem_alloc : memref<!tpu.dma_semaphore, #tpu.memory_space<semaphore_mem>>
      %dma_start3A = arith.constant 0 : i32
      %dma_start3A_21 = arith.constant 0 : i32
      %dma_start3A_22 = tpu.memref_slice %arg6[%arg0, %dma_start3A, %dma_start3A_21] : memref<2x10240x40xf32, #tpu.memory_space<hbm>> -> memref<1x10240x40xf32, #tpu.memory_space<hbm>>
      %dma_start3A_23 = tpu.memref_squeeze %dma_start3A_22 : memref<1x10240x40xf32, #tpu.memory_space<hbm>> -> memref<10240x40xf32, #tpu.memory_space<hbm>>
      %dma_start3A_24 = arith.constant 0 : i32
      %dma_start3A_25 = tpu.memref_slice %dma_start3A_23[%mul3A_20, %dma_start3A_24] : memref<10240x40xf32, #tpu.memory_space<hbm>> -> memref<640x40xf32, #tpu.memory_space<hbm>>
      %dma_start3A_26 = arith.constant 0 : i32
      %dma_start3A_27 = tpu.memref_slice %arg17[%mul3A_18, %dma_start3A_26] : memref<10240x40xf32, #tpu.memory_space<vmem_shared>> -> memref<640x40xf32, #tpu.memory_space<vmem_shared>>
      tpu.enqueue_dma source(%dma_start3A_27 : memref<640x40xf32, #tpu.memory_space<vmem_shared>>) target(%dma_start3A_25 : memref<640x40xf32, #tpu.memory_space<hbm>>) target_semaphore(%run_scoped3A : memref<!tpu.dma_semaphore, #tpu.memory_space<semaphore_mem>>)
      %dma_wait3A = arith.constant 0 : i32
      %dma_wait3A_28 = arith.constant 0 : i32
      %dma_wait3A_29 = tpu.memref_slice %arg6[%arg0, %dma_wait3A, %dma_wait3A_28] : memref<2x10240x40xf32, #tpu.memory_space<hbm>> -> memref<1x10240x40xf32, #tpu.memory_space<hbm>>
      %dma_wait3A_30 = tpu.memref_squeeze %dma_wait3A_29 : memref<1x10240x40xf32, #tpu.memory_space<hbm>> -> memref<10240x40xf32, #tpu.memory_space<hbm>>
      %dma_wait3A_31 = arith.constant 0 : i32
      %dma_wait3A_32 = tpu.memref_slice %dma_wait3A_30[%mul3A_20, %dma_wait3A_31] : memref<10240x40xf32, #tpu.memory_space<hbm>> -> memref<640x40xf32, #tpu.memory_space<hbm>>
      %dma_wait3A_33 = arith.constant 0 : i32
      %dma_wait3A_34 = tpu.memref_slice %arg17[%mul3A_18, %dma_wait3A_33] : memref<10240x40xf32, #tpu.memory_space<vmem_shared>> -> memref<640x40xf32, #tpu.memory_space<vmem_shared>>
      tpu.wait_dma2 semaphore(%run_scoped3A : memref<!tpu.dma_semaphore, #tpu.memory_space<semaphore_mem>>) src(%dma_wait3A_34 : memref<640x40xf32, #tpu.memory_space<vmem_shared>>) dst(%dma_wait3A_32 : memref<640x40xf32, #tpu.memory_space<hbm>>)
      tpu.yield
    }) : () -> ()
    return
  }
}

#map = affine_map<(d0, d1) -> (0, 0)>
#map1 = affine_map<(d0, d1) -> (0, 0, 0)>
module attributes {stable_mosaic.version = 14 : i64} {
  func.func @deg_kernel(%arg0: i32, %arg1: i32, %arg2: memref<1280x128xi32, #tpu.memory_space<hbm>>, %arg3: memref<10240x8xf32, #tpu.memory_space<hbm>>, %arg4: memref<128x8xf32, #tpu.memory_space<hbm>>, %arg5: memref<2x10240x8xf32, #tpu.memory_space<hbm>>, %arg6: memref<40x128xi32, #tpu.memory_space<vmem>>, %arg7: memref<128x8xf32, #tpu.memory_space<vmem>>, %arg8: memref<10240x8xf32, #tpu.memory_space<vmem_shared>>, %arg9: memref<!tpu.dma_semaphore, #tpu.memory_space<semaphore_mem>>, %arg10: memref<!tpu.dma_semaphore, #tpu.memory_space<semaphore_mem>>, %arg11: memref<!tpu.dma_semaphore, #tpu.memory_space<semaphore_mem>>, %arg12: memref<!tpu.dma_semaphore, #tpu.memory_space<semaphore_mem>>, %arg13: memref<!tpu.dma_semaphore, #tpu.memory_space<semaphore_mem>>, %arg14: memref<!tpu.dma_semaphore, #tpu.memory_space<semaphore_mem>>, %arg15: memref<!tpu.dma_semaphore, #tpu.memory_space<semaphore_mem>>, %arg16: memref<!tpu.dma_semaphore, #tpu.memory_space<semaphore_mem>>) attributes {dimension_semantics = [#tpu.dimension_semantics<core_parallel>, #tpu.dimension_semantics<subcore_parallel>], iteration_bounds = array<i64: 2, 16>, scalar_prefetch = 0 : i64, scratch_operands = 11 : i64, tpu.core_type = #tpu.core_type<sc_vector_subcore>, window_params = [{transform_indices = #map}, {transform_indices = #map}, {transform_indices = #map}, {transform_indices = #map1}]} {
    %mul3A = arith.constant 2 : i32
    %mul3A_0 = arith.muli %arg1, %mul3A : i32
    %add3A = arith.addi %mul3A_0, %arg0 : i32
    %mul3A_1 = arith.constant 640 : i32
    %mul3A_2 = arith.muli %arg1, %mul3A_1 : i32
    "tpu.region"() ({
      %run_scoped3A = tpu.sem_alloc : memref<!tpu.dma_semaphore, #tpu.memory_space<semaphore_mem>>
      %dma_start3A = arith.constant 0 : i32
      %dma_start3A_11 = tpu.memref_slice %arg8[%mul3A_2, %dma_start3A] : memref<10240x8xf32, #tpu.memory_space<vmem_shared>> -> memref<640x8xf32, #tpu.memory_space<vmem_shared>>
      %dma_start3A_12 = arith.constant 0 : i32
      %dma_start3A_13 = tpu.memref_slice %arg3[%mul3A_2, %dma_start3A_12] : memref<10240x8xf32, #tpu.memory_space<hbm>> -> memref<640x8xf32, #tpu.memory_space<hbm>>
      tpu.enqueue_dma source(%dma_start3A_13 : memref<640x8xf32, #tpu.memory_space<hbm>>) target(%dma_start3A_11 : memref<640x8xf32, #tpu.memory_space<vmem_shared>>) target_semaphore(%run_scoped3A : memref<!tpu.dma_semaphore, #tpu.memory_space<semaphore_mem>>)
      %dma_wait3A = arith.constant 0 : i32
      %dma_wait3A_14 = tpu.memref_slice %arg8[%mul3A_2, %dma_wait3A] : memref<10240x8xf32, #tpu.memory_space<vmem_shared>> -> memref<640x8xf32, #tpu.memory_space<vmem_shared>>
      %dma_wait3A_15 = arith.constant 0 : i32
      %dma_wait3A_16 = tpu.memref_slice %arg3[%mul3A_2, %dma_wait3A_15] : memref<10240x8xf32, #tpu.memory_space<hbm>> -> memref<640x8xf32, #tpu.memory_space<hbm>>
      tpu.wait_dma2 semaphore(%run_scoped3A : memref<!tpu.dma_semaphore, #tpu.memory_space<semaphore_mem>>) src(%dma_wait3A_16 : memref<640x8xf32, #tpu.memory_space<hbm>>) dst(%dma_wait3A_14 : memref<640x8xf32, #tpu.memory_space<vmem_shared>>)
      tpu.yield
    }) : () -> ()
    "tpu.region"() ({
      %run_scoped3A = tpu.sem_alloc : memref<!tpu.dma_semaphore, #tpu.memory_space<semaphore_mem>>
      tpu.enqueue_dma source(%arg4 : memref<128x8xf32, #tpu.memory_space<hbm>>) target(%arg7 : memref<128x8xf32, #tpu.memory_space<vmem>>) target_semaphore(%run_scoped3A : memref<!tpu.dma_semaphore, #tpu.memory_space<semaphore_mem>>)
      tpu.wait_dma2 semaphore(%run_scoped3A : memref<!tpu.dma_semaphore, #tpu.memory_space<semaphore_mem>>) src(%arg4 : memref<128x8xf32, #tpu.memory_space<hbm>>) dst(%arg7 : memref<128x8xf32, #tpu.memory_space<vmem>>)
      tpu.yield
    }) : () -> ()
    %mul3A_3 = arith.constant 40 : i32
    %mul3A_4 = arith.muli %add3A, %mul3A_3 : i32
    %multiple_of3A = tpu.assume_multiple %mul3A_4, 8 : i32
    "tpu.region"() ({
      %run_scoped3A = tpu.sem_alloc : memref<!tpu.dma_semaphore, #tpu.memory_space<semaphore_mem>>
      %dma_start3A = arith.constant 0 : i32
      %dma_start3A_11 = tpu.memref_slice %arg2[%multiple_of3A, %dma_start3A] : memref<1280x128xi32, #tpu.memory_space<hbm>> -> memref<40x128xi32, #tpu.memory_space<hbm>>
      %dma_start3A_12 = arith.constant 0 : i32
      %dma_start3A_13 = tpu.memref_slice %arg2[%multiple_of3A, %dma_start3A_12] : memref<1280x128xi32, #tpu.memory_space<hbm>> -> memref<40x128xi32, #tpu.memory_space<hbm>>
      tpu.enqueue_dma source(%dma_start3A_13 : memref<40x128xi32, #tpu.memory_space<hbm>>) target(%arg6 : memref<40x128xi32, #tpu.memory_space<vmem>>) target_semaphore(%run_scoped3A : memref<!tpu.dma_semaphore, #tpu.memory_space<semaphore_mem>>)
      %dma_wait3A = arith.constant 0 : i32
      %dma_wait3A_14 = tpu.memref_slice %arg2[%multiple_of3A, %dma_wait3A] : memref<1280x128xi32, #tpu.memory_space<hbm>> -> memref<40x128xi32, #tpu.memory_space<hbm>>
      %dma_wait3A_15 = arith.constant 0 : i32
      %dma_wait3A_16 = tpu.memref_slice %arg2[%multiple_of3A, %dma_wait3A_15] : memref<1280x128xi32, #tpu.memory_space<hbm>> -> memref<40x128xi32, #tpu.memory_space<hbm>>
      tpu.wait_dma2 semaphore(%run_scoped3A : memref<!tpu.dma_semaphore, #tpu.memory_space<semaphore_mem>>) src(%dma_wait3A_16 : memref<40x128xi32, #tpu.memory_space<hbm>>) dst(%arg6 : memref<40x128xi32, #tpu.memory_space<vmem>>)
      tpu.yield
    }) : () -> ()
    %barrier3A = arith.constant 0 : index
    tpu.barrier barrier_id(%barrier3A)
    %scan3A = arith.constant 0 : i32
    %scan3A_5 = arith.constant 0 : i32
    %scan3A_6 = arith.constant 5 : i32
    %scan3A_7 = arith.addi %scan3A_5, %scan3A_6 : i32
    %scan3A_8 = arith.constant 1 : i32
    scf.for %scan3A_11 = %scan3A_5 to %scan3A_7 step %scan3A_8  : i32 {
      %mul3A_12 = arith.constant 8 : i32
      %mul3A_13 = arith.muli %scan3A_11, %mul3A_12 : i32
      %add3A_14 = arith.constant 0 : i32
      %add3A_15 = arith.addi %mul3A_13, %add3A_14 : i32
      %dma_start3A = arith.constant 0 : i32
      %dma_start3A_16 = tpu.memref_slice %arg6[%add3A_15, %dma_start3A] : memref<40x128xi32, #tpu.memory_space<vmem>> -> memref<1x128xi32, #tpu.memory_space<vmem>>
      %dma_start3A_17 = tpu.memref_squeeze %dma_start3A_16 : memref<1x128xi32, #tpu.memory_space<vmem>> -> memref<128xi32, #tpu.memory_space<vmem>>
      %dma_start3A_18 = arith.constant 0 : i32
      %dma_start3A_19 = arith.constant 0 : i32
      %dma_start3A_20 = tpu.memref_slice %arg8[%dma_start3A_18, %dma_start3A_19] : memref<10240x8xf32, #tpu.memory_space<vmem_shared>> -> memref<10240x8xf32, #tpu.memory_space<vmem_shared>>
      tpu.enqueue_indirect_dma source(%arg7 : memref<128x8xf32, #tpu.memory_space<vmem>>) target(%dma_start3A_20 : memref<10240x8xf32, #tpu.memory_space<vmem_shared>>) offsets(%dma_start3A_17 : memref<128xi32, #tpu.memory_space<vmem>>) semaphore(%arg9 : memref<!tpu.dma_semaphore, #tpu.memory_space<semaphore_mem>>) {add = true}
      %mul3A_21 = arith.constant 8 : i32
      %mul3A_22 = arith.muli %scan3A_11, %mul3A_21 : i32
      %add3A_23 = arith.constant 1 : i32
      %add3A_24 = arith.addi %mul3A_22, %add3A_23 : i32
      %dma_start3A_25 = arith.constant 0 : i32
      %dma_start3A_26 = tpu.memref_slice %arg6[%add3A_24, %dma_start3A_25] : memref<40x128xi32, #tpu.memory_space<vmem>> -> memref<1x128xi32, #tpu.memory_space<vmem>>
      %dma_start3A_27 = tpu.memref_squeeze %dma_start3A_26 : memref<1x128xi32, #tpu.memory_space<vmem>> -> memref<128xi32, #tpu.memory_space<vmem>>
      %dma_start3A_28 = arith.constant 0 : i32
      %dma_start3A_29 = arith.constant 0 : i32
      %dma_start3A_30 = tpu.memref_slice %arg8[%dma_start3A_28, %dma_start3A_29] : memref<10240x8xf32, #tpu.memory_space<vmem_shared>> -> memref<10240x8xf32, #tpu.memory_space<vmem_shared>>
      tpu.enqueue_indirect_dma source(%arg7 : memref<128x8xf32, #tpu.memory_space<vmem>>) target(%dma_start3A_30 : memref<10240x8xf32, #tpu.memory_space<vmem_shared>>) offsets(%dma_start3A_27 : memref<128xi32, #tpu.memory_space<vmem>>) semaphore(%arg10 : memref<!tpu.dma_semaphore, #tpu.memory_space<semaphore_mem>>) {add = true}
      %mul3A_31 = arith.constant 8 : i32
      %mul3A_32 = arith.muli %scan3A_11, %mul3A_31 : i32
      %add3A_33 = arith.constant 2 : i32
      %add3A_34 = arith.addi %mul3A_32, %add3A_33 : i32
      %dma_start3A_35 = arith.constant 0 : i32
      %dma_start3A_36 = tpu.memref_slice %arg6[%add3A_34, %dma_start3A_35] : memref<40x128xi32, #tpu.memory_space<vmem>> -> memref<1x128xi32, #tpu.memory_space<vmem>>
      %dma_start3A_37 = tpu.memref_squeeze %dma_start3A_36 : memref<1x128xi32, #tpu.memory_space<vmem>> -> memref<128xi32, #tpu.memory_space<vmem>>
      %dma_start3A_38 = arith.constant 0 : i32
      %dma_start3A_39 = arith.constant 0 : i32
      %dma_start3A_40 = tpu.memref_slice %arg8[%dma_start3A_38, %dma_start3A_39] : memref<10240x8xf32, #tpu.memory_space<vmem_shared>> -> memref<10240x8xf32, #tpu.memory_space<vmem_shared>>
      tpu.enqueue_indirect_dma source(%arg7 : memref<128x8xf32, #tpu.memory_space<vmem>>) target(%dma_start3A_40 : memref<10240x8xf32, #tpu.memory_space<vmem_shared>>) offsets(%dma_start3A_37 : memref<128xi32, #tpu.memory_space<vmem>>) semaphore(%arg11 : memref<!tpu.dma_semaphore, #tpu.memory_space<semaphore_mem>>) {add = true}
      %mul3A_41 = arith.constant 8 : i32
      %mul3A_42 = arith.muli %scan3A_11, %mul3A_41 : i32
      %add3A_43 = arith.constant 3 : i32
      %add3A_44 = arith.addi %mul3A_42, %add3A_43 : i32
      %dma_start3A_45 = arith.constant 0 : i32
      %dma_start3A_46 = tpu.memref_slice %arg6[%add3A_44, %dma_start3A_45] : memref<40x128xi32, #tpu.memory_space<vmem>> -> memref<1x128xi32, #tpu.memory_space<vmem>>
      %dma_start3A_47 = tpu.memref_squeeze %dma_start3A_46 : memref<1x128xi32, #tpu.memory_space<vmem>> -> memref<128xi32, #tpu.memory_space<vmem>>
      %dma_start3A_48 = arith.constant 0 : i32
      %dma_start3A_49 = arith.constant 0 : i32
      %dma_start3A_50 = tpu.memref_slice %arg8[%dma_start3A_48, %dma_start3A_49] : memref<10240x8xf32, #tpu.memory_space<vmem_shared>> -> memref<10240x8xf32, #tpu.memory_space<vmem_shared>>
      tpu.enqueue_indirect_dma source(%arg7 : memref<128x8xf32, #tpu.memory_space<vmem>>) target(%dma_start3A_50 : memref<10240x8xf32, #tpu.memory_space<vmem_shared>>) offsets(%dma_start3A_47 : memref<128xi32, #tpu.memory_space<vmem>>) semaphore(%arg12 : memref<!tpu.dma_semaphore, #tpu.memory_space<semaphore_mem>>) {add = true}
      %mul3A_51 = arith.constant 8 : i32
      %mul3A_52 = arith.muli %scan3A_11, %mul3A_51 : i32
      %add3A_53 = arith.constant 4 : i32
      %add3A_54 = arith.addi %mul3A_52, %add3A_53 : i32
      %dma_start3A_55 = arith.constant 0 : i32
      %dma_start3A_56 = tpu.memref_slice %arg6[%add3A_54, %dma_start3A_55] : memref<40x128xi32, #tpu.memory_space<vmem>> -> memref<1x128xi32, #tpu.memory_space<vmem>>
      %dma_start3A_57 = tpu.memref_squeeze %dma_start3A_56 : memref<1x128xi32, #tpu.memory_space<vmem>> -> memref<128xi32, #tpu.memory_space<vmem>>
      %dma_start3A_58 = arith.constant 0 : i32
      %dma_start3A_59 = arith.constant 0 : i32
      %dma_start3A_60 = tpu.memref_slice %arg8[%dma_start3A_58, %dma_start3A_59] : memref<10240x8xf32, #tpu.memory_space<vmem_shared>> -> memref<10240x8xf32, #tpu.memory_space<vmem_shared>>
      tpu.enqueue_indirect_dma source(%arg7 : memref<128x8xf32, #tpu.memory_space<vmem>>) target(%dma_start3A_60 : memref<10240x8xf32, #tpu.memory_space<vmem_shared>>) offsets(%dma_start3A_57 : memref<128xi32, #tpu.memory_space<vmem>>) semaphore(%arg13 : memref<!tpu.dma_semaphore, #tpu.memory_space<semaphore_mem>>) {add = true}
      %mul3A_61 = arith.constant 8 : i32
      %mul3A_62 = arith.muli %scan3A_11, %mul3A_61 : i32
      %add3A_63 = arith.constant 5 : i32
      %add3A_64 = arith.addi %mul3A_62, %add3A_63 : i32
      %dma_start3A_65 = arith.constant 0 : i32
      %dma_start3A_66 = tpu.memref_slice %arg6[%add3A_64, %dma_start3A_65] : memref<40x128xi32, #tpu.memory_space<vmem>> -> memref<1x128xi32, #tpu.memory_space<vmem>>
      %dma_start3A_67 = tpu.memref_squeeze %dma_start3A_66 : memref<1x128xi32, #tpu.memory_space<vmem>> -> memref<128xi32, #tpu.memory_space<vmem>>
      %dma_start3A_68 = arith.constant 0 : i32
      %dma_start3A_69 = arith.constant 0 : i32
      %dma_start3A_70 = tpu.memref_slice %arg8[%dma_start3A_68, %dma_start3A_69] : memref<10240x8xf32, #tpu.memory_space<vmem_shared>> -> memref<10240x8xf32, #tpu.memory_space<vmem_shared>>
      tpu.enqueue_indirect_dma source(%arg7 : memref<128x8xf32, #tpu.memory_space<vmem>>) target(%dma_start3A_70 : memref<10240x8xf32, #tpu.memory_space<vmem_shared>>) offsets(%dma_start3A_67 : memref<128xi32, #tpu.memory_space<vmem>>) semaphore(%arg14 : memref<!tpu.dma_semaphore, #tpu.memory_space<semaphore_mem>>) {add = true}
      %mul3A_71 = arith.constant 8 : i32
      %mul3A_72 = arith.muli %scan3A_11, %mul3A_71 : i32
      %add3A_73 = arith.constant 6 : i32
      %add3A_74 = arith.addi %mul3A_72, %add3A_73 : i32
      %dma_start3A_75 = arith.constant 0 : i32
      %dma_start3A_76 = tpu.memref_slice %arg6[%add3A_74, %dma_start3A_75] : memref<40x128xi32, #tpu.memory_space<vmem>> -> memref<1x128xi32, #tpu.memory_space<vmem>>
      %dma_start3A_77 = tpu.memref_squeeze %dma_start3A_76 : memref<1x128xi32, #tpu.memory_space<vmem>> -> memref<128xi32, #tpu.memory_space<vmem>>
      %dma_start3A_78 = arith.constant 0 : i32
      %dma_start3A_79 = arith.constant 0 : i32
      %dma_start3A_80 = tpu.memref_slice %arg8[%dma_start3A_78, %dma_start3A_79] : memref<10240x8xf32, #tpu.memory_space<vmem_shared>> -> memref<10240x8xf32, #tpu.memory_space<vmem_shared>>
      tpu.enqueue_indirect_dma source(%arg7 : memref<128x8xf32, #tpu.memory_space<vmem>>) target(%dma_start3A_80 : memref<10240x8xf32, #tpu.memory_space<vmem_shared>>) offsets(%dma_start3A_77 : memref<128xi32, #tpu.memory_space<vmem>>) semaphore(%arg15 : memref<!tpu.dma_semaphore, #tpu.memory_space<semaphore_mem>>) {add = true}
      %mul3A_81 = arith.constant 8 : i32
      %mul3A_82 = arith.muli %scan3A_11, %mul3A_81 : i32
      %add3A_83 = arith.constant 7 : i32
      %add3A_84 = arith.addi %mul3A_82, %add3A_83 : i32
      %dma_start3A_85 = arith.constant 0 : i32
      %dma_start3A_86 = tpu.memref_slice %arg6[%add3A_84, %dma_start3A_85] : memref<40x128xi32, #tpu.memory_space<vmem>> -> memref<1x128xi32, #tpu.memory_space<vmem>>
      %dma_start3A_87 = tpu.memref_squeeze %dma_start3A_86 : memref<1x128xi32, #tpu.memory_space<vmem>> -> memref<128xi32, #tpu.memory_space<vmem>>
      %dma_start3A_88 = arith.constant 0 : i32
      %dma_start3A_89 = arith.constant 0 : i32
      %dma_start3A_90 = tpu.memref_slice %arg8[%dma_start3A_88, %dma_start3A_89] : memref<10240x8xf32, #tpu.memory_space<vmem_shared>> -> memref<10240x8xf32, #tpu.memory_space<vmem_shared>>
      tpu.enqueue_indirect_dma source(%arg7 : memref<128x8xf32, #tpu.memory_space<vmem>>) target(%dma_start3A_90 : memref<10240x8xf32, #tpu.memory_space<vmem_shared>>) offsets(%dma_start3A_87 : memref<128xi32, #tpu.memory_space<vmem>>) semaphore(%arg16 : memref<!tpu.dma_semaphore, #tpu.memory_space<semaphore_mem>>) {add = true}
      %dma_wait3A = arith.constant 0 : i32
      %dma_wait3A_91 = tpu.memref_slice %arg6[%add3A_15, %dma_wait3A] : memref<40x128xi32, #tpu.memory_space<vmem>> -> memref<1x128xi32, #tpu.memory_space<vmem>>
      %dma_wait3A_92 = tpu.memref_squeeze %dma_wait3A_91 : memref<1x128xi32, #tpu.memory_space<vmem>> -> memref<128xi32, #tpu.memory_space<vmem>>
      %dma_wait3A_93 = arith.constant 0 : i32
      %dma_wait3A_94 = arith.constant 0 : i32
      %dma_wait3A_95 = tpu.memref_slice %arg8[%dma_wait3A_93, %dma_wait3A_94] : memref<10240x8xf32, #tpu.memory_space<vmem_shared>> -> memref<10240x8xf32, #tpu.memory_space<vmem_shared>>
      tpu.wait_indirect_dma semaphore(%arg9 : memref<!tpu.dma_semaphore, #tpu.memory_space<semaphore_mem>>) src(%arg7 : memref<128x8xf32, #tpu.memory_space<vmem>>) dst(%dma_wait3A_95 : memref<10240x8xf32, #tpu.memory_space<vmem_shared>>)
      %dma_wait3A_96 = arith.constant 0 : i32
      %dma_wait3A_97 = tpu.memref_slice %arg6[%add3A_24, %dma_wait3A_96] : memref<40x128xi32, #tpu.memory_space<vmem>> -> memref<1x128xi32, #tpu.memory_space<vmem>>
      %dma_wait3A_98 = tpu.memref_squeeze %dma_wait3A_97 : memref<1x128xi32, #tpu.memory_space<vmem>> -> memref<128xi32, #tpu.memory_space<vmem>>
      %dma_wait3A_99 = arith.constant 0 : i32
      %dma_wait3A_100 = arith.constant 0 : i32
      %dma_wait3A_101 = tpu.memref_slice %arg8[%dma_wait3A_99, %dma_wait3A_100] : memref<10240x8xf32, #tpu.memory_space<vmem_shared>> -> memref<10240x8xf32, #tpu.memory_space<vmem_shared>>
      tpu.wait_indirect_dma semaphore(%arg10 : memref<!tpu.dma_semaphore, #tpu.memory_space<semaphore_mem>>) src(%arg7 : memref<128x8xf32, #tpu.memory_space<vmem>>) dst(%dma_wait3A_101 : memref<10240x8xf32, #tpu.memory_space<vmem_shared>>)
      %dma_wait3A_102 = arith.constant 0 : i32
      %dma_wait3A_103 = tpu.memref_slice %arg6[%add3A_34, %dma_wait3A_102] : memref<40x128xi32, #tpu.memory_space<vmem>> -> memref<1x128xi32, #tpu.memory_space<vmem>>
      %dma_wait3A_104 = tpu.memref_squeeze %dma_wait3A_103 : memref<1x128xi32, #tpu.memory_space<vmem>> -> memref<128xi32, #tpu.memory_space<vmem>>
      %dma_wait3A_105 = arith.constant 0 : i32
      %dma_wait3A_106 = arith.constant 0 : i32
      %dma_wait3A_107 = tpu.memref_slice %arg8[%dma_wait3A_105, %dma_wait3A_106] : memref<10240x8xf32, #tpu.memory_space<vmem_shared>> -> memref<10240x8xf32, #tpu.memory_space<vmem_shared>>
      tpu.wait_indirect_dma semaphore(%arg11 : memref<!tpu.dma_semaphore, #tpu.memory_space<semaphore_mem>>) src(%arg7 : memref<128x8xf32, #tpu.memory_space<vmem>>) dst(%dma_wait3A_107 : memref<10240x8xf32, #tpu.memory_space<vmem_shared>>)
      %dma_wait3A_108 = arith.constant 0 : i32
      %dma_wait3A_109 = tpu.memref_slice %arg6[%add3A_44, %dma_wait3A_108] : memref<40x128xi32, #tpu.memory_space<vmem>> -> memref<1x128xi32, #tpu.memory_space<vmem>>
      %dma_wait3A_110 = tpu.memref_squeeze %dma_wait3A_109 : memref<1x128xi32, #tpu.memory_space<vmem>> -> memref<128xi32, #tpu.memory_space<vmem>>
      %dma_wait3A_111 = arith.constant 0 : i32
      %dma_wait3A_112 = arith.constant 0 : i32
      %dma_wait3A_113 = tpu.memref_slice %arg8[%dma_wait3A_111, %dma_wait3A_112] : memref<10240x8xf32, #tpu.memory_space<vmem_shared>> -> memref<10240x8xf32, #tpu.memory_space<vmem_shared>>
      tpu.wait_indirect_dma semaphore(%arg12 : memref<!tpu.dma_semaphore, #tpu.memory_space<semaphore_mem>>) src(%arg7 : memref<128x8xf32, #tpu.memory_space<vmem>>) dst(%dma_wait3A_113 : memref<10240x8xf32, #tpu.memory_space<vmem_shared>>)
      %dma_wait3A_114 = arith.constant 0 : i32
      %dma_wait3A_115 = tpu.memref_slice %arg6[%add3A_54, %dma_wait3A_114] : memref<40x128xi32, #tpu.memory_space<vmem>> -> memref<1x128xi32, #tpu.memory_space<vmem>>
      %dma_wait3A_116 = tpu.memref_squeeze %dma_wait3A_115 : memref<1x128xi32, #tpu.memory_space<vmem>> -> memref<128xi32, #tpu.memory_space<vmem>>
      %dma_wait3A_117 = arith.constant 0 : i32
      %dma_wait3A_118 = arith.constant 0 : i32
      %dma_wait3A_119 = tpu.memref_slice %arg8[%dma_wait3A_117, %dma_wait3A_118] : memref<10240x8xf32, #tpu.memory_space<vmem_shared>> -> memref<10240x8xf32, #tpu.memory_space<vmem_shared>>
      tpu.wait_indirect_dma semaphore(%arg13 : memref<!tpu.dma_semaphore, #tpu.memory_space<semaphore_mem>>) src(%arg7 : memref<128x8xf32, #tpu.memory_space<vmem>>) dst(%dma_wait3A_119 : memref<10240x8xf32, #tpu.memory_space<vmem_shared>>)
      %dma_wait3A_120 = arith.constant 0 : i32
      %dma_wait3A_121 = tpu.memref_slice %arg6[%add3A_64, %dma_wait3A_120] : memref<40x128xi32, #tpu.memory_space<vmem>> -> memref<1x128xi32, #tpu.memory_space<vmem>>
      %dma_wait3A_122 = tpu.memref_squeeze %dma_wait3A_121 : memref<1x128xi32, #tpu.memory_space<vmem>> -> memref<128xi32, #tpu.memory_space<vmem>>
      %dma_wait3A_123 = arith.constant 0 : i32
      %dma_wait3A_124 = arith.constant 0 : i32
      %dma_wait3A_125 = tpu.memref_slice %arg8[%dma_wait3A_123, %dma_wait3A_124] : memref<10240x8xf32, #tpu.memory_space<vmem_shared>> -> memref<10240x8xf32, #tpu.memory_space<vmem_shared>>
      tpu.wait_indirect_dma semaphore(%arg14 : memref<!tpu.dma_semaphore, #tpu.memory_space<semaphore_mem>>) src(%arg7 : memref<128x8xf32, #tpu.memory_space<vmem>>) dst(%dma_wait3A_125 : memref<10240x8xf32, #tpu.memory_space<vmem_shared>>)
      %dma_wait3A_126 = arith.constant 0 : i32
      %dma_wait3A_127 = tpu.memref_slice %arg6[%add3A_74, %dma_wait3A_126] : memref<40x128xi32, #tpu.memory_space<vmem>> -> memref<1x128xi32, #tpu.memory_space<vmem>>
      %dma_wait3A_128 = tpu.memref_squeeze %dma_wait3A_127 : memref<1x128xi32, #tpu.memory_space<vmem>> -> memref<128xi32, #tpu.memory_space<vmem>>
      %dma_wait3A_129 = arith.constant 0 : i32
      %dma_wait3A_130 = arith.constant 0 : i32
      %dma_wait3A_131 = tpu.memref_slice %arg8[%dma_wait3A_129, %dma_wait3A_130] : memref<10240x8xf32, #tpu.memory_space<vmem_shared>> -> memref<10240x8xf32, #tpu.memory_space<vmem_shared>>
      tpu.wait_indirect_dma semaphore(%arg15 : memref<!tpu.dma_semaphore, #tpu.memory_space<semaphore_mem>>) src(%arg7 : memref<128x8xf32, #tpu.memory_space<vmem>>) dst(%dma_wait3A_131 : memref<10240x8xf32, #tpu.memory_space<vmem_shared>>)
      %dma_wait3A_132 = arith.constant 0 : i32
      %dma_wait3A_133 = tpu.memref_slice %arg6[%add3A_84, %dma_wait3A_132] : memref<40x128xi32, #tpu.memory_space<vmem>> -> memref<1x128xi32, #tpu.memory_space<vmem>>
      %dma_wait3A_134 = tpu.memref_squeeze %dma_wait3A_133 : memref<1x128xi32, #tpu.memory_space<vmem>> -> memref<128xi32, #tpu.memory_space<vmem>>
      %dma_wait3A_135 = arith.constant 0 : i32
      %dma_wait3A_136 = arith.constant 0 : i32
      %dma_wait3A_137 = tpu.memref_slice %arg8[%dma_wait3A_135, %dma_wait3A_136] : memref<10240x8xf32, #tpu.memory_space<vmem_shared>> -> memref<10240x8xf32, #tpu.memory_space<vmem_shared>>
      tpu.wait_indirect_dma semaphore(%arg16 : memref<!tpu.dma_semaphore, #tpu.memory_space<semaphore_mem>>) src(%arg7 : memref<128x8xf32, #tpu.memory_space<vmem>>) dst(%dma_wait3A_137 : memref<10240x8xf32, #tpu.memory_space<vmem_shared>>)
    }
    %scan3A_9 = arith.constant 5 : i32
    %barrier3A_10 = arith.constant 0 : index
    tpu.barrier barrier_id(%barrier3A_10)
    "tpu.region"() ({
      %run_scoped3A = tpu.sem_alloc : memref<!tpu.dma_semaphore, #tpu.memory_space<semaphore_mem>>
      %dma_start3A = arith.constant 0 : i32
      %dma_start3A_11 = arith.constant 0 : i32
      %dma_start3A_12 = tpu.memref_slice %arg5[%arg0, %dma_start3A, %dma_start3A_11] : memref<2x10240x8xf32, #tpu.memory_space<hbm>> -> memref<1x10240x8xf32, #tpu.memory_space<hbm>>
      %dma_start3A_13 = tpu.memref_squeeze %dma_start3A_12 : memref<1x10240x8xf32, #tpu.memory_space<hbm>> -> memref<10240x8xf32, #tpu.memory_space<hbm>>
      %dma_start3A_14 = arith.constant 0 : i32
      %dma_start3A_15 = tpu.memref_slice %dma_start3A_13[%mul3A_2, %dma_start3A_14] : memref<10240x8xf32, #tpu.memory_space<hbm>> -> memref<640x8xf32, #tpu.memory_space<hbm>>
      %dma_start3A_16 = arith.constant 0 : i32
      %dma_start3A_17 = tpu.memref_slice %arg8[%mul3A_2, %dma_start3A_16] : memref<10240x8xf32, #tpu.memory_space<vmem_shared>> -> memref<640x8xf32, #tpu.memory_space<vmem_shared>>
      tpu.enqueue_dma source(%dma_start3A_17 : memref<640x8xf32, #tpu.memory_space<vmem_shared>>) target(%dma_start3A_15 : memref<640x8xf32, #tpu.memory_space<hbm>>) target_semaphore(%run_scoped3A : memref<!tpu.dma_semaphore, #tpu.memory_space<semaphore_mem>>)
      %dma_wait3A = arith.constant 0 : i32
      %dma_wait3A_18 = arith.constant 0 : i32
      %dma_wait3A_19 = tpu.memref_slice %arg5[%arg0, %dma_wait3A, %dma_wait3A_18] : memref<2x10240x8xf32, #tpu.memory_space<hbm>> -> memref<1x10240x8xf32, #tpu.memory_space<hbm>>
      %dma_wait3A_20 = tpu.memref_squeeze %dma_wait3A_19 : memref<1x10240x8xf32, #tpu.memory_space<hbm>> -> memref<10240x8xf32, #tpu.memory_space<hbm>>
      %dma_wait3A_21 = arith.constant 0 : i32
      %dma_wait3A_22 = tpu.memref_slice %dma_wait3A_20[%mul3A_2, %dma_wait3A_21] : memref<10240x8xf32, #tpu.memory_space<hbm>> -> memref<640x8xf32, #tpu.memory_space<hbm>>
      %dma_wait3A_23 = arith.constant 0 : i32
      %dma_wait3A_24 = tpu.memref_slice %arg8[%mul3A_2, %dma_wait3A_23] : memref<10240x8xf32, #tpu.memory_space<vmem_shared>> -> memref<640x8xf32, #tpu.memory_space<vmem_shared>>
      tpu.wait_dma2 semaphore(%run_scoped3A : memref<!tpu.dma_semaphore, #tpu.memory_space<semaphore_mem>>) src(%dma_wait3A_24 : memref<640x8xf32, #tpu.memory_space<vmem_shared>>) dst(%dma_wait3A_22 : memref<640x8xf32, #tpu.memory_space<hbm>>)
      tpu.yield
    }) : () -> ()
    return
  }
}

#map = affine_map<(d0, d1) -> (0, 0)>
#map1 = affine_map<(d0, d1) -> (0, 0, 0)>
module attributes {stable_mosaic.version = 14 : i64} {
  func.func @sc1_kernel(%arg0: i32, %arg1: i32, %arg2: memref<10240x32xf32, #tpu.memory_space<hbm>>, %arg3: memref<1280x128xi32, #tpu.memory_space<hbm>>, %arg4: memref<1280x128xi32, #tpu.memory_space<hbm>>, %arg5: memref<10240x32xf32, #tpu.memory_space<hbm>>, %arg6: memref<2x10240x8xf32, #tpu.memory_space<hbm>>, %arg7: memref<2x10240x32xf32, #tpu.memory_space<hbm>>, %arg8: memref<40x128xi32, #tpu.memory_space<vmem>>, %arg9: memref<40x128xi32, #tpu.memory_space<vmem>>, %arg10: memref<640x32xf32, #tpu.memory_space<vmem>>, %arg11: memref<640x8xf32, #tpu.memory_space<vmem>>, %arg12: memref<640x8xf32, #tpu.memory_space<vmem>>, %arg13: memref<640xf32, #tpu.memory_space<vmem>>, %arg14: memref<128x32xf32, #tpu.memory_space<vmem>>, %arg15: memref<128x32xf32, #tpu.memory_space<vmem>>, %arg16: memref<128x32xf32, #tpu.memory_space<vmem>>, %arg17: memref<128x32xf32, #tpu.memory_space<vmem>>, %arg18: memref<128x32xf32, #tpu.memory_space<vmem>>, %arg19: memref<128x32xf32, #tpu.memory_space<vmem>>, %arg20: memref<128x32xf32, #tpu.memory_space<vmem>>, %arg21: memref<128x32xf32, #tpu.memory_space<vmem>>, %arg22: memref<10240x32xf32, #tpu.memory_space<vmem_shared>>, %arg23: memref<10240x32xf32, #tpu.memory_space<vmem_shared>>, %arg24: memref<!tpu.dma_semaphore, #tpu.memory_space<semaphore_mem>>, %arg25: memref<!tpu.dma_semaphore, #tpu.memory_space<semaphore_mem>>, %arg26: memref<!tpu.dma_semaphore, #tpu.memory_space<semaphore_mem>>, %arg27: memref<!tpu.dma_semaphore, #tpu.memory_space<semaphore_mem>>, %arg28: memref<!tpu.dma_semaphore, #tpu.memory_space<semaphore_mem>>, %arg29: memref<!tpu.dma_semaphore, #tpu.memory_space<semaphore_mem>>, %arg30: memref<!tpu.dma_semaphore, #tpu.memory_space<semaphore_mem>>, %arg31: memref<!tpu.dma_semaphore, #tpu.memory_space<semaphore_mem>>, %arg32: memref<!tpu.dma_semaphore, #tpu.memory_space<semaphore_mem>>, %arg33: memref<!tpu.dma_semaphore, #tpu.memory_space<semaphore_mem>>, %arg34: memref<!tpu.dma_semaphore, #tpu.memory_space<semaphore_mem>>, %arg35: memref<!tpu.dma_semaphore, #tpu.memory_space<semaphore_mem>>, %arg36: memref<!tpu.dma_semaphore, #tpu.memory_space<semaphore_mem>>, %arg37: memref<!tpu.dma_semaphore, #tpu.memory_space<semaphore_mem>>, %arg38: memref<!tpu.dma_semaphore, #tpu.memory_space<semaphore_mem>>, %arg39: memref<!tpu.dma_semaphore, #tpu.memory_space<semaphore_mem>>) attributes {dimension_semantics = [#tpu.dimension_semantics<core_parallel>, #tpu.dimension_semantics<subcore_parallel>], iteration_bounds = array<i64: 2, 16>, scalar_prefetch = 0 : i64, scratch_operands = 32 : i64, tpu.core_type = #tpu.core_type<sc_vector_subcore>, window_params = [{transform_indices = #map}, {transform_indices = #map}, {transform_indices = #map}, {transform_indices = #map}, {transform_indices = #map1}, {transform_indices = #map1}]} {
    %mul3A = arith.constant 2 : i32
    %mul3A_0 = arith.muli %arg1, %mul3A : i32
    %add3A = arith.addi %mul3A_0, %arg0 : i32
    %mul3A_1 = arith.constant 640 : i32
    %mul3A_2 = arith.muli %arg1, %mul3A_1 : i32
    "tpu.region"() ({
      %run_scoped3A_25 = tpu.sem_alloc : memref<!tpu.dma_semaphore, #tpu.memory_space<semaphore_mem>>
      %dma_start3A = arith.constant 0 : i32
      %dma_start3A_26 = tpu.memref_slice %arg22[%mul3A_2, %dma_start3A] : memref<10240x32xf32, #tpu.memory_space<vmem_shared>> -> memref<640x32xf32, #tpu.memory_space<vmem_shared>>
      %dma_start3A_27 = arith.constant 0 : i32
      %dma_start3A_28 = tpu.memref_slice %arg5[%mul3A_2, %dma_start3A_27] : memref<10240x32xf32, #tpu.memory_space<hbm>> -> memref<640x32xf32, #tpu.memory_space<hbm>>
      tpu.enqueue_dma source(%dma_start3A_28 : memref<640x32xf32, #tpu.memory_space<hbm>>) target(%dma_start3A_26 : memref<640x32xf32, #tpu.memory_space<vmem_shared>>) target_semaphore(%run_scoped3A_25 : memref<!tpu.dma_semaphore, #tpu.memory_space<semaphore_mem>>)
      %dma_wait3A = arith.constant 0 : i32
      %dma_wait3A_29 = tpu.memref_slice %arg22[%mul3A_2, %dma_wait3A] : memref<10240x32xf32, #tpu.memory_space<vmem_shared>> -> memref<640x32xf32, #tpu.memory_space<vmem_shared>>
      %dma_wait3A_30 = arith.constant 0 : i32
      %dma_wait3A_31 = tpu.memref_slice %arg5[%mul3A_2, %dma_wait3A_30] : memref<10240x32xf32, #tpu.memory_space<hbm>> -> memref<640x32xf32, #tpu.memory_space<hbm>>
      tpu.wait_dma2 semaphore(%run_scoped3A_25 : memref<!tpu.dma_semaphore, #tpu.memory_space<semaphore_mem>>) src(%dma_wait3A_31 : memref<640x32xf32, #tpu.memory_space<hbm>>) dst(%dma_wait3A_29 : memref<640x32xf32, #tpu.memory_space<vmem_shared>>)
      tpu.yield
    }) : () -> ()
    "tpu.region"() ({
      %run_scoped3A_25 = tpu.sem_alloc : memref<!tpu.dma_semaphore, #tpu.memory_space<semaphore_mem>>
      %dma_start3A = arith.constant 0 : i32
      %dma_start3A_26 = tpu.memref_slice %arg2[%mul3A_2, %dma_start3A] : memref<10240x32xf32, #tpu.memory_space<hbm>> -> memref<640x32xf32, #tpu.memory_space<hbm>>
      %dma_start3A_27 = arith.constant 0 : i32
      %dma_start3A_28 = tpu.memref_slice %arg2[%mul3A_2, %dma_start3A_27] : memref<10240x32xf32, #tpu.memory_space<hbm>> -> memref<640x32xf32, #tpu.memory_space<hbm>>
      tpu.enqueue_dma source(%dma_start3A_28 : memref<640x32xf32, #tpu.memory_space<hbm>>) target(%arg10 : memref<640x32xf32, #tpu.memory_space<vmem>>) target_semaphore(%run_scoped3A_25 : memref<!tpu.dma_semaphore, #tpu.memory_space<semaphore_mem>>)
      %dma_wait3A = arith.constant 0 : i32
      %dma_wait3A_29 = tpu.memref_slice %arg2[%mul3A_2, %dma_wait3A] : memref<10240x32xf32, #tpu.memory_space<hbm>> -> memref<640x32xf32, #tpu.memory_space<hbm>>
      %dma_wait3A_30 = arith.constant 0 : i32
      %dma_wait3A_31 = tpu.memref_slice %arg2[%mul3A_2, %dma_wait3A_30] : memref<10240x32xf32, #tpu.memory_space<hbm>> -> memref<640x32xf32, #tpu.memory_space<hbm>>
      tpu.wait_dma2 semaphore(%run_scoped3A_25 : memref<!tpu.dma_semaphore, #tpu.memory_space<semaphore_mem>>) src(%dma_wait3A_31 : memref<640x32xf32, #tpu.memory_space<hbm>>) dst(%arg10 : memref<640x32xf32, #tpu.memory_space<vmem>>)
      tpu.yield
    }) : () -> ()
    %run_scoped3A = arith.constant 0 : i32
    "tpu.region"() ({
      %run_scoped3A_25 = tpu.sem_alloc : memref<!tpu.dma_semaphore, #tpu.memory_space<semaphore_mem>>
      %dma_start3A = arith.constant 0 : i32
      %dma_start3A_26 = arith.constant 0 : i32
      %dma_start3A_27 = tpu.memref_slice %arg6[%run_scoped3A, %dma_start3A, %dma_start3A_26] : memref<2x10240x8xf32, #tpu.memory_space<hbm>> -> memref<1x10240x8xf32, #tpu.memory_space<hbm>>
      %dma_start3A_28 = tpu.memref_squeeze %dma_start3A_27 : memref<1x10240x8xf32, #tpu.memory_space<hbm>> -> memref<10240x8xf32, #tpu.memory_space<hbm>>
      %dma_start3A_29 = arith.constant 0 : i32
      %dma_start3A_30 = tpu.memref_slice %dma_start3A_28[%mul3A_2, %dma_start3A_29] : memref<10240x8xf32, #tpu.memory_space<hbm>> -> memref<640x8xf32, #tpu.memory_space<hbm>>
      %dma_start3A_31 = arith.constant 0 : i32
      %dma_start3A_32 = arith.constant 0 : i32
      %dma_start3A_33 = tpu.memref_slice %arg6[%run_scoped3A, %dma_start3A_31, %dma_start3A_32] : memref<2x10240x8xf32, #tpu.memory_space<hbm>> -> memref<1x10240x8xf32, #tpu.memory_space<hbm>>
      %dma_start3A_34 = tpu.memref_squeeze %dma_start3A_33 : memref<1x10240x8xf32, #tpu.memory_space<hbm>> -> memref<10240x8xf32, #tpu.memory_space<hbm>>
      %dma_start3A_35 = arith.constant 0 : i32
      %dma_start3A_36 = tpu.memref_slice %dma_start3A_34[%mul3A_2, %dma_start3A_35] : memref<10240x8xf32, #tpu.memory_space<hbm>> -> memref<640x8xf32, #tpu.memory_space<hbm>>
      tpu.enqueue_dma source(%dma_start3A_36 : memref<640x8xf32, #tpu.memory_space<hbm>>) target(%arg11 : memref<640x8xf32, #tpu.memory_space<vmem>>) target_semaphore(%run_scoped3A_25 : memref<!tpu.dma_semaphore, #tpu.memory_space<semaphore_mem>>)
      %dma_wait3A = arith.constant 0 : i32
      %dma_wait3A_37 = arith.constant 0 : i32
      %dma_wait3A_38 = tpu.memref_slice %arg6[%run_scoped3A, %dma_wait3A, %dma_wait3A_37] : memref<2x10240x8xf32, #tpu.memory_space<hbm>> -> memref<1x10240x8xf32, #tpu.memory_space<hbm>>
      %dma_wait3A_39 = tpu.memref_squeeze %dma_wait3A_38 : memref<1x10240x8xf32, #tpu.memory_space<hbm>> -> memref<10240x8xf32, #tpu.memory_space<hbm>>
      %dma_wait3A_40 = arith.constant 0 : i32
      %dma_wait3A_41 = tpu.memref_slice %dma_wait3A_39[%mul3A_2, %dma_wait3A_40] : memref<10240x8xf32, #tpu.memory_space<hbm>> -> memref<640x8xf32, #tpu.memory_space<hbm>>
      %dma_wait3A_42 = arith.constant 0 : i32
      %dma_wait3A_43 = arith.constant 0 : i32
      %dma_wait3A_44 = tpu.memref_slice %arg6[%run_scoped3A, %dma_wait3A_42, %dma_wait3A_43] : memref<2x10240x8xf32, #tpu.memory_space<hbm>> -> memref<1x10240x8xf32, #tpu.memory_space<hbm>>
      %dma_wait3A_45 = tpu.memref_squeeze %dma_wait3A_44 : memref<1x10240x8xf32, #tpu.memory_space<hbm>> -> memref<10240x8xf32, #tpu.memory_space<hbm>>
      %dma_wait3A_46 = arith.constant 0 : i32
      %dma_wait3A_47 = tpu.memref_slice %dma_wait3A_45[%mul3A_2, %dma_wait3A_46] : memref<10240x8xf32, #tpu.memory_space<hbm>> -> memref<640x8xf32, #tpu.memory_space<hbm>>
      tpu.wait_dma2 semaphore(%run_scoped3A_25 : memref<!tpu.dma_semaphore, #tpu.memory_space<semaphore_mem>>) src(%dma_wait3A_47 : memref<640x8xf32, #tpu.memory_space<hbm>>) dst(%arg11 : memref<640x8xf32, #tpu.memory_space<vmem>>)
      tpu.yield
    }) : () -> ()
    %run_scoped3A_3 = arith.constant 1 : i32
    "tpu.region"() ({
      %run_scoped3A_25 = tpu.sem_alloc : memref<!tpu.dma_semaphore, #tpu.memory_space<semaphore_mem>>
      %dma_start3A = arith.constant 0 : i32
      %dma_start3A_26 = arith.constant 0 : i32
      %dma_start3A_27 = tpu.memref_slice %arg6[%run_scoped3A_3, %dma_start3A, %dma_start3A_26] : memref<2x10240x8xf32, #tpu.memory_space<hbm>> -> memref<1x10240x8xf32, #tpu.memory_space<hbm>>
      %dma_start3A_28 = tpu.memref_squeeze %dma_start3A_27 : memref<1x10240x8xf32, #tpu.memory_space<hbm>> -> memref<10240x8xf32, #tpu.memory_space<hbm>>
      %dma_start3A_29 = arith.constant 0 : i32
      %dma_start3A_30 = tpu.memref_slice %dma_start3A_28[%mul3A_2, %dma_start3A_29] : memref<10240x8xf32, #tpu.memory_space<hbm>> -> memref<640x8xf32, #tpu.memory_space<hbm>>
      %dma_start3A_31 = arith.constant 0 : i32
      %dma_start3A_32 = arith.constant 0 : i32
      %dma_start3A_33 = tpu.memref_slice %arg6[%run_scoped3A_3, %dma_start3A_31, %dma_start3A_32] : memref<2x10240x8xf32, #tpu.memory_space<hbm>> -> memref<1x10240x8xf32, #tpu.memory_space<hbm>>
      %dma_start3A_34 = tpu.memref_squeeze %dma_start3A_33 : memref<1x10240x8xf32, #tpu.memory_space<hbm>> -> memref<10240x8xf32, #tpu.memory_space<hbm>>
      %dma_start3A_35 = arith.constant 0 : i32
      %dma_start3A_36 = tpu.memref_slice %dma_start3A_34[%mul3A_2, %dma_start3A_35] : memref<10240x8xf32, #tpu.memory_space<hbm>> -> memref<640x8xf32, #tpu.memory_space<hbm>>
      tpu.enqueue_dma source(%dma_start3A_36 : memref<640x8xf32, #tpu.memory_space<hbm>>) target(%arg12 : memref<640x8xf32, #tpu.memory_space<vmem>>) target_semaphore(%run_scoped3A_25 : memref<!tpu.dma_semaphore, #tpu.memory_space<semaphore_mem>>)
      %dma_wait3A = arith.constant 0 : i32
      %dma_wait3A_37 = arith.constant 0 : i32
      %dma_wait3A_38 = tpu.memref_slice %arg6[%run_scoped3A_3, %dma_wait3A, %dma_wait3A_37] : memref<2x10240x8xf32, #tpu.memory_space<hbm>> -> memref<1x10240x8xf32, #tpu.memory_space<hbm>>
      %dma_wait3A_39 = tpu.memref_squeeze %dma_wait3A_38 : memref<1x10240x8xf32, #tpu.memory_space<hbm>> -> memref<10240x8xf32, #tpu.memory_space<hbm>>
      %dma_wait3A_40 = arith.constant 0 : i32
      %dma_wait3A_41 = tpu.memref_slice %dma_wait3A_39[%mul3A_2, %dma_wait3A_40] : memref<10240x8xf32, #tpu.memory_space<hbm>> -> memref<640x8xf32, #tpu.memory_space<hbm>>
      %dma_wait3A_42 = arith.constant 0 : i32
      %dma_wait3A_43 = arith.constant 0 : i32
      %dma_wait3A_44 = tpu.memref_slice %arg6[%run_scoped3A_3, %dma_wait3A_42, %dma_wait3A_43] : memref<2x10240x8xf32, #tpu.memory_space<hbm>> -> memref<1x10240x8xf32, #tpu.memory_space<hbm>>
      %dma_wait3A_45 = tpu.memref_squeeze %dma_wait3A_44 : memref<1x10240x8xf32, #tpu.memory_space<hbm>> -> memref<10240x8xf32, #tpu.memory_space<hbm>>
      %dma_wait3A_46 = arith.constant 0 : i32
      %dma_wait3A_47 = tpu.memref_slice %dma_wait3A_45[%mul3A_2, %dma_wait3A_46] : memref<10240x8xf32, #tpu.memory_space<hbm>> -> memref<640x8xf32, #tpu.memory_space<hbm>>
      tpu.wait_dma2 semaphore(%run_scoped3A_25 : memref<!tpu.dma_semaphore, #tpu.memory_space<semaphore_mem>>) src(%dma_wait3A_47 : memref<640x8xf32, #tpu.memory_space<hbm>>) dst(%arg12 : memref<640x8xf32, #tpu.memory_space<vmem>>)
      tpu.yield
    }) : () -> ()
    %mul3A_4 = arith.constant 40 : i32
    %mul3A_5 = arith.muli %add3A, %mul3A_4 : i32
    %multiple_of3A = tpu.assume_multiple %mul3A_5, 8 : i32
    "tpu.region"() ({
      %run_scoped3A_25 = tpu.sem_alloc : memref<!tpu.dma_semaphore, #tpu.memory_space<semaphore_mem>>
      %dma_start3A = arith.constant 0 : i32
      %dma_start3A_26 = tpu.memref_slice %arg3[%multiple_of3A, %dma_start3A] : memref<1280x128xi32, #tpu.memory_space<hbm>> -> memref<40x128xi32, #tpu.memory_space<hbm>>
      %dma_start3A_27 = arith.constant 0 : i32
      %dma_start3A_28 = tpu.memref_slice %arg3[%multiple_of3A, %dma_start3A_27] : memref<1280x128xi32, #tpu.memory_space<hbm>> -> memref<40x128xi32, #tpu.memory_space<hbm>>
      tpu.enqueue_dma source(%dma_start3A_28 : memref<40x128xi32, #tpu.memory_space<hbm>>) target(%arg8 : memref<40x128xi32, #tpu.memory_space<vmem>>) target_semaphore(%run_scoped3A_25 : memref<!tpu.dma_semaphore, #tpu.memory_space<semaphore_mem>>)
      %dma_wait3A = arith.constant 0 : i32
      %dma_wait3A_29 = tpu.memref_slice %arg3[%multiple_of3A, %dma_wait3A] : memref<1280x128xi32, #tpu.memory_space<hbm>> -> memref<40x128xi32, #tpu.memory_space<hbm>>
      %dma_wait3A_30 = arith.constant 0 : i32
      %dma_wait3A_31 = tpu.memref_slice %arg3[%multiple_of3A, %dma_wait3A_30] : memref<1280x128xi32, #tpu.memory_space<hbm>> -> memref<40x128xi32, #tpu.memory_space<hbm>>
      tpu.wait_dma2 semaphore(%run_scoped3A_25 : memref<!tpu.dma_semaphore, #tpu.memory_space<semaphore_mem>>) src(%dma_wait3A_31 : memref<40x128xi32, #tpu.memory_space<hbm>>) dst(%arg8 : memref<40x128xi32, #tpu.memory_space<vmem>>)
      tpu.yield
    }) : () -> ()
    "tpu.region"() ({
      %run_scoped3A_25 = tpu.sem_alloc : memref<!tpu.dma_semaphore, #tpu.memory_space<semaphore_mem>>
      %dma_start3A = arith.constant 0 : i32
      %dma_start3A_26 = tpu.memref_slice %arg4[%multiple_of3A, %dma_start3A] : memref<1280x128xi32, #tpu.memory_space<hbm>> -> memref<40x128xi32, #tpu.memory_space<hbm>>
      %dma_start3A_27 = arith.constant 0 : i32
      %dma_start3A_28 = tpu.memref_slice %arg4[%multiple_of3A, %dma_start3A_27] : memref<1280x128xi32, #tpu.memory_space<hbm>> -> memref<40x128xi32, #tpu.memory_space<hbm>>
      tpu.enqueue_dma source(%dma_start3A_28 : memref<40x128xi32, #tpu.memory_space<hbm>>) target(%arg9 : memref<40x128xi32, #tpu.memory_space<vmem>>) target_semaphore(%run_scoped3A_25 : memref<!tpu.dma_semaphore, #tpu.memory_space<semaphore_mem>>)
      %dma_wait3A = arith.constant 0 : i32
      %dma_wait3A_29 = tpu.memref_slice %arg4[%multiple_of3A, %dma_wait3A] : memref<1280x128xi32, #tpu.memory_space<hbm>> -> memref<40x128xi32, #tpu.memory_space<hbm>>
      %dma_wait3A_30 = arith.constant 0 : i32
      %dma_wait3A_31 = tpu.memref_slice %arg4[%multiple_of3A, %dma_wait3A_30] : memref<1280x128xi32, #tpu.memory_space<hbm>> -> memref<40x128xi32, #tpu.memory_space<hbm>>
      tpu.wait_dma2 semaphore(%run_scoped3A_25 : memref<!tpu.dma_semaphore, #tpu.memory_space<semaphore_mem>>) src(%dma_wait3A_31 : memref<40x128xi32, #tpu.memory_space<hbm>>) dst(%arg9 : memref<40x128xi32, #tpu.memory_space<vmem>>)
      tpu.yield
    }) : () -> ()
    %broadcast_in_dim3A = arith.constant 0 : i32
    %broadcast_in_dim3A_6 = vector.broadcast %broadcast_in_dim3A : i32 to vector<16xi32>
    %iota3A = tpu.iota {dimensions = array<i32: 0>} : vector<16xi32>
    %scan3A = arith.constant 0 : i32
    %scan3A_7 = arith.constant 0 : i32
    %scan3A_8 = arith.constant 40 : i32
    %scan3A_9 = arith.addi %scan3A_7, %scan3A_8 : i32
    %scan3A_10 = arith.constant 1 : i32
    scf.for %scan3A_25 = %scan3A_7 to %scan3A_9 step %scan3A_10  : i32 {
      %mul3A_26 = arith.constant 16 : i32
      %mul3A_27 = arith.muli %scan3A_25, %mul3A_26 : i32
      %add3A_28 = vector.broadcast %mul3A_27 : i32 to vector<16xi32>
      %add3A_29 = arith.addi %add3A_28, %iota3A : vector<16xi32>
      %gather3A = tpu.vector_load_idx %arg11[%add3A_29, %broadcast_in_dim3A_6] : memref<640x8xf32, #tpu.memory_space<vmem>>[vector<16xi32>, vector<16xi32>], vector<16xf32>,
      %mul3A_30 = arith.constant 16 : i32
      %mul3A_31 = arith.muli %scan3A_25, %mul3A_30 : i32
      %add3A_32 = vector.broadcast %mul3A_31 : i32 to vector<16xi32>
      %add3A_33 = arith.addi %add3A_32, %iota3A : vector<16xi32>
      %gather3A_34 = tpu.vector_load_idx %arg12[%add3A_33, %broadcast_in_dim3A_6] : memref<640x8xf32, #tpu.memory_space<vmem>>[vector<16xi32>, vector<16xi32>], vector<16xf32>,
      %add3A_35 = arith.addf %gather3A, %gather3A_34 : vector<16xf32>
      %bitcast3A = vector.bitcast %add3A_35 : vector<16xf32> to vector<16xi32>
      %shift_right_arithmetic3A = arith.constant 1 : i32
      %shift_right_arithmetic3A_36 = vector.broadcast %shift_right_arithmetic3A : i32 to vector<16xi32>
      %shift_right_arithmetic3A_37 = arith.shrsi %bitcast3A, %shift_right_arithmetic3A_36 : vector<16xi32>
      %sub3A = arith.constant 1597463007 : i32
      %sub3A_38 = vector.broadcast %sub3A : i32 to vector<16xi32>
      %sub3A_39 = arith.subi %sub3A_38, %shift_right_arithmetic3A_37 : vector<16xi32>
      %bitcast3A_40 = vector.bitcast %sub3A_39 : vector<16xi32> to vector<16xf32>
      %mul3A_41 = arith.constant 5.000000e-01 : f32
      %mul3A_42 = vector.broadcast %mul3A_41 : f32 to vector<16xf32>
      %mul3A_43 = arith.mulf %mul3A_42, %add3A_35 : vector<16xf32>
      %mul3A_44 = arith.mulf %mul3A_43, %bitcast3A_40 : vector<16xf32>
      %mul3A_45 = arith.mulf %mul3A_44, %bitcast3A_40 : vector<16xf32>
      %sub3A_46 = arith.constant 1.500000e+00 : f32
      %sub3A_47 = vector.broadcast %sub3A_46 : f32 to vector<16xf32>
      %sub3A_48 = arith.subf %sub3A_47, %mul3A_45 : vector<16xf32>
      %mul3A_49 = arith.mulf %bitcast3A_40, %sub3A_48 : vector<16xf32>
      %mul3A_50 = arith.constant 5.000000e-01 : f32
      %mul3A_51 = vector.broadcast %mul3A_50 : f32 to vector<16xf32>
      %mul3A_52 = arith.mulf %mul3A_51, %add3A_35 : vector<16xf32>
      %mul3A_53 = arith.mulf %mul3A_52, %mul3A_49 : vector<16xf32>
      %mul3A_54 = arith.mulf %mul3A_53, %mul3A_49 : vector<16xf32>
      %sub3A_55 = arith.constant 1.500000e+00 : f32
      %sub3A_56 = vector.broadcast %sub3A_55 : f32 to vector<16xf32>
      %sub3A_57 = arith.subf %sub3A_56, %mul3A_54 : vector<16xf32>
      %mul3A_58 = arith.mulf %mul3A_49, %sub3A_57 : vector<16xf32>
      %mul3A_59 = arith.constant 5.000000e-01 : f32
      %mul3A_60 = vector.broadcast %mul3A_59 : f32 to vector<16xf32>
      %mul3A_61 = arith.mulf %mul3A_60, %add3A_35 : vector<16xf32>
      %mul3A_62 = arith.mulf %mul3A_61, %mul3A_58 : vector<16xf32>
      %mul3A_63 = arith.mulf %mul3A_62, %mul3A_58 : vector<16xf32>
      %sub3A_64 = arith.constant 1.500000e+00 : f32
      %sub3A_65 = vector.broadcast %sub3A_64 : f32 to vector<16xf32>
      %sub3A_66 = arith.subf %sub3A_65, %mul3A_63 : vector<16xf32>
      %mul3A_67 = arith.mulf %mul3A_58, %sub3A_66 : vector<16xf32>
      %gt3A = arith.constant 0.000000e+00 : f32
      %gt3A_68 = vector.broadcast %gt3A : f32 to vector<16xf32>
      %gt3A_69 = arith.cmpf ogt, %add3A_35, %gt3A_68 : vector<16xf32>
      %jit3A = arith.constant 0.000000e+00 : f32
      %broadcast_in_dim3A_70 = vector.broadcast %jit3A : f32 to vector<16xf32>
      %select_n3A = arith.select %gt3A_69, %mul3A_67, %broadcast_in_dim3A_70 : vector<16xi1>, vector<16xf32>
      %mul3A_71 = arith.constant 16 : i32
      %mul3A_72 = arith.muli %scan3A_25, %mul3A_71 : i32
      %swap3A = arith.index_cast %mul3A_72 : i32 to index
      %swap3A_73 = tpu.vector_load %arg13[%swap3A] {strides = array<i32>} : memref<640xf32, #tpu.memory_space<vmem>>, vector<16xf32>,
      tpu.vector_store %arg13[%swap3A], %select_n3A {strides = array<i32>} : memref<640xf32, #tpu.memory_space<vmem>>, vector<16xf32>,
    }
    %scan3A_11 = arith.constant 40 : i32
    %scan3A_12 = arith.constant 0 : i32
    %scan3A_13 = arith.constant 0 : i32
    %scan3A_14 = arith.constant 40 : i32
    %scan3A_15 = arith.addi %scan3A_13, %scan3A_14 : i32
    %scan3A_16 = arith.constant 1 : i32
    scf.for %scan3A_25 = %scan3A_13 to %scan3A_15 step %scan3A_16  : i32 {
      %mul3A_26 = arith.constant 16 : i32
      %mul3A_27 = arith.muli %scan3A_25, %mul3A_26 : i32
      %get3A = arith.index_cast %mul3A_27 : i32 to index
      %get3A_28 = tpu.vector_load %arg13[%get3A] {strides = array<i32>} : memref<640xf32, #tpu.memory_space<vmem>>, vector<16xf32>,
      %mul3A_29 = arith.constant 16 : i32
      %mul3A_30 = arith.muli %scan3A_25, %mul3A_29 : i32
      %add3A_31 = arith.constant 0 : i32
      %add3A_32 = arith.addi %mul3A_30, %add3A_31 : i32
      %slice3A = vector.extract_strided_slice %get3A_28 {offsets = [0], sizes = [1], strides = [1]} : vector<16xf32> to vector<1xf32>
      %squeeze3A = vector.extract %slice3A[0] : f32 from vector<1xf32>
      %get3A_33 = arith.index_cast %add3A_32 : i32 to index
      %get3A_34 = arith.constant 0 : index
      %get3A_35 = tpu.vector_load %arg10[%get3A_33, %get3A_34] {strides = array<i32>} : memref<640x32xf32, #tpu.memory_space<vmem>>, vector<16xf32>,
      %mul3A_36 = vector.broadcast %squeeze3A : f32 to vector<16xf32>
      %mul3A_37 = arith.mulf %get3A_35, %mul3A_36 : vector<16xf32>
      %swap3A = arith.index_cast %add3A_32 : i32 to index
      %swap3A_38 = arith.constant 0 : index
      %swap3A_39 = tpu.vector_load %arg10[%swap3A, %swap3A_38] {strides = array<i32>} : memref<640x32xf32, #tpu.memory_space<vmem>>, vector<16xf32>,
      tpu.vector_store %arg10[%swap3A, %swap3A_38], %mul3A_37 {strides = array<i32>} : memref<640x32xf32, #tpu.memory_space<vmem>>, vector<16xf32>,
      %get3A_40 = arith.index_cast %add3A_32 : i32 to index
      %get3A_41 = arith.constant 16 : index
      %get3A_42 = tpu.vector_load %arg10[%get3A_40, %get3A_41] {strides = array<i32>} : memref<640x32xf32, #tpu.memory_space<vmem>>, vector<16xf32>,
      %mul3A_43 = vector.broadcast %squeeze3A : f32 to vector<16xf32>
      %mul3A_44 = arith.mulf %get3A_42, %mul3A_43 : vector<16xf32>
      %swap3A_45 = arith.index_cast %add3A_32 : i32 to index
      %swap3A_46 = arith.constant 16 : index
      %swap3A_47 = tpu.vector_load %arg10[%swap3A_45, %swap3A_46] {strides = array<i32>} : memref<640x32xf32, #tpu.memory_space<vmem>>, vector<16xf32>,
      tpu.vector_store %arg10[%swap3A_45, %swap3A_46], %mul3A_44 {strides = array<i32>} : memref<640x32xf32, #tpu.memory_space<vmem>>, vector<16xf32>,
      %mul3A_48 = arith.constant 16 : i32
      %mul3A_49 = arith.muli %scan3A_25, %mul3A_48 : i32
      %add3A_50 = arith.constant 1 : i32
      %add3A_51 = arith.addi %mul3A_49, %add3A_50 : i32
      %slice3A_52 = vector.extract_strided_slice %get3A_28 {offsets = [1], sizes = [1], strides = [1]} : vector<16xf32> to vector<1xf32>
      %squeeze3A_53 = vector.extract %slice3A_52[0] : f32 from vector<1xf32>
      %get3A_54 = arith.index_cast %add3A_51 : i32 to index
      %get3A_55 = arith.constant 0 : index
      %get3A_56 = tpu.vector_load %arg10[%get3A_54, %get3A_55] {strides = array<i32>} : memref<640x32xf32, #tpu.memory_space<vmem>>, vector<16xf32>,
      %mul3A_57 = vector.broadcast %squeeze3A_53 : f32 to vector<16xf32>
      %mul3A_58 = arith.mulf %get3A_56, %mul3A_57 : vector<16xf32>
      %swap3A_59 = arith.index_cast %add3A_51 : i32 to index
      %swap3A_60 = arith.constant 0 : index
      %swap3A_61 = tpu.vector_load %arg10[%swap3A_59, %swap3A_60] {strides = array<i32>} : memref<640x32xf32, #tpu.memory_space<vmem>>, vector<16xf32>,
      tpu.vector_store %arg10[%swap3A_59, %swap3A_60], %mul3A_58 {strides = array<i32>} : memref<640x32xf32, #tpu.memory_space<vmem>>, vector<16xf32>,
      %get3A_62 = arith.index_cast %add3A_51 : i32 to index
      %get3A_63 = arith.constant 16 : index
      %get3A_64 = tpu.vector_load %arg10[%get3A_62, %get3A_63] {strides = array<i32>} : memref<640x32xf32, #tpu.memory_space<vmem>>, vector<16xf32>,
      %mul3A_65 = vector.broadcast %squeeze3A_53 : f32 to vector<16xf32>
      %mul3A_66 = arith.mulf %get3A_64, %mul3A_65 : vector<16xf32>
      %swap3A_67 = arith.index_cast %add3A_51 : i32 to index
      %swap3A_68 = arith.constant 16 : index
      %swap3A_69 = tpu.vector_load %arg10[%swap3A_67, %swap3A_68] {strides = array<i32>} : memref<640x32xf32, #tpu.memory_space<vmem>>, vector<16xf32>,
      tpu.vector_store %arg10[%swap3A_67, %swap3A_68], %mul3A_66 {strides = array<i32>} : memref<640x32xf32, #tpu.memory_space<vmem>>, vector<16xf32>,
      %mul3A_70 = arith.constant 16 : i32
      %mul3A_71 = arith.muli %scan3A_25, %mul3A_70 : i32
      %add3A_72 = arith.constant 2 : i32
      %add3A_73 = arith.addi %mul3A_71, %add3A_72 : i32
      %slice3A_74 = vector.extract_strided_slice %get3A_28 {offsets = [2], sizes = [1], strides = [1]} : vector<16xf32> to vector<1xf32>
      %squeeze3A_75 = vector.extract %slice3A_74[0] : f32 from vector<1xf32>
      %get3A_76 = arith.index_cast %add3A_73 : i32 to index
      %get3A_77 = arith.constant 0 : index
      %get3A_78 = tpu.vector_load %arg10[%get3A_76, %get3A_77] {strides = array<i32>} : memref<640x32xf32, #tpu.memory_space<vmem>>, vector<16xf32>,
      %mul3A_79 = vector.broadcast %squeeze3A_75 : f32 to vector<16xf32>
      %mul3A_80 = arith.mulf %get3A_78, %mul3A_79 : vector<16xf32>
      %swap3A_81 = arith.index_cast %add3A_73 : i32 to index
      %swap3A_82 = arith.constant 0 : index
      %swap3A_83 = tpu.vector_load %arg10[%swap3A_81, %swap3A_82] {strides = array<i32>} : memref<640x32xf32, #tpu.memory_space<vmem>>, vector<16xf32>,
      tpu.vector_store %arg10[%swap3A_81, %swap3A_82], %mul3A_80 {strides = array<i32>} : memref<640x32xf32, #tpu.memory_space<vmem>>, vector<16xf32>,
      %get3A_84 = arith.index_cast %add3A_73 : i32 to index
      %get3A_85 = arith.constant 16 : index
      %get3A_86 = tpu.vector_load %arg10[%get3A_84, %get3A_85] {strides = array<i32>} : memref<640x32xf32, #tpu.memory_space<vmem>>, vector<16xf32>,
      %mul3A_87 = vector.broadcast %squeeze3A_75 : f32 to vector<16xf32>
      %mul3A_88 = arith.mulf %get3A_86, %mul3A_87 : vector<16xf32>
      %swap3A_89 = arith.index_cast %add3A_73 : i32 to index
      %swap3A_90 = arith.constant 16 : index
      %swap3A_91 = tpu.vector_load %arg10[%swap3A_89, %swap3A_90] {strides = array<i32>} : memref<640x32xf32, #tpu.memory_space<vmem>>, vector<16xf32>,
      tpu.vector_store %arg10[%swap3A_89, %swap3A_90], %mul3A_88 {strides = array<i32>} : memref<640x32xf32, #tpu.memory_space<vmem>>, vector<16xf32>,
      %mul3A_92 = arith.constant 16 : i32
      %mul3A_93 = arith.muli %scan3A_25, %mul3A_92 : i32
      %add3A_94 = arith.constant 3 : i32
      %add3A_95 = arith.addi %mul3A_93, %add3A_94 : i32
      %slice3A_96 = vector.extract_strided_slice %get3A_28 {offsets = [3], sizes = [1], strides = [1]} : vector<16xf32> to vector<1xf32>
      %squeeze3A_97 = vector.extract %slice3A_96[0] : f32 from vector<1xf32>
      %get3A_98 = arith.index_cast %add3A_95 : i32 to index
      %get3A_99 = arith.constant 0 : index
      %get3A_100 = tpu.vector_load %arg10[%get3A_98, %get3A_99] {strides = array<i32>} : memref<640x32xf32, #tpu.memory_space<vmem>>, vector<16xf32>,
      %mul3A_101 = vector.broadcast %squeeze3A_97 : f32 to vector<16xf32>
      %mul3A_102 = arith.mulf %get3A_100, %mul3A_101 : vector<16xf32>
      %swap3A_103 = arith.index_cast %add3A_95 : i32 to index
      %swap3A_104 = arith.constant 0 : index
      %swap3A_105 = tpu.vector_load %arg10[%swap3A_103, %swap3A_104] {strides = array<i32>} : memref<640x32xf32, #tpu.memory_space<vmem>>, vector<16xf32>,
      tpu.vector_store %arg10[%swap3A_103, %swap3A_104], %mul3A_102 {strides = array<i32>} : memref<640x32xf32, #tpu.memory_space<vmem>>, vector<16xf32>,
      %get3A_106 = arith.index_cast %add3A_95 : i32 to index
      %get3A_107 = arith.constant 16 : index
      %get3A_108 = tpu.vector_load %arg10[%get3A_106, %get3A_107] {strides = array<i32>} : memref<640x32xf32, #tpu.memory_space<vmem>>, vector<16xf32>,
      %mul3A_109 = vector.broadcast %squeeze3A_97 : f32 to vector<16xf32>
      %mul3A_110 = arith.mulf %get3A_108, %mul3A_109 : vector<16xf32>
      %swap3A_111 = arith.index_cast %add3A_95 : i32 to index
      %swap3A_112 = arith.constant 16 : index
      %swap3A_113 = tpu.vector_load %arg10[%swap3A_111, %swap3A_112] {strides = array<i32>} : memref<640x32xf32, #tpu.memory_space<vmem>>, vector<16xf32>,
      tpu.vector_store %arg10[%swap3A_111, %swap3A_112], %mul3A_110 {strides = array<i32>} : memref<640x32xf32, #tpu.memory_space<vmem>>, vector<16xf32>,
      %mul3A_114 = arith.constant 16 : i32
      %mul3A_115 = arith.muli %scan3A_25, %mul3A_114 : i32
      %add3A_116 = arith.constant 4 : i32
      %add3A_117 = arith.addi %mul3A_115, %add3A_116 : i32
      %slice3A_118 = vector.extract_strided_slice %get3A_28 {offsets = [4], sizes = [1], strides = [1]} : vector<16xf32> to vector<1xf32>
      %squeeze3A_119 = vector.extract %slice3A_118[0] : f32 from vector<1xf32>
      %get3A_120 = arith.index_cast %add3A_117 : i32 to index
      %get3A_121 = arith.constant 0 : index
      %get3A_122 = tpu.vector_load %arg10[%get3A_120, %get3A_121] {strides = array<i32>} : memref<640x32xf32, #tpu.memory_space<vmem>>, vector<16xf32>,
      %mul3A_123 = vector.broadcast %squeeze3A_119 : f32 to vector<16xf32>
      %mul3A_124 = arith.mulf %get3A_122, %mul3A_123 : vector<16xf32>
      %swap3A_125 = arith.index_cast %add3A_117 : i32 to index
      %swap3A_126 = arith.constant 0 : index
      %swap3A_127 = tpu.vector_load %arg10[%swap3A_125, %swap3A_126] {strides = array<i32>} : memref<640x32xf32, #tpu.memory_space<vmem>>, vector<16xf32>,
      tpu.vector_store %arg10[%swap3A_125, %swap3A_126], %mul3A_124 {strides = array<i32>} : memref<640x32xf32, #tpu.memory_space<vmem>>, vector<16xf32>,
      %get3A_128 = arith.index_cast %add3A_117 : i32 to index
      %get3A_129 = arith.constant 16 : index
      %get3A_130 = tpu.vector_load %arg10[%get3A_128, %get3A_129] {strides = array<i32>} : memref<640x32xf32, #tpu.memory_space<vmem>>, vector<16xf32>,
      %mul3A_131 = vector.broadcast %squeeze3A_119 : f32 to vector<16xf32>
      %mul3A_132 = arith.mulf %get3A_130, %mul3A_131 : vector<16xf32>
      %swap3A_133 = arith.index_cast %add3A_117 : i32 to index
      %swap3A_134 = arith.constant 16 : index
      %swap3A_135 = tpu.vector_load %arg10[%swap3A_133, %swap3A_134] {strides = array<i32>} : memref<640x32xf32, #tpu.memory_space<vmem>>, vector<16xf32>,
      tpu.vector_store %arg10[%swap3A_133, %swap3A_134], %mul3A_132 {strides = array<i32>} : memref<640x32xf32, #tpu.memory_space<vmem>>, vector<16xf32>,
      %mul3A_136 = arith.constant 16 : i32
      %mul3A_137 = arith.muli %scan3A_25, %mul3A_136 : i32
      %add3A_138 = arith.constant 5 : i32
      %add3A_139 = arith.addi %mul3A_137, %add3A_138 : i32
      %slice3A_140 = vector.extract_strided_slice %get3A_28 {offsets = [5], sizes = [1], strides = [1]} : vector<16xf32> to vector<1xf32>
      %squeeze3A_141 = vector.extract %slice3A_140[0] : f32 from vector<1xf32>
      %get3A_142 = arith.index_cast %add3A_139 : i32 to index
      %get3A_143 = arith.constant 0 : index
      %get3A_144 = tpu.vector_load %arg10[%get3A_142, %get3A_143] {strides = array<i32>} : memref<640x32xf32, #tpu.memory_space<vmem>>, vector<16xf32>,
      %mul3A_145 = vector.broadcast %squeeze3A_141 : f32 to vector<16xf32>
      %mul3A_146 = arith.mulf %get3A_144, %mul3A_145 : vector<16xf32>
      %swap3A_147 = arith.index_cast %add3A_139 : i32 to index
      %swap3A_148 = arith.constant 0 : index
      %swap3A_149 = tpu.vector_load %arg10[%swap3A_147, %swap3A_148] {strides = array<i32>} : memref<640x32xf32, #tpu.memory_space<vmem>>, vector<16xf32>,
      tpu.vector_store %arg10[%swap3A_147, %swap3A_148], %mul3A_146 {strides = array<i32>} : memref<640x32xf32, #tpu.memory_space<vmem>>, vector<16xf32>,
      %get3A_150 = arith.index_cast %add3A_139 : i32 to index
      %get3A_151 = arith.constant 16 : index
      %get3A_152 = tpu.vector_load %arg10[%get3A_150, %get3A_151] {strides = array<i32>} : memref<640x32xf32, #tpu.memory_space<vmem>>, vector<16xf32>,
      %mul3A_153 = vector.broadcast %squeeze3A_141 : f32 to vector<16xf32>
      %mul3A_154 = arith.mulf %get3A_152, %mul3A_153 : vector<16xf32>
      %swap3A_155 = arith.index_cast %add3A_139 : i32 to index
      %swap3A_156 = arith.constant 16 : index
      %swap3A_157 = tpu.vector_load %arg10[%swap3A_155, %swap3A_156] {strides = array<i32>} : memref<640x32xf32, #tpu.memory_space<vmem>>, vector<16xf32>,
      tpu.vector_store %arg10[%swap3A_155, %swap3A_156], %mul3A_154 {strides = array<i32>} : memref<640x32xf32, #tpu.memory_space<vmem>>, vector<16xf32>,
      %mul3A_158 = arith.constant 16 : i32
      %mul3A_159 = arith.muli %scan3A_25, %mul3A_158 : i32
      %add3A_160 = arith.constant 6 : i32
      %add3A_161 = arith.addi %mul3A_159, %add3A_160 : i32
      %slice3A_162 = vector.extract_strided_slice %get3A_28 {offsets = [6], sizes = [1], strides = [1]} : vector<16xf32> to vector<1xf32>
      %squeeze3A_163 = vector.extract %slice3A_162[0] : f32 from vector<1xf32>
      %get3A_164 = arith.index_cast %add3A_161 : i32 to index
      %get3A_165 = arith.constant 0 : index
      %get3A_166 = tpu.vector_load %arg10[%get3A_164, %get3A_165] {strides = array<i32>} : memref<640x32xf32, #tpu.memory_space<vmem>>, vector<16xf32>,
      %mul3A_167 = vector.broadcast %squeeze3A_163 : f32 to vector<16xf32>
      %mul3A_168 = arith.mulf %get3A_166, %mul3A_167 : vector<16xf32>
      %swap3A_169 = arith.index_cast %add3A_161 : i32 to index
      %swap3A_170 = arith.constant 0 : index
      %swap3A_171 = tpu.vector_load %arg10[%swap3A_169, %swap3A_170] {strides = array<i32>} : memref<640x32xf32, #tpu.memory_space<vmem>>, vector<16xf32>,
      tpu.vector_store %arg10[%swap3A_169, %swap3A_170], %mul3A_168 {strides = array<i32>} : memref<640x32xf32, #tpu.memory_space<vmem>>, vector<16xf32>,
      %get3A_172 = arith.index_cast %add3A_161 : i32 to index
      %get3A_173 = arith.constant 16 : index
      %get3A_174 = tpu.vector_load %arg10[%get3A_172, %get3A_173] {strides = array<i32>} : memref<640x32xf32, #tpu.memory_space<vmem>>, vector<16xf32>,
      %mul3A_175 = vector.broadcast %squeeze3A_163 : f32 to vector<16xf32>
      %mul3A_176 = arith.mulf %get3A_174, %mul3A_175 : vector<16xf32>
      %swap3A_177 = arith.index_cast %add3A_161 : i32 to index
      %swap3A_178 = arith.constant 16 : index
      %swap3A_179 = tpu.vector_load %arg10[%swap3A_177, %swap3A_178] {strides = array<i32>} : memref<640x32xf32, #tpu.memory_space<vmem>>, vector<16xf32>,
      tpu.vector_store %arg10[%swap3A_177, %swap3A_178], %mul3A_176 {strides = array<i32>} : memref<640x32xf32, #tpu.memory_space<vmem>>, vector<16xf32>,
      %mul3A_180 = arith.constant 16 : i32
      %mul3A_181 = arith.muli %scan3A_25, %mul3A_180 : i32
      %add3A_182 = arith.constant 7 : i32
      %add3A_183 = arith.addi %mul3A_181, %add3A_182 : i32
      %slice3A_184 = vector.extract_strided_slice %get3A_28 {offsets = [7], sizes = [1], strides = [1]} : vector<16xf32> to vector<1xf32>
      %squeeze3A_185 = vector.extract %slice3A_184[0] : f32 from vector<1xf32>
      %get3A_186 = arith.index_cast %add3A_183 : i32 to index
      %get3A_187 = arith.constant 0 : index
      %get3A_188 = tpu.vector_load %arg10[%get3A_186, %get3A_187] {strides = array<i32>} : memref<640x32xf32, #tpu.memory_space<vmem>>, vector<16xf32>,
      %mul3A_189 = vector.broadcast %squeeze3A_185 : f32 to vector<16xf32>
      %mul3A_190 = arith.mulf %get3A_188, %mul3A_189 : vector<16xf32>
      %swap3A_191 = arith.index_cast %add3A_183 : i32 to index
      %swap3A_192 = arith.constant 0 : index
      %swap3A_193 = tpu.vector_load %arg10[%swap3A_191, %swap3A_192] {strides = array<i32>} : memref<640x32xf32, #tpu.memory_space<vmem>>, vector<16xf32>,
      tpu.vector_store %arg10[%swap3A_191, %swap3A_192], %mul3A_190 {strides = array<i32>} : memref<640x32xf32, #tpu.memory_space<vmem>>, vector<16xf32>,
      %get3A_194 = arith.index_cast %add3A_183 : i32 to index
      %get3A_195 = arith.constant 16 : index
      %get3A_196 = tpu.vector_load %arg10[%get3A_194, %get3A_195] {strides = array<i32>} : memref<640x32xf32, #tpu.memory_space<vmem>>, vector<16xf32>,
      %mul3A_197 = vector.broadcast %squeeze3A_185 : f32 to vector<16xf32>
      %mul3A_198 = arith.mulf %get3A_196, %mul3A_197 : vector<16xf32>
      %swap3A_199 = arith.index_cast %add3A_183 : i32 to index
      %swap3A_200 = arith.constant 16 : index
      %swap3A_201 = tpu.vector_load %arg10[%swap3A_199, %swap3A_200] {strides = array<i32>} : memref<640x32xf32, #tpu.memory_space<vmem>>, vector<16xf32>,
      tpu.vector_store %arg10[%swap3A_199, %swap3A_200], %mul3A_198 {strides = array<i32>} : memref<640x32xf32, #tpu.memory_space<vmem>>, vector<16xf32>,
      %mul3A_202 = arith.constant 16 : i32
      %mul3A_203 = arith.muli %scan3A_25, %mul3A_202 : i32
      %add3A_204 = arith.constant 8 : i32
      %add3A_205 = arith.addi %mul3A_203, %add3A_204 : i32
      %slice3A_206 = vector.extract_strided_slice %get3A_28 {offsets = [8], sizes = [1], strides = [1]} : vector<16xf32> to vector<1xf32>
      %squeeze3A_207 = vector.extract %slice3A_206[0] : f32 from vector<1xf32>
      %get3A_208 = arith.index_cast %add3A_205 : i32 to index
      %get3A_209 = arith.constant 0 : index
      %get3A_210 = tpu.vector_load %arg10[%get3A_208, %get3A_209] {strides = array<i32>} : memref<640x32xf32, #tpu.memory_space<vmem>>, vector<16xf32>,
      %mul3A_211 = vector.broadcast %squeeze3A_207 : f32 to vector<16xf32>
      %mul3A_212 = arith.mulf %get3A_210, %mul3A_211 : vector<16xf32>
      %swap3A_213 = arith.index_cast %add3A_205 : i32 to index
      %swap3A_214 = arith.constant 0 : index
      %swap3A_215 = tpu.vector_load %arg10[%swap3A_213, %swap3A_214] {strides = array<i32>} : memref<640x32xf32, #tpu.memory_space<vmem>>, vector<16xf32>,
      tpu.vector_store %arg10[%swap3A_213, %swap3A_214], %mul3A_212 {strides = array<i32>} : memref<640x32xf32, #tpu.memory_space<vmem>>, vector<16xf32>,
      %get3A_216 = arith.index_cast %add3A_205 : i32 to index
      %get3A_217 = arith.constant 16 : index
      %get3A_218 = tpu.vector_load %arg10[%get3A_216, %get3A_217] {strides = array<i32>} : memref<640x32xf32, #tpu.memory_space<vmem>>, vector<16xf32>,
      %mul3A_219 = vector.broadcast %squeeze3A_207 : f32 to vector<16xf32>
      %mul3A_220 = arith.mulf %get3A_218, %mul3A_219 : vector<16xf32>
      %swap3A_221 = arith.index_cast %add3A_205 : i32 to index
      %swap3A_222 = arith.constant 16 : index
      %swap3A_223 = tpu.vector_load %arg10[%swap3A_221, %swap3A_222] {strides = array<i32>} : memref<640x32xf32, #tpu.memory_space<vmem>>, vector<16xf32>,
      tpu.vector_store %arg10[%swap3A_221, %swap3A_222], %mul3A_220 {strides = array<i32>} : memref<640x32xf32, #tpu.memory_space<vmem>>, vector<16xf32>,
      %mul3A_224 = arith.constant 16 : i32
      %mul3A_225 = arith.muli %scan3A_25, %mul3A_224 : i32
      %add3A_226 = arith.constant 9 : i32
      %add3A_227 = arith.addi %mul3A_225, %add3A_226 : i32
      %slice3A_228 = vector.extract_strided_slice %get3A_28 {offsets = [9], sizes = [1], strides = [1]} : vector<16xf32> to vector<1xf32>
      %squeeze3A_229 = vector.extract %slice3A_228[0] : f32 from vector<1xf32>
      %get3A_230 = arith.index_cast %add3A_227 : i32 to index
      %get3A_231 = arith.constant 0 : index
      %get3A_232 = tpu.vector_load %arg10[%get3A_230, %get3A_231] {strides = array<i32>} : memref<640x32xf32, #tpu.memory_space<vmem>>, vector<16xf32>,
      %mul3A_233 = vector.broadcast %squeeze3A_229 : f32 to vector<16xf32>
      %mul3A_234 = arith.mulf %get3A_232, %mul3A_233 : vector<16xf32>
      %swap3A_235 = arith.index_cast %add3A_227 : i32 to index
      %swap3A_236 = arith.constant 0 : index
      %swap3A_237 = tpu.vector_load %arg10[%swap3A_235, %swap3A_236] {strides = array<i32>} : memref<640x32xf32, #tpu.memory_space<vmem>>, vector<16xf32>,
      tpu.vector_store %arg10[%swap3A_235, %swap3A_236], %mul3A_234 {strides = array<i32>} : memref<640x32xf32, #tpu.memory_space<vmem>>, vector<16xf32>,
      %get3A_238 = arith.index_cast %add3A_227 : i32 to index
      %get3A_239 = arith.constant 16 : index
      %get3A_240 = tpu.vector_load %arg10[%get3A_238, %get3A_239] {strides = array<i32>} : memref<640x32xf32, #tpu.memory_space<vmem>>, vector<16xf32>,
      %mul3A_241 = vector.broadcast %squeeze3A_229 : f32 to vector<16xf32>
      %mul3A_242 = arith.mulf %get3A_240, %mul3A_241 : vector<16xf32>
      %swap3A_243 = arith.index_cast %add3A_227 : i32 to index
      %swap3A_244 = arith.constant 16 : index
      %swap3A_245 = tpu.vector_load %arg10[%swap3A_243, %swap3A_244] {strides = array<i32>} : memref<640x32xf32, #tpu.memory_space<vmem>>, vector<16xf32>,
      tpu.vector_store %arg10[%swap3A_243, %swap3A_244], %mul3A_242 {strides = array<i32>} : memref<640x32xf32, #tpu.memory_space<vmem>>, vector<16xf32>,
      %mul3A_246 = arith.constant 16 : i32
      %mul3A_247 = arith.muli %scan3A_25, %mul3A_246 : i32
      %add3A_248 = arith.constant 10 : i32
      %add3A_249 = arith.addi %mul3A_247, %add3A_248 : i32
      %slice3A_250 = vector.extract_strided_slice %get3A_28 {offsets = [10], sizes = [1], strides = [1]} : vector<16xf32> to vector<1xf32>
      %squeeze3A_251 = vector.extract %slice3A_250[0] : f32 from vector<1xf32>
      %get3A_252 = arith.index_cast %add3A_249 : i32 to index
      %get3A_253 = arith.constant 0 : index
      %get3A_254 = tpu.vector_load %arg10[%get3A_252, %get3A_253] {strides = array<i32>} : memref<640x32xf32, #tpu.memory_space<vmem>>, vector<16xf32>,
      %mul3A_255 = vector.broadcast %squeeze3A_251 : f32 to vector<16xf32>
      %mul3A_256 = arith.mulf %get3A_254, %mul3A_255 : vector<16xf32>
      %swap3A_257 = arith.index_cast %add3A_249 : i32 to index
      %swap3A_258 = arith.constant 0 : index
      %swap3A_259 = tpu.vector_load %arg10[%swap3A_257, %swap3A_258] {strides = array<i32>} : memref<640x32xf32, #tpu.memory_space<vmem>>, vector<16xf32>,
      tpu.vector_store %arg10[%swap3A_257, %swap3A_258], %mul3A_256 {strides = array<i32>} : memref<640x32xf32, #tpu.memory_space<vmem>>, vector<16xf32>,
      %get3A_260 = arith.index_cast %add3A_249 : i32 to index
      %get3A_261 = arith.constant 16 : index
      %get3A_262 = tpu.vector_load %arg10[%get3A_260, %get3A_261] {strides = array<i32>} : memref<640x32xf32, #tpu.memory_space<vmem>>, vector<16xf32>,
      %mul3A_263 = vector.broadcast %squeeze3A_251 : f32 to vector<16xf32>
      %mul3A_264 = arith.mulf %get3A_262, %mul3A_263 : vector<16xf32>
      %swap3A_265 = arith.index_cast %add3A_249 : i32 to index
      %swap3A_266 = arith.constant 16 : index
      %swap3A_267 = tpu.vector_load %arg10[%swap3A_265, %swap3A_266] {strides = array<i32>} : memref<640x32xf32, #tpu.memory_space<vmem>>, vector<16xf32>,
      tpu.vector_store %arg10[%swap3A_265, %swap3A_266], %mul3A_264 {strides = array<i32>} : memref<640x32xf32, #tpu.memory_space<vmem>>, vector<16xf32>,
      %mul3A_268 = arith.constant 16 : i32
      %mul3A_269 = arith.muli %scan3A_25, %mul3A_268 : i32
      %add3A_270 = arith.constant 11 : i32
      %add3A_271 = arith.addi %mul3A_269, %add3A_270 : i32
      %slice3A_272 = vector.extract_strided_slice %get3A_28 {offsets = [11], sizes = [1], strides = [1]} : vector<16xf32> to vector<1xf32>
      %squeeze3A_273 = vector.extract %slice3A_272[0] : f32 from vector<1xf32>
      %get3A_274 = arith.index_cast %add3A_271 : i32 to index
      %get3A_275 = arith.constant 0 : index
      %get3A_276 = tpu.vector_load %arg10[%get3A_274, %get3A_275] {strides = array<i32>} : memref<640x32xf32, #tpu.memory_space<vmem>>, vector<16xf32>,
      %mul3A_277 = vector.broadcast %squeeze3A_273 : f32 to vector<16xf32>
      %mul3A_278 = arith.mulf %get3A_276, %mul3A_277 : vector<16xf32>
      %swap3A_279 = arith.index_cast %add3A_271 : i32 to index
      %swap3A_280 = arith.constant 0 : index
      %swap3A_281 = tpu.vector_load %arg10[%swap3A_279, %swap3A_280] {strides = array<i32>} : memref<640x32xf32, #tpu.memory_space<vmem>>, vector<16xf32>,
      tpu.vector_store %arg10[%swap3A_279, %swap3A_280], %mul3A_278 {strides = array<i32>} : memref<640x32xf32, #tpu.memory_space<vmem>>, vector<16xf32>,
      %get3A_282 = arith.index_cast %add3A_271 : i32 to index
      %get3A_283 = arith.constant 16 : index
      %get3A_284 = tpu.vector_load %arg10[%get3A_282, %get3A_283] {strides = array<i32>} : memref<640x32xf32, #tpu.memory_space<vmem>>, vector<16xf32>,
      %mul3A_285 = vector.broadcast %squeeze3A_273 : f32 to vector<16xf32>
      %mul3A_286 = arith.mulf %get3A_284, %mul3A_285 : vector<16xf32>
      %swap3A_287 = arith.index_cast %add3A_271 : i32 to index
      %swap3A_288 = arith.constant 16 : index
      %swap3A_289 = tpu.vector_load %arg10[%swap3A_287, %swap3A_288] {strides = array<i32>} : memref<640x32xf32, #tpu.memory_space<vmem>>, vector<16xf32>,
      tpu.vector_store %arg10[%swap3A_287, %swap3A_288], %mul3A_286 {strides = array<i32>} : memref<640x32xf32, #tpu.memory_space<vmem>>, vector<16xf32>,
      %mul3A_290 = arith.constant 16 : i32
      %mul3A_291 = arith.muli %scan3A_25, %mul3A_290 : i32
      %add3A_292 = arith.constant 12 : i32
      %add3A_293 = arith.addi %mul3A_291, %add3A_292 : i32
      %slice3A_294 = vector.extract_strided_slice %get3A_28 {offsets = [12], sizes = [1], strides = [1]} : vector<16xf32> to vector<1xf32>
      %squeeze3A_295 = vector.extract %slice3A_294[0] : f32 from vector<1xf32>
      %get3A_296 = arith.index_cast %add3A_293 : i32 to index
      %get3A_297 = arith.constant 0 : index
      %get3A_298 = tpu.vector_load %arg10[%get3A_296, %get3A_297] {strides = array<i32>} : memref<640x32xf32, #tpu.memory_space<vmem>>, vector<16xf32>,
      %mul3A_299 = vector.broadcast %squeeze3A_295 : f32 to vector<16xf32>
      %mul3A_300 = arith.mulf %get3A_298, %mul3A_299 : vector<16xf32>
      %swap3A_301 = arith.index_cast %add3A_293 : i32 to index
      %swap3A_302 = arith.constant 0 : index
      %swap3A_303 = tpu.vector_load %arg10[%swap3A_301, %swap3A_302] {strides = array<i32>} : memref<640x32xf32, #tpu.memory_space<vmem>>, vector<16xf32>,
      tpu.vector_store %arg10[%swap3A_301, %swap3A_302], %mul3A_300 {strides = array<i32>} : memref<640x32xf32, #tpu.memory_space<vmem>>, vector<16xf32>,
      %get3A_304 = arith.index_cast %add3A_293 : i32 to index
      %get3A_305 = arith.constant 16 : index
      %get3A_306 = tpu.vector_load %arg10[%get3A_304, %get3A_305] {strides = array<i32>} : memref<640x32xf32, #tpu.memory_space<vmem>>, vector<16xf32>,
      %mul3A_307 = vector.broadcast %squeeze3A_295 : f32 to vector<16xf32>
      %mul3A_308 = arith.mulf %get3A_306, %mul3A_307 : vector<16xf32>
      %swap3A_309 = arith.index_cast %add3A_293 : i32 to index
      %swap3A_310 = arith.constant 16 : index
      %swap3A_311 = tpu.vector_load %arg10[%swap3A_309, %swap3A_310] {strides = array<i32>} : memref<640x32xf32, #tpu.memory_space<vmem>>, vector<16xf32>,
      tpu.vector_store %arg10[%swap3A_309, %swap3A_310], %mul3A_308 {strides = array<i32>} : memref<640x32xf32, #tpu.memory_space<vmem>>, vector<16xf32>,
      %mul3A_312 = arith.constant 16 : i32
      %mul3A_313 = arith.muli %scan3A_25, %mul3A_312 : i32
      %add3A_314 = arith.constant 13 : i32
      %add3A_315 = arith.addi %mul3A_313, %add3A_314 : i32
      %slice3A_316 = vector.extract_strided_slice %get3A_28 {offsets = [13], sizes = [1], strides = [1]} : vector<16xf32> to vector<1xf32>
      %squeeze3A_317 = vector.extract %slice3A_316[0] : f32 from vector<1xf32>
      %get3A_318 = arith.index_cast %add3A_315 : i32 to index
      %get3A_319 = arith.constant 0 : index
      %get3A_320 = tpu.vector_load %arg10[%get3A_318, %get3A_319] {strides = array<i32>} : memref<640x32xf32, #tpu.memory_space<vmem>>, vector<16xf32>,
      %mul3A_321 = vector.broadcast %squeeze3A_317 : f32 to vector<16xf32>
      %mul3A_322 = arith.mulf %get3A_320, %mul3A_321 : vector<16xf32>
      %swap3A_323 = arith.index_cast %add3A_315 : i32 to index
      %swap3A_324 = arith.constant 0 : index
      %swap3A_325 = tpu.vector_load %arg10[%swap3A_323, %swap3A_324] {strides = array<i32>} : memref<640x32xf32, #tpu.memory_space<vmem>>, vector<16xf32>,
      tpu.vector_store %arg10[%swap3A_323, %swap3A_324], %mul3A_322 {strides = array<i32>} : memref<640x32xf32, #tpu.memory_space<vmem>>, vector<16xf32>,
      %get3A_326 = arith.index_cast %add3A_315 : i32 to index
      %get3A_327 = arith.constant 16 : index
      %get3A_328 = tpu.vector_load %arg10[%get3A_326, %get3A_327] {strides = array<i32>} : memref<640x32xf32, #tpu.memory_space<vmem>>, vector<16xf32>,
      %mul3A_329 = vector.broadcast %squeeze3A_317 : f32 to vector<16xf32>
      %mul3A_330 = arith.mulf %get3A_328, %mul3A_329 : vector<16xf32>
      %swap3A_331 = arith.index_cast %add3A_315 : i32 to index
      %swap3A_332 = arith.constant 16 : index
      %swap3A_333 = tpu.vector_load %arg10[%swap3A_331, %swap3A_332] {strides = array<i32>} : memref<640x32xf32, #tpu.memory_space<vmem>>, vector<16xf32>,
      tpu.vector_store %arg10[%swap3A_331, %swap3A_332], %mul3A_330 {strides = array<i32>} : memref<640x32xf32, #tpu.memory_space<vmem>>, vector<16xf32>,
      %mul3A_334 = arith.constant 16 : i32
      %mul3A_335 = arith.muli %scan3A_25, %mul3A_334 : i32
      %add3A_336 = arith.constant 14 : i32
      %add3A_337 = arith.addi %mul3A_335, %add3A_336 : i32
      %slice3A_338 = vector.extract_strided_slice %get3A_28 {offsets = [14], sizes = [1], strides = [1]} : vector<16xf32> to vector<1xf32>
      %squeeze3A_339 = vector.extract %slice3A_338[0] : f32 from vector<1xf32>
      %get3A_340 = arith.index_cast %add3A_337 : i32 to index
      %get3A_341 = arith.constant 0 : index
      %get3A_342 = tpu.vector_load %arg10[%get3A_340, %get3A_341] {strides = array<i32>} : memref<640x32xf32, #tpu.memory_space<vmem>>, vector<16xf32>,
      %mul3A_343 = vector.broadcast %squeeze3A_339 : f32 to vector<16xf32>
      %mul3A_344 = arith.mulf %get3A_342, %mul3A_343 : vector<16xf32>
      %swap3A_345 = arith.index_cast %add3A_337 : i32 to index
      %swap3A_346 = arith.constant 0 : index
      %swap3A_347 = tpu.vector_load %arg10[%swap3A_345, %swap3A_346] {strides = array<i32>} : memref<640x32xf32, #tpu.memory_space<vmem>>, vector<16xf32>,
      tpu.vector_store %arg10[%swap3A_345, %swap3A_346], %mul3A_344 {strides = array<i32>} : memref<640x32xf32, #tpu.memory_space<vmem>>, vector<16xf32>,
      %get3A_348 = arith.index_cast %add3A_337 : i32 to index
      %get3A_349 = arith.constant 16 : index
      %get3A_350 = tpu.vector_load %arg10[%get3A_348, %get3A_349] {strides = array<i32>} : memref<640x32xf32, #tpu.memory_space<vmem>>, vector<16xf32>,
      %mul3A_351 = vector.broadcast %squeeze3A_339 : f32 to vector<16xf32>
      %mul3A_352 = arith.mulf %get3A_350, %mul3A_351 : vector<16xf32>
      %swap3A_353 = arith.index_cast %add3A_337 : i32 to index
      %swap3A_354 = arith.constant 16 : index
      %swap3A_355 = tpu.vector_load %arg10[%swap3A_353, %swap3A_354] {strides = array<i32>} : memref<640x32xf32, #tpu.memory_space<vmem>>, vector<16xf32>,
      tpu.vector_store %arg10[%swap3A_353, %swap3A_354], %mul3A_352 {strides = array<i32>} : memref<640x32xf32, #tpu.memory_space<vmem>>, vector<16xf32>,
      %mul3A_356 = arith.constant 16 : i32
      %mul3A_357 = arith.muli %scan3A_25, %mul3A_356 : i32
      %add3A_358 = arith.constant 15 : i32
      %add3A_359 = arith.addi %mul3A_357, %add3A_358 : i32
      %slice3A_360 = vector.extract_strided_slice %get3A_28 {offsets = [15], sizes = [1], strides = [1]} : vector<16xf32> to vector<1xf32>
      %squeeze3A_361 = vector.extract %slice3A_360[0] : f32 from vector<1xf32>
      %get3A_362 = arith.index_cast %add3A_359 : i32 to index
      %get3A_363 = arith.constant 0 : index
      %get3A_364 = tpu.vector_load %arg10[%get3A_362, %get3A_363] {strides = array<i32>} : memref<640x32xf32, #tpu.memory_space<vmem>>, vector<16xf32>,
      %mul3A_365 = vector.broadcast %squeeze3A_361 : f32 to vector<16xf32>
      %mul3A_366 = arith.mulf %get3A_364, %mul3A_365 : vector<16xf32>
      %swap3A_367 = arith.index_cast %add3A_359 : i32 to index
      %swap3A_368 = arith.constant 0 : index
      %swap3A_369 = tpu.vector_load %arg10[%swap3A_367, %swap3A_368] {strides = array<i32>} : memref<640x32xf32, #tpu.memory_space<vmem>>, vector<16xf32>,
      tpu.vector_store %arg10[%swap3A_367, %swap3A_368], %mul3A_366 {strides = array<i32>} : memref<640x32xf32, #tpu.memory_space<vmem>>, vector<16xf32>,
      %get3A_370 = arith.index_cast %add3A_359 : i32 to index
      %get3A_371 = arith.constant 16 : index
      %get3A_372 = tpu.vector_load %arg10[%get3A_370, %get3A_371] {strides = array<i32>} : memref<640x32xf32, #tpu.memory_space<vmem>>, vector<16xf32>,
      %mul3A_373 = vector.broadcast %squeeze3A_361 : f32 to vector<16xf32>
      %mul3A_374 = arith.mulf %get3A_372, %mul3A_373 : vector<16xf32>
      %swap3A_375 = arith.index_cast %add3A_359 : i32 to index
      %swap3A_376 = arith.constant 16 : index
      %swap3A_377 = tpu.vector_load %arg10[%swap3A_375, %swap3A_376] {strides = array<i32>} : memref<640x32xf32, #tpu.memory_space<vmem>>, vector<16xf32>,
      tpu.vector_store %arg10[%swap3A_375, %swap3A_376], %mul3A_374 {strides = array<i32>} : memref<640x32xf32, #tpu.memory_space<vmem>>, vector<16xf32>,
    }
    %scan3A_17 = arith.constant 40 : i32
    "tpu.region"() ({
      %run_scoped3A_25 = tpu.sem_alloc : memref<!tpu.dma_semaphore, #tpu.memory_space<semaphore_mem>>
      %dma_start3A = arith.constant 0 : i32
      %dma_start3A_26 = tpu.memref_slice %arg23[%mul3A_2, %dma_start3A] : memref<10240x32xf32, #tpu.memory_space<vmem_shared>> -> memref<640x32xf32, #tpu.memory_space<vmem_shared>>
      %dma_start3A_27 = arith.constant 0 : i32
      %dma_start3A_28 = tpu.memref_slice %arg23[%mul3A_2, %dma_start3A_27] : memref<10240x32xf32, #tpu.memory_space<vmem_shared>> -> memref<640x32xf32, #tpu.memory_space<vmem_shared>>
      tpu.enqueue_dma source(%arg10 : memref<640x32xf32, #tpu.memory_space<vmem>>) target(%dma_start3A_28 : memref<640x32xf32, #tpu.memory_space<vmem_shared>>) target_semaphore(%run_scoped3A_25 : memref<!tpu.dma_semaphore, #tpu.memory_space<semaphore_mem>>)
      %dma_wait3A = arith.constant 0 : i32
      %dma_wait3A_29 = tpu.memref_slice %arg23[%mul3A_2, %dma_wait3A] : memref<10240x32xf32, #tpu.memory_space<vmem_shared>> -> memref<640x32xf32, #tpu.memory_space<vmem_shared>>
      %dma_wait3A_30 = arith.constant 0 : i32
      %dma_wait3A_31 = tpu.memref_slice %arg23[%mul3A_2, %dma_wait3A_30] : memref<10240x32xf32, #tpu.memory_space<vmem_shared>> -> memref<640x32xf32, #tpu.memory_space<vmem_shared>>
      tpu.wait_dma2 semaphore(%run_scoped3A_25 : memref<!tpu.dma_semaphore, #tpu.memory_space<semaphore_mem>>) src(%arg10 : memref<640x32xf32, #tpu.memory_space<vmem>>) dst(%dma_wait3A_31 : memref<640x32xf32, #tpu.memory_space<vmem_shared>>)
      tpu.yield
    }) : () -> ()
    %barrier3A = arith.constant 0 : index
    tpu.barrier barrier_id(%barrier3A)
    %scan3A_18 = arith.constant 0 : i32
    %scan3A_19 = arith.constant 0 : i32
    %scan3A_20 = arith.constant 5 : i32
    %scan3A_21 = arith.addi %scan3A_19, %scan3A_20 : i32
    %scan3A_22 = arith.constant 1 : i32
    scf.for %scan3A_25 = %scan3A_19 to %scan3A_21 step %scan3A_22  : i32 {
      %mul3A_26 = arith.constant 8 : i32
      %mul3A_27 = arith.muli %scan3A_25, %mul3A_26 : i32
      %add3A_28 = arith.constant 0 : i32
      %add3A_29 = arith.addi %mul3A_27, %add3A_28 : i32
      %dma_start3A = arith.constant 0 : i32
      %dma_start3A_30 = tpu.memref_slice %arg8[%add3A_29, %dma_start3A] : memref<40x128xi32, #tpu.memory_space<vmem>> -> memref<1x128xi32, #tpu.memory_space<vmem>>
      %dma_start3A_31 = tpu.memref_squeeze %dma_start3A_30 : memref<1x128xi32, #tpu.memory_space<vmem>> -> memref<128xi32, #tpu.memory_space<vmem>>
      %dma_start3A_32 = arith.constant 0 : i32
      %dma_start3A_33 = arith.constant 0 : i32
      %dma_start3A_34 = tpu.memref_slice %arg23[%dma_start3A_32, %dma_start3A_33] : memref<10240x32xf32, #tpu.memory_space<vmem_shared>> -> memref<10240x32xf32, #tpu.memory_space<vmem_shared>>
      tpu.enqueue_indirect_dma source(%dma_start3A_34 : memref<10240x32xf32, #tpu.memory_space<vmem_shared>>) target(%arg14 : memref<128x32xf32, #tpu.memory_space<vmem>>) offsets(%dma_start3A_31 : memref<128xi32, #tpu.memory_space<vmem>>) semaphore(%arg24 : memref<!tpu.dma_semaphore, #tpu.memory_space<semaphore_mem>>)
      %mul3A_35 = arith.constant 8 : i32
      %mul3A_36 = arith.muli %scan3A_25, %mul3A_35 : i32
      %add3A_37 = arith.constant 1 : i32
      %add3A_38 = arith.addi %mul3A_36, %add3A_37 : i32
      %dma_start3A_39 = arith.constant 0 : i32
      %dma_start3A_40 = tpu.memref_slice %arg8[%add3A_38, %dma_start3A_39] : memref<40x128xi32, #tpu.memory_space<vmem>> -> memref<1x128xi32, #tpu.memory_space<vmem>>
      %dma_start3A_41 = tpu.memref_squeeze %dma_start3A_40 : memref<1x128xi32, #tpu.memory_space<vmem>> -> memref<128xi32, #tpu.memory_space<vmem>>
      %dma_start3A_42 = arith.constant 0 : i32
      %dma_start3A_43 = arith.constant 0 : i32
      %dma_start3A_44 = tpu.memref_slice %arg23[%dma_start3A_42, %dma_start3A_43] : memref<10240x32xf32, #tpu.memory_space<vmem_shared>> -> memref<10240x32xf32, #tpu.memory_space<vmem_shared>>
      tpu.enqueue_indirect_dma source(%dma_start3A_44 : memref<10240x32xf32, #tpu.memory_space<vmem_shared>>) target(%arg15 : memref<128x32xf32, #tpu.memory_space<vmem>>) offsets(%dma_start3A_41 : memref<128xi32, #tpu.memory_space<vmem>>) semaphore(%arg25 : memref<!tpu.dma_semaphore, #tpu.memory_space<semaphore_mem>>)
      %mul3A_45 = arith.constant 8 : i32
      %mul3A_46 = arith.muli %scan3A_25, %mul3A_45 : i32
      %add3A_47 = arith.constant 2 : i32
      %add3A_48 = arith.addi %mul3A_46, %add3A_47 : i32
      %dma_start3A_49 = arith.constant 0 : i32
      %dma_start3A_50 = tpu.memref_slice %arg8[%add3A_48, %dma_start3A_49] : memref<40x128xi32, #tpu.memory_space<vmem>> -> memref<1x128xi32, #tpu.memory_space<vmem>>
      %dma_start3A_51 = tpu.memref_squeeze %dma_start3A_50 : memref<1x128xi32, #tpu.memory_space<vmem>> -> memref<128xi32, #tpu.memory_space<vmem>>
      %dma_start3A_52 = arith.constant 0 : i32
      %dma_start3A_53 = arith.constant 0 : i32
      %dma_start3A_54 = tpu.memref_slice %arg23[%dma_start3A_52, %dma_start3A_53] : memref<10240x32xf32, #tpu.memory_space<vmem_shared>> -> memref<10240x32xf32, #tpu.memory_space<vmem_shared>>
      tpu.enqueue_indirect_dma source(%dma_start3A_54 : memref<10240x32xf32, #tpu.memory_space<vmem_shared>>) target(%arg16 : memref<128x32xf32, #tpu.memory_space<vmem>>) offsets(%dma_start3A_51 : memref<128xi32, #tpu.memory_space<vmem>>) semaphore(%arg26 : memref<!tpu.dma_semaphore, #tpu.memory_space<semaphore_mem>>)
      %mul3A_55 = arith.constant 8 : i32
      %mul3A_56 = arith.muli %scan3A_25, %mul3A_55 : i32
      %add3A_57 = arith.constant 3 : i32
      %add3A_58 = arith.addi %mul3A_56, %add3A_57 : i32
      %dma_start3A_59 = arith.constant 0 : i32
      %dma_start3A_60 = tpu.memref_slice %arg8[%add3A_58, %dma_start3A_59] : memref<40x128xi32, #tpu.memory_space<vmem>> -> memref<1x128xi32, #tpu.memory_space<vmem>>
      %dma_start3A_61 = tpu.memref_squeeze %dma_start3A_60 : memref<1x128xi32, #tpu.memory_space<vmem>> -> memref<128xi32, #tpu.memory_space<vmem>>
      %dma_start3A_62 = arith.constant 0 : i32
      %dma_start3A_63 = arith.constant 0 : i32
      %dma_start3A_64 = tpu.memref_slice %arg23[%dma_start3A_62, %dma_start3A_63] : memref<10240x32xf32, #tpu.memory_space<vmem_shared>> -> memref<10240x32xf32, #tpu.memory_space<vmem_shared>>
      tpu.enqueue_indirect_dma source(%dma_start3A_64 : memref<10240x32xf32, #tpu.memory_space<vmem_shared>>) target(%arg17 : memref<128x32xf32, #tpu.memory_space<vmem>>) offsets(%dma_start3A_61 : memref<128xi32, #tpu.memory_space<vmem>>) semaphore(%arg27 : memref<!tpu.dma_semaphore, #tpu.memory_space<semaphore_mem>>)
      %mul3A_65 = arith.constant 8 : i32
      %mul3A_66 = arith.muli %scan3A_25, %mul3A_65 : i32
      %add3A_67 = arith.constant 4 : i32
      %add3A_68 = arith.addi %mul3A_66, %add3A_67 : i32
      %dma_start3A_69 = arith.constant 0 : i32
      %dma_start3A_70 = tpu.memref_slice %arg8[%add3A_68, %dma_start3A_69] : memref<40x128xi32, #tpu.memory_space<vmem>> -> memref<1x128xi32, #tpu.memory_space<vmem>>
      %dma_start3A_71 = tpu.memref_squeeze %dma_start3A_70 : memref<1x128xi32, #tpu.memory_space<vmem>> -> memref<128xi32, #tpu.memory_space<vmem>>
      %dma_start3A_72 = arith.constant 0 : i32
      %dma_start3A_73 = arith.constant 0 : i32
      %dma_start3A_74 = tpu.memref_slice %arg23[%dma_start3A_72, %dma_start3A_73] : memref<10240x32xf32, #tpu.memory_space<vmem_shared>> -> memref<10240x32xf32, #tpu.memory_space<vmem_shared>>
      tpu.enqueue_indirect_dma source(%dma_start3A_74 : memref<10240x32xf32, #tpu.memory_space<vmem_shared>>) target(%arg18 : memref<128x32xf32, #tpu.memory_space<vmem>>) offsets(%dma_start3A_71 : memref<128xi32, #tpu.memory_space<vmem>>) semaphore(%arg28 : memref<!tpu.dma_semaphore, #tpu.memory_space<semaphore_mem>>)
      %mul3A_75 = arith.constant 8 : i32
      %mul3A_76 = arith.muli %scan3A_25, %mul3A_75 : i32
      %add3A_77 = arith.constant 5 : i32
      %add3A_78 = arith.addi %mul3A_76, %add3A_77 : i32
      %dma_start3A_79 = arith.constant 0 : i32
      %dma_start3A_80 = tpu.memref_slice %arg8[%add3A_78, %dma_start3A_79] : memref<40x128xi32, #tpu.memory_space<vmem>> -> memref<1x128xi32, #tpu.memory_space<vmem>>
      %dma_start3A_81 = tpu.memref_squeeze %dma_start3A_80 : memref<1x128xi32, #tpu.memory_space<vmem>> -> memref<128xi32, #tpu.memory_space<vmem>>
      %dma_start3A_82 = arith.constant 0 : i32
      %dma_start3A_83 = arith.constant 0 : i32
      %dma_start3A_84 = tpu.memref_slice %arg23[%dma_start3A_82, %dma_start3A_83] : memref<10240x32xf32, #tpu.memory_space<vmem_shared>> -> memref<10240x32xf32, #tpu.memory_space<vmem_shared>>
      tpu.enqueue_indirect_dma source(%dma_start3A_84 : memref<10240x32xf32, #tpu.memory_space<vmem_shared>>) target(%arg19 : memref<128x32xf32, #tpu.memory_space<vmem>>) offsets(%dma_start3A_81 : memref<128xi32, #tpu.memory_space<vmem>>) semaphore(%arg29 : memref<!tpu.dma_semaphore, #tpu.memory_space<semaphore_mem>>)
      %mul3A_85 = arith.constant 8 : i32
      %mul3A_86 = arith.muli %scan3A_25, %mul3A_85 : i32
      %add3A_87 = arith.constant 6 : i32
      %add3A_88 = arith.addi %mul3A_86, %add3A_87 : i32
      %dma_start3A_89 = arith.constant 0 : i32
      %dma_start3A_90 = tpu.memref_slice %arg8[%add3A_88, %dma_start3A_89] : memref<40x128xi32, #tpu.memory_space<vmem>> -> memref<1x128xi32, #tpu.memory_space<vmem>>
      %dma_start3A_91 = tpu.memref_squeeze %dma_start3A_90 : memref<1x128xi32, #tpu.memory_space<vmem>> -> memref<128xi32, #tpu.memory_space<vmem>>
      %dma_start3A_92 = arith.constant 0 : i32
      %dma_start3A_93 = arith.constant 0 : i32
      %dma_start3A_94 = tpu.memref_slice %arg23[%dma_start3A_92, %dma_start3A_93] : memref<10240x32xf32, #tpu.memory_space<vmem_shared>> -> memref<10240x32xf32, #tpu.memory_space<vmem_shared>>
      tpu.enqueue_indirect_dma source(%dma_start3A_94 : memref<10240x32xf32, #tpu.memory_space<vmem_shared>>) target(%arg20 : memref<128x32xf32, #tpu.memory_space<vmem>>) offsets(%dma_start3A_91 : memref<128xi32, #tpu.memory_space<vmem>>) semaphore(%arg30 : memref<!tpu.dma_semaphore, #tpu.memory_space<semaphore_mem>>)
      %mul3A_95 = arith.constant 8 : i32
      %mul3A_96 = arith.muli %scan3A_25, %mul3A_95 : i32
      %add3A_97 = arith.constant 7 : i32
      %add3A_98 = arith.addi %mul3A_96, %add3A_97 : i32
      %dma_start3A_99 = arith.constant 0 : i32
      %dma_start3A_100 = tpu.memref_slice %arg8[%add3A_98, %dma_start3A_99] : memref<40x128xi32, #tpu.memory_space<vmem>> -> memref<1x128xi32, #tpu.memory_space<vmem>>
      %dma_start3A_101 = tpu.memref_squeeze %dma_start3A_100 : memref<1x128xi32, #tpu.memory_space<vmem>> -> memref<128xi32, #tpu.memory_space<vmem>>
      %dma_start3A_102 = arith.constant 0 : i32
      %dma_start3A_103 = arith.constant 0 : i32
      %dma_start3A_104 = tpu.memref_slice %arg23[%dma_start3A_102, %dma_start3A_103] : memref<10240x32xf32, #tpu.memory_space<vmem_shared>> -> memref<10240x32xf32, #tpu.memory_space<vmem_shared>>
      tpu.enqueue_indirect_dma source(%dma_start3A_104 : memref<10240x32xf32, #tpu.memory_space<vmem_shared>>) target(%arg21 : memref<128x32xf32, #tpu.memory_space<vmem>>) offsets(%dma_start3A_101 : memref<128xi32, #tpu.memory_space<vmem>>) semaphore(%arg31 : memref<!tpu.dma_semaphore, #tpu.memory_space<semaphore_mem>>)
      %dma_wait3A = arith.constant 0 : i32
      %dma_wait3A_105 = tpu.memref_slice %arg8[%add3A_29, %dma_wait3A] : memref<40x128xi32, #tpu.memory_space<vmem>> -> memref<1x128xi32, #tpu.memory_space<vmem>>
      %dma_wait3A_106 = tpu.memref_squeeze %dma_wait3A_105 : memref<1x128xi32, #tpu.memory_space<vmem>> -> memref<128xi32, #tpu.memory_space<vmem>>
      %dma_wait3A_107 = arith.constant 0 : i32
      %dma_wait3A_108 = arith.constant 0 : i32
      %dma_wait3A_109 = tpu.memref_slice %arg23[%dma_wait3A_107, %dma_wait3A_108] : memref<10240x32xf32, #tpu.memory_space<vmem_shared>> -> memref<10240x32xf32, #tpu.memory_space<vmem_shared>>
      tpu.wait_indirect_dma semaphore(%arg24 : memref<!tpu.dma_semaphore, #tpu.memory_space<semaphore_mem>>) src(%dma_wait3A_109 : memref<10240x32xf32, #tpu.memory_space<vmem_shared>>) dst(%arg14 : memref<128x32xf32, #tpu.memory_space<vmem>>)
      %mul3A_110 = arith.constant 8 : i32
      %mul3A_111 = arith.muli %scan3A_25, %mul3A_110 : i32
      %add3A_112 = arith.constant 0 : i32
      %add3A_113 = arith.addi %mul3A_111, %add3A_112 : i32
      %dma_start3A_114 = arith.constant 0 : i32
      %dma_start3A_115 = tpu.memref_slice %arg9[%add3A_113, %dma_start3A_114] : memref<40x128xi32, #tpu.memory_space<vmem>> -> memref<1x128xi32, #tpu.memory_space<vmem>>
      %dma_start3A_116 = tpu.memref_squeeze %dma_start3A_115 : memref<1x128xi32, #tpu.memory_space<vmem>> -> memref<128xi32, #tpu.memory_space<vmem>>
      %dma_start3A_117 = arith.constant 0 : i32
      %dma_start3A_118 = arith.constant 0 : i32
      %dma_start3A_119 = tpu.memref_slice %arg22[%dma_start3A_117, %dma_start3A_118] : memref<10240x32xf32, #tpu.memory_space<vmem_shared>> -> memref<10240x32xf32, #tpu.memory_space<vmem_shared>>
      tpu.enqueue_indirect_dma source(%arg14 : memref<128x32xf32, #tpu.memory_space<vmem>>) target(%dma_start3A_119 : memref<10240x32xf32, #tpu.memory_space<vmem_shared>>) offsets(%dma_start3A_116 : memref<128xi32, #tpu.memory_space<vmem>>) semaphore(%arg32 : memref<!tpu.dma_semaphore, #tpu.memory_space<semaphore_mem>>) {add = true}
      %dma_wait3A_120 = arith.constant 0 : i32
      %dma_wait3A_121 = tpu.memref_slice %arg8[%add3A_38, %dma_wait3A_120] : memref<40x128xi32, #tpu.memory_space<vmem>> -> memref<1x128xi32, #tpu.memory_space<vmem>>
      %dma_wait3A_122 = tpu.memref_squeeze %dma_wait3A_121 : memref<1x128xi32, #tpu.memory_space<vmem>> -> memref<128xi32, #tpu.memory_space<vmem>>
      %dma_wait3A_123 = arith.constant 0 : i32
      %dma_wait3A_124 = arith.constant 0 : i32
      %dma_wait3A_125 = tpu.memref_slice %arg23[%dma_wait3A_123, %dma_wait3A_124] : memref<10240x32xf32, #tpu.memory_space<vmem_shared>> -> memref<10240x32xf32, #tpu.memory_space<vmem_shared>>
      tpu.wait_indirect_dma semaphore(%arg25 : memref<!tpu.dma_semaphore, #tpu.memory_space<semaphore_mem>>) src(%dma_wait3A_125 : memref<10240x32xf32, #tpu.memory_space<vmem_shared>>) dst(%arg15 : memref<128x32xf32, #tpu.memory_space<vmem>>)
      %mul3A_126 = arith.constant 8 : i32
      %mul3A_127 = arith.muli %scan3A_25, %mul3A_126 : i32
      %add3A_128 = arith.constant 1 : i32
      %add3A_129 = arith.addi %mul3A_127, %add3A_128 : i32
      %dma_start3A_130 = arith.constant 0 : i32
      %dma_start3A_131 = tpu.memref_slice %arg9[%add3A_129, %dma_start3A_130] : memref<40x128xi32, #tpu.memory_space<vmem>> -> memref<1x128xi32, #tpu.memory_space<vmem>>
      %dma_start3A_132 = tpu.memref_squeeze %dma_start3A_131 : memref<1x128xi32, #tpu.memory_space<vmem>> -> memref<128xi32, #tpu.memory_space<vmem>>
      %dma_start3A_133 = arith.constant 0 : i32
      %dma_start3A_134 = arith.constant 0 : i32
      %dma_start3A_135 = tpu.memref_slice %arg22[%dma_start3A_133, %dma_start3A_134] : memref<10240x32xf32, #tpu.memory_space<vmem_shared>> -> memref<10240x32xf32, #tpu.memory_space<vmem_shared>>
      tpu.enqueue_indirect_dma source(%arg15 : memref<128x32xf32, #tpu.memory_space<vmem>>) target(%dma_start3A_135 : memref<10240x32xf32, #tpu.memory_space<vmem_shared>>) offsets(%dma_start3A_132 : memref<128xi32, #tpu.memory_space<vmem>>) semaphore(%arg33 : memref<!tpu.dma_semaphore, #tpu.memory_space<semaphore_mem>>) {add = true}
      %dma_wait3A_136 = arith.constant 0 : i32
      %dma_wait3A_137 = tpu.memref_slice %arg8[%add3A_48, %dma_wait3A_136] : memref<40x128xi32, #tpu.memory_space<vmem>> -> memref<1x128xi32, #tpu.memory_space<vmem>>
      %dma_wait3A_138 = tpu.memref_squeeze %dma_wait3A_137 : memref<1x128xi32, #tpu.memory_space<vmem>> -> memref<128xi32, #tpu.memory_space<vmem>>
      %dma_wait3A_139 = arith.constant 0 : i32
      %dma_wait3A_140 = arith.constant 0 : i32
      %dma_wait3A_141 = tpu.memref_slice %arg23[%dma_wait3A_139, %dma_wait3A_140] : memref<10240x32xf32, #tpu.memory_space<vmem_shared>> -> memref<10240x32xf32, #tpu.memory_space<vmem_shared>>
      tpu.wait_indirect_dma semaphore(%arg26 : memref<!tpu.dma_semaphore, #tpu.memory_space<semaphore_mem>>) src(%dma_wait3A_141 : memref<10240x32xf32, #tpu.memory_space<vmem_shared>>) dst(%arg16 : memref<128x32xf32, #tpu.memory_space<vmem>>)
      %mul3A_142 = arith.constant 8 : i32
      %mul3A_143 = arith.muli %scan3A_25, %mul3A_142 : i32
      %add3A_144 = arith.constant 2 : i32
      %add3A_145 = arith.addi %mul3A_143, %add3A_144 : i32
      %dma_start3A_146 = arith.constant 0 : i32
      %dma_start3A_147 = tpu.memref_slice %arg9[%add3A_145, %dma_start3A_146] : memref<40x128xi32, #tpu.memory_space<vmem>> -> memref<1x128xi32, #tpu.memory_space<vmem>>
      %dma_start3A_148 = tpu.memref_squeeze %dma_start3A_147 : memref<1x128xi32, #tpu.memory_space<vmem>> -> memref<128xi32, #tpu.memory_space<vmem>>
      %dma_start3A_149 = arith.constant 0 : i32
      %dma_start3A_150 = arith.constant 0 : i32
      %dma_start3A_151 = tpu.memref_slice %arg22[%dma_start3A_149, %dma_start3A_150] : memref<10240x32xf32, #tpu.memory_space<vmem_shared>> -> memref<10240x32xf32, #tpu.memory_space<vmem_shared>>
      tpu.enqueue_indirect_dma source(%arg16 : memref<128x32xf32, #tpu.memory_space<vmem>>) target(%dma_start3A_151 : memref<10240x32xf32, #tpu.memory_space<vmem_shared>>) offsets(%dma_start3A_148 : memref<128xi32, #tpu.memory_space<vmem>>) semaphore(%arg34 : memref<!tpu.dma_semaphore, #tpu.memory_space<semaphore_mem>>) {add = true}
      %dma_wait3A_152 = arith.constant 0 : i32
      %dma_wait3A_153 = tpu.memref_slice %arg8[%add3A_58, %dma_wait3A_152] : memref<40x128xi32, #tpu.memory_space<vmem>> -> memref<1x128xi32, #tpu.memory_space<vmem>>
      %dma_wait3A_154 = tpu.memref_squeeze %dma_wait3A_153 : memref<1x128xi32, #tpu.memory_space<vmem>> -> memref<128xi32, #tpu.memory_space<vmem>>
      %dma_wait3A_155 = arith.constant 0 : i32
      %dma_wait3A_156 = arith.constant 0 : i32
      %dma_wait3A_157 = tpu.memref_slice %arg23[%dma_wait3A_155, %dma_wait3A_156] : memref<10240x32xf32, #tpu.memory_space<vmem_shared>> -> memref<10240x32xf32, #tpu.memory_space<vmem_shared>>
      tpu.wait_indirect_dma semaphore(%arg27 : memref<!tpu.dma_semaphore, #tpu.memory_space<semaphore_mem>>) src(%dma_wait3A_157 : memref<10240x32xf32, #tpu.memory_space<vmem_shared>>) dst(%arg17 : memref<128x32xf32, #tpu.memory_space<vmem>>)
      %mul3A_158 = arith.constant 8 : i32
      %mul3A_159 = arith.muli %scan3A_25, %mul3A_158 : i32
      %add3A_160 = arith.constant 3 : i32
      %add3A_161 = arith.addi %mul3A_159, %add3A_160 : i32
      %dma_start3A_162 = arith.constant 0 : i32
      %dma_start3A_163 = tpu.memref_slice %arg9[%add3A_161, %dma_start3A_162] : memref<40x128xi32, #tpu.memory_space<vmem>> -> memref<1x128xi32, #tpu.memory_space<vmem>>
      %dma_start3A_164 = tpu.memref_squeeze %dma_start3A_163 : memref<1x128xi32, #tpu.memory_space<vmem>> -> memref<128xi32, #tpu.memory_space<vmem>>
      %dma_start3A_165 = arith.constant 0 : i32
      %dma_start3A_166 = arith.constant 0 : i32
      %dma_start3A_167 = tpu.memref_slice %arg22[%dma_start3A_165, %dma_start3A_166] : memref<10240x32xf32, #tpu.memory_space<vmem_shared>> -> memref<10240x32xf32, #tpu.memory_space<vmem_shared>>
      tpu.enqueue_indirect_dma source(%arg17 : memref<128x32xf32, #tpu.memory_space<vmem>>) target(%dma_start3A_167 : memref<10240x32xf32, #tpu.memory_space<vmem_shared>>) offsets(%dma_start3A_164 : memref<128xi32, #tpu.memory_space<vmem>>) semaphore(%arg35 : memref<!tpu.dma_semaphore, #tpu.memory_space<semaphore_mem>>) {add = true}
      %dma_wait3A_168 = arith.constant 0 : i32
      %dma_wait3A_169 = tpu.memref_slice %arg8[%add3A_68, %dma_wait3A_168] : memref<40x128xi32, #tpu.memory_space<vmem>> -> memref<1x128xi32, #tpu.memory_space<vmem>>
      %dma_wait3A_170 = tpu.memref_squeeze %dma_wait3A_169 : memref<1x128xi32, #tpu.memory_space<vmem>> -> memref<128xi32, #tpu.memory_space<vmem>>
      %dma_wait3A_171 = arith.constant 0 : i32
      %dma_wait3A_172 = arith.constant 0 : i32
      %dma_wait3A_173 = tpu.memref_slice %arg23[%dma_wait3A_171, %dma_wait3A_172] : memref<10240x32xf32, #tpu.memory_space<vmem_shared>> -> memref<10240x32xf32, #tpu.memory_space<vmem_shared>>
      tpu.wait_indirect_dma semaphore(%arg28 : memref<!tpu.dma_semaphore, #tpu.memory_space<semaphore_mem>>) src(%dma_wait3A_173 : memref<10240x32xf32, #tpu.memory_space<vmem_shared>>) dst(%arg18 : memref<128x32xf32, #tpu.memory_space<vmem>>)
      %mul3A_174 = arith.constant 8 : i32
      %mul3A_175 = arith.muli %scan3A_25, %mul3A_174 : i32
      %add3A_176 = arith.constant 4 : i32
      %add3A_177 = arith.addi %mul3A_175, %add3A_176 : i32
      %dma_start3A_178 = arith.constant 0 : i32
      %dma_start3A_179 = tpu.memref_slice %arg9[%add3A_177, %dma_start3A_178] : memref<40x128xi32, #tpu.memory_space<vmem>> -> memref<1x128xi32, #tpu.memory_space<vmem>>
      %dma_start3A_180 = tpu.memref_squeeze %dma_start3A_179 : memref<1x128xi32, #tpu.memory_space<vmem>> -> memref<128xi32, #tpu.memory_space<vmem>>
      %dma_start3A_181 = arith.constant 0 : i32
      %dma_start3A_182 = arith.constant 0 : i32
      %dma_start3A_183 = tpu.memref_slice %arg22[%dma_start3A_181, %dma_start3A_182] : memref<10240x32xf32, #tpu.memory_space<vmem_shared>> -> memref<10240x32xf32, #tpu.memory_space<vmem_shared>>
      tpu.enqueue_indirect_dma source(%arg18 : memref<128x32xf32, #tpu.memory_space<vmem>>) target(%dma_start3A_183 : memref<10240x32xf32, #tpu.memory_space<vmem_shared>>) offsets(%dma_start3A_180 : memref<128xi32, #tpu.memory_space<vmem>>) semaphore(%arg36 : memref<!tpu.dma_semaphore, #tpu.memory_space<semaphore_mem>>) {add = true}
      %dma_wait3A_184 = arith.constant 0 : i32
      %dma_wait3A_185 = tpu.memref_slice %arg8[%add3A_78, %dma_wait3A_184] : memref<40x128xi32, #tpu.memory_space<vmem>> -> memref<1x128xi32, #tpu.memory_space<vmem>>
      %dma_wait3A_186 = tpu.memref_squeeze %dma_wait3A_185 : memref<1x128xi32, #tpu.memory_space<vmem>> -> memref<128xi32, #tpu.memory_space<vmem>>
      %dma_wait3A_187 = arith.constant 0 : i32
      %dma_wait3A_188 = arith.constant 0 : i32
      %dma_wait3A_189 = tpu.memref_slice %arg23[%dma_wait3A_187, %dma_wait3A_188] : memref<10240x32xf32, #tpu.memory_space<vmem_shared>> -> memref<10240x32xf32, #tpu.memory_space<vmem_shared>>
      tpu.wait_indirect_dma semaphore(%arg29 : memref<!tpu.dma_semaphore, #tpu.memory_space<semaphore_mem>>) src(%dma_wait3A_189 : memref<10240x32xf32, #tpu.memory_space<vmem_shared>>) dst(%arg19 : memref<128x32xf32, #tpu.memory_space<vmem>>)
      %mul3A_190 = arith.constant 8 : i32
      %mul3A_191 = arith.muli %scan3A_25, %mul3A_190 : i32
      %add3A_192 = arith.constant 5 : i32
      %add3A_193 = arith.addi %mul3A_191, %add3A_192 : i32
      %dma_start3A_194 = arith.constant 0 : i32
      %dma_start3A_195 = tpu.memref_slice %arg9[%add3A_193, %dma_start3A_194] : memref<40x128xi32, #tpu.memory_space<vmem>> -> memref<1x128xi32, #tpu.memory_space<vmem>>
      %dma_start3A_196 = tpu.memref_squeeze %dma_start3A_195 : memref<1x128xi32, #tpu.memory_space<vmem>> -> memref<128xi32, #tpu.memory_space<vmem>>
      %dma_start3A_197 = arith.constant 0 : i32
      %dma_start3A_198 = arith.constant 0 : i32
      %dma_start3A_199 = tpu.memref_slice %arg22[%dma_start3A_197, %dma_start3A_198] : memref<10240x32xf32, #tpu.memory_space<vmem_shared>> -> memref<10240x32xf32, #tpu.memory_space<vmem_shared>>
      tpu.enqueue_indirect_dma source(%arg19 : memref<128x32xf32, #tpu.memory_space<vmem>>) target(%dma_start3A_199 : memref<10240x32xf32, #tpu.memory_space<vmem_shared>>) offsets(%dma_start3A_196 : memref<128xi32, #tpu.memory_space<vmem>>) semaphore(%arg37 : memref<!tpu.dma_semaphore, #tpu.memory_space<semaphore_mem>>) {add = true}
      %dma_wait3A_200 = arith.constant 0 : i32
      %dma_wait3A_201 = tpu.memref_slice %arg8[%add3A_88, %dma_wait3A_200] : memref<40x128xi32, #tpu.memory_space<vmem>> -> memref<1x128xi32, #tpu.memory_space<vmem>>
      %dma_wait3A_202 = tpu.memref_squeeze %dma_wait3A_201 : memref<1x128xi32, #tpu.memory_space<vmem>> -> memref<128xi32, #tpu.memory_space<vmem>>
      %dma_wait3A_203 = arith.constant 0 : i32
      %dma_wait3A_204 = arith.constant 0 : i32
      %dma_wait3A_205 = tpu.memref_slice %arg23[%dma_wait3A_203, %dma_wait3A_204] : memref<10240x32xf32, #tpu.memory_space<vmem_shared>> -> memref<10240x32xf32, #tpu.memory_space<vmem_shared>>
      tpu.wait_indirect_dma semaphore(%arg30 : memref<!tpu.dma_semaphore, #tpu.memory_space<semaphore_mem>>) src(%dma_wait3A_205 : memref<10240x32xf32, #tpu.memory_space<vmem_shared>>) dst(%arg20 : memref<128x32xf32, #tpu.memory_space<vmem>>)
      %mul3A_206 = arith.constant 8 : i32
      %mul3A_207 = arith.muli %scan3A_25, %mul3A_206 : i32
      %add3A_208 = arith.constant 6 : i32
      %add3A_209 = arith.addi %mul3A_207, %add3A_208 : i32
      %dma_start3A_210 = arith.constant 0 : i32
      %dma_start3A_211 = tpu.memref_slice %arg9[%add3A_209, %dma_start3A_210] : memref<40x128xi32, #tpu.memory_space<vmem>> -> memref<1x128xi32, #tpu.memory_space<vmem>>
      %dma_start3A_212 = tpu.memref_squeeze %dma_start3A_211 : memref<1x128xi32, #tpu.memory_space<vmem>> -> memref<128xi32, #tpu.memory_space<vmem>>
      %dma_start3A_213 = arith.constant 0 : i32
      %dma_start3A_214 = arith.constant 0 : i32
      %dma_start3A_215 = tpu.memref_slice %arg22[%dma_start3A_213, %dma_start3A_214] : memref<10240x32xf32, #tpu.memory_space<vmem_shared>> -> memref<10240x32xf32, #tpu.memory_space<vmem_shared>>
      tpu.enqueue_indirect_dma source(%arg20 : memref<128x32xf32, #tpu.memory_space<vmem>>) target(%dma_start3A_215 : memref<10240x32xf32, #tpu.memory_space<vmem_shared>>) offsets(%dma_start3A_212 : memref<128xi32, #tpu.memory_space<vmem>>) semaphore(%arg38 : memref<!tpu.dma_semaphore, #tpu.memory_space<semaphore_mem>>) {add = true}
      %dma_wait3A_216 = arith.constant 0 : i32
      %dma_wait3A_217 = tpu.memref_slice %arg8[%add3A_98, %dma_wait3A_216] : memref<40x128xi32, #tpu.memory_space<vmem>> -> memref<1x128xi32, #tpu.memory_space<vmem>>
      %dma_wait3A_218 = tpu.memref_squeeze %dma_wait3A_217 : memref<1x128xi32, #tpu.memory_space<vmem>> -> memref<128xi32, #tpu.memory_space<vmem>>
      %dma_wait3A_219 = arith.constant 0 : i32
      %dma_wait3A_220 = arith.constant 0 : i32
      %dma_wait3A_221 = tpu.memref_slice %arg23[%dma_wait3A_219, %dma_wait3A_220] : memref<10240x32xf32, #tpu.memory_space<vmem_shared>> -> memref<10240x32xf32, #tpu.memory_space<vmem_shared>>
      tpu.wait_indirect_dma semaphore(%arg31 : memref<!tpu.dma_semaphore, #tpu.memory_space<semaphore_mem>>) src(%dma_wait3A_221 : memref<10240x32xf32, #tpu.memory_space<vmem_shared>>) dst(%arg21 : memref<128x32xf32, #tpu.memory_space<vmem>>)
      %mul3A_222 = arith.constant 8 : i32
      %mul3A_223 = arith.muli %scan3A_25, %mul3A_222 : i32
      %add3A_224 = arith.constant 7 : i32
      %add3A_225 = arith.addi %mul3A_223, %add3A_224 : i32
      %dma_start3A_226 = arith.constant 0 : i32
      %dma_start3A_227 = tpu.memref_slice %arg9[%add3A_225, %dma_start3A_226] : memref<40x128xi32, #tpu.memory_space<vmem>> -> memref<1x128xi32, #tpu.memory_space<vmem>>
      %dma_start3A_228 = tpu.memref_squeeze %dma_start3A_227 : memref<1x128xi32, #tpu.memory_space<vmem>> -> memref<128xi32, #tpu.memory_space<vmem>>
      %dma_start3A_229 = arith.constant 0 : i32
      %dma_start3A_230 = arith.constant 0 : i32
      %dma_start3A_231 = tpu.memref_slice %arg22[%dma_start3A_229, %dma_start3A_230] : memref<10240x32xf32, #tpu.memory_space<vmem_shared>> -> memref<10240x32xf32, #tpu.memory_space<vmem_shared>>
      tpu.enqueue_indirect_dma source(%arg21 : memref<128x32xf32, #tpu.memory_space<vmem>>) target(%dma_start3A_231 : memref<10240x32xf32, #tpu.memory_space<vmem_shared>>) offsets(%dma_start3A_228 : memref<128xi32, #tpu.memory_space<vmem>>) semaphore(%arg39 : memref<!tpu.dma_semaphore, #tpu.memory_space<semaphore_mem>>) {add = true}
      %dma_wait3A_232 = arith.constant 0 : i32
      %dma_wait3A_233 = tpu.memref_slice %arg9[%add3A_113, %dma_wait3A_232] : memref<40x128xi32, #tpu.memory_space<vmem>> -> memref<1x128xi32, #tpu.memory_space<vmem>>
      %dma_wait3A_234 = tpu.memref_squeeze %dma_wait3A_233 : memref<1x128xi32, #tpu.memory_space<vmem>> -> memref<128xi32, #tpu.memory_space<vmem>>
      %dma_wait3A_235 = arith.constant 0 : i32
      %dma_wait3A_236 = arith.constant 0 : i32
      %dma_wait3A_237 = tpu.memref_slice %arg22[%dma_wait3A_235, %dma_wait3A_236] : memref<10240x32xf32, #tpu.memory_space<vmem_shared>> -> memref<10240x32xf32, #tpu.memory_space<vmem_shared>>
      tpu.wait_indirect_dma semaphore(%arg32 : memref<!tpu.dma_semaphore, #tpu.memory_space<semaphore_mem>>) src(%arg14 : memref<128x32xf32, #tpu.memory_space<vmem>>) dst(%dma_wait3A_237 : memref<10240x32xf32, #tpu.memory_space<vmem_shared>>)
      %dma_wait3A_238 = arith.constant 0 : i32
      %dma_wait3A_239 = tpu.memref_slice %arg9[%add3A_129, %dma_wait3A_238] : memref<40x128xi32, #tpu.memory_space<vmem>> -> memref<1x128xi32, #tpu.memory_space<vmem>>
      %dma_wait3A_240 = tpu.memref_squeeze %dma_wait3A_239 : memref<1x128xi32, #tpu.memory_space<vmem>> -> memref<128xi32, #tpu.memory_space<vmem>>
      %dma_wait3A_241 = arith.constant 0 : i32
      %dma_wait3A_242 = arith.constant 0 : i32
      %dma_wait3A_243 = tpu.memref_slice %arg22[%dma_wait3A_241, %dma_wait3A_242] : memref<10240x32xf32, #tpu.memory_space<vmem_shared>> -> memref<10240x32xf32, #tpu.memory_space<vmem_shared>>
      tpu.wait_indirect_dma semaphore(%arg33 : memref<!tpu.dma_semaphore, #tpu.memory_space<semaphore_mem>>) src(%arg15 : memref<128x32xf32, #tpu.memory_space<vmem>>) dst(%dma_wait3A_243 : memref<10240x32xf32, #tpu.memory_space<vmem_shared>>)
      %dma_wait3A_244 = arith.constant 0 : i32
      %dma_wait3A_245 = tpu.memref_slice %arg9[%add3A_145, %dma_wait3A_244] : memref<40x128xi32, #tpu.memory_space<vmem>> -> memref<1x128xi32, #tpu.memory_space<vmem>>
      %dma_wait3A_246 = tpu.memref_squeeze %dma_wait3A_245 : memref<1x128xi32, #tpu.memory_space<vmem>> -> memref<128xi32, #tpu.memory_space<vmem>>
      %dma_wait3A_247 = arith.constant 0 : i32
      %dma_wait3A_248 = arith.constant 0 : i32
      %dma_wait3A_249 = tpu.memref_slice %arg22[%dma_wait3A_247, %dma_wait3A_248] : memref<10240x32xf32, #tpu.memory_space<vmem_shared>> -> memref<10240x32xf32, #tpu.memory_space<vmem_shared>>
      tpu.wait_indirect_dma semaphore(%arg34 : memref<!tpu.dma_semaphore, #tpu.memory_space<semaphore_mem>>) src(%arg16 : memref<128x32xf32, #tpu.memory_space<vmem>>) dst(%dma_wait3A_249 : memref<10240x32xf32, #tpu.memory_space<vmem_shared>>)
      %dma_wait3A_250 = arith.constant 0 : i32
      %dma_wait3A_251 = tpu.memref_slice %arg9[%add3A_161, %dma_wait3A_250] : memref<40x128xi32, #tpu.memory_space<vmem>> -> memref<1x128xi32, #tpu.memory_space<vmem>>
      %dma_wait3A_252 = tpu.memref_squeeze %dma_wait3A_251 : memref<1x128xi32, #tpu.memory_space<vmem>> -> memref<128xi32, #tpu.memory_space<vmem>>
      %dma_wait3A_253 = arith.constant 0 : i32
      %dma_wait3A_254 = arith.constant 0 : i32
      %dma_wait3A_255 = tpu.memref_slice %arg22[%dma_wait3A_253, %dma_wait3A_254] : memref<10240x32xf32, #tpu.memory_space<vmem_shared>> -> memref<10240x32xf32, #tpu.memory_space<vmem_shared>>
      tpu.wait_indirect_dma semaphore(%arg35 : memref<!tpu.dma_semaphore, #tpu.memory_space<semaphore_mem>>) src(%arg17 : memref<128x32xf32, #tpu.memory_space<vmem>>) dst(%dma_wait3A_255 : memref<10240x32xf32, #tpu.memory_space<vmem_shared>>)
      %dma_wait3A_256 = arith.constant 0 : i32
      %dma_wait3A_257 = tpu.memref_slice %arg9[%add3A_177, %dma_wait3A_256] : memref<40x128xi32, #tpu.memory_space<vmem>> -> memref<1x128xi32, #tpu.memory_space<vmem>>
      %dma_wait3A_258 = tpu.memref_squeeze %dma_wait3A_257 : memref<1x128xi32, #tpu.memory_space<vmem>> -> memref<128xi32, #tpu.memory_space<vmem>>
      %dma_wait3A_259 = arith.constant 0 : i32
      %dma_wait3A_260 = arith.constant 0 : i32
      %dma_wait3A_261 = tpu.memref_slice %arg22[%dma_wait3A_259, %dma_wait3A_260] : memref<10240x32xf32, #tpu.memory_space<vmem_shared>> -> memref<10240x32xf32, #tpu.memory_space<vmem_shared>>
      tpu.wait_indirect_dma semaphore(%arg36 : memref<!tpu.dma_semaphore, #tpu.memory_space<semaphore_mem>>) src(%arg18 : memref<128x32xf32, #tpu.memory_space<vmem>>) dst(%dma_wait3A_261 : memref<10240x32xf32, #tpu.memory_space<vmem_shared>>)
      %dma_wait3A_262 = arith.constant 0 : i32
      %dma_wait3A_263 = tpu.memref_slice %arg9[%add3A_193, %dma_wait3A_262] : memref<40x128xi32, #tpu.memory_space<vmem>> -> memref<1x128xi32, #tpu.memory_space<vmem>>
      %dma_wait3A_264 = tpu.memref_squeeze %dma_wait3A_263 : memref<1x128xi32, #tpu.memory_space<vmem>> -> memref<128xi32, #tpu.memory_space<vmem>>
      %dma_wait3A_265 = arith.constant 0 : i32
      %dma_wait3A_266 = arith.constant 0 : i32
      %dma_wait3A_267 = tpu.memref_slice %arg22[%dma_wait3A_265, %dma_wait3A_266] : memref<10240x32xf32, #tpu.memory_space<vmem_shared>> -> memref<10240x32xf32, #tpu.memory_space<vmem_shared>>
      tpu.wait_indirect_dma semaphore(%arg37 : memref<!tpu.dma_semaphore, #tpu.memory_space<semaphore_mem>>) src(%arg19 : memref<128x32xf32, #tpu.memory_space<vmem>>) dst(%dma_wait3A_267 : memref<10240x32xf32, #tpu.memory_space<vmem_shared>>)
      %dma_wait3A_268 = arith.constant 0 : i32
      %dma_wait3A_269 = tpu.memref_slice %arg9[%add3A_209, %dma_wait3A_268] : memref<40x128xi32, #tpu.memory_space<vmem>> -> memref<1x128xi32, #tpu.memory_space<vmem>>
      %dma_wait3A_270 = tpu.memref_squeeze %dma_wait3A_269 : memref<1x128xi32, #tpu.memory_space<vmem>> -> memref<128xi32, #tpu.memory_space<vmem>>
      %dma_wait3A_271 = arith.constant 0 : i32
      %dma_wait3A_272 = arith.constant 0 : i32
      %dma_wait3A_273 = tpu.memref_slice %arg22[%dma_wait3A_271, %dma_wait3A_272] : memref<10240x32xf32, #tpu.memory_space<vmem_shared>> -> memref<10240x32xf32, #tpu.memory_space<vmem_shared>>
      tpu.wait_indirect_dma semaphore(%arg38 : memref<!tpu.dma_semaphore, #tpu.memory_space<semaphore_mem>>) src(%arg20 : memref<128x32xf32, #tpu.memory_space<vmem>>) dst(%dma_wait3A_273 : memref<10240x32xf32, #tpu.memory_space<vmem_shared>>)
      %dma_wait3A_274 = arith.constant 0 : i32
      %dma_wait3A_275 = tpu.memref_slice %arg9[%add3A_225, %dma_wait3A_274] : memref<40x128xi32, #tpu.memory_space<vmem>> -> memref<1x128xi32, #tpu.memory_space<vmem>>
      %dma_wait3A_276 = tpu.memref_squeeze %dma_wait3A_275 : memref<1x128xi32, #tpu.memory_space<vmem>> -> memref<128xi32, #tpu.memory_space<vmem>>
      %dma_wait3A_277 = arith.constant 0 : i32
      %dma_wait3A_278 = arith.constant 0 : i32
      %dma_wait3A_279 = tpu.memref_slice %arg22[%dma_wait3A_277, %dma_wait3A_278] : memref<10240x32xf32, #tpu.memory_space<vmem_shared>> -> memref<10240x32xf32, #tpu.memory_space<vmem_shared>>
      tpu.wait_indirect_dma semaphore(%arg39 : memref<!tpu.dma_semaphore, #tpu.memory_space<semaphore_mem>>) src(%arg21 : memref<128x32xf32, #tpu.memory_space<vmem>>) dst(%dma_wait3A_279 : memref<10240x32xf32, #tpu.memory_space<vmem_shared>>)
    }
    %scan3A_23 = arith.constant 5 : i32
    %barrier3A_24 = arith.constant 0 : index
    tpu.barrier barrier_id(%barrier3A_24)
    "tpu.region"() ({
      %run_scoped3A_25 = tpu.sem_alloc : memref<!tpu.dma_semaphore, #tpu.memory_space<semaphore_mem>>
      %dma_start3A = arith.constant 0 : i32
      %dma_start3A_26 = arith.constant 0 : i32
      %dma_start3A_27 = tpu.memref_slice %arg7[%arg0, %dma_start3A, %dma_start3A_26] : memref<2x10240x32xf32, #tpu.memory_space<hbm>> -> memref<1x10240x32xf32, #tpu.memory_space<hbm>>
      %dma_start3A_28 = tpu.memref_squeeze %dma_start3A_27 : memref<1x10240x32xf32, #tpu.memory_space<hbm>> -> memref<10240x32xf32, #tpu.memory_space<hbm>>
      %dma_start3A_29 = arith.constant 0 : i32
      %dma_start3A_30 = tpu.memref_slice %dma_start3A_28[%mul3A_2, %dma_start3A_29] : memref<10240x32xf32, #tpu.memory_space<hbm>> -> memref<640x32xf32, #tpu.memory_space<hbm>>
      %dma_start3A_31 = arith.constant 0 : i32
      %dma_start3A_32 = tpu.memref_slice %arg22[%mul3A_2, %dma_start3A_31] : memref<10240x32xf32, #tpu.memory_space<vmem_shared>> -> memref<640x32xf32, #tpu.memory_space<vmem_shared>>
      tpu.enqueue_dma source(%dma_start3A_32 : memref<640x32xf32, #tpu.memory_space<vmem_shared>>) target(%dma_start3A_30 : memref<640x32xf32, #tpu.memory_space<hbm>>) target_semaphore(%run_scoped3A_25 : memref<!tpu.dma_semaphore, #tpu.memory_space<semaphore_mem>>)
      %dma_wait3A = arith.constant 0 : i32
      %dma_wait3A_33 = arith.constant 0 : i32
      %dma_wait3A_34 = tpu.memref_slice %arg7[%arg0, %dma_wait3A, %dma_wait3A_33] : memref<2x10240x32xf32, #tpu.memory_space<hbm>> -> memref<1x10240x32xf32, #tpu.memory_space<hbm>>
      %dma_wait3A_35 = tpu.memref_squeeze %dma_wait3A_34 : memref<1x10240x32xf32, #tpu.memory_space<hbm>> -> memref<10240x32xf32, #tpu.memory_space<hbm>>
      %dma_wait3A_36 = arith.constant 0 : i32
      %dma_wait3A_37 = tpu.memref_slice %dma_wait3A_35[%mul3A_2, %dma_wait3A_36] : memref<10240x32xf32, #tpu.memory_space<hbm>> -> memref<640x32xf32, #tpu.memory_space<hbm>>
      %dma_wait3A_38 = arith.constant 0 : i32
      %dma_wait3A_39 = tpu.memref_slice %arg22[%mul3A_2, %dma_wait3A_38] : memref<10240x32xf32, #tpu.memory_space<vmem_shared>> -> memref<640x32xf32, #tpu.memory_space<vmem_shared>>
      tpu.wait_dma2 semaphore(%run_scoped3A_25 : memref<!tpu.dma_semaphore, #tpu.memory_space<semaphore_mem>>) src(%dma_wait3A_39 : memref<640x32xf32, #tpu.memory_space<vmem_shared>>) dst(%dma_wait3A_37 : memref<640x32xf32, #tpu.memory_space<hbm>>)
      tpu.yield
    }) : () -> ()
    return
  }
}

module attributes {stable_mosaic.version = 14 : i64} {
  func.func @_t1_body(%arg0: memref<10000x256xf32, #tpu.memory_space<vmem>>, %arg1: memref<256x32xf32, #tpu.memory_space<vmem>>, %arg2: memref<256x32xf32, #tpu.memory_space<vmem>>, %arg3: memref<10000x32xf32, #tpu.memory_space<vmem>>, %arg4: memref<10000x32xf32, #tpu.memory_space<vmem>>) attributes {dimension_semantics = [], scalar_prefetch = 0 : i64, scratch_operands = 0 : i64, tpu.core_type = #tpu.core_type<tc>} {
    %get3A = arith.constant 0 : index
    %get3A_0 = arith.constant 0 : index
    %get3A_1 = vector.load %arg0[%get3A, %get3A_0] : memref<10000x256xf32, #tpu.memory_space<vmem>>, vector<10000x256xf32>
    %get3A_2 = arith.constant 0 : index
    %get3A_3 = arith.constant 0 : index
    %get3A_4 = vector.load %arg1[%get3A_2, %get3A_3] : memref<256x32xf32, #tpu.memory_space<vmem>>, vector<256x32xf32>
    %dot_general3A = arith.constant dense<0.000000e+00> : vector<10000x32xf32>
    %dot_general3A_5 = tpu.matmul %get3A_1, %get3A_4, %dot_general3A {dimension_numbers = #tpu.dot_dimension_numbers<[1], [0], [0], [1], [0, 0, 1, 1], [], []>, transpose_lhs_hint = false} : vector<10000x256xf32>, vector<256x32xf32>, vector<10000x32xf32> -> vector<10000x32xf32>
    %swap3A = arith.constant 0 : index
    %swap3A_6 = arith.constant 0 : index
    %swap3A_7 = vector.load %arg3[%swap3A, %swap3A_6] : memref<10000x32xf32, #tpu.memory_space<vmem>>, vector<10000x32xf32>
    tpu.vector_store %arg3[%swap3A, %swap3A_6], %dot_general3A_5 {strides = array<i32>} : memref<10000x32xf32, #tpu.memory_space<vmem>>, vector<10000x32xf32>,
    %get3A_8 = arith.constant 0 : index
    %get3A_9 = arith.constant 0 : index
    %get3A_10 = vector.load %arg2[%get3A_8, %get3A_9] : memref<256x32xf32, #tpu.memory_space<vmem>>, vector<256x32xf32>
    %dot_general3A_11 = arith.constant dense<0.000000e+00> : vector<10000x32xf32>
    %dot_general3A_12 = tpu.matmul %get3A_1, %get3A_10, %dot_general3A_11 {dimension_numbers = #tpu.dot_dimension_numbers<[1], [0], [0], [1], [0, 0, 1, 1], [], []>, transpose_lhs_hint = false} : vector<10000x256xf32>, vector<256x32xf32>, vector<10000x32xf32> -> vector<10000x32xf32>
    %swap3A_13 = arith.constant 0 : index
    %swap3A_14 = arith.constant 0 : index
    %swap3A_15 = vector.load %arg4[%swap3A_13, %swap3A_14] : memref<10000x32xf32, #tpu.memory_space<vmem>>, vector<10000x32xf32>
    tpu.vector_store %arg4[%swap3A_13, %swap3A_14], %dot_general3A_12 {strides = array<i32>} : memref<10000x32xf32, #tpu.memory_space<vmem>>, vector<10000x32xf32>,
    return
  }
}

module attributes {stable_mosaic.version = 14 : i64} {
  func.func @_t2_body(%arg0: memref<10000x32xf32, #tpu.memory_space<vmem>>, %arg1: memref<2x10240x32xf32, #tpu.memory_space<vmem>>, %arg2: memref<2x10240x8xf32, #tpu.memory_space<vmem>>, %arg3: memref<32xf32, #tpu.memory_space<vmem>>, %arg4: memref<32x40xf32, #tpu.memory_space<vmem>>, %arg5: memref<32x40xf32, #tpu.memory_space<vmem>>, %arg6: memref<10000x40xf32, #tpu.memory_space<vmem>>, %arg7: memref<10000x40xf32, #tpu.memory_space<vmem>>, %arg8: memref<10000x1xf32, #tpu.memory_space<vmem>>) attributes {dimension_semantics = [], scalar_prefetch = 0 : i64, scratch_operands = 0 : i64, tpu.core_type = #tpu.core_type<tc>} {
    %get3A = arith.constant 0 : index
    %get3A_0 = arith.constant 0 : index
    %get3A_1 = arith.constant 0 : index
    %get3A_2 = vector.load %arg2[%get3A, %get3A_0, %get3A_1] : memref<2x10240x8xf32, #tpu.memory_space<vmem>>, vector<1x10000x1xf32>
    %get3A_3 = vector.shape_cast %get3A_2 : vector<1x10000x1xf32> to vector<10000x1xf32>
    %get3A_4 = arith.constant 1 : index
    %get3A_5 = arith.constant 0 : index
    %get3A_6 = arith.constant 0 : index
    %get3A_7 = vector.load %arg2[%get3A_4, %get3A_5, %get3A_6] : memref<2x10240x8xf32, #tpu.memory_space<vmem>>, vector<1x10000x1xf32>
    %get3A_8 = vector.shape_cast %get3A_7 : vector<1x10000x1xf32> to vector<10000x1xf32>
    %add3A = arith.addf %get3A_3, %get3A_8 : vector<10000x1xf32>
    %gt3A = arith.constant 0.000000e+00 : f32
    %gt3A_9 = vector.broadcast %gt3A : f32 to vector<10000x1xf32>
    %gt3A_10 = arith.cmpf ogt, %add3A, %gt3A_9 : vector<10000x1xf32>
    %max3A = arith.constant 9.99999996E-13 : f32
    %max3A_11 = vector.broadcast %max3A : f32 to vector<10000x1xf32>
    %max3A_12 = arith.maximumf %add3A, %max3A_11 : vector<10000x1xf32>
    %rsqrt3A = math.rsqrt %max3A_12 : vector<10000x1xf32>
    %jit3A = arith.constant 0.000000e+00 : f32
    %broadcast_in_dim3A = vector.broadcast %jit3A : f32 to vector<10000x1xf32>
    %select_n3A = arith.select %gt3A_10, %rsqrt3A, %broadcast_in_dim3A : vector<10000x1xi1>, vector<10000x1xf32>
    %swap3A = arith.constant 0 : index
    %swap3A_13 = arith.constant 0 : index
    %swap3A_14 = vector.load %arg8[%swap3A, %swap3A_13] : memref<10000x1xf32, #tpu.memory_space<vmem>>, vector<10000x1xf32>
    tpu.vector_store %arg8[%swap3A, %swap3A_13], %select_n3A {strides = array<i32>} : memref<10000x1xf32, #tpu.memory_space<vmem>>, vector<10000x1xf32>,
    %get3A_15 = arith.constant 0 : index
    %get3A_16 = arith.constant 0 : index
    %get3A_17 = arith.constant 0 : index
    %get3A_18 = vector.load %arg1[%get3A_15, %get3A_16, %get3A_17] : memref<2x10240x32xf32, #tpu.memory_space<vmem>>, vector<1x10000x32xf32>
    %get3A_19 = vector.shape_cast %get3A_18 : vector<1x10000x32xf32> to vector<10000x32xf32>
    %get3A_20 = arith.constant 1 : index
    %get3A_21 = arith.constant 0 : index
    %get3A_22 = arith.constant 0 : index
    %get3A_23 = vector.load %arg1[%get3A_20, %get3A_21, %get3A_22] : memref<2x10240x32xf32, #tpu.memory_space<vmem>>, vector<1x10000x32xf32>
    %get3A_24 = vector.shape_cast %get3A_23 : vector<1x10000x32xf32> to vector<10000x32xf32>
    %add3A_25 = arith.addf %get3A_19, %get3A_24 : vector<10000x32xf32>
    %mul3A = vector.broadcast %select_n3A : vector<10000x1xf32> to vector<10000x32xf32>
    %mul3A_26 = arith.mulf %mul3A, %add3A_25 : vector<10000x32xf32>
    %get3A_27 = arith.constant 0 : index
    %get3A_28 = arith.constant 0 : index
    %get3A_29 = vector.load %arg0[%get3A_27, %get3A_28] : memref<10000x32xf32, #tpu.memory_space<vmem>>, vector<10000x32xf32>
    %sub3A = arith.subf %get3A_29, %mul3A_26 : vector<10000x32xf32>
    %get3A_30 = arith.constant 0 : index
    %get3A_31 = vector.load %arg3[%get3A_30] : memref<32xf32, #tpu.memory_space<vmem>>, vector<32xf32>
    %broadcast_in_dim3A_32 = vector.shape_cast %get3A_31 : vector<32xf32> to vector<1x32xf32>
    %add3A_33 = vector.broadcast %broadcast_in_dim3A_32 : vector<1x32xf32> to vector<10000x32xf32>
    %add3A_34 = arith.addf %sub3A, %add3A_33 : vector<10000x32xf32>
    %max3A_35 = arith.constant 0.000000e+00 : f32
    %max3A_36 = vector.broadcast %max3A_35 : f32 to vector<10000x32xf32>
    %max3A_37 = arith.maximumf %add3A_34, %max3A_36 : vector<10000x32xf32>
    %get3A_38 = arith.constant 0 : index
    %get3A_39 = arith.constant 0 : index
    %get3A_40 = vector.load %arg4[%get3A_38, %get3A_39] : memref<32x40xf32, #tpu.memory_space<vmem>>, vector<32x40xf32>
    %dot_general3A = arith.constant dense<0.000000e+00> : vector<10000x40xf32>
    %dot_general3A_41 = tpu.matmul %max3A_37, %get3A_40, %dot_general3A {dimension_numbers = #tpu.dot_dimension_numbers<[1], [0], [0], [1], [0, 0, 1, 1], [], []>, transpose_lhs_hint = false} : vector<10000x32xf32>, vector<32x40xf32>, vector<10000x40xf32> -> vector<10000x40xf32>
    %swap3A_42 = arith.constant 0 : index
    %swap3A_43 = arith.constant 0 : index
    %swap3A_44 = vector.load %arg6[%swap3A_42, %swap3A_43] : memref<10000x40xf32, #tpu.memory_space<vmem>>, vector<10000x40xf32>
    tpu.vector_store %arg6[%swap3A_42, %swap3A_43], %dot_general3A_41 {strides = array<i32>} : memref<10000x40xf32, #tpu.memory_space<vmem>>, vector<10000x40xf32>,
    %get3A_45 = arith.constant 0 : index
    %get3A_46 = arith.constant 0 : index
    %get3A_47 = vector.load %arg5[%get3A_45, %get3A_46] : memref<32x40xf32, #tpu.memory_space<vmem>>, vector<32x40xf32>
    %dot_general3A_48 = arith.constant dense<0.000000e+00> : vector<10000x40xf32>
    %dot_general3A_49 = tpu.matmul %max3A_37, %get3A_47, %dot_general3A_48 {dimension_numbers = #tpu.dot_dimension_numbers<[1], [0], [0], [1], [0, 0, 1, 1], [], []>, transpose_lhs_hint = false} : vector<10000x32xf32>, vector<32x40xf32>, vector<10000x40xf32> -> vector<10000x40xf32>
    %mul3A_50 = vector.broadcast %select_n3A : vector<10000x1xf32> to vector<10000x40xf32>
    %mul3A_51 = arith.mulf %mul3A_50, %dot_general3A_49 : vector<10000x40xf32>
    %swap3A_52 = arith.constant 0 : index
    %swap3A_53 = arith.constant 0 : index
    %swap3A_54 = vector.load %arg7[%swap3A_52, %swap3A_53] : memref<10000x40xf32, #tpu.memory_space<vmem>>, vector<10000x40xf32>
    tpu.vector_store %arg7[%swap3A_52, %swap3A_53], %mul3A_51 {strides = array<i32>} : memref<10000x40xf32, #tpu.memory_space<vmem>>, vector<10000x40xf32>,
    return
  }
}

module attributes {stable_mosaic.version = 14 : i64} {
  func.func @_t3_body(%arg0: memref<10000x40xf32, #tpu.memory_space<vmem>>, %arg1: memref<2x10240x40xf32, #tpu.memory_space<vmem>>, %arg2: memref<10000x1xf32, #tpu.memory_space<vmem>>, %arg3: memref<40xf32, #tpu.memory_space<vmem>>, %arg4: memref<10000x40xf32, #tpu.memory_space<vmem>>) attributes {dimension_semantics = [], scalar_prefetch = 0 : i64, scratch_operands = 0 : i64, tpu.core_type = #tpu.core_type<tc>} {
    %get3A = arith.constant 0 : index
    %get3A_0 = arith.constant 0 : index
    %get3A_1 = vector.load %arg2[%get3A, %get3A_0] : memref<10000x1xf32, #tpu.memory_space<vmem>>, vector<10000x1xf32>
    %get3A_2 = arith.constant 0 : index
    %get3A_3 = arith.constant 0 : index
    %get3A_4 = arith.constant 0 : index
    %get3A_5 = vector.load %arg1[%get3A_2, %get3A_3, %get3A_4] : memref<2x10240x40xf32, #tpu.memory_space<vmem>>, vector<1x10000x40xf32>
    %get3A_6 = vector.shape_cast %get3A_5 : vector<1x10000x40xf32> to vector<10000x40xf32>
    %get3A_7 = arith.constant 1 : index
    %get3A_8 = arith.constant 0 : index
    %get3A_9 = arith.constant 0 : index
    %get3A_10 = vector.load %arg1[%get3A_7, %get3A_8, %get3A_9] : memref<2x10240x40xf32, #tpu.memory_space<vmem>>, vector<1x10000x40xf32>
    %get3A_11 = vector.shape_cast %get3A_10 : vector<1x10000x40xf32> to vector<10000x40xf32>
    %add3A = arith.addf %get3A_6, %get3A_11 : vector<10000x40xf32>
    %mul3A = vector.broadcast %get3A_1 : vector<10000x1xf32> to vector<10000x40xf32>
    %mul3A_12 = arith.mulf %mul3A, %add3A : vector<10000x40xf32>
    %get3A_13 = arith.constant 0 : index
    %get3A_14 = arith.constant 0 : index
    %get3A_15 = vector.load %arg0[%get3A_13, %get3A_14] : memref<10000x40xf32, #tpu.memory_space<vmem>>, vector<10000x40xf32>
    %sub3A = arith.subf %get3A_15, %mul3A_12 : vector<10000x40xf32>
    %get3A_16 = arith.constant 0 : index
    %get3A_17 = vector.load %arg3[%get3A_16] : memref<40xf32, #tpu.memory_space<vmem>>, vector<40xf32>
    %broadcast_in_dim3A = vector.shape_cast %get3A_17 : vector<40xf32> to vector<1x40xf32>
    %add3A_18 = vector.broadcast %broadcast_in_dim3A : vector<1x40xf32> to vector<10000x40xf32>
    %add3A_19 = arith.addf %sub3A, %add3A_18 : vector<10000x40xf32>
    %reduce_max3A = arith.constant dense<0xFF800000> : vector<10000xf32>
    %reduce_max3A_20 = vector.multi_reduction <maximumf>, %add3A_19, %reduce_max3A [1] : vector<10000x40xf32> to vector<10000xf32>
    %broadcast_in_dim3A_21 = vector.shape_cast %reduce_max3A_20 : vector<10000xf32> to vector<10000x1xf32>
    %sub3A_22 = vector.broadcast %broadcast_in_dim3A_21 : vector<10000x1xf32> to vector<10000x40xf32>
    %sub3A_23 = arith.subf %add3A_19, %sub3A_22 : vector<10000x40xf32>
    %exp3A = math.exp %sub3A_23 : vector<10000x40xf32>
    %sub3A_24 = vector.broadcast %broadcast_in_dim3A_21 : vector<10000x1xf32> to vector<10000x40xf32>
    %sub3A_25 = arith.subf %add3A_19, %sub3A_24 : vector<10000x40xf32>
    %reduce_sum3A = arith.constant dense<0.000000e+00> : vector<10000xf32>
    %reduce_sum3A_26 = vector.multi_reduction <add>, %exp3A, %reduce_sum3A [1] : vector<10000x40xf32> to vector<10000xf32>
    %broadcast_in_dim3A_27 = vector.shape_cast %reduce_sum3A_26 : vector<10000xf32> to vector<10000x1xf32>
    %log3A = math.log %broadcast_in_dim3A_27 : vector<10000x1xf32>
    %sub3A_28 = vector.broadcast %log3A : vector<10000x1xf32> to vector<10000x40xf32>
    %sub3A_29 = arith.subf %sub3A_25, %sub3A_28 : vector<10000x40xf32>
    %swap3A = arith.constant 0 : index
    %swap3A_30 = arith.constant 0 : index
    %swap3A_31 = vector.load %arg4[%swap3A, %swap3A_30] : memref<10000x40xf32, #tpu.memory_space<vmem>>, vector<10000x40xf32>
    tpu.vector_store %arg4[%swap3A, %swap3A_30], %sub3A_29 {strides = array<i32>} : memref<10000x40xf32, #tpu.memory_space<vmem>>, vector<10000x40xf32>,
    return
  }
}

</mosaic_0001>

<sc_bundles>
// kernel: kernel.11.cloned.1.call-start
scs
__scs_entry_jumppad:
0x0: {  	(pc) =	sbr.rel $0x88, $3  }
0x1: {  	(tag) =	ssettag $0x0;
	lr =	simm.s32 $0x1  }
0x2: {  	[smem:$0x3F99] =	sst lr;
	_ =	strace $0xD0000000  }
0x3: {  	_ = 	snop  }
0x4: {  	_ = 	snop  }
0x5: {  	_ = 	snop  }
0x6: {  	_ = 	snop  }
0x7: {  	_ = 	snop  }
__scs_overlays_trampoline_lowered:
0x8: {  	[smem:$0x3FA8] =	sst s0  }
0x9: {  	[smem:$0x3FA9] =	sst s1  }
0xa: {  	[smem:$0x3FAA] =	sst s2  }
0xb: {  	[smem:$0x3FAB] =	sst s3  }
0xc: {  	[smem:$0x3FAC] =	sst s4  }
0xd: {  	[smem:$0x3FAD] =	sst s5  }
0xe: {  	[smem:$0x3FAE] =	sst s6  }
0xf: {  	[smem:$0x3FAF] =	sst s7  }
0x10: {  	[smem:$0x3FB0] =	sst s8  }
0x11: {  	[smem:$0x3FB1] =	sst s9;
	s0 =	simm.s32 @!p0 $0x0  }
0x12: {  	s1 =	sld [smem:$0x3F97];
	s0 =	simm.s32 @p0 $0x1  }
0x13: {  	[smem:$0x3FB2] =	sst s0;
	s0 =	simm.s32 @!p1 $0x0  }
0x14: {  	s2 =	sld [smem:$0x3F96];
	s0 =	simm.s32 @p1 $0x1  }
0x15: {  	[smem:$0x3FB3] =	sst s0;
	s0 =	simm.s32 @!p2 $0x0  }
0x16: {  	s3 =	sld [smem:$0x3FDB];
	s0 =	simm.s32 @p2 $0x1  }
0x17: {  	s4 =	simm.s32 $0x1BF5;
	[smem:$0x3FB5] =	sst s0  }
0x18: {  	s0 =	sld [smem:$0x3F98];
	_ =	swait.ge [sflag:s4], $0x0  }
0x19: {  	s7 =	sld [smem:$0x3F99]  }
0x1a: {  	s8 =	sadd.s32 $0xFFFFE003, lr  }
0x1b: {  	s9 =	sadd.s32 $0xFFFFFEF7, lr;
	s5 =	simm.s32 $0xFFFFFFFF;
	p2 =	slt.u32 s8, $0xFFFFF086  }
0x1c: {  	p1 =	slt.u32 s9, $0xF7A;
	s5 =	simm.s32 @!p2 $0x0  }
0x1d: {  	s5 =	simm.s32 @p1 $0x1;
	p0 =	seq.s32 s7, s2  }
0x1e: {  	s7 =	smul.u32 @!p0 $0xF7A, s2;
	p2 =	seq.s32 @!p0 s5, $0x0  }
0x1f: {  	s9 =	smul.u32 $0xF7A, s1;
	s8 =	simm.s32 @!p0 $0x1BF5;
	p2 =	por !p2, p0  }
0x20: {  	[sflag:s8] =	ssyncset.s32 @!p0 $0xFFFFF086;
	s6 =	sadd.s32 @!p0 s3, s7;
	s7 =	simm.s32 @!p0 $0x108  }
0x21: {  	s3 =	sadd.s32 s3, s9;
	s6 =	sadd.s32 @!p0 $0x88, s6;
	s7 =	simm.s32 @p2 $0x1082  }
0x22: {  	[simem:s7], [sflag:s8] =	dma.local @!p0 [hbm:s6], $0xF7A  }
0x23: {  	s9 =	sor.u32 $0xD0000000, s2;
	s6 =	simm.s32 $0x108;
	_ =	swait.ge @!p0 [sflag:s8], $0x0  }
0x24: {  	s3 =	sadd.s32 $0x88, s3;
	s6 =	simm.s32 @!p1 $0x1082;
	[sflag:s4] =	ssyncset.s32 $0xFFFFF086  }
0x25: {  	[simem:s6], [sflag:s4] =	dma.local [hbm:s3], $0xF7A  }
0x26: {  	[smem:$0x3F99] =	sst s1;
	(tag) =	ssettag s2;
	_ =	strace s9  }
0x27: {  	s1 =	sld [smem:$0x3FA9]  }
0x28: {  	s2 =	sld [smem:$0x3FAA]  }
0x29: {  	s4 =	sld [smem:$0x3FAC]  }
0x2a: {  	p0 =	seq.s32 s5, $0x0;
	s5 =	sld [smem:$0x3FAD]  }
0x2b: {  	s6 =	sld [smem:$0x3FAE]  }
0x2c: {  	s7 =	sld [smem:$0x3FAF]  }
0x2d: {  	s3 =	simm.s32 $0x108;
	s8 =	sld [smem:$0x3FB0]  }
0x2e: {  	s3 =	simm.s32 @!p0 $0x1082;
	s9 =	sld [smem:$0x3FB1]  }
0x2f: {  	lr =	sadd.s32 s0, s3;
	s0 =	sld [smem:$0x3FA8]  }
0x30: {  	s3 =	sld [smem:$0x3FAB]  }
0x31: {  	[smem:$0x3FB4] =	sst s10  }
0x32: {  	s10 =	sld [smem:$0x3FB2];
	_ =	sdelay $0x3  }
0x33: {  	p0 =	seq.s32 s10, $0x1;
	s10 =	sld [smem:$0x3FB4];
	_ =	sdelay $0x3  }
0x34: {  	[smem:$0x3FB4] =	sst s10  }
0x35: {  	s10 =	sld [smem:$0x3FB3];
	_ =	sdelay $0x3  }
0x36: {  	p1 =	seq.s32 s10, $0x1;
	s10 =	sld [smem:$0x3FB4];
	_ =	sdelay $0x3  }
0x37: {  	[smem:$0x3FB4] =	sst s10  }
0x38: {  	s10 =	sld [smem:$0x3FB5]  }
0x39: {  	_ = 	snop;
	(pc) =	sbr.ind lr, $3  }
0x3a: {  	_ = 	snop  }
0x3b: {  	_ = 	snop  }
0x3c: {  	p2 =	seq.s32 s10, $0x1;
	s10 =	sld [smem:$0x3FB4]  }
0x3d: {  	_ =	shalt  }
0x3e: {  	_ =	shalt  }
0x3f: {  	_ =	shalt  }
0x40: {  	_ =	shalt  }
0x41: {  	_ =	shalt  }
0x42: {  	_ =	shalt  }
0x43: {  	_ =	shalt  }
0x44: {  	_ =	shalt  }
0x45: {  	_ =	shalt  }
0x46: {  	_ =	shalt  }
0x47: {  	_ =	shalt  }
0x48: {  	_ =	shalt  }
0x49: {  	_ =	shalt  }
0x4a: {  	_ =	shalt  }
0x4b: {  	_ =	shalt  }
0x4c: {  	_ =	shalt  }
0x4d: {  	_ =	shalt  }
0x4e: {  	_ =	shalt  }
0x4f: {  	_ =	shalt  }
0x50: {  	_ =	shalt  }
0x51: {  	_ =	shalt  }
0x52: {  	_ =	shalt  }
0x53: {  	_ =	shalt  }
0x54: {  	_ =	shalt  }
0x55: {  	_ =	shalt  }
0x56: {  	_ =	shalt  }
0x57: {  	_ =	shalt  }
0x58: {  	_ =	shalt  }
0x59: {  	_ =	shalt  }
0x5a: {  	_ =	shalt  }
0x5b: {  	_ =	shalt  }
0x5c: {  	_ =	shalt  }
0x5d: {  	_ =	shalt  }
0x5e: {  	_ =	shalt  }
0x5f: {  	_ =	shalt  }
0x60: {  	_ =	shalt  }
0x61: {  	_ =	shalt  }
0x62: {  	_ =	shalt  }
0x63: {  	_ =	shalt  }
0x64: {  	_ =	shalt  }
0x65: {  	_ =	shalt  }
0x66: {  	_ =	shalt  }
0x67: {  	_ =	shalt  }
0x68: {  	_ =	shalt  }
0x69: {  	_ =	shalt  }
0x6a: {  	_ =	shalt  }
0x6b: {  	_ =	shalt  }
0x6c: {  	_ =	shalt  }
0x6d: {  	_ =	shalt  }
0x6e: {  	_ =	shalt  }
0x6f: {  	_ =	shalt  }
0x70: {  	_ =	shalt  }
0x71: {  	_ =	shalt  }
0x72: {  	_ =	shalt  }
0x73: {  	_ =	shalt  }
0x74: {  	_ =	shalt  }
0x75: {  	_ =	shalt  }
0x76: {  	_ =	shalt  }
0x77: {  	_ =	shalt  }
0x78: {  	_ =	shalt  }
0x79: {  	_ =	shalt  }
0x7a: {  	_ =	shalt  }
0x7b: {  	_ =	shalt  }
0x7c: {  	_ =	shalt  }
0x7d: {  	_ =	shalt  }
0x7e: {  	_ =	shalt  }
0x7f: {  	_ =	shalt  }
0x80: {  	_ =	shalt  }
0x81: {  	_ =	shalt  }
0x82: {  	_ =	shalt  }
0x83: {  	_ =	shalt  }
0x84: {  	_ =	shalt  }
0x85: {  	_ =	shalt  }
0x86: {  	_ =	shalt  }
0x87: {  	_ =	shalt  }
.Lfunc_end0:
.L_simem_size_0:
called_computation.1_lowered:
.L_overlay_start_0:
0x88: {  	s2 =	sld [smem:$0x3FD9]  }
0x89: {  	s3 =	sld [smem:$0x3FFE];
	_ =	sdelay $0x1  }
0x8a: {  	s1 =	srdreg.scid  }
0x8b: {  	s0 =	sand.u32 $0x1, s1  }
0x8c: {  	s17 =	sshll.u32 s0, $0xA;
	s2 =	sadd.s32 s3, s2  }
0x8d: {  	s2 =	sadd.s32 s2, s17  }
0x8e: {  	[smem:$0x3FC0] =	sst s2  }
0x8f: {  	_ = 	snop  }
0x90: {  	s2 =	sld [smem:$0x3FD0];
	(tm) =	ssettm $0x1  }
0x91: {  	s18 =	sld [smem:$0x3FFB];
	_ =	sdelay $0x3  }
0x92: {  	_ =	strace s18  }
0x93: {  	s3 =	sld [smem:$0x3FFC];
	_ =	sdelay $0x3  }
0x94: {  	_ =	strace s3  }
0x95: {  	s3 =	sld [smem:$0x3FFD];
	_ =	sdelay $0x3  }
0x96: {  	_ =	strace s3  }
0x97: {  	_ =	strace $0x8FFFFFFF  }
0x98: {  	s19 =	sld [smem:$0x3FDB];
	_ =	sdelay $0x1  }
0x99: {  	s4 =	simm.s32 $_scs_section_size  }
0x9a: {  	s5 =	simm.s32 $_size__tile_overlayer_lowered;
	s6 =	simm.s32 $_tile_overlayer_lowered  }
0x9b: {  	s22 =	simm.s32 $0x1BFF;
	s21 =	sshll.u32 s6, $0x1;
	s3 =	sadd.s32 s4, s19  }
0x9c: {  	s7 =	simm.s32 $0x0;
	s20 =	sshll.u32 s5, $0x1;
	s5 =	sadd.s32 s21, s3  }
0x9d: {  	[timem:s7], [sflag:s22] =	dma.local [hbm:s5], s20  }
0x9e: {  	_ =	swait.ge [sflag:s22], s20  }
0x9f: {  	s4 =	ssub.s32 $0x0, s20;
	[sflag:s22] =	ssyncset.done $0x0  }
0xa0: {  	[sflag:s22] =	ssyncadd.s32 s4;
	_ =	sdelay $0x1  }
0xa1: {  	s23 =	simm.s32 $0x1B8B  }
0xa2: {  	_ =	swait.ge [sflag:s23], $0x1  }
0xa3: {  	[sflag:s23] =	ssyncset.done $0x0  }
0xa4: {  	s25 =	simm.s32 $0x1B8E;
	s24 =	sld [smem:$0x3FFE];
	[sflag:s23] =	ssyncadd.s32 $0xFFFFFFFF  }
0xa5: {  	s26 =	simm.s32 $execute0_lowered;
	[smem:$0x3FD2] =	sst s25  }
0xa6: {  	s5 =	sshll.u32 s26, $0x1;
	_ =	strace $0x80000049;
	[dreg:$0x1] =	wrdreg $0xFFFFFFFF  }
0xa7: {  	s28 =	simm.s32 $_size_execute0_lowered;
	s3 =	sadd.s32 s3, s5;
	[dreg:$0x0] =	wrdreg $0x0  }
0xa8: {  	s5 =	sshll.u32 s28, $0x1;
	[dreg:$0x2] =	wrdreg s3  }
0xa9: {  	[dreg:$0x3] =	wrdreg s5  }
0xaa: {  	[dreg:$0x4] =	wrdreg $0xC0  }
0xab: {  	_ =	task [dreg:s7], $0x5FFFF  }
0xac: {  	[dreg:$0x1] =	wrdreg $0xFFFFFFFF  }
0xad: {  	[dreg:$0x0] =	wrdreg $0x60  }
0xae: {  	[dreg:$0x2] =	wrdreg s2  }
0xaf: {  	[dreg:$0x3] =	wrdreg s24  }
0xb0: {  	[dreg:$0x4] =	wrdreg $0x122800  }
0xb1: {  	[dreg:$0x5] =	wrdreg $0x172800  }
0xb2: {  	[dreg:$0x6] =	wrdreg $0x9  }
0xb3: {  	_ =	task.clear_ibuf [dreg:s7], $0x7FFFF;
	_ =	strace $0x90000049  }
0xb4: {  	s29 =	simm.s32 $0x9;
	_ =	strace $0x8000004B  }
0xb5: {  	_ =	swait.ge [sflag:s29], $0x1  }
0xb6: {  	[sflag:s29] =	ssyncadd.s32 $0xFFFFFFFF  }
0xb7: {  	_ =	strace $0x9000004B  }
0xb8: {  	_ =	sfence  }
0xb9: {  	s30 =	sld [smem:$0x0];
	_ =	sdelay $0x2  }
0xba: {  	s31 =	sshll.u32 s1, $0xD;
	s1 =	sshrl.u32 s1, $0x2  }
0xbb: {  	s3 =	sand.u32 $0x4000, s31;
	s1 =	sadd.s32 s1, s30  }
0xbc: {  	s0 =	sor.u32 s3, s0;
	s1 =	sshll.u32 s1, $0x11  }
0xbd: {  	s0 =	sor.u32 s1, s0  }
0xbe: {  	s0 =	sadd.s32 $0x8F2B, s0  }
0xbf: {  	[sflag:s0] =	ssyncadd.remote.s32 $0x1  }
0xc0: {  	_ =	sfence.sel $0xFFFF  }
0xc1: {  	[dreg:$0x0] =	wrdreg $0xFFFFFFFF;
	(pc) =	sbr.abs _section_cstart, $3  }
0xc2: {  	[dreg:$0x1] =	wrdreg $0xFFFFFFFF  }
0xc3: {  	_ =	task.clear_ibuf [dreg:s7], $0x2FFFF;
	_ =	strace $0x9FFFFFFF  }
0xc4: {  	(tm) =	ssettm $0x7FFFFFFF  }
0xc5: {  	_ =	shalt  }
tec
execute0_lowered:
.L_overlay_start_1:
0x0: {  	(tag) =	ssettag $0x1  }
0x1: {  	s0 =	rddreg [dreg:$0x0]  }
0x2: {  	s1 =	rddreg [dreg:$0x1];
	s3 =	srdreg.scid  }
0x3: {  	s13 =	stileid.u32;
	s2 =	rddreg [dreg:$0x2]  }
0x4: {  	s6 =	simm.s32 $0x0;
	s20 =	simm.s32 $0x80;
	s21 =	simm.s32 $0xA280  }
0x5: {  	s28 =	simm.s32 $0xF280;
	s29 =	simm.s32 $0x10280;
	s30 =	simm.s32 $0x11280  }
0x6: {  	s31 =	simm.s32 $0x1;
	s19 =	simm.s32 $0x4;
	s18 =	simm.s32 $0x0  }
0x7: {  	s4 =	sand.u32 $0x1, s3;
	s3 =	rddreg [dreg:$0x3];
	s22 =	smul.u32 $0x5000, s13  }
0x8: {  	s5 =	sshll.u32 s13, $0x1;
	[smem:$0x7FF] =	sst s6;
	s7 =	smul.u32 $0x280, s13  }
0x9: {  	s23 =	sshll.u32 s13, $0x6;
	s26 =	sadd.s32 $0x11400, s1;
	s6 =	simm.s32 $0xF  }
0xa: {  	s13 =	simm.s32 $0x10;
	s5 =	sor.u32 s4, s5;
	_ =	strace $0x8000004A  }
0xb: {  	s9 =	smul.u32 $0xA000, s4;
	s4 =	ssub.s32 $0x2, s4;
	s14 =	sor.u32 $0x1C11, s23  }
0xc: {  	s23 =	simm.s32 $0xC280;
	[dreg:$0x10] =	wrdreg s18;
	s5 =	smul.u32 $0x280, s5  }
0xd: {  	s8 =	sshrl.u32 s22, $0x3;
	s11 =	sadd.s32 s7, s1;
	s12 =	sshrl.u32 s4, $0x1  }
0xe: {  	s24 =	sadd.s32 s22, s2;
	[dreg:$0x6] =	wrdreg s14;
	s10 =	sadd.s32 s8, s1  }
0xf: {  	s9 =	sadd.s32 s9, s1;
	s4 =	ssub.s32 s4, s12;
	s0 =	sadd.s32 s0, s8  }
0x10: {  	s25 =	sadd.s32 $0xEC00, s11;
	s12 =	sadd.s32 s22, s3;
	s16 =	sshrl.u32 s24, $0x3  }
0x11: {  	s22 =	simm.s32 $0xB280;
	s24 =	simm.s32 $0xE;
	[dreg:$0x7] =	wrdreg s0  }
0x12: {  	s5 =	sadd.s32 s5, s1;
	s10 =	sadd.s32 $0x13C00, s10;
	[dreg:$0x8] =	wrdreg s25  }
0x13: {  	[dreg:$0xb] =	wrdreg s12;
	s15 =	sadd.s32 $0x1DC00, s9;
	s4 =	smax.u32 s4, $0x1  }
0x14: {  	s0 =	sadd.s32 s7, s26;
	s25 =	simm.s32 $0xD280;
	[dreg:$0xd] =	wrdreg s16  }
0x15: {  	s26 =	simm.s32 $0xE280;
	s1 =	simm.s32 $0x2;
	[dreg:$0x5] =	wrdreg s10  }
0x16: {  	s7 =	simm.s32 $0x7;
	s9 =	simm.s32 $0x9;
	[dreg:$0xc] =	wrdreg s4  }
0x17: {  	s12 =	simm.s32 $0xC;
	s10 =	sadd.s32 $0x7200, s5;
	[dreg:$0xe] =	wrdreg s0  }
0x18: {  	s11 =	sadd.s32 $0x2200, s5;
	s17 =	sadd.s32 s8, s15;
	[dreg:$0x9] =	wrdreg s10  }
0x19: {  	v0 =	vlaneseq.u32;
	s0 =	simm.s32 $0x3;
	s15 =	simm.s32 $0x5;
	[dreg:$0xa] =	wrdreg s11  }
0x1a: {  	v0 =	vmul.u32 $0x8, v0;
	s5 =	simm.s32 $0x6;
	s8 =	simm.s32 $0x8;
	[dreg:$0xf] =	wrdreg s17  }
0x1b: {  	s10 =	simm.s32 $0xA;
	s11 =	simm.s32 $0xB;
	s17 =	simm.s32 $0xD  }
.LBB2_1:
0x1c: {  	s4 =	rddreg [dreg:$0x5];
	s18 =	simm.s32 $0x11  }
0x1d: {  	[spmem:s16], [sflag:s14] =	dma.local [hbm:s4], $0xA00  }
0x1e: {  	_ =	swait.ge [sflag:s18], $0xA00  }
0x1f: {  	s4 =	simm.s32 $0x0;
	[sflag:s18] =	ssyncset.done $0x0  }
0x20: {  	s16 =	simm.s32 $0x2800;
	s14 =	rddreg [dreg:$0x7];
	[sflag:s18] =	ssyncadd.s32 $0xFFFFF600  }
0x21: {  	[tilespmem:s16], [sflag:$0x11] =	stream.linear.gather [hbm4b:s14+s4], $0x5000, $0x38;
	[tilespmem:$0x1C280] =	vst v63  }
0x22: {  	_ =	swait.ge [sflag:s18], $0x5000  }
0x23: {  	[sflag:s18] =	ssyncset.done $0x0  }
0x24: {  	s16 =	simm.s32 $0x7800;
	s14 =	rddreg [dreg:$0x8];
	[sflag:s18] =	ssyncadd.s32 $0xFFFFB000  }
0x25: {  	[tilespmem:s16], [sflag:$0x11] =	stream.linear.gather [hbm4b:s14+s4], $0x1400, $0x38;
	[tilespmem:$0x1C280] =	vst v63  }
0x26: {  	_ =	swait.ge [sflag:s18], $0x1400  }
0x27: {  	s4 =	simm.s32 $0x8C00;
	[sflag:s18] =	ssyncset.done $0x0  }
0x28: {  	s14 =	rddreg [dreg:$0xe];
	[sflag:s18] =	ssyncadd.s32 $0xFFFFEC00;
	s18 =	simm.s32 $0x0  }
0x29: {  	[tilespmem:s4], [sflag:$0x11] =	stream.linear.gather [hbm4b:s14+s18], $0x1400, $0x38;
	[tilespmem:$0x1C280] =	vst v63  }
0x2a: {  	s18 =	simm.s32 $0x11  }
0x2b: {  	_ =	swait.ge [sflag:s18], $0x1400  }
0x2c: {  	[sflag:s18] =	ssyncset.done $0x0  }
0x2d: {  	s4 =	simm.s32 $0x0;
	s14 =	rddreg [dreg:$0x9];
	[sflag:s18] =	ssyncadd.s32 $0xFFFFEC00  }
0x2e: {  	[tilespmem:s4], [sflag:$0x11] =	stream.linear.gather [hbm4b:s14+s4], $0x1400, $0x38;
	[tilespmem:$0x1C280] =	vst v63  }
0x2f: {  	_ =	swait.ge [sflag:s18], $0x1400  }
0x30: {  	v1 =	vmov s4;
	s14 =	simm.s32 $0x11;
	s4 =	simm.s32 $0x1400;
	[sflag:s18] =	ssyncset.done $0x0  }
0x31: {  	v1 =	vshll.u32 v1, $0x3;
	s18 =	simm.s32 $0x0;
	[sflag:s14] =	ssyncadd.s32 $0xFFFFEC00;
	s14 =	rddreg [dreg:$0xa]  }
0x32: {  	v1 =	vor.u32 v0, v1;
	[tilespmem:s4], [sflag:$0x11] =	stream.linear.gather [hbm4b:s14+s18], $0x1400, $0x38;
	[tilespmem:$0x1C280] =	vst v63  }
0x33: {  	s18 =	simm.s32 $0x11  }
0x34: {  	_ =	swait.ge [sflag:s18], $0x1400  }
0x35: {  	[sflag:s18] =	ssyncset.done $0x0  }
0x36: {  	[sflag:s18] =	ssyncadd.s32 $0xFFFFEC00;
	s18 =	simm.s32 $0x8C00  }
0x37: {  	v2 =	vld.idx.msk [tilespmem:v1+s18+$0x0], $0xffff  }
0x38: {  	v1 =	vld.idx.msk [tilespmem:v1+s16+$0x0], $0xffff;
	_ =	sdelay $0x4  }
0x39: {  	v1 =	vadd.f32 v2, v1;
	_ =	sdelay $0x1  }
0x3a: {  	v2 =	vshra.s32 v1, $0x1;
	v3 =	vmul.f32 $5.000000000e-01, v1  }
0x3b: {  	v2 =	vsub.s32 $0x5F3759DF, v2  }
0x3c: {  	v4 =	vmul.f32 v2, v3;
	_ =	sdelay $0x1  }
0x3d: {  	v4 =	vmul.f32 v2, v4;
	_ =	sdelay $0x1  }
0x3e: {  	v4 =	vsub.f32 $1.500000000e+00, v4;
	_ =	sdelay $0x1  }
0x3f: {  	v2 =	vmul.f32 v2, v4;
	_ =	sdelay $0x1  }
0x40: {  	v4 =	vmul.f32 v2, v3;
	_ =	sdelay $0x1  }
0x41: {  	v4 =	vmul.f32 v4, v2;
	_ =	sdelay $0x1  }
0x42: {  	v4 =	vsub.f32 $1.500000000e+00, v4;
	_ =	sdelay $0x1  }
0x43: {  	v2 =	vmul.f32 v4, v2;
	_ =	sdelay $0x1  }
0x44: {  	v3 =	vmul.f32 v2, v3;
	_ =	sdelay $0x1  }
0x45: {  	s14 =	simm.s32 $0x10;
	v3 =	vmul.f32 v3, v2  }
0x46: {  	v4 =	vmov s14  }
0x47: {  	v4 =	vshll.u32 v4, $0x3;
	v3 =	vsub.f32 $1.500000000e+00, v3  }
0x48: {  	v4 =	vor.u32 v0, v4  }
0x49: {  	v2 =	vmul.f32 v3, v2  }
0x4a: {  	vm0 =	vgt.f32 v1, $0.0e+00  }
0x4b: {  	s4 =	simm.s32 $0xA000;
	v1 =	vnsel vm0, $0x0, v2  }
0x4c: {  	[tilespmem:s4+$0x0] =	vst v1  }
0x4d: {  	v1 =	vld.idx.msk [tilespmem:v4+s18+$0x0], $0xffff  }
0x4e: {  	v2 =	vld.idx.msk [tilespmem:v4+s16+$0x0], $0xffff;
	_ =	sdelay $0x4  }
0x4f: {  	v1 =	vadd.f32 v1, v2;
	_ =	sdelay $0x1  }
0x50: {  	v2 =	vshra.s32 v1, $0x1;
	v3 =	vmul.f32 $5.000000000e-01, v1  }
0x51: {  	v2 =	vsub.s32 $0x5F3759DF, v2  }
0x52: {  	v4 =	vmul.f32 v2, v3;
	_ =	sdelay $0x1  }
0x53: {  	v4 =	vmul.f32 v2, v4;
	_ =	sdelay $0x1  }
0x54: {  	v4 =	vsub.f32 $1.500000000e+00, v4;
	_ =	sdelay $0x1  }
0x55: {  	v2 =	vmul.f32 v2, v4;
	_ =	sdelay $0x1  }
0x56: {  	v4 =	vmul.f32 v2, v3;
	_ =	sdelay $0x1  }
0x57: {  	v4 =	vmul.f32 v4, v2;
	_ =	sdelay $0x1  }
0x58: {  	v4 =	vsub.f32 $1.500000000e+00, v4;
	_ =	sdelay $0x1  }
0x59: {  	v2 =	vmul.f32 v4, v2;
	_ =	sdelay $0x1  }
0x5a: {  	v3 =	vmul.f32 v2, v3;
	_ =	sdelay $0x1  }
0x5b: {  	s14 =	simm.s32 $0x20;
	v4 =	vmul.f32 v3, v2  }
0x5c: {  	v3 =	vmov s14  }
0x5d: {  	s14 =	simm.s32 $0x30;
	v3 =	vshll.u32 v3, $0x3;
	v4 =	vsub.f32 $1.500000000e+00, v4  }
.LBB2_2:
0x5e: {  	p0 =	sne.s32 s14, $0x270;
	v3 =	vor.u32 v0, v3  }
0x5f: {  	v2 =	vmul.f32 v4, v2  }
0x60: {  	vm0 =	vgt.f32 v1, $0.0e+00  }
0x61: {  	s4 =	sadd.s32 $0x10, s4;
	v1 =	vnsel vm0, $0x0, v2  }
0x62: {  	[tilespmem:s4+$0x0] =	vst v1  }
0x63: {  	v1 =	vld.idx.msk [tilespmem:v3+s18+$0x0], $0xffff  }
0x64: {  	v2 =	vld.idx.msk [tilespmem:v3+s16+$0x0], $0xffff;
	_ =	sdelay $0x5  }
0x65: {  	v1 =	vadd.f32 v1, v2;
	_ =	sdelay $0x1  }
0x66: {  	v2 =	vshra.s32 v1, $0x1;
	v3 =	vmul.f32 $5.000000000e-01, v1  }
0x67: {  	v2 =	vsub.s32 $0x5F3759DF, v2  }
0x68: {  	v4 =	vmul.f32 v2, v3;
	_ =	sdelay $0x1  }
0x69: {  	v4 =	vmul.f32 v2, v4;
	_ =	sdelay $0x1  }
0x6a: {  	v4 =	vsub.f32 $1.500000000e+00, v4;
	_ =	sdelay $0x1  }
0x6b: {  	v2 =	vmul.f32 v2, v4;
	_ =	sdelay $0x1  }
0x6c: {  	v4 =	vmul.f32 v2, v3;
	_ =	sdelay $0x1  }
0x6d: {  	v4 =	vmul.f32 v4, v2;
	_ =	sdelay $0x1  }
0x6e: {  	v4 =	vsub.f32 $1.500000000e+00, v4;
	_ =	sdelay $0x1  }
0x6f: {  	v2 =	vmul.f32 v4, v2;
	_ =	sdelay $0x1  }
.Ltmp0:
0x70: {  	v3 =	vmul.f32 v2, v3;
	(pc) =	sbr.rel @p0 .LBB2_2-.Ltmp0, $4  }
0x71: {  	_ = 	snop  }
0x72: {  	v4 =	vmul.f32 v3, v2  }
0x73: {  	v3 =	vmov s14  }
0x74: {  	s14 =	sadd.s32 $0x10, s14;
	v3 =	vshll.u32 v3, $0x3;
	v4 =	vsub.f32 $1.500000000e+00, v4  }
0x75: {  	v3 =	vor.u32 v0, v3  }
0x76: {  	v2 =	vmul.f32 v4, v2  }
0x77: {  	vm0 =	vgt.f32 v1, $0.0e+00  }
0x78: {  	s4 =	sadd.s32 $0x10, s4;
	v1 =	vnsel vm0, $0x0, v2  }
0x79: {  	[tilespmem:s4+$0x0] =	vst v1  }
0x7a: {  	v1 =	vld.idx.msk [tilespmem:v3+s18+$0x0], $0xffff  }
0x7b: {  	v2 =	vld.idx.msk [tilespmem:v3+s16+$0x0], $0xffff;
	_ =	sdelay $0x4  }
0x7c: {  	v1 =	vadd.f32 v1, v2;
	_ =	sdelay $0x1  }
0x7d: {  	v2 =	vshra.s32 v1, $0x1;
	v3 =	vmul.f32 $5.000000000e-01, v1  }
0x7e: {  	v2 =	vsub.s32 $0x5F3759DF, v2  }
0x7f: {  	v4 =	vmul.f32 v2, v3;
	_ =	sdelay $0x1  }
0x80: {  	v4 =	vmul.f32 v2, v4;
	_ =	sdelay $0x1  }
0x81: {  	v4 =	vsub.f32 $1.500000000e+00, v4;
	_ =	sdelay $0x1  }
0x82: {  	v2 =	vmul.f32 v2, v4;
	_ =	sdelay $0x1  }
0x83: {  	v4 =	vmul.f32 v2, v3;
	_ =	sdelay $0x1  }
0x84: {  	v4 =	vmul.f32 v4, v2;
	_ =	sdelay $0x1  }
0x85: {  	v4 =	vsub.f32 $1.500000000e+00, v4;
	_ =	sdelay $0x1  }
0x86: {  	v2 =	vmul.f32 v4, v2;
	_ =	sdelay $0x1  }
0x87: {  	v3 =	vmul.f32 v2, v3;
	_ =	sdelay $0x1  }
0x88: {  	v3 =	vmul.f32 v3, v2;
	_ =	sdelay $0x1  }
0x89: {  	v3 =	vsub.f32 $1.500000000e+00, v3;
	_ =	sdelay $0x1  }
0x8a: {  	v2 =	vmul.f32 v3, v2  }
0x8b: {  	vm15 =	vgt.f32 v1, $0.0e+00  }
0x8c: {  	s4 =	sadd.s32 $0x10, s4;
	v1 =	vnsel vm15, $0x0, v2  }
0x8d: {  	[tilespmem:s4+$0x0] =	vst v1;
	s4 =	simm.s32 $0x2900  }
0x8e: {  	v6 =	vld [tilespmem:s4+$0xFFFFFFA0]  }
0x8f: {  	v4 =	vld [tilespmem:s4+$0xFFFFFFF0]  }
0x90: {  	v1 =	vld [tilespmem:s4+$0xFFFFFF60]  }
0x91: {  	v7 =	vld [tilespmem:s4+$0xFFFFFFD0]  }
0x92: {  	v8 =	vld [tilespmem:s4+$0x80]  }
0x93: {  	v11 =	vld [tilespmem:s4+$0xFFFFFF10]  }
0x94: {  	v15 =	vld [tilespmem:s4+$0xE0]  }
0x95: {  	v10 =	vld [tilespmem:s4+$0xFFFFFF40]  }
0x96: {  	s14 =	simm.s32 $0x0;
	v2 =	vld [tilespmem:s4+$0xFFFFFF90]  }
0x97: {  	v3 =	vld [tilespmem:s14+$0xA000]  }
0x98: {  	v9 =	vld [tilespmem:s4+$0xFFFFFFC0]  }
0x99: {  	v12 =	vld [tilespmem:s4+$0xFFFFFF00]  }
0x9a: {  	v13 =	vld [tilespmem:s4+$0xD0]  }
0x9b: {  	v22 =	vld [tilespmem:s4+$0xC0]  }
0x9c: {  	v20 =	vld [tilespmem:s4+$0x90];
	v18 =	vbroadcast v3, $0x0;
	v5 =	vbroadcast v3, $0xF  }
0x9d: {  	v21 =	vld [tilespmem:s4+$0xFFFFFF50];
	v19 =	vbroadcast v3, $0x2;
	v17 =	vbroadcast v3, $0xE  }
0x9e: {  	v16 =	vld [tilespmem:s4+$0xB0];
	v14 =	vbroadcast v3, $0xC;
	v24 =	vmul.f32 v18, v12  }
0x9f: {  	s16 =	simm.s32 $0x2900;
	s14 =	simm.s32 $0x40;
	v12 =	vbroadcast v3, $0xD;
	v23 =	vmul.f32 v10, v19;
	v10 =	vld [tilespmem:s4+$0x60]  }
.LBB2_4:
0xa0: {  	p0 =	sne.s32 s14, $0x9C0  }
0xa1: {  	[tilespmem:s4+$0xFFFFFF00] =	vst v24;
	v24 =	vld [tilespmem:s4+$0xFFFFFFB0];
	v22 =	vmul.f32 v22, v17;
	v15 =	vmul.f32 v15, v5;
	s16 =	sadd.s32 $0x200, s16;
	s18 =	smov.u32 s14;
	s14 =	sadd.s32 $0x40, s14  }
0xa2: {  	[tilespmem:s4+$0xFFFFFF40] =	vst v23;
	v23 =	vbroadcast v3, $0xA;
	v20 =	vmul.f32 v20, v14;
	v25 =	vld [tilespmem:s4+$0xA0]  }
0xa3: {  	v11 =	vmul.f32 v11, v18;
	v18 =	vmul.f32 v21, v19;
	v19 =	vld [tilespmem:s4+$0x70];
	[tilespmem:s4+$0xE0] =	vst v15  }
0xa4: {  	v15 =	vbroadcast v3, $0x5;
	v21 =	vld [tilespmem:s4+$0xFFFFFFE0];
	v16 =	vmul.f32 v16, v12;
	[tilespmem:s4+$0xC0] =	vst v22  }
0xa5: {  	v13 =	vmul.f32 v13, v17;
	[tilespmem:s4+$0xFFFFFF10] =	vst v11;
	v11 =	vbroadcast v3, $0x6;
	v22 =	vld [tilespmem:s4+$0x40]  }
0xa6: {  	v26 =	vbroadcast v3, $0xB;
	v6 =	vmul.f32 v6, v15;
	v17 =	vld [tilespmem:s4+$0xFFFFFF20];
	[tilespmem:s4+$0x90] =	vst v20  }
0xa7: {  	v20 =	vbroadcast v3, $0x9;
	[tilespmem:s4+$0xFFFFFF50] =	vst v18;
	v18 =	vld [tilespmem:s4+$0x20];
	v12 =	vmul.f32 v25, v12  }
0xa8: {  	v15 =	vmul.f32 v24, v15;
	v24 =	vld [tilespmem:s4+$0x50];
	v19 =	vmul.f32 v19, v26;
	[tilespmem:s4+$0xD0] =	vst v13  }
0xa9: {  	v8 =	vmul.f32 v8, v14;
	v13 =	vbroadcast v3, $0x7;
	v25 =	vld [tilespmem:s4+$0x30];
	[tilespmem:s4+$0xA0] =	vst v12  }
0xaa: {  	v9 =	vmul.f32 v9, v11;
	v12 =	vbroadcast v3, $0x3;
	v14 =	vld [tilespmem:s4+$0x0];
	[tilespmem:s4+$0x70] =	vst v19  }
0xab: {  	v10 =	vmul.f32 v10, v26;
	v7 =	vmul.f32 v7, v11;
	v11 =	vld [tilespmem:s4+$0x10];
	[tilespmem:s4+$0x80] =	vst v8  }
0xac: {  	v19 =	vbroadcast v3, $0x8;
	v22 =	vmul.f32 v22, v23;
	v8 =	vld [tilespmem:s4+$0xFFFFFF30];
	[tilespmem:s4+$0xB0] =	vst v16  }
0xad: {  	v16 =	vbroadcast v3, $0x1;
	v26 =	vld [tilespmem:s4+$0xFFFFFF70];
	[tilespmem:s4+$0xFFFFFFD0] =	vst v7;
	v23 =	vmul.f32 v24, v23  }
0xae: {  	v4 =	vmul.f32 v4, v13;
	v7 =	vmul.f32 v21, v13;
	[tilespmem:s4+$0xFFFFFFC0] =	vst v9;
	v9 =	vld [tilespmem:s4+$0xF0]  }
0xaf: {  	v21 =	vmul.f32 v25, v20;
	v13 =	vld [tilespmem:s4+$0xFFFFFF80];
	[tilespmem:s4+$0xFFFFFFA0] =	vst v6;
	v14 =	vmul.f32 v14, v19  }
0xb0: {  	v6 =	vld [tilespmem:s16+$0xFFFFFFA0];
	[tilespmem:s4+$0xFFFFFFF0] =	vst v4;
	v19 =	vmul.f32 v11, v19;
	v11 =	vmul.f32 v18, v20  }
0xb1: {  	v4 =	vmul.f32 v17, v16;
	v16 =	vmul.f32 v8, v16;
	[tilespmem:s4+$0x60] =	vst v10  }
0xb2: {  	v1 =	vmul.f32 v1, v12;
	v8 =	vmul.f32 v26, v12;
	[tilespmem:s4+$0xFFFFFFB0] =	vst v15  }
0xb3: {  	v3 =	vbroadcast v3, $0x4;
	[tilespmem:s4+$0xFFFFFF20] =	vst v4;
	v4 =	vmul.f32 v9, v5  }
0xb4: {  	[tilespmem:s4+$0xFFFFFF60] =	vst v1  }
0xb5: {  	v5 =	vmul.f32 v13, v3;
	v1 =	vmul.f32 v2, v3;
	[tilespmem:s4+$0x40] =	vst v22  }
0xb6: {  	[tilespmem:s4+$0xFFFFFFE0] =	vst v7  }
0xb7: {  	[tilespmem:s4+$0xF0] =	vst v4  }
0xb8: {  	[tilespmem:s4+$0xFFFFFF90] =	vst v1  }
0xb9: {  	v4 =	vld [tilespmem:s16+$0xFFFFFFF0];
	[tilespmem:s4+$0xFFFFFF70] =	vst v8  }
0xba: {  	v1 =	vld [tilespmem:s16+$0xFFFFFF60];
	[tilespmem:s4+$0x20] =	vst v11  }
0xbb: {  	v7 =	vld [tilespmem:s16+$0xFFFFFFD0];
	[tilespmem:s4+$0x30] =	vst v21  }
0xbc: {  	v8 =	vld [tilespmem:s16+$0x80];
	[tilespmem:s4+$0xFFFFFF80] =	vst v5  }
0xbd: {  	v11 =	vld [tilespmem:s16+$0xFFFFFF10];
	[tilespmem:s4+$0x50] =	vst v23  }
0xbe: {  	v15 =	vld [tilespmem:s16+$0xE0];
	[tilespmem:s4+$0x0] =	vst v14  }
0xbf: {  	v10 =	vld [tilespmem:s16+$0xFFFFFF40];
	[tilespmem:s4+$0xFFFFFF30] =	vst v16  }
0xc0: {  	s18 =	sshra.s32 s18, $0x2;
	v2 =	vld [tilespmem:s16+$0xFFFFFF90];
	[tilespmem:s4+$0x10] =	vst v19;
	s4 =	smov.u32 s16  }
0xc1: {  	v3 =	vld [tilespmem:s18+$0xA000]  }
0xc2: {  	v9 =	vld [tilespmem:s16+$0xFFFFFFC0]  }
0xc3: {  	v12 =	vld [tilespmem:s16+$0xFFFFFF00]  }
0xc4: {  	v13 =	vld [tilespmem:s16+$0xD0]  }
.Ltmp1:
0xc5: {  	v22 =	vld [tilespmem:s16+$0xC0];
	(pc) =	sbr.rel @p0 .LBB2_4-.Ltmp1, $4  }
0xc6: {  	v18 =	vbroadcast v3, $0x0;
	v20 =	vld [tilespmem:s16+$0x90];
	v5 =	vbroadcast v3, $0xF  }
0xc7: {  	v19 =	vbroadcast v3, $0x2;
	v17 =	vbroadcast v3, $0xE;
	v21 =	vld [tilespmem:s16+$0xFFFFFF50]  }
0xc8: {  	v24 =	vmul.f32 v18, v12;
	v12 =	vbroadcast v3, $0xD;
	v16 =	vld [tilespmem:s16+$0xB0]  }
0xc9: {  	v14 =	vbroadcast v3, $0xC;
	v23 =	vmul.f32 v10, v19;
	v10 =	vld [tilespmem:s16+$0x60]  }
0xca: {  	[tilespmem:s4+$0xFFFFFF00] =	vst v24;
	v15 =	vmul.f32 v15, v5  }
0xcb: {  	v22 =	vmul.f32 v22, v17;
	[tilespmem:s4+$0xFFFFFF40] =	vst v23  }
0xcc: {  	v11 =	vmul.f32 v11, v18;
	[tilespmem:s4+$0xE0] =	vst v15  }
0xcd: {  	v35 =	vmul.f32 v13, v17;
	[tilespmem:s4+$0xC0] =	vst v22  }
0xce: {  	v33 =	vmul.f32 v20, v14;
	[tilespmem:s4+$0xFFFFFF10] =	vst v11  }
0xcf: {  	v41 =	vbroadcast v3, $0x6;
	v8 =	vmul.f32 v8, v14;
	[tilespmem:s4+$0xD0] =	vst v35  }
0xd0: {  	v19 =	vmul.f32 v21, v19;
	[tilespmem:s4+$0x90] =	vst v33  }
0xd1: {  	v45 =	vbroadcast v3, $0x5;
	v7 =	vmul.f32 v7, v41;
	[tilespmem:s4+$0x80] =	vst v8  }
0xd2: {  	v47 =	vbroadcast v3, $0x7;
	v9 =	vmul.f32 v9, v41;
	[tilespmem:s4+$0xFFFFFF50] =	vst v19  }
0xd3: {  	v54 =	vbroadcast v3, $0x3;
	v6 =	vmul.f32 v6, v45;
	[tilespmem:s4+$0xFFFFFFD0] =	vst v7  }
0xd4: {  	v31 =	vld [tilespmem:s4+$0xA0];
	v59 =	vbroadcast v3, $0x4;
	v4 =	vmul.f32 v4, v47;
	[tilespmem:s4+$0xFFFFFFC0] =	vst v9  }
0xd5: {  	v32 =	vld [tilespmem:s4+$0x70];
	v1 =	vmul.f32 v1, v54;
	[tilespmem:s4+$0xFFFFFFA0] =	vst v6  }
0xd6: {  	v34 =	vld [tilespmem:s4+$0xFFFFFFB0];
	v37 =	vbroadcast v3, $0xB;
	v2 =	vmul.f32 v2, v59;
	[tilespmem:s4+$0xFFFFFFF0] =	vst v4  }
0xd7: {  	v36 =	vld [tilespmem:s4+$0xFFFFFF20];
	v43 =	vmul.f32 v16, v12;
	[tilespmem:s4+$0xFFFFFF60] =	vst v1  }
0xd8: {  	v40 =	vld [tilespmem:s4+$0x40];
	v10 =	vmul.f32 v10, v37;
	[tilespmem:s4+$0xFFFFFF90] =	vst v2  }
0xd9: {  	v38 =	vld [tilespmem:s4+$0xFFFFFFE0];
	v39 =	vmul.f32 v31, v12;
	[tilespmem:s4+$0xB0] =	vst v43  }
0xda: {  	v52 =	vbroadcast v3, $0x1;
	v55 =	vld [tilespmem:s4+$0xF0];
	v18 =	vmul.f32 v32, v37;
	[tilespmem:s4+$0x60] =	vst v10  }
0xdb: {  	v49 =	vld [tilespmem:s4+$0xFFFFFF70];
	v56 =	vbroadcast v3, $0xA;
	v53 =	vmul.f32 v34, v45;
	[tilespmem:s4+$0xA0] =	vst v39  }
0xdc: {  	v46 =	vld [tilespmem:s4+$0x30];
	v13 =	vmul.f32 v36, v52;
	[tilespmem:s4+$0x70] =	vst v18  }
0xdd: {  	v50 =	vld [tilespmem:s4+$0xFFFFFF80];
	v58 =	vmul.f32 v40, v56;
	[tilespmem:s4+$0xFFFFFFB0] =	vst v53  }
0xde: {  	v44 =	vld [tilespmem:s4+$0x20];
	v8 =	vmul.f32 v38, v47;
	[tilespmem:s4+$0xFFFFFF20] =	vst v13  }
0xdf: {  	v57 =	vld [tilespmem:s4+$0xFFFFFF30];
	v60 =	vbroadcast v3, $0x9;
	v1 =	vmul.f32 v55, v5;
	[tilespmem:s4+$0x40] =	vst v58  }
0xe0: {  	v42 =	vld [tilespmem:s4+$0x50];
	v61 =	vmul.f32 v49, v54;
	[tilespmem:s4+$0xFFFFFFE0] =	vst v8  }
0xe1: {  	v48 =	vld [tilespmem:s4+$0x0];
	v2 =	vmul.f32 v46, v60;
	[tilespmem:s4+$0xF0] =	vst v1  }
0xe2: {  	v51 =	vld [tilespmem:s4+$0x10];
	v62 =	vmul.f32 v50, v59;
	[tilespmem:s4+$0xFFFFFF70] =	vst v61  }
0xe3: {  	v1 =	vmul.f32 v44, v60;
	[tilespmem:s4+$0x30] =	vst v2  }
0xe4: {  	v3 =	vbroadcast v3, $0x8;
	v63 =	vmul.f32 v57, v52;
	[tilespmem:s4+$0xFFFFFF80] =	vst v62  }
0xe5: {  	[tilespmem:s4+$0x20] =	vst v1;
	v1 =	vmul.f32 v42, v56  }
0xe6: {  	v2 =	vmul.f32 v48, v3;
	[tilespmem:s4+$0xFFFFFF30] =	vst v63  }
0xe7: {  	[tilespmem:s4+$0x50] =	vst v1;
	v1 =	vmul.f32 v51, v3  }
0xe8: {  	[tilespmem:s4+$0x0] =	vst v2  }
0xe9: {  	s18 =	rddreg [dreg:$0xb];
	s14 =	simm.s32 $0x2800;
	s16 =	simm.s32 $0x11;
	[tilespmem:s4+$0x10] =	vst v1  }
0xea: {  	[spmem:s18] =	stream.linear.scatter [tilespmem:s14], [sflag:$0x11], $0x5000, $0x38;
	[tilespmem:$0x1C280] =	vst v63  }
0xeb: {  	_ =	swait.ge [sflag:s16], $0x5000  }
0xec: {  	[sflag:s16] =	ssyncset.done $0x0  }
0xed: {  	[sflag:s16] =	ssyncadd.s32 $0xFFFFB000  }
0xee: {  	s18 =	simm.s32 $0x0;
	[bflag:$0x0] =	sbarrier.arrive $0xFFFF  }
0xef: {  	[tilespmem:s21], [sflag:$0x1] =	stream.indirect.gather [spmem:s3], $0x20, s18, s20, $0xb8;
	[tilespmem:$0x1C280] =	vst v63  }
0xf0: {  	s14 =	simm.s32 $0x80  }
0xf1: {  	[tilespmem:s22], [sflag:$0x2] =	stream.indirect.gather [spmem:s3], $0x20, s14, s20, $0xb8;
	[tilespmem:$0x1C280] =	vst v63  }
0xf2: {  	s16 =	simm.s32 $0x100  }
0xf3: {  	[tilespmem:s23], [sflag:$0x3] =	stream.indirect.gather [spmem:s3], $0x20, s16, s20, $0xb8;
	[tilespmem:$0x1C280] =	vst v63  }
0xf4: {  	s18 =	simm.s32 $0x180  }
0xf5: {  	[tilespmem:s25], [sflag:$0x4] =	stream.indirect.gather [spmem:s3], $0x20, s18, s20, $0xb8;
	[tilespmem:$0x1C280] =	vst v63  }
0xf6: {  	s14 =	simm.s32 $0x200  }
0xf7: {  	[tilespmem:s26], [sflag:$0x5] =	stream.indirect.gather [spmem:s3], $0x20, s14, s20, $0xb8;
	[tilespmem:$0x1C280] =	vst v63  }
0xf8: {  	s16 =	simm.s32 $0x280  }
0xf9: {  	[tilespmem:s28], [sflag:$0x6] =	stream.indirect.gather [spmem:s3], $0x20, s16, s20, $0xb8;
	[tilespmem:$0x1C280] =	vst v63  }
0xfa: {  	s18 =	simm.s32 $0x300  }
0xfb: {  	[tilespmem:s29], [sflag:$0x7] =	stream.indirect.gather [spmem:s3], $0x20, s18, s20, $0xb8;
	[tilespmem:$0x1C280] =	vst v63  }
0xfc: {  	s14 =	simm.s32 $0x380  }
0xfd: {  	[tilespmem:s30], [sflag:$0x8] =	stream.indirect.gather [spmem:s3], $0x20, s14, s20, $0xb8;
	[tilespmem:$0x1C280] =	vst v63  }
0xfe: {  	_ =	swait.ge [sflag:s31], $0x1000  }
0xff: {  	[sflag:s31] =	ssyncset.done $0x0  }
0x100: {  	s16 =	simm.s32 $0x1400;
	[sflag:s31] =	ssyncadd.s32 $0xFFFFF000  }
0x101: {  	[spmem:s2] =	stream.indirect.scatter.add.f32 [tilespmem:s21], [sflag:$0x9], $0x20, s16, s20, $0xb8;
	[tilespmem:$0x1C280] =	vst v63  }
0x102: {  	_ =	swait.ge [sflag:s1], $0x1000  }
0x103: {  	[sflag:s1] =	ssyncset.done $0x0  }
0x104: {  	s18 =	simm.s32 $0x1480;
	[sflag:s1] =	ssyncadd.s32 $0xFFFFF000  }
0x105: {  	[spmem:s2] =	stream.indirect.scatter.add.f32 [tilespmem:s22], [sflag:$0xA], $0x20, s18, s20, $0xb8;
	[tilespmem:$0x1C280] =	vst v63  }
0x106: {  	_ =	swait.ge [sflag:s0], $0x1000  }
0x107: {  	[sflag:s0] =	ssyncset.done $0x0  }
0x108: {  	s14 =	simm.s32 $0x1500;
	[sflag:s0] =	ssyncadd.s32 $0xFFFFF000  }
0x109: {  	[spmem:s2] =	stream.indirect.scatter.add.f32 [tilespmem:s23], [sflag:$0xB], $0x20, s14, s20, $0xb8;
	[tilespmem:$0x1C280] =	vst v63  }
0x10a: {  	_ =	swait.ge [sflag:s19], $0x1000  }
0x10b: {  	[sflag:s19] =	ssyncset.done $0x0  }
0x10c: {  	s16 =	simm.s32 $0x1580;
	[sflag:s19] =	ssyncadd.s32 $0xFFFFF000  }
0x10d: {  	[spmem:s2] =	stream.indirect.scatter.add.f32 [tilespmem:s25], [sflag:$0xC], $0x20, s16, s20, $0xb8;
	[tilespmem:$0x1C280] =	vst v63  }
0x10e: {  	_ =	swait.ge [sflag:s15], $0x1000  }
0x10f: {  	[sflag:s15] =	ssyncset.done $0x0  }
0x110: {  	s18 =	simm.s32 $0x1600;
	[sflag:s15] =	ssyncadd.s32 $0xFFFFF000  }
0x111: {  	[spmem:s2] =	stream.indirect.scatter.add.f32 [tilespmem:s26], [sflag:$0xD], $0x20, s18, s20, $0xb8;
	[tilespmem:$0x1C280] =	vst v63  }
0x112: {  	_ =	swait.ge [sflag:s5], $0x1000  }
0x113: {  	[sflag:s5] =	ssyncset.done $0x0  }
0x114: {  	s14 =	simm.s32 $0x1680;
	[sflag:s5] =	ssyncadd.s32 $0xFFFFF000  }
0x115: {  	[spmem:s2] =	stream.indirect.scatter.add.f32 [tilespmem:s28], [sflag:$0xE], $0x20, s14, s20, $0xb8;
	[tilespmem:$0x1C280] =	vst v63  }
0x116: {  	_ =	swait.ge [sflag:s7], $0x1000  }
0x117: {  	[sflag:s7] =	ssyncset.done $0x0  }
0x118: {  	s16 =	simm.s32 $0x1700;
	[sflag:s7] =	ssyncadd.s32 $0xFFFFF000  }
0x119: {  	[spmem:s2] =	stream.indirect.scatter.add.f32 [tilespmem:s29], [sflag:$0xF], $0x20, s16, s20, $0xb8;
	[tilespmem:$0x1C280] =	vst v63  }
0x11a: {  	_ =	swait.ge [sflag:s8], $0x1000  }
0x11b: {  	[sflag:s8] =	ssyncset.done $0x0  }
0x11c: {  	s18 =	simm.s32 $0x1780;
	[sflag:s8] =	ssyncadd.s32 $0xFFFFF000  }
0x11d: {  	[spmem:s2] =	stream.indirect.scatter.add.f32 [tilespmem:s30], [sflag:$0x10], $0x20, s18, s20, $0xb8;
	[tilespmem:$0x1C280] =	vst v63  }
0x11e: {  	_ =	swait.ge [sflag:s9], $0x1000  }
0x11f: {  	[sflag:s9] =	ssyncset.done $0x0  }
0x120: {  	[sflag:s9] =	ssyncadd.s32 $0xFFFFF000  }
0x121: {  	_ =	swait.ge [sflag:s10], $0x1000  }
0x122: {  	[sflag:s10] =	ssyncset.done $0x0  }
0x123: {  	[sflag:s10] =	ssyncadd.s32 $0xFFFFF000  }
0x124: {  	_ =	swait.ge [sflag:s11], $0x1000  }
0x125: {  	[sflag:s11] =	ssyncset.done $0x0  }
0x126: {  	[sflag:s11] =	ssyncadd.s32 $0xFFFFF000  }
0x127: {  	_ =	swait.ge [sflag:s12], $0x1000  }
0x128: {  	[sflag:s12] =	ssyncset.done $0x0  }
0x129: {  	[sflag:s12] =	ssyncadd.s32 $0xFFFFF000  }
0x12a: {  	_ =	swait.ge [sflag:s17], $0x1000  }
0x12b: {  	[sflag:s17] =	ssyncset.done $0x0  }
0x12c: {  	[sflag:s17] =	ssyncadd.s32 $0xFFFFF000  }
0x12d: {  	_ =	swait.ge [sflag:s24], $0x1000  }
0x12e: {  	[sflag:s24] =	ssyncset.done $0x0  }
0x12f: {  	[sflag:s24] =	ssyncadd.s32 $0xFFFFF000  }
0x130: {  	_ =	swait.ge [sflag:s6], $0x1000  }
0x131: {  	[sflag:s6] =	ssyncset.done $0x0  }
0x132: {  	[sflag:s6] =	ssyncadd.s32 $0xFFFFF000  }
0x133: {  	_ =	swait.ge [sflag:s13], $0x1000  }
0x134: {  	s4 =	simm.s32 $0x1000;
	s18 =	simm.s32 $0x2000;
	[sflag:s13] =	ssyncset.done $0x0  }
.LBB2_6:
0x135: {  	s16 =	sshra.s32 s4, $0x2  }
0x136: {  	[sflag:s13] =	ssyncadd.s32 $0xFFFFF000;
	s4 =	smov.u32 s18;
	s14 =	sadd.s32 $0x1000, s18  }
0x137: {  	[tilespmem:s21], [sflag:$0x1] =	stream.indirect.gather [spmem:s3], $0x20, s16, s20, $0xb8;
	[tilespmem:$0x1C280] =	vst v63  }
0x138: {  	p0 =	sne.s32 s18, $0x4000;
	s18 =	sadd.s32 $0x80, s16  }
0x139: {  	[tilespmem:s22], [sflag:$0x2] =	stream.indirect.gather [spmem:s3], $0x20, s18, s20, $0xb8;
	[tilespmem:$0x1C280] =	vst v63  }
0x13a: {  	s18 =	sadd.s32 $0x100, s16  }
0x13b: {  	[tilespmem:s23], [sflag:$0x3] =	stream.indirect.gather [spmem:s3], $0x20, s18, s20, $0xb8;
	[tilespmem:$0x1C280] =	vst v63  }
0x13c: {  	s18 =	sadd.s32 $0x180, s16  }
0x13d: {  	[tilespmem:s25], [sflag:$0x4] =	stream.indirect.gather [spmem:s3], $0x20, s18, s20, $0xb8;
	[tilespmem:$0x1C280] =	vst v63  }
0x13e: {  	s18 =	sadd.s32 $0x200, s16  }
0x13f: {  	[tilespmem:s26], [sflag:$0x5] =	stream.indirect.gather [spmem:s3], $0x20, s18, s20, $0xb8;
	[tilespmem:$0x1C280] =	vst v63  }
0x140: {  	s18 =	sadd.s32 $0x280, s16  }
0x141: {  	[tilespmem:s28], [sflag:$0x6] =	stream.indirect.gather [spmem:s3], $0x20, s18, s20, $0xb8;
	[tilespmem:$0x1C280] =	vst v63  }
0x142: {  	s18 =	sadd.s32 $0x300, s16  }
0x143: {  	[tilespmem:s29], [sflag:$0x7] =	stream.indirect.gather [spmem:s3], $0x20, s18, s20, $0xb8;
	[tilespmem:$0x1C280] =	vst v63  }
0x144: {  	s18 =	sadd.s32 $0x380, s16  }
0x145: {  	[tilespmem:s30], [sflag:$0x8] =	stream.indirect.gather [spmem:s3], $0x20, s18, s20, $0xb8;
	[tilespmem:$0x1C280] =	vst v63  }
0x146: {  	_ =	swait.ge [sflag:s31], $0x1000  }
0x147: {  	[sflag:s31] =	ssyncset.done $0x0  }
0x148: {  	s18 =	sadd.s32 $0x1400, s16;
	[sflag:s31] =	ssyncadd.s32 $0xFFFFF000  }
0x149: {  	[spmem:s2] =	stream.indirect.scatter.add.f32 [tilespmem:s21], [sflag:$0x9], $0x20, s18, s20, $0xb8;
	[tilespmem:$0x1C280] =	vst v63  }
0x14a: {  	_ =	swait.ge [sflag:s1], $0x1000  }
0x14b: {  	[sflag:s1] =	ssyncset.done $0x0  }
0x14c: {  	s18 =	sadd.s32 $0x1480, s16;
	[sflag:s1] =	ssyncadd.s32 $0xFFFFF000  }
0x14d: {  	[spmem:s2] =	stream.indirect.scatter.add.f32 [tilespmem:s22], [sflag:$0xA], $0x20, s18, s20, $0xb8;
	[tilespmem:$0x1C280] =	vst v63  }
0x14e: {  	_ =	swait.ge [sflag:s0], $0x1000  }
0x14f: {  	[sflag:s0] =	ssyncset.done $0x0  }
0x150: {  	s18 =	sadd.s32 $0x1500, s16;
	[sflag:s0] =	ssyncadd.s32 $0xFFFFF000  }
0x151: {  	[spmem:s2] =	stream.indirect.scatter.add.f32 [tilespmem:s23], [sflag:$0xB], $0x20, s18, s20, $0xb8;
	[tilespmem:$0x1C280] =	vst v63  }
0x152: {  	_ =	swait.ge [sflag:s19], $0x1000  }
0x153: {  	[sflag:s19] =	ssyncset.done $0x0  }
0x154: {  	s18 =	sadd.s32 $0x1580, s16;
	[sflag:s19] =	ssyncadd.s32 $0xFFFFF000  }
0x155: {  	[spmem:s2] =	stream.indirect.scatter.add.f32 [tilespmem:s25], [sflag:$0xC], $0x20, s18, s20, $0xb8;
	[tilespmem:$0x1C280] =	vst v63  }
0x156: {  	_ =	swait.ge [sflag:s15], $0x1000  }
0x157: {  	[sflag:s15] =	ssyncset.done $0x0  }
0x158: {  	s18 =	sadd.s32 $0x1600, s16;
	[sflag:s15] =	ssyncadd.s32 $0xFFFFF000  }
0x159: {  	[spmem:s2] =	stream.indirect.scatter.add.f32 [tilespmem:s26], [sflag:$0xD], $0x20, s18, s20, $0xb8;
	[tilespmem:$0x1C280] =	vst v63  }
0x15a: {  	_ =	swait.ge [sflag:s5], $0x1000  }
0x15b: {  	[sflag:s5] =	ssyncset.done $0x0  }
0x15c: {  	s18 =	sadd.s32 $0x1680, s16;
	[sflag:s5] =	ssyncadd.s32 $0xFFFFF000  }
0x15d: {  	[spmem:s2] =	stream.indirect.scatter.add.f32 [tilespmem:s28], [sflag:$0xE], $0x20, s18, s20, $0xb8;
	[tilespmem:$0x1C280] =	vst v63  }
0x15e: {  	_ =	swait.ge [sflag:s7], $0x1000  }
0x15f: {  	[sflag:s7] =	ssyncset.done $0x0  }
0x160: {  	s18 =	sadd.s32 $0x1700, s16;
	[sflag:s7] =	ssyncadd.s32 $0xFFFFF000  }
0x161: {  	[spmem:s2] =	stream.indirect.scatter.add.f32 [tilespmem:s29], [sflag:$0xF], $0x20, s18, s20, $0xb8;
	[tilespmem:$0x1C280] =	vst v63  }
0x162: {  	_ =	swait.ge [sflag:s8], $0x1000  }
0x163: {  	[sflag:s8] =	ssyncset.done $0x0  }
0x164: {  	s16 =	sadd.s32 $0x1780, s16;
	[sflag:s8] =	ssyncadd.s32 $0xFFFFF000  }
0x165: {  	[spmem:s2] =	stream.indirect.scatter.add.f32 [tilespmem:s30], [sflag:$0x10], $0x20, s16, s20, $0xb8;
	[tilespmem:$0x1C280] =	vst v63  }
0x166: {  	_ =	swait.ge [sflag:s9], $0x1000  }
0x167: {  	[sflag:s9] =	ssyncset.done $0x0  }
0x168: {  	[sflag:s9] =	ssyncadd.s32 $0xFFFFF000  }
0x169: {  	_ =	swait.ge [sflag:s10], $0x1000  }
0x16a: {  	[sflag:s10] =	ssyncset.done $0x0  }
0x16b: {  	[sflag:s10] =	ssyncadd.s32 $0xFFFFF000  }
0x16c: {  	_ =	swait.ge [sflag:s11], $0x1000  }
0x16d: {  	[sflag:s11] =	ssyncset.done $0x0  }
0x16e: {  	[sflag:s11] =	ssyncadd.s32 $0xFFFFF000  }
0x16f: {  	_ =	swait.ge [sflag:s12], $0x1000  }
0x170: {  	[sflag:s12] =	ssyncset.done $0x0  }
0x171: {  	[sflag:s12] =	ssyncadd.s32 $0xFFFFF000  }
0x172: {  	_ =	swait.ge [sflag:s17], $0x1000  }
0x173: {  	[sflag:s17] =	ssyncset.done $0x0  }
0x174: {  	[sflag:s17] =	ssyncadd.s32 $0xFFFFF000  }
0x175: {  	_ =	swait.ge [sflag:s24], $0x1000  }
0x176: {  	[sflag:s24] =	ssyncset.done $0x0  }
0x177: {  	[sflag:s24] =	ssyncadd.s32 $0xFFFFF000  }
.Ltmp2:
0x178: {  	_ =	swait.ge [sflag:s6], $0x1000;
	(pc) =	sbr.rel @p0 .LBB2_6-.Ltmp2, $4  }
0x179: {  	[sflag:s6] =	ssyncset.done $0x0  }
0x17a: {  	[sflag:s6] =	ssyncadd.s32 $0xFFFFF000  }
0x17b: {  	_ =	swait.ge [sflag:s13], $0x1000  }
0x17c: {  	s18 =	smov.u32 s14;
	[sflag:s13] =	ssyncset.done $0x0  }
0x17d: {  	s4 =	sshra.s32 s4, $0x2;
	[sflag:s13] =	ssyncadd.s32 $0xFFFFF000  }
0x17e: {  	[tilespmem:s21], [sflag:$0x1] =	stream.indirect.gather [spmem:s3], $0x20, s4, s20, $0xb8;
	[tilespmem:$0x1C280] =	vst v63  }
0x17f: {  	s14 =	sadd.s32 $0x80, s4  }
0x180: {  	[tilespmem:s22], [sflag:$0x2] =	stream.indirect.gather [spmem:s3], $0x20, s14, s20, $0xb8;
	[tilespmem:$0x1C280] =	vst v63  }
0x181: {  	s18 =	sadd.s32 $0x100, s4  }
0x182: {  	[tilespmem:s23], [sflag:$0x3] =	stream.indirect.gather [spmem:s3], $0x20, s18, s20, $0xb8;
	[tilespmem:$0x1C280] =	vst v63  }
0x183: {  	s16 =	sadd.s32 $0x180, s4  }
0x184: {  	[tilespmem:s25], [sflag:$0x4] =	stream.indirect.gather [spmem:s3], $0x20, s16, s20, $0xb8;
	[tilespmem:$0x1C280] =	vst v63  }
0x185: {  	s18 =	sadd.s32 $0x200, s4  }
0x186: {  	[tilespmem:s26], [sflag:$0x5] =	stream.indirect.gather [spmem:s3], $0x20, s18, s20, $0xb8;
	[tilespmem:$0x1C280] =	vst v63  }
0x187: {  	s16 =	sadd.s32 $0x280, s4  }
0x188: {  	[tilespmem:s28], [sflag:$0x6] =	stream.indirect.gather [spmem:s3], $0x20, s16, s20, $0xb8;
	[tilespmem:$0x1C280] =	vst v63  }
0x189: {  	s18 =	sadd.s32 $0x300, s4  }
0x18a: {  	[tilespmem:s29], [sflag:$0x7] =	stream.indirect.gather [spmem:s3], $0x20, s18, s20, $0xb8;
	[tilespmem:$0x1C280] =	vst v63  }
0x18b: {  	s16 =	sadd.s32 $0x380, s4  }
0x18c: {  	[tilespmem:s30], [sflag:$0x8] =	stream.indirect.gather [spmem:s3], $0x20, s16, s20, $0xb8;
	[tilespmem:$0x1C280] =	vst v63  }
0x18d: {  	_ =	swait.ge [sflag:s31], $0x1000  }
0x18e: {  	[sflag:s31] =	ssyncset.done $0x0  }
0x18f: {  	s18 =	sadd.s32 $0x1400, s4;
	[sflag:s31] =	ssyncadd.s32 $0xFFFFF000  }
0x190: {  	[spmem:s2] =	stream.indirect.scatter.add.f32 [tilespmem:s21], [sflag:$0x9], $0x20, s18, s20, $0xb8;
	[tilespmem:$0x1C280] =	vst v63  }
0x191: {  	_ =	swait.ge [sflag:s1], $0x1000  }
0x192: {  	[sflag:s1] =	ssyncset.done $0x0  }
0x193: {  	s16 =	sadd.s32 $0x1480, s4;
	[sflag:s1] =	ssyncadd.s32 $0xFFFFF000  }
0x194: {  	[spmem:s2] =	stream.indirect.scatter.add.f32 [tilespmem:s22], [sflag:$0xA], $0x20, s16, s20, $0xb8;
	[tilespmem:$0x1C280] =	vst v63  }
0x195: {  	_ =	swait.ge [sflag:s0], $0x1000  }
0x196: {  	[sflag:s0] =	ssyncset.done $0x0  }
0x197: {  	s18 =	sadd.s32 $0x1500, s4;
	[sflag:s0] =	ssyncadd.s32 $0xFFFFF000  }
0x198: {  	[spmem:s2] =	stream.indirect.scatter.add.f32 [tilespmem:s23], [sflag:$0xB], $0x20, s18, s20, $0xb8;
	[tilespmem:$0x1C280] =	vst v63  }
0x199: {  	_ =	swait.ge [sflag:s19], $0x1000  }
0x19a: {  	[sflag:s19] =	ssyncset.done $0x0  }
0x19b: {  	s16 =	sadd.s32 $0x1580, s4;
	[sflag:s19] =	ssyncadd.s32 $0xFFFFF000  }
0x19c: {  	[spmem:s2] =	stream.indirect.scatter.add.f32 [tilespmem:s25], [sflag:$0xC], $0x20, s16, s20, $0xb8;
	[tilespmem:$0x1C280] =	vst v63  }
0x19d: {  	_ =	swait.ge [sflag:s15], $0x1000  }
0x19e: {  	[sflag:s15] =	ssyncset.done $0x0  }
0x19f: {  	s18 =	sadd.s32 $0x1600, s4;
	[sflag:s15] =	ssyncadd.s32 $0xFFFFF000  }
0x1a0: {  	[spmem:s2] =	stream.indirect.scatter.add.f32 [tilespmem:s26], [sflag:$0xD], $0x20, s18, s20, $0xb8;
	[tilespmem:$0x1C280] =	vst v63  }
0x1a1: {  	_ =	swait.ge [sflag:s5], $0x1000  }
0x1a2: {  	[sflag:s5] =	ssyncset.done $0x0  }
0x1a3: {  	s16 =	sadd.s32 $0x1680, s4;
	[sflag:s5] =	ssyncadd.s32 $0xFFFFF000  }
0x1a4: {  	[spmem:s2] =	stream.indirect.scatter.add.f32 [tilespmem:s28], [sflag:$0xE], $0x20, s16, s20, $0xb8;
	[tilespmem:$0x1C280] =	vst v63  }
0x1a5: {  	_ =	swait.ge [sflag:s7], $0x1000  }
0x1a6: {  	[sflag:s7] =	ssyncset.done $0x0  }
0x1a7: {  	s18 =	sadd.s32 $0x1700, s4;
	[sflag:s7] =	ssyncadd.s32 $0xFFFFF000  }
0x1a8: {  	[spmem:s2] =	stream.indirect.scatter.add.f32 [tilespmem:s29], [sflag:$0xF], $0x20, s18, s20, $0xb8;
	[tilespmem:$0x1C280] =	vst v63  }
0x1a9: {  	_ =	swait.ge [sflag:s8], $0x1000  }
0x1aa: {  	[sflag:s8] =	ssyncset.done $0x0  }
0x1ab: {  	s4 =	sadd.s32 $0x1780, s4;
	[sflag:s8] =	ssyncadd.s32 $0xFFFFF000  }
0x1ac: {  	[spmem:s2] =	stream.indirect.scatter.add.f32 [tilespmem:s30], [sflag:$0x10], $0x20, s4, s20, $0xb8;
	[tilespmem:$0x1C280] =	vst v63  }
0x1ad: {  	_ =	swait.ge [sflag:s9], $0x1000  }
0x1ae: {  	[sflag:s9] =	ssyncset.done $0x0  }
0x1af: {  	[sflag:s9] =	ssyncadd.s32 $0xFFFFF000  }
0x1b0: {  	_ =	swait.ge [sflag:s10], $0x1000  }
0x1b1: {  	[sflag:s10] =	ssyncset.done $0x0  }
0x1b2: {  	[sflag:s10] =	ssyncadd.s32 $0xFFFFF000  }
0x1b3: {  	_ =	swait.ge [sflag:s11], $0x1000  }
0x1b4: {  	[sflag:s11] =	ssyncset.done $0x0  }
0x1b5: {  	[sflag:s11] =	ssyncadd.s32 $0xFFFFF000  }
0x1b6: {  	_ =	swait.ge [sflag:s12], $0x1000  }
0x1b7: {  	[sflag:s12] =	ssyncset.done $0x0  }
0x1b8: {  	[sflag:s12] =	ssyncadd.s32 $0xFFFFF000  }
0x1b9: {  	_ =	swait.ge [sflag:s17], $0x1000  }
0x1ba: {  	[sflag:s17] =	ssyncset.done $0x0  }
0x1bb: {  	[sflag:s17] =	ssyncadd.s32 $0xFFFFF000  }
0x1bc: {  	_ =	swait.ge [sflag:s24], $0x1000  }
0x1bd: {  	[sflag:s24] =	ssyncset.done $0x0  }
0x1be: {  	[sflag:s24] =	ssyncadd.s32 $0xFFFFF000  }
0x1bf: {  	_ =	swait.ge [sflag:s6], $0x1000  }
0x1c0: {  	[sflag:s6] =	ssyncset.done $0x0  }
0x1c1: {  	[sflag:s6] =	ssyncadd.s32 $0xFFFFF000  }
0x1c2: {  	_ =	swait.ge [sflag:s13], $0x1000  }
0x1c3: {  	[sflag:s13] =	ssyncset.done $0x0  }
0x1c4: {  	[sflag:s13] =	ssyncadd.s32 $0xFFFFF000  }
0x1c5: {  	[bflag:$0x0] =	sbarrier.arrive $0xFFFF  }
0x1c6: {  	s16 =	rddreg [dreg:$0x6]  }
0x1c7: {  	s4 =	rddreg [dreg:$0xd]  }
0x1c8: {  	s18 =	rddreg [dreg:$0xf]  }
0x1c9: {  	[hbm:s18], [sflag:s16] =	dma.local [spmem:s4], $0xA00  }
0x1ca: {  	s18 =	simm.s32 $0x11  }
0x1cb: {  	_ =	swait.ge [sflag:s18], $0xA00  }
0x1cc: {  	s4 =	rddreg [dreg:$0x10]  }
0x1cd: {  	s14 =	sadd.s32 $0x1, s4;
	s4 =	rddreg [dreg:$0xc]  }
0x1ce: {  	p0 =	sne.s32 s14, s4  }
.Ltmp3:
0x1cf: {  	_ = 	snop;
	(pc) =	sbr.rel @p0 .LBB2_1-.Ltmp3, $3  }
0x1d0: {  	_ =	sdelay $0x1  }
0x1d1: {  	[sflag:s18] =	ssyncset.done $0x0;
	[dreg:$0x10] =	wrdreg s14  }
0x1d2: {  	[sflag:s18] =	ssyncadd.s32 $0xFFFFF600;
	s14 =	smov.u32 s16;
	s16 =	rddreg [dreg:$0xd]  }
0x1d3: {  	_ =	sfence.sel $0x180000  }
0x1d4: {  	[bflag:$0x0] =	sbarrier.arrive $0xFFFF  }
0x1d5: {  	_ =	strace $0x9000004A  }
0x1d6: {  	s0 =	stileid.u32;
	[bflag:$0x2] =	sbarrier.arrive $0xFFFF  }
0x1d7: {  	p0 =	sne.s32 s0, $0x0;
	s0 =	rddreg [dreg:$0x4]  }
0x1d8: {  	s0 =	sadd.s32 @!p0 $0x100000, s0  }
0x1d9: {  	[sflag:s0] =	ssyncadd.tile.s32 @!p0 $0x1;
	_ =	shalt  }
.Lfunc_end2:
_tile_overlayer_lowered:
.L_overlay_start_2:
0x1da: {  	(tag) =	ssettag $0x2  }
0x1db: {  	s0 =	rddreg [dreg:$0x0];
	s2 =	stileid.u32  }
0x1dc: {  	s1 =	rddreg [dreg:$0x1];
	p0 =	sne.s32 s2, $0x0  }
0x1dd: {  	s3 =	rddreg [dreg:$0x2];
	[bflag:$0x3] =	sbarrier.arrive $0xFFFF;
	s2 =	simm.s32 @!p0 $0x1C11  }
0x1de: {  	[timem:s3], [sflag:s2] =	dma.local @!p0 [hbm:s0], s1  }
0x1df: {  	s0 =	simm.s32 @!p0 $0x11  }
0x1e0: {  	_ =	swait.ge @!p0 [sflag:s0], s1  }
0x1e1: {  	s1 =	ssub.s32 @!p0 $0x0, s1;
	[sflag:s0] =	ssyncset.done @!p0 $0x0  }
0x1e2: {  	[sflag:s0] =	ssyncadd.s32 @!p0 s1  }
0x1e3: {  	[bflag:$0x3] =	sbarrier.arrive $0xFFFF  }
0x1e4: {  	_ =	shalt  }

// kernel: kernel.14.cloned.1.call-start
scs
__scs_entry_jumppad:
0x0: {  	(pc) =	sbr.rel $0x88, $3  }
0x1: {  	(tag) =	ssettag $0x0;
	lr =	simm.s32 $0x1  }
0x2: {  	[smem:$0x3F99] =	sst lr;
	_ =	strace $0xD0000000  }
0x3: {  	_ = 	snop  }
0x4: {  	_ = 	snop  }
0x5: {  	_ = 	snop  }
0x6: {  	_ = 	snop  }
0x7: {  	_ = 	snop  }
__scs_overlays_trampoline_lowered:
0x8: {  	[smem:$0x3FA8] =	sst s0  }
0x9: {  	[smem:$0x3FA9] =	sst s1  }
0xa: {  	[smem:$0x3FAA] =	sst s2  }
0xb: {  	[smem:$0x3FAB] =	sst s3  }
0xc: {  	[smem:$0x3FAC] =	sst s4  }
0xd: {  	[smem:$0x3FAD] =	sst s5  }
0xe: {  	[smem:$0x3FAE] =	sst s6  }
0xf: {  	[smem:$0x3FAF] =	sst s7  }
0x10: {  	[smem:$0x3FB0] =	sst s8  }
0x11: {  	[smem:$0x3FB1] =	sst s9;
	s0 =	simm.s32 @!p0 $0x0  }
0x12: {  	s1 =	sld [smem:$0x3F97];
	s0 =	simm.s32 @p0 $0x1  }
0x13: {  	[smem:$0x3FB2] =	sst s0;
	s0 =	simm.s32 @!p1 $0x0  }
0x14: {  	s2 =	sld [smem:$0x3F96];
	s0 =	simm.s32 @p1 $0x1  }
0x15: {  	[smem:$0x3FB3] =	sst s0;
	s0 =	simm.s32 @!p2 $0x0  }
0x16: {  	s3 =	sld [smem:$0x3FDB];
	s0 =	simm.s32 @p2 $0x1  }
0x17: {  	s4 =	simm.s32 $0x1BF5;
	[smem:$0x3FB5] =	sst s0  }
0x18: {  	s0 =	sld [smem:$0x3F98];
	_ =	swait.ge [sflag:s4], $0x0  }
0x19: {  	s7 =	sld [smem:$0x3F99]  }
0x1a: {  	s8 =	sadd.s32 $0xFFFFE003, lr  }
0x1b: {  	s9 =	sadd.s32 $0xFFFFFEF7, lr;
	s5 =	simm.s32 $0xFFFFFFFF;
	p2 =	slt.u32 s8, $0xFFFFF086  }
0x1c: {  	p1 =	slt.u32 s9, $0xF7A;
	s5 =	simm.s32 @!p2 $0x0  }
0x1d: {  	s5 =	simm.s32 @p1 $0x1;
	p0 =	seq.s32 s7, s2  }
0x1e: {  	s7 =	smul.u32 @!p0 $0xF7A, s2;
	p2 =	seq.s32 @!p0 s5, $0x0  }
0x1f: {  	s9 =	smul.u32 $0xF7A, s1;
	s8 =	simm.s32 @!p0 $0x1BF5;
	p2 =	por !p2, p0  }
0x20: {  	[sflag:s8] =	ssyncset.s32 @!p0 $0xFFFFF086;
	s6 =	sadd.s32 @!p0 s3, s7;
	s7 =	simm.s32 @!p0 $0x108  }
0x21: {  	s3 =	sadd.s32 s3, s9;
	s6 =	sadd.s32 @!p0 $0x88, s6;
	s7 =	simm.s32 @p2 $0x1082  }
0x22: {  	[simem:s7], [sflag:s8] =	dma.local @!p0 [hbm:s6], $0xF7A  }
0x23: {  	s9 =	sor.u32 $0xD0000000, s2;
	s6 =	simm.s32 $0x108;
	_ =	swait.ge @!p0 [sflag:s8], $0x0  }
0x24: {  	s3 =	sadd.s32 $0x88, s3;
	s6 =	simm.s32 @!p1 $0x1082;
	[sflag:s4] =	ssyncset.s32 $0xFFFFF086  }
0x25: {  	[simem:s6], [sflag:s4] =	dma.local [hbm:s3], $0xF7A  }
0x26: {  	[smem:$0x3F99] =	sst s1;
	(tag) =	ssettag s2;
	_ =	strace s9  }
0x27: {  	s1 =	sld [smem:$0x3FA9]  }
0x28: {  	s2 =	sld [smem:$0x3FAA]  }
0x29: {  	s4 =	sld [smem:$0x3FAC]  }
0x2a: {  	p0 =	seq.s32 s5, $0x0;
	s5 =	sld [smem:$0x3FAD]  }
0x2b: {  	s6 =	sld [smem:$0x3FAE]  }
0x2c: {  	s7 =	sld [smem:$0x3FAF]  }
0x2d: {  	s3 =	simm.s32 $0x108;
	s8 =	sld [smem:$0x3FB0]  }
0x2e: {  	s3 =	simm.s32 @!p0 $0x1082;
	s9 =	sld [smem:$0x3FB1]  }
0x2f: {  	lr =	sadd.s32 s0, s3;
	s0 =	sld [smem:$0x3FA8]  }
0x30: {  	s3 =	sld [smem:$0x3FAB]  }
0x31: {  	[smem:$0x3FB4] =	sst s10  }
0x32: {  	s10 =	sld [smem:$0x3FB2];
	_ =	sdelay $0x3  }
0x33: {  	p0 =	seq.s32 s10, $0x1;
	s10 =	sld [smem:$0x3FB4];
	_ =	sdelay $0x3  }
0x34: {  	[smem:$0x3FB4] =	sst s10  }
0x35: {  	s10 =	sld [smem:$0x3FB3];
	_ =	sdelay $0x3  }
0x36: {  	p1 =	seq.s32 s10, $0x1;
	s10 =	sld [smem:$0x3FB4];
	_ =	sdelay $0x3  }
0x37: {  	[smem:$0x3FB4] =	sst s10  }
0x38: {  	s10 =	sld [smem:$0x3FB5]  }
0x39: {  	_ = 	snop;
	(pc) =	sbr.ind lr, $3  }
0x3a: {  	_ = 	snop  }
0x3b: {  	_ = 	snop  }
0x3c: {  	p2 =	seq.s32 s10, $0x1;
	s10 =	sld [smem:$0x3FB4]  }
0x3d: {  	_ =	shalt  }
0x3e: {  	_ =	shalt  }
0x3f: {  	_ =	shalt  }
0x40: {  	_ =	shalt  }
0x41: {  	_ =	shalt  }
0x42: {  	_ =	shalt  }
0x43: {  	_ =	shalt  }
0x44: {  	_ =	shalt  }
0x45: {  	_ =	shalt  }
0x46: {  	_ =	shalt  }
0x47: {  	_ =	shalt  }
0x48: {  	_ =	shalt  }
0x49: {  	_ =	shalt  }
0x4a: {  	_ =	shalt  }
0x4b: {  	_ =	shalt  }
0x4c: {  	_ =	shalt  }
0x4d: {  	_ =	shalt  }
0x4e: {  	_ =	shalt  }
0x4f: {  	_ =	shalt  }
0x50: {  	_ =	shalt  }
0x51: {  	_ =	shalt  }
0x52: {  	_ =	shalt  }
0x53: {  	_ =	shalt  }
0x54: {  	_ =	shalt  }
0x55: {  	_ =	shalt  }
0x56: {  	_ =	shalt  }
0x57: {  	_ =	shalt  }
0x58: {  	_ =	shalt  }
0x59: {  	_ =	shalt  }
0x5a: {  	_ =	shalt  }
0x5b: {  	_ =	shalt  }
0x5c: {  	_ =	shalt  }
0x5d: {  	_ =	shalt  }
0x5e: {  	_ =	shalt  }
0x5f: {  	_ =	shalt  }
0x60: {  	_ =	shalt  }
0x61: {  	_ =	shalt  }
0x62: {  	_ =	shalt  }
0x63: {  	_ =	shalt  }
0x64: {  	_ =	shalt  }
0x65: {  	_ =	shalt  }
0x66: {  	_ =	shalt  }
0x67: {  	_ =	shalt  }
0x68: {  	_ =	shalt  }
0x69: {  	_ =	shalt  }
0x6a: {  	_ =	shalt  }
0x6b: {  	_ =	shalt  }
0x6c: {  	_ =	shalt  }
0x6d: {  	_ =	shalt  }
0x6e: {  	_ =	shalt  }
0x6f: {  	_ =	shalt  }
0x70: {  	_ =	shalt  }
0x71: {  	_ =	shalt  }
0x72: {  	_ =	shalt  }
0x73: {  	_ =	shalt  }
0x74: {  	_ =	shalt  }
0x75: {  	_ =	shalt  }
0x76: {  	_ =	shalt  }
0x77: {  	_ =	shalt  }
0x78: {  	_ =	shalt  }
0x79: {  	_ =	shalt  }
0x7a: {  	_ =	shalt  }
0x7b: {  	_ =	shalt  }
0x7c: {  	_ =	shalt  }
0x7d: {  	_ =	shalt  }
0x7e: {  	_ =	shalt  }
0x7f: {  	_ =	shalt  }
0x80: {  	_ =	shalt  }
0x81: {  	_ =	shalt  }
0x82: {  	_ =	shalt  }
0x83: {  	_ =	shalt  }
0x84: {  	_ =	shalt  }
0x85: {  	_ =	shalt  }
0x86: {  	_ =	shalt  }
0x87: {  	_ =	shalt  }
.Lfunc_end0:
.L_simem_size_0:
called_computation.2_lowered:
.L_overlay_start_0:
0x88: {  	s2 =	sld [smem:$0x3FD9]  }
0x89: {  	s3 =	sld [smem:$0x3FFE];
	_ =	sdelay $0x1  }
0x8a: {  	s1 =	srdreg.scid  }
0x8b: {  	s0 =	sand.u32 $0x1, s1  }
0x8c: {  	s16 =	sshll.u32 s0, $0xA;
	s2 =	sadd.s32 s3, s2  }
0x8d: {  	s2 =	sadd.s32 s2, s16  }
0x8e: {  	[smem:$0x3FC0] =	sst s2  }
0x8f: {  	_ = 	snop  }
0x90: {  	(tm) =	ssettm $0x1  }
0x91: {  	s17 =	sld [smem:$0x3FFB];
	_ =	sdelay $0x3  }
0x92: {  	_ =	strace s17  }
0x93: {  	s2 =	sld [smem:$0x3FFC];
	_ =	sdelay $0x3  }
0x94: {  	_ =	strace s2  }
0x95: {  	s2 =	sld [smem:$0x3FFD];
	_ =	sdelay $0x3  }
0x96: {  	_ =	strace s2  }
0x97: {  	_ =	strace $0x8FFFFFFF  }
0x98: {  	s18 =	sld [smem:$0x3FDB];
	_ =	sdelay $0x1  }
0x99: {  	s19 =	simm.s32 $_scs_section_size  }
0x9a: {  	s4 =	simm.s32 $_size__tile_overlayer_lowered;
	s5 =	simm.s32 $_tile_overlayer_lowered  }
0x9b: {  	s22 =	simm.s32 $0x1BFF;
	s21 =	sshll.u32 s5, $0x1;
	s2 =	sadd.s32 s19, s18  }
0x9c: {  	s6 =	simm.s32 $0x0;
	s20 =	sshll.u32 s4, $0x1;
	s4 =	sadd.s32 s21, s2  }
0x9d: {  	[timem:s6], [sflag:s22] =	dma.local [hbm:s4], s20  }
0x9e: {  	_ =	swait.ge [sflag:s22], s20  }
0x9f: {  	s3 =	ssub.s32 $0x0, s20;
	[sflag:s22] =	ssyncset.done $0x0  }
0xa0: {  	[sflag:s22] =	ssyncadd.s32 s3;
	_ =	sdelay $0x1  }
0xa1: {  	s23 =	simm.s32 $0x1B8B  }
0xa2: {  	_ =	swait.ge [sflag:s23], $0x1  }
0xa3: {  	[sflag:s23] =	ssyncset.done $0x0  }
0xa4: {  	s25 =	simm.s32 $0x1B8E;
	s24 =	sld [smem:$0x3FFE];
	[sflag:s23] =	ssyncadd.s32 $0xFFFFFFFF  }
0xa5: {  	s26 =	simm.s32 $execute0_lowered;
	[smem:$0x3FD2] =	sst s25  }
0xa6: {  	s4 =	sshll.u32 s26, $0x1;
	_ =	strace $0x8000004C;
	[dreg:$0x1] =	wrdreg $0xFFFFFFFF  }
0xa7: {  	s28 =	simm.s32 $_size_execute0_lowered;
	s2 =	sadd.s32 s2, s4;
	[dreg:$0x0] =	wrdreg $0x0  }
0xa8: {  	s4 =	sshll.u32 s28, $0x1;
	[dreg:$0x2] =	wrdreg s2  }
0xa9: {  	[dreg:$0x3] =	wrdreg s4  }
0xaa: {  	[dreg:$0x4] =	wrdreg $0xC0  }
0xab: {  	_ =	task [dreg:s6], $0x5FFFF  }
0xac: {  	[dreg:$0x1] =	wrdreg $0xFFFFFFFF  }
0xad: {  	[dreg:$0x0] =	wrdreg $0x60  }
0xae: {  	[dreg:$0x2] =	wrdreg s24  }
0xaf: {  	[dreg:$0x3] =	wrdreg $0xC8000  }
0xb0: {  	[dreg:$0x4] =	wrdreg $0x12C000  }
0xb1: {  	[dreg:$0x5] =	wrdreg $0x9  }
0xb2: {  	_ =	task.clear_ibuf [dreg:s6], $0x6FFFF;
	_ =	strace $0x9000004C  }
0xb3: {  	s29 =	simm.s32 $0x9;
	_ =	strace $0x8000004E  }
0xb4: {  	_ =	swait.ge [sflag:s29], $0x1  }
0xb5: {  	[sflag:s29] =	ssyncadd.s32 $0xFFFFFFFF  }
0xb6: {  	_ =	strace $0x9000004E  }
0xb7: {  	_ =	sfence  }
0xb8: {  	s30 =	sld [smem:$0x0];
	_ =	sdelay $0x2  }
0xb9: {  	s31 =	sshll.u32 s1, $0xD;
	s1 =	sshrl.u32 s1, $0x2  }
0xba: {  	s3 =	sand.u32 $0x4000, s31;
	s1 =	sadd.s32 s1, s30  }
0xbb: {  	s0 =	sor.u32 s3, s0;
	s1 =	sshll.u32 s1, $0x11  }
0xbc: {  	s0 =	sor.u32 s1, s0  }
0xbd: {  	s0 =	sadd.s32 $0x8F2B, s0  }
0xbe: {  	[sflag:s0] =	ssyncadd.remote.s32 $0x1  }
0xbf: {  	_ =	sfence.sel $0xFFFF  }
0xc0: {  	[dreg:$0x0] =	wrdreg $0xFFFFFFFF;
	(pc) =	sbr.abs _section_cstart, $3  }
0xc1: {  	[dreg:$0x1] =	wrdreg $0xFFFFFFFF  }
0xc2: {  	_ =	task.clear_ibuf [dreg:s6], $0x2FFFF;
	_ =	strace $0x9FFFFFFF  }
0xc3: {  	(tm) =	ssettm $0x7FFFFFFF  }
tec
execute0_lowered:
.L_overlay_start_1:
0x0: {  	(tag) =	ssettag $0x1  }
0x1: {  	s0 =	rddreg [dreg:$0x0]  }
0x2: {  	s9 =	stileid.u32;
	s2 =	rddreg [dreg:$0x1]  }
0x3: {  	s1 =	srdreg.scid;
	s3 =	rddreg [dreg:$0x2]  }
0x4: {  	s6 =	simm.s32 $0x0;
	s15 =	simm.s32 $0x80;
	s16 =	simm.s32 $0x2800  }
0x5: {  	s17 =	simm.s32 $0x3C00;
	s18 =	simm.s32 $0x5000;
	s19 =	simm.s32 $0x6400  }
0x6: {  	s20 =	simm.s32 $0x7800;
	s21 =	simm.s32 $0x8C00;
	s22 =	simm.s32 $0xA000  }
0x7: {  	s28 =	simm.s32 $0x3;
	s29 =	simm.s32 $0x4;
	s30 =	simm.s32 $0x5  }
0x8: {  	s31 =	simm.s32 $0x6;
	s13 =	simm.s32 $0x10;
	s1 =	sand.u32 $0x1, s1  }
0x9: {  	s4 =	sshll.u32 s9, $0x1;
	s5 =	smul.u32 $0x6400, s9;
	[smem:$0x7FF] =	sst s6  }
0xa: {  	s9 =	sshll.u32 s9, $0x6;
	s6 =	simm.s32 $0x0;
	s4 =	sor.u32 s1, s4  }
0xb: {  	s7 =	smul.u32 $0xC800, s1;
	_ =	strace $0x8000004D;
	s1 =	ssub.s32 $0x2, s1  }
0xc: {  	s11 =	sor.u32 $0x1C11, s9;
	s9 =	simm.s32 $0xE;
	[dreg:$0xd] =	wrdreg s6  }
0xd: {  	s4 =	smul.u32 $0x280, s4;
	s14 =	sshrl.u32 s5, $0x3;
	s23 =	sshrl.u32 s1, $0x1  }
0xe: {  	s24 =	sadd.s32 s5, s2;
	s5 =	sadd.s32 s5, s3;
	[dreg:$0x5] =	wrdreg s11  }
0xf: {  	s8 =	sadd.s32 s14, s0;
	s1 =	ssub.s32 s1, s23;
	s12 =	sshrl.u32 s24, $0x3  }
0x10: {  	s24 =	simm.s32 $0x11;
	s26 =	sshrl.u32 s5, $0x3;
	s23 =	simm.s32 $0xB400  }
0x11: {  	s5 =	simm.s32 $0xB;
	s4 =	sadd.s32 s4, s0;
	[dreg:$0xb] =	wrdreg s26  }
0x12: {  	s0 =	sadd.s32 s7, s0;
	s10 =	sadd.s32 $0x18A00, s8;
	[dreg:$0xa] =	wrdreg s12  }
0x13: {  	s8 =	sadd.s32 $0xC200, s8;
	s1 =	smax.u32 s1, $0x1;
	[dreg:$0x4] =	wrdreg s10  }
0x14: {  	s26 =	simm.s32 $0x2;
	s7 =	simm.s32 $0xC;
	[dreg:$0x6] =	wrdreg s8  }
0x15: {  	s25 =	sadd.s32 $0x7200, s4;
	s4 =	sadd.s32 $0x2200, s4;
	[dreg:$0x9] =	wrdreg s1  }
0x16: {  	s0 =	sadd.s32 $0x25200, s0;
	s1 =	simm.s32 $0x7;
	[dreg:$0x7] =	wrdreg s25  }
0x17: {  	s8 =	simm.s32 $0xD;
	s10 =	simm.s32 $0xF;
	[dreg:$0x8] =	wrdreg s4  }
0x18: {  	s0 =	sadd.s32 s14, s0;
	s25 =	simm.s32 $0x1;
	s14 =	simm.s32 $0x9  }
0x19: {  	s4 =	simm.s32 $0xA;
	[dreg:$0xc] =	wrdreg s0;
	s0 =	simm.s32 $0x8  }
.LBB2_1:
0x1a: {  	s6 =	rddreg [dreg:$0x4]  }
0x1b: {  	[spmem:s12], [sflag:s11] =	dma.local [hbm:s6], $0xC80  }
0x1c: {  	_ =	swait.ge [sflag:s24], $0xC80  }
0x1d: {  	[sflag:s24] =	ssyncset.done $0x0;
	s6 =	rddreg [dreg:$0x6]  }
0x1e: {  	s12 =	rddreg [dreg:$0xb];
	[sflag:s24] =	ssyncadd.s32 $0xFFFFF380  }
0x1f: {  	[spmem:s12], [sflag:s11] =	dma.local [hbm:s6], $0xC80  }
0x20: {  	_ =	swait.ge [sflag:s24], $0xC80  }
0x21: {  	[sflag:s24] =	ssyncset.done $0x0  }
0x22: {  	s6 =	simm.s32 $0x0;
	s12 =	rddreg [dreg:$0x7];
	[sflag:s24] =	ssyncadd.s32 $0xFFFFF380  }
0x23: {  	[tilespmem:s6], [sflag:$0x11] =	stream.linear.gather [hbm4b:s12+s6], $0x1400, $0x38;
	[tilespmem:$0x19000] =	vst v63  }
0x24: {  	_ =	swait.ge [sflag:s24], $0x1400  }
0x25: {  	[sflag:s24] =	ssyncset.done $0x0  }
0x26: {  	s12 =	simm.s32 $0x1400;
	s11 =	rddreg [dreg:$0x8];
	[sflag:s24] =	ssyncadd.s32 $0xFFFFEC00  }
0x27: {  	[tilespmem:s12], [sflag:$0x11] =	stream.linear.gather [hbm4b:s11+s6], $0x1400, $0x38;
	[tilespmem:$0x19000] =	vst v63  }
0x28: {  	_ =	swait.ge [sflag:s24], $0x1400  }
0x29: {  	[sflag:s24] =	ssyncset.done $0x0  }
0x2a: {  	[sflag:s24] =	ssyncadd.s32 $0xFFFFEC00  }
0x2b: {  	s24 =	simm.s32 $0x0;
	[bflag:$0x0] =	sbarrier.arrive $0xFFFF  }
0x2c: {  	[tilespmem:s16], [sflag:$0x1] =	stream.indirect.gather [spmem:s3], $0x28, s24, s15, $0xb8;
	[tilespmem:$0x19000] =	vst v63  }
0x2d: {  	s11 =	simm.s32 $0x80  }
0x2e: {  	[tilespmem:s17], [sflag:$0x2] =	stream.indirect.gather [spmem:s3], $0x28, s11, s15, $0xb8;
	[tilespmem:$0x19000] =	vst v63  }
0x2f: {  	s12 =	simm.s32 $0x100  }
0x30: {  	[tilespmem:s18], [sflag:$0x3] =	stream.indirect.gather [spmem:s3], $0x28, s12, s15, $0xb8;
	[tilespmem:$0x19000] =	vst v63  }
0x31: {  	s24 =	simm.s32 $0x180  }
0x32: {  	[tilespmem:s19], [sflag:$0x4] =	stream.indirect.gather [spmem:s3], $0x28, s24, s15, $0xb8;
	[tilespmem:$0x19000] =	vst v63  }
0x33: {  	s11 =	simm.s32 $0x200  }
0x34: {  	[tilespmem:s20], [sflag:$0x5] =	stream.indirect.gather [spmem:s3], $0x28, s11, s15, $0xb8;
	[tilespmem:$0x19000] =	vst v63  }
0x35: {  	s12 =	simm.s32 $0x280  }
0x36: {  	[tilespmem:s21], [sflag:$0x6] =	stream.indirect.gather [spmem:s3], $0x28, s12, s15, $0xb8;
	[tilespmem:$0x19000] =	vst v63  }
0x37: {  	s24 =	simm.s32 $0x300  }
0x38: {  	[tilespmem:s22], [sflag:$0x7] =	stream.indirect.gather [spmem:s3], $0x28, s24, s15, $0xb8;
	[tilespmem:$0x19000] =	vst v63  }
0x39: {  	s11 =	simm.s32 $0x380  }
0x3a: {  	[tilespmem:s23], [sflag:$0x8] =	stream.indirect.gather [spmem:s3], $0x28, s11, s15, $0xb8;
	[tilespmem:$0x19000] =	vst v63  }
0x3b: {  	_ =	swait.ge [sflag:s25], $0x1400  }
0x3c: {  	[sflag:s25] =	ssyncset.done $0x0  }
0x3d: {  	s12 =	simm.s32 $0x1400;
	[sflag:s25] =	ssyncadd.s32 $0xFFFFEC00  }
0x3e: {  	[spmem:s2] =	stream.indirect.scatter.add.f32 [tilespmem:s16], [sflag:$0x9], $0x28, s12, s15, $0xb8;
	[tilespmem:$0x19000] =	vst v63  }
0x3f: {  	_ =	swait.ge [sflag:s26], $0x1400  }
0x40: {  	[sflag:s26] =	ssyncset.done $0x0  }
0x41: {  	s24 =	simm.s32 $0x1480;
	[sflag:s26] =	ssyncadd.s32 $0xFFFFEC00  }
0x42: {  	[spmem:s2] =	stream.indirect.scatter.add.f32 [tilespmem:s17], [sflag:$0xA], $0x28, s24, s15, $0xb8;
	[tilespmem:$0x19000] =	vst v63  }
0x43: {  	_ =	swait.ge [sflag:s28], $0x1400  }
0x44: {  	[sflag:s28] =	ssyncset.done $0x0  }
0x45: {  	s11 =	simm.s32 $0x1500;
	[sflag:s28] =	ssyncadd.s32 $0xFFFFEC00  }
0x46: {  	[spmem:s2] =	stream.indirect.scatter.add.f32 [tilespmem:s18], [sflag:$0xB], $0x28, s11, s15, $0xb8;
	[tilespmem:$0x19000] =	vst v63  }
0x47: {  	_ =	swait.ge [sflag:s29], $0x1400  }
0x48: {  	[sflag:s29] =	ssyncset.done $0x0  }
0x49: {  	s12 =	simm.s32 $0x1580;
	[sflag:s29] =	ssyncadd.s32 $0xFFFFEC00  }
0x4a: {  	[spmem:s2] =	stream.indirect.scatter.add.f32 [tilespmem:s19], [sflag:$0xC], $0x28, s12, s15, $0xb8;
	[tilespmem:$0x19000] =	vst v63  }
0x4b: {  	_ =	swait.ge [sflag:s30], $0x1400  }
0x4c: {  	[sflag:s30] =	ssyncset.done $0x0  }
0x4d: {  	s24 =	simm.s32 $0x1600;
	[sflag:s30] =	ssyncadd.s32 $0xFFFFEC00  }
0x4e: {  	[spmem:s2] =	stream.indirect.scatter.add.f32 [tilespmem:s20], [sflag:$0xD], $0x28, s24, s15, $0xb8;
	[tilespmem:$0x19000] =	vst v63  }
0x4f: {  	_ =	swait.ge [sflag:s31], $0x1400  }
0x50: {  	[sflag:s31] =	ssyncset.done $0x0  }
0x51: {  	s11 =	simm.s32 $0x1680;
	[sflag:s31] =	ssyncadd.s32 $0xFFFFEC00  }
0x52: {  	[spmem:s2] =	stream.indirect.scatter.add.f32 [tilespmem:s21], [sflag:$0xE], $0x28, s11, s15, $0xb8;
	[tilespmem:$0x19000] =	vst v63  }
0x53: {  	_ =	swait.ge [sflag:s1], $0x1400  }
0x54: {  	[sflag:s1] =	ssyncset.done $0x0  }
0x55: {  	s12 =	simm.s32 $0x1700;
	[sflag:s1] =	ssyncadd.s32 $0xFFFFEC00  }
0x56: {  	[spmem:s2] =	stream.indirect.scatter.add.f32 [tilespmem:s22], [sflag:$0xF], $0x28, s12, s15, $0xb8;
	[tilespmem:$0x19000] =	vst v63  }
0x57: {  	_ =	swait.ge [sflag:s0], $0x1400  }
0x58: {  	[sflag:s0] =	ssyncset.done $0x0  }
0x59: {  	s24 =	simm.s32 $0x1780;
	[sflag:s0] =	ssyncadd.s32 $0xFFFFEC00  }
0x5a: {  	[spmem:s2] =	stream.indirect.scatter.add.f32 [tilespmem:s23], [sflag:$0x10], $0x28, s24, s15, $0xb8;
	[tilespmem:$0x19000] =	vst v63  }
0x5b: {  	_ =	swait.ge [sflag:s14], $0x1400  }
0x5c: {  	[sflag:s14] =	ssyncset.done $0x0  }
0x5d: {  	[sflag:s14] =	ssyncadd.s32 $0xFFFFEC00  }
0x5e: {  	_ =	swait.ge [sflag:s4], $0x1400  }
0x5f: {  	[sflag:s4] =	ssyncset.done $0x0  }
0x60: {  	[sflag:s4] =	ssyncadd.s32 $0xFFFFEC00  }
0x61: {  	_ =	swait.ge [sflag:s5], $0x1400  }
0x62: {  	[sflag:s5] =	ssyncset.done $0x0  }
0x63: {  	[sflag:s5] =	ssyncadd.s32 $0xFFFFEC00  }
0x64: {  	_ =	swait.ge [sflag:s7], $0x1400  }
0x65: {  	[sflag:s7] =	ssyncset.done $0x0  }
0x66: {  	[sflag:s7] =	ssyncadd.s32 $0xFFFFEC00  }
0x67: {  	_ =	swait.ge [sflag:s8], $0x1400  }
0x68: {  	[sflag:s8] =	ssyncset.done $0x0  }
0x69: {  	[sflag:s8] =	ssyncadd.s32 $0xFFFFEC00  }
0x6a: {  	_ =	swait.ge [sflag:s9], $0x1400  }
0x6b: {  	[sflag:s9] =	ssyncset.done $0x0  }
0x6c: {  	[sflag:s9] =	ssyncadd.s32 $0xFFFFEC00  }
0x6d: {  	_ =	swait.ge [sflag:s10], $0x1400  }
0x6e: {  	[sflag:s10] =	ssyncset.done $0x0  }
0x6f: {  	[sflag:s10] =	ssyncadd.s32 $0xFFFFEC00  }
0x70: {  	_ =	swait.ge [sflag:s13], $0x1400  }
0x71: {  	s6 =	simm.s32 $0x2000;
	s11 =	simm.s32 $0x1000;
	[sflag:s13] =	ssyncset.done $0x0  }
.LBB2_2:
0x72: {  	s12 =	sshra.s32 s11, $0x2  }
0x73: {  	[sflag:s13] =	ssyncadd.s32 $0xFFFFEC00;
	s11 =	smov.u32 s6;
	s24 =	sadd.s32 $0x1000, s6  }
0x74: {  	[tilespmem:s16], [sflag:$0x1] =	stream.indirect.gather [spmem:s3], $0x28, s12, s15, $0xb8;
	[tilespmem:$0x19000] =	vst v63  }
0x75: {  	p0 =	sne.s32 s6, $0x4000;
	s6 =	sadd.s32 $0x80, s12  }
0x76: {  	[tilespmem:s17], [sflag:$0x2] =	stream.indirect.gather [spmem:s3], $0x28, s6, s15, $0xb8;
	[tilespmem:$0x19000] =	vst v63  }
0x77: {  	s6 =	sadd.s32 $0x100, s12  }
0x78: {  	[tilespmem:s18], [sflag:$0x3] =	stream.indirect.gather [spmem:s3], $0x28, s6, s15, $0xb8;
	[tilespmem:$0x19000] =	vst v63  }
0x79: {  	s6 =	sadd.s32 $0x180, s12  }
0x7a: {  	[tilespmem:s19], [sflag:$0x4] =	stream.indirect.gather [spmem:s3], $0x28, s6, s15, $0xb8;
	[tilespmem:$0x19000] =	vst v63  }
0x7b: {  	s6 =	sadd.s32 $0x200, s12  }
0x7c: {  	[tilespmem:s20], [sflag:$0x5] =	stream.indirect.gather [spmem:s3], $0x28, s6, s15, $0xb8;
	[tilespmem:$0x19000] =	vst v63  }
0x7d: {  	s6 =	sadd.s32 $0x280, s12  }
0x7e: {  	[tilespmem:s21], [sflag:$0x6] =	stream.indirect.gather [spmem:s3], $0x28, s6, s15, $0xb8;
	[tilespmem:$0x19000] =	vst v63  }
0x7f: {  	s6 =	sadd.s32 $0x300, s12  }
0x80: {  	[tilespmem:s22], [sflag:$0x7] =	stream.indirect.gather [spmem:s3], $0x28, s6, s15, $0xb8;
	[tilespmem:$0x19000] =	vst v63  }
0x81: {  	s6 =	sadd.s32 $0x380, s12  }
0x82: {  	[tilespmem:s23], [sflag:$0x8] =	stream.indirect.gather [spmem:s3], $0x28, s6, s15, $0xb8;
	[tilespmem:$0x19000] =	vst v63  }
0x83: {  	_ =	swait.ge [sflag:s25], $0x1400  }
0x84: {  	[sflag:s25] =	ssyncset.done $0x0  }
0x85: {  	s6 =	sadd.s32 $0x1400, s12;
	[sflag:s25] =	ssyncadd.s32 $0xFFFFEC00  }
0x86: {  	[spmem:s2] =	stream.indirect.scatter.add.f32 [tilespmem:s16], [sflag:$0x9], $0x28, s6, s15, $0xb8;
	[tilespmem:$0x19000] =	vst v63  }
0x87: {  	_ =	swait.ge [sflag:s26], $0x1400  }
0x88: {  	[sflag:s26] =	ssyncset.done $0x0  }
0x89: {  	s6 =	sadd.s32 $0x1480, s12;
	[sflag:s26] =	ssyncadd.s32 $0xFFFFEC00  }
0x8a: {  	[spmem:s2] =	stream.indirect.scatter.add.f32 [tilespmem:s17], [sflag:$0xA], $0x28, s6, s15, $0xb8;
	[tilespmem:$0x19000] =	vst v63  }
0x8b: {  	_ =	swait.ge [sflag:s28], $0x1400  }
0x8c: {  	[sflag:s28] =	ssyncset.done $0x0  }
0x8d: {  	s6 =	sadd.s32 $0x1500, s12;
	[sflag:s28] =	ssyncadd.s32 $0xFFFFEC00  }
0x8e: {  	[spmem:s2] =	stream.indirect.scatter.add.f32 [tilespmem:s18], [sflag:$0xB], $0x28, s6, s15, $0xb8;
	[tilespmem:$0x19000] =	vst v63  }
0x8f: {  	_ =	swait.ge [sflag:s29], $0x1400  }
0x90: {  	[sflag:s29] =	ssyncset.done $0x0  }
0x91: {  	s6 =	sadd.s32 $0x1580, s12;
	[sflag:s29] =	ssyncadd.s32 $0xFFFFEC00  }
0x92: {  	[spmem:s2] =	stream.indirect.scatter.add.f32 [tilespmem:s19], [sflag:$0xC], $0x28, s6, s15, $0xb8;
	[tilespmem:$0x19000] =	vst v63  }
0x93: {  	_ =	swait.ge [sflag:s30], $0x1400  }
0x94: {  	[sflag:s30] =	ssyncset.done $0x0  }
0x95: {  	s6 =	sadd.s32 $0x1600, s12;
	[sflag:s30] =	ssyncadd.s32 $0xFFFFEC00  }
0x96: {  	[spmem:s2] =	stream.indirect.scatter.add.f32 [tilespmem:s20], [sflag:$0xD], $0x28, s6, s15, $0xb8;
	[tilespmem:$0x19000] =	vst v63  }
0x97: {  	_ =	swait.ge [sflag:s31], $0x1400  }
0x98: {  	[sflag:s31] =	ssyncset.done $0x0  }
0x99: {  	s6 =	sadd.s32 $0x1680, s12;
	[sflag:s31] =	ssyncadd.s32 $0xFFFFEC00  }
0x9a: {  	[spmem:s2] =	stream.indirect.scatter.add.f32 [tilespmem:s21], [sflag:$0xE], $0x28, s6, s15, $0xb8;
	[tilespmem:$0x19000] =	vst v63  }
0x9b: {  	_ =	swait.ge [sflag:s1], $0x1400  }
0x9c: {  	[sflag:s1] =	ssyncset.done $0x0  }
0x9d: {  	s6 =	sadd.s32 $0x1700, s12;
	[sflag:s1] =	ssyncadd.s32 $0xFFFFEC00  }
0x9e: {  	[spmem:s2] =	stream.indirect.scatter.add.f32 [tilespmem:s22], [sflag:$0xF], $0x28, s6, s15, $0xb8;
	[tilespmem:$0x19000] =	vst v63  }
0x9f: {  	_ =	swait.ge [sflag:s0], $0x1400  }
0xa0: {  	[sflag:s0] =	ssyncset.done $0x0  }
0xa1: {  	s6 =	sadd.s32 $0x1780, s12;
	[sflag:s0] =	ssyncadd.s32 $0xFFFFEC00  }
0xa2: {  	[spmem:s2] =	stream.indirect.scatter.add.f32 [tilespmem:s23], [sflag:$0x10], $0x28, s6, s15, $0xb8;
	[tilespmem:$0x19000] =	vst v63  }
0xa3: {  	_ =	swait.ge [sflag:s14], $0x1400  }
0xa4: {  	[sflag:s14] =	ssyncset.done $0x0  }
0xa5: {  	[sflag:s14] =	ssyncadd.s32 $0xFFFFEC00  }
0xa6: {  	_ =	swait.ge [sflag:s4], $0x1400  }
0xa7: {  	[sflag:s4] =	ssyncset.done $0x0  }
0xa8: {  	[sflag:s4] =	ssyncadd.s32 $0xFFFFEC00  }
0xa9: {  	_ =	swait.ge [sflag:s5], $0x1400  }
0xaa: {  	[sflag:s5] =	ssyncset.done $0x0  }
0xab: {  	[sflag:s5] =	ssyncadd.s32 $0xFFFFEC00  }
0xac: {  	_ =	swait.ge [sflag:s7], $0x1400  }
0xad: {  	[sflag:s7] =	ssyncset.done $0x0  }
0xae: {  	[sflag:s7] =	ssyncadd.s32 $0xFFFFEC00  }
0xaf: {  	_ =	swait.ge [sflag:s8], $0x1400  }
0xb0: {  	[sflag:s8] =	ssyncset.done $0x0  }
0xb1: {  	[sflag:s8] =	ssyncadd.s32 $0xFFFFEC00  }
0xb2: {  	_ =	swait.ge [sflag:s9], $0x1400  }
0xb3: {  	[sflag:s9] =	ssyncset.done $0x0  }
0xb4: {  	[sflag:s9] =	ssyncadd.s32 $0xFFFFEC00  }
.Ltmp0:
0xb5: {  	_ =	swait.ge [sflag:s10], $0x1400;
	(pc) =	sbr.rel @p0 .LBB2_2-.Ltmp0, $4  }
0xb6: {  	[sflag:s10] =	ssyncset.done $0x0  }
0xb7: {  	[sflag:s10] =	ssyncadd.s32 $0xFFFFEC00  }
0xb8: {  	_ =	swait.ge [sflag:s13], $0x1400  }
0xb9: {  	s6 =	smov.u32 s24;
	[sflag:s13] =	ssyncset.done $0x0  }
0xba: {  	s6 =	sshra.s32 s11, $0x2;
	[sflag:s13] =	ssyncadd.s32 $0xFFFFEC00  }
0xbb: {  	[tilespmem:s16], [sflag:$0x1] =	stream.indirect.gather [spmem:s3], $0x28, s6, s15, $0xb8;
	[tilespmem:$0x19000] =	vst v63  }
0xbc: {  	s11 =	sadd.s32 $0x80, s6  }
0xbd: {  	[tilespmem:s17], [sflag:$0x2] =	stream.indirect.gather [spmem:s3], $0x28, s11, s15, $0xb8;
	[tilespmem:$0x19000] =	vst v63  }
0xbe: {  	s24 =	sadd.s32 $0x100, s6  }
0xbf: {  	[tilespmem:s18], [sflag:$0x3] =	stream.indirect.gather [spmem:s3], $0x28, s24, s15, $0xb8;
	[tilespmem:$0x19000] =	vst v63  }
0xc0: {  	s12 =	sadd.s32 $0x180, s6  }
0xc1: {  	[tilespmem:s19], [sflag:$0x4] =	stream.indirect.gather [spmem:s3], $0x28, s12, s15, $0xb8;
	[tilespmem:$0x19000] =	vst v63  }
0xc2: {  	s24 =	sadd.s32 $0x200, s6  }
0xc3: {  	[tilespmem:s20], [sflag:$0x5] =	stream.indirect.gather [spmem:s3], $0x28, s24, s15, $0xb8;
	[tilespmem:$0x19000] =	vst v63  }
0xc4: {  	s12 =	sadd.s32 $0x280, s6  }
0xc5: {  	[tilespmem:s21], [sflag:$0x6] =	stream.indirect.gather [spmem:s3], $0x28, s12, s15, $0xb8;
	[tilespmem:$0x19000] =	vst v63  }
0xc6: {  	s24 =	sadd.s32 $0x300, s6  }
0xc7: {  	[tilespmem:s22], [sflag:$0x7] =	stream.indirect.gather [spmem:s3], $0x28, s24, s15, $0xb8;
	[tilespmem:$0x19000] =	vst v63  }
0xc8: {  	s12 =	sadd.s32 $0x380, s6  }
0xc9: {  	[tilespmem:s23], [sflag:$0x8] =	stream.indirect.gather [spmem:s3], $0x28, s12, s15, $0xb8;
	[tilespmem:$0x19000] =	vst v63  }
0xca: {  	_ =	swait.ge [sflag:s25], $0x1400  }
0xcb: {  	[sflag:s25] =	ssyncset.done $0x0  }
0xcc: {  	s24 =	sadd.s32 $0x1400, s6;
	[sflag:s25] =	ssyncadd.s32 $0xFFFFEC00  }
0xcd: {  	[spmem:s2] =	stream.indirect.scatter.add.f32 [tilespmem:s16], [sflag:$0x9], $0x28, s24, s15, $0xb8;
	[tilespmem:$0x19000] =	vst v63  }
0xce: {  	_ =	swait.ge [sflag:s26], $0x1400  }
0xcf: {  	[sflag:s26] =	ssyncset.done $0x0  }
0xd0: {  	s12 =	sadd.s32 $0x1480, s6;
	[sflag:s26] =	ssyncadd.s32 $0xFFFFEC00  }
0xd1: {  	[spmem:s2] =	stream.indirect.scatter.add.f32 [tilespmem:s17], [sflag:$0xA], $0x28, s12, s15, $0xb8;
	[tilespmem:$0x19000] =	vst v63  }
0xd2: {  	_ =	swait.ge [sflag:s28], $0x1400  }
0xd3: {  	[sflag:s28] =	ssyncset.done $0x0  }
0xd4: {  	s24 =	sadd.s32 $0x1500, s6;
	[sflag:s28] =	ssyncadd.s32 $0xFFFFEC00  }
0xd5: {  	[spmem:s2] =	stream.indirect.scatter.add.f32 [tilespmem:s18], [sflag:$0xB], $0x28, s24, s15, $0xb8;
	[tilespmem:$0x19000] =	vst v63  }
0xd6: {  	_ =	swait.ge [sflag:s29], $0x1400  }
0xd7: {  	[sflag:s29] =	ssyncset.done $0x0  }
0xd8: {  	s12 =	sadd.s32 $0x1580, s6;
	[sflag:s29] =	ssyncadd.s32 $0xFFFFEC00  }
0xd9: {  	[spmem:s2] =	stream.indirect.scatter.add.f32 [tilespmem:s19], [sflag:$0xC], $0x28, s12, s15, $0xb8;
	[tilespmem:$0x19000] =	vst v63  }
0xda: {  	_ =	swait.ge [sflag:s30], $0x1400  }
0xdb: {  	[sflag:s30] =	ssyncset.done $0x0  }
0xdc: {  	s24 =	sadd.s32 $0x1600, s6;
	[sflag:s30] =	ssyncadd.s32 $0xFFFFEC00  }
0xdd: {  	[spmem:s2] =	stream.indirect.scatter.add.f32 [tilespmem:s20], [sflag:$0xD], $0x28, s24, s15, $0xb8;
	[tilespmem:$0x19000] =	vst v63  }
0xde: {  	_ =	swait.ge [sflag:s31], $0x1400  }
0xdf: {  	[sflag:s31] =	ssyncset.done $0x0  }
0xe0: {  	s12 =	sadd.s32 $0x1680, s6;
	[sflag:s31] =	ssyncadd.s32 $0xFFFFEC00  }
0xe1: {  	[spmem:s2] =	stream.indirect.scatter.add.f32 [tilespmem:s21], [sflag:$0xE], $0x28, s12, s15, $0xb8;
	[tilespmem:$0x19000] =	vst v63  }
0xe2: {  	_ =	swait.ge [sflag:s1], $0x1400  }
0xe3: {  	[sflag:s1] =	ssyncset.done $0x0  }
0xe4: {  	s24 =	sadd.s32 $0x1700, s6;
	[sflag:s1] =	ssyncadd.s32 $0xFFFFEC00  }
0xe5: {  	[spmem:s2] =	stream.indirect.scatter.add.f32 [tilespmem:s22], [sflag:$0xF], $0x28, s24, s15, $0xb8;
	[tilespmem:$0x19000] =	vst v63  }
0xe6: {  	_ =	swait.ge [sflag:s0], $0x1400  }
0xe7: {  	[sflag:s0] =	ssyncset.done $0x0  }
0xe8: {  	s6 =	sadd.s32 $0x1780, s6;
	[sflag:s0] =	ssyncadd.s32 $0xFFFFEC00  }
0xe9: {  	[spmem:s2] =	stream.indirect.scatter.add.f32 [tilespmem:s23], [sflag:$0x10], $0x28, s6, s15, $0xb8;
	[tilespmem:$0x19000] =	vst v63  }
0xea: {  	_ =	swait.ge [sflag:s14], $0x1400  }
0xeb: {  	[sflag:s14] =	ssyncset.done $0x0  }
0xec: {  	[sflag:s14] =	ssyncadd.s32 $0xFFFFEC00  }
0xed: {  	_ =	swait.ge [sflag:s4], $0x1400  }
0xee: {  	[sflag:s4] =	ssyncset.done $0x0  }
0xef: {  	[sflag:s4] =	ssyncadd.s32 $0xFFFFEC00  }
0xf0: {  	_ =	swait.ge [sflag:s5], $0x1400  }
0xf1: {  	[sflag:s5] =	ssyncset.done $0x0  }
0xf2: {  	[sflag:s5] =	ssyncadd.s32 $0xFFFFEC00  }
0xf3: {  	_ =	swait.ge [sflag:s7], $0x1400  }
0xf4: {  	[sflag:s7] =	ssyncset.done $0x0  }
0xf5: {  	[sflag:s7] =	ssyncadd.s32 $0xFFFFEC00  }
0xf6: {  	_ =	swait.ge [sflag:s8], $0x1400  }
0xf7: {  	[sflag:s8] =	ssyncset.done $0x0  }
0xf8: {  	[sflag:s8] =	ssyncadd.s32 $0xFFFFEC00  }
0xf9: {  	_ =	swait.ge [sflag:s9], $0x1400  }
0xfa: {  	[sflag:s9] =	ssyncset.done $0x0  }
0xfb: {  	[sflag:s9] =	ssyncadd.s32 $0xFFFFEC00  }
0xfc: {  	_ =	swait.ge [sflag:s10], $0x1400  }
0xfd: {  	[sflag:s10] =	ssyncset.done $0x0  }
0xfe: {  	[sflag:s10] =	ssyncadd.s32 $0xFFFFEC00  }
0xff: {  	_ =	swait.ge [sflag:s13], $0x1400  }
0x100: {  	[sflag:s13] =	ssyncset.done $0x0  }
0x101: {  	[sflag:s13] =	ssyncadd.s32 $0xFFFFEC00  }
0x102: {  	[bflag:$0x0] =	sbarrier.arrive $0xFFFF  }
0x103: {  	s12 =	rddreg [dreg:$0x5]  }
0x104: {  	s6 =	rddreg [dreg:$0xa]  }
0x105: {  	s24 =	rddreg [dreg:$0xc]  }
0x106: {  	[hbm:s24], [sflag:s12] =	dma.local [spmem:s6], $0xC80  }
0x107: {  	s24 =	simm.s32 $0x11  }
0x108: {  	_ =	swait.ge [sflag:s24], $0xC80  }
0x109: {  	s6 =	rddreg [dreg:$0xd]  }
0x10a: {  	s11 =	sadd.s32 $0x1, s6;
	s6 =	rddreg [dreg:$0x9]  }
0x10b: {  	p0 =	sne.s32 s11, s6  }
.Ltmp1:
0x10c: {  	_ = 	snop;
	(pc) =	sbr.rel @p0 .LBB2_1-.Ltmp1, $3  }
0x10d: {  	_ =	sdelay $0x1  }
0x10e: {  	[sflag:s24] =	ssyncset.done $0x0;
	[dreg:$0xd] =	wrdreg s11  }
0x10f: {  	[sflag:s24] =	ssyncadd.s32 $0xFFFFF380;
	s11 =	smov.u32 s12;
	s12 =	rddreg [dreg:$0xa]  }
0x110: {  	_ =	sfence.sel $0x180000  }
0x111: {  	[bflag:$0x0] =	sbarrier.arrive $0xFFFF  }
0x112: {  	_ =	strace $0x9000004D  }
0x113: {  	s0 =	stileid.u32;
	[bflag:$0x2] =	sbarrier.arrive $0xFFFF  }
0x114: {  	p0 =	sne.s32 s0, $0x0;
	s0 =	rddreg [dreg:$0x3]  }
0x115: {  	s0 =	sadd.s32 @!p0 $0x100000, s0  }
0x116: {  	[sflag:s0] =	ssyncadd.tile.s32 @!p0 $0x1;
	_ =	shalt  }
.Lfunc_end2:
_tile_overlayer_lowered:
.L_overlay_start_2:
0x117: {  	(tag) =	ssettag $0x2  }
0x118: {  	s0 =	rddreg [dreg:$0x0];
	s2 =	stileid.u32  }
0x119: {  	s1 =	rddreg [dreg:$0x1];
	p0 =	sne.s32 s2, $0x0  }
0x11a: {  	s3 =	rddreg [dreg:$0x2];
	[bflag:$0x3] =	sbarrier.arrive $0xFFFF;
	s2 =	simm.s32 @!p0 $0x1C11  }
0x11b: {  	[timem:s3], [sflag:s2] =	dma.local @!p0 [hbm:s0], s1  }
0x11c: {  	s0 =	simm.s32 @!p0 $0x11  }
0x11d: {  	_ =	swait.ge @!p0 [sflag:s0], s1  }
0x11e: {  	s1 =	ssub.s32 @!p0 $0x0, s1;
	[sflag:s0] =	ssyncset.done @!p0 $0x0  }
0x11f: {  	[sflag:s0] =	ssyncadd.s32 @!p0 s1  }
0x120: {  	[bflag:$0x3] =	sbarrier.arrive $0xFFFF  }
0x121: {  	_ =	shalt  }

// kernel: kernel.8.cloned.1.call-start
scs
__scs_entry_jumppad:
0x0: {  	(pc) =	sbr.rel $0x88, $3  }
0x1: {  	(tag) =	ssettag $0x0;
	lr =	simm.s32 $0x1  }
0x2: {  	[smem:$0x3F99] =	sst lr;
	_ =	strace $0xD0000000  }
0x3: {  	_ = 	snop  }
0x4: {  	_ = 	snop  }
0x5: {  	_ = 	snop  }
0x6: {  	_ = 	snop  }
0x7: {  	_ = 	snop  }
__scs_overlays_trampoline_lowered:
0x8: {  	[smem:$0x3FA8] =	sst s0  }
0x9: {  	[smem:$0x3FA9] =	sst s1  }
0xa: {  	[smem:$0x3FAA] =	sst s2  }
0xb: {  	[smem:$0x3FAB] =	sst s3  }
0xc: {  	[smem:$0x3FAC] =	sst s4  }
0xd: {  	[smem:$0x3FAD] =	sst s5  }
0xe: {  	[smem:$0x3FAE] =	sst s6  }
0xf: {  	[smem:$0x3FAF] =	sst s7  }
0x10: {  	[smem:$0x3FB0] =	sst s8  }
0x11: {  	[smem:$0x3FB1] =	sst s9;
	s0 =	simm.s32 @!p0 $0x0  }
0x12: {  	s1 =	sld [smem:$0x3F97];
	s0 =	simm.s32 @p0 $0x1  }
0x13: {  	[smem:$0x3FB2] =	sst s0;
	s0 =	simm.s32 @!p1 $0x0  }
0x14: {  	s2 =	sld [smem:$0x3F96];
	s0 =	simm.s32 @p1 $0x1  }
0x15: {  	[smem:$0x3FB3] =	sst s0;
	s0 =	simm.s32 @!p2 $0x0  }
0x16: {  	s3 =	sld [smem:$0x3FDB];
	s0 =	simm.s32 @p2 $0x1  }
0x17: {  	s4 =	simm.s32 $0x1BF5;
	[smem:$0x3FB5] =	sst s0  }
0x18: {  	s0 =	sld [smem:$0x3F98];
	_ =	swait.ge [sflag:s4], $0x0  }
0x19: {  	s7 =	sld [smem:$0x3F99]  }
0x1a: {  	s8 =	sadd.s32 $0xFFFFE003, lr  }
0x1b: {  	s9 =	sadd.s32 $0xFFFFFEF7, lr;
	s5 =	simm.s32 $0xFFFFFFFF;
	p2 =	slt.u32 s8, $0xFFFFF086  }
0x1c: {  	p1 =	slt.u32 s9, $0xF7A;
	s5 =	simm.s32 @!p2 $0x0  }
0x1d: {  	s5 =	simm.s32 @p1 $0x1;
	p0 =	seq.s32 s7, s2  }
0x1e: {  	s7 =	smul.u32 @!p0 $0xF7A, s2;
	p2 =	seq.s32 @!p0 s5, $0x0  }
0x1f: {  	s9 =	smul.u32 $0xF7A, s1;
	s8 =	simm.s32 @!p0 $0x1BF5;
	p2 =	por !p2, p0  }
0x20: {  	[sflag:s8] =	ssyncset.s32 @!p0 $0xFFFFF086;
	s6 =	sadd.s32 @!p0 s3, s7;
	s7 =	simm.s32 @!p0 $0x108  }
0x21: {  	s3 =	sadd.s32 s3, s9;
	s6 =	sadd.s32 @!p0 $0x88, s6;
	s7 =	simm.s32 @p2 $0x1082  }
0x22: {  	[simem:s7], [sflag:s8] =	dma.local @!p0 [hbm:s6], $0xF7A  }
0x23: {  	s9 =	sor.u32 $0xD0000000, s2;
	s6 =	simm.s32 $0x108;
	_ =	swait.ge @!p0 [sflag:s8], $0x0  }
0x24: {  	s3 =	sadd.s32 $0x88, s3;
	s6 =	simm.s32 @!p1 $0x1082;
	[sflag:s4] =	ssyncset.s32 $0xFFFFF086  }
0x25: {  	[simem:s6], [sflag:s4] =	dma.local [hbm:s3], $0xF7A  }
0x26: {  	[smem:$0x3F99] =	sst s1;
	(tag) =	ssettag s2;
	_ =	strace s9  }
0x27: {  	s1 =	sld [smem:$0x3FA9]  }
0x28: {  	s2 =	sld [smem:$0x3FAA]  }
0x29: {  	s4 =	sld [smem:$0x3FAC]  }
0x2a: {  	p0 =	seq.s32 s5, $0x0;
	s5 =	sld [smem:$0x3FAD]  }
0x2b: {  	s6 =	sld [smem:$0x3FAE]  }
0x2c: {  	s7 =	sld [smem:$0x3FAF]  }
0x2d: {  	s3 =	simm.s32 $0x108;
	s8 =	sld [smem:$0x3FB0]  }
0x2e: {  	s3 =	simm.s32 @!p0 $0x1082;
	s9 =	sld [smem:$0x3FB1]  }
0x2f: {  	lr =	sadd.s32 s0, s3;
	s0 =	sld [smem:$0x3FA8]  }
0x30: {  	s3 =	sld [smem:$0x3FAB]  }
0x31: {  	[smem:$0x3FB4] =	sst s10  }
0x32: {  	s10 =	sld [smem:$0x3FB2];
	_ =	sdelay $0x3  }
0x33: {  	p0 =	seq.s32 s10, $0x1;
	s10 =	sld [smem:$0x3FB4];
	_ =	sdelay $0x3  }
0x34: {  	[smem:$0x3FB4] =	sst s10  }
0x35: {  	s10 =	sld [smem:$0x3FB3];
	_ =	sdelay $0x3  }
0x36: {  	p1 =	seq.s32 s10, $0x1;
	s10 =	sld [smem:$0x3FB4];
	_ =	sdelay $0x3  }
0x37: {  	[smem:$0x3FB4] =	sst s10  }
0x38: {  	s10 =	sld [smem:$0x3FB5]  }
0x39: {  	_ = 	snop;
	(pc) =	sbr.ind lr, $3  }
0x3a: {  	_ = 	snop  }
0x3b: {  	_ = 	snop  }
0x3c: {  	p2 =	seq.s32 s10, $0x1;
	s10 =	sld [smem:$0x3FB4]  }
0x3d: {  	_ =	shalt  }
0x3e: {  	_ =	shalt  }
0x3f: {  	_ =	shalt  }
0x40: {  	_ =	shalt  }
0x41: {  	_ =	shalt  }
0x42: {  	_ =	shalt  }
0x43: {  	_ =	shalt  }
0x44: {  	_ =	shalt  }
0x45: {  	_ =	shalt  }
0x46: {  	_ =	shalt  }
0x47: {  	_ =	shalt  }
0x48: {  	_ =	shalt  }
0x49: {  	_ =	shalt  }
0x4a: {  	_ =	shalt  }
0x4b: {  	_ =	shalt  }
0x4c: {  	_ =	shalt  }
0x4d: {  	_ =	shalt  }
0x4e: {  	_ =	shalt  }
0x4f: {  	_ =	shalt  }
0x50: {  	_ =	shalt  }
0x51: {  	_ =	shalt  }
0x52: {  	_ =	shalt  }
0x53: {  	_ =	shalt  }
0x54: {  	_ =	shalt  }
0x55: {  	_ =	shalt  }
0x56: {  	_ =	shalt  }
0x57: {  	_ =	shalt  }
0x58: {  	_ =	shalt  }
0x59: {  	_ =	shalt  }
0x5a: {  	_ =	shalt  }
0x5b: {  	_ =	shalt  }
0x5c: {  	_ =	shalt  }
0x5d: {  	_ =	shalt  }
0x5e: {  	_ =	shalt  }
0x5f: {  	_ =	shalt  }
0x60: {  	_ =	shalt  }
0x61: {  	_ =	shalt  }
0x62: {  	_ =	shalt  }
0x63: {  	_ =	shalt  }
0x64: {  	_ =	shalt  }
0x65: {  	_ =	shalt  }
0x66: {  	_ =	shalt  }
0x67: {  	_ =	shalt  }
0x68: {  	_ =	shalt  }
0x69: {  	_ =	shalt  }
0x6a: {  	_ =	shalt  }
0x6b: {  	_ =	shalt  }
0x6c: {  	_ =	shalt  }
0x6d: {  	_ =	shalt  }
0x6e: {  	_ =	shalt  }
0x6f: {  	_ =	shalt  }
0x70: {  	_ =	shalt  }
0x71: {  	_ =	shalt  }
0x72: {  	_ =	shalt  }
0x73: {  	_ =	shalt  }
0x74: {  	_ =	shalt  }
0x75: {  	_ =	shalt  }
0x76: {  	_ =	shalt  }
0x77: {  	_ =	shalt  }
0x78: {  	_ =	shalt  }
0x79: {  	_ =	shalt  }
0x7a: {  	_ =	shalt  }
0x7b: {  	_ =	shalt  }
0x7c: {  	_ =	shalt  }
0x7d: {  	_ =	shalt  }
0x7e: {  	_ =	shalt  }
0x7f: {  	_ =	shalt  }
0x80: {  	_ =	shalt  }
0x81: {  	_ =	shalt  }
0x82: {  	_ =	shalt  }
0x83: {  	_ =	shalt  }
0x84: {  	_ =	shalt  }
0x85: {  	_ =	shalt  }
0x86: {  	_ =	shalt  }
0x87: {  	_ =	shalt  }
.Lfunc_end0:
.L_simem_size_0:
called_computation_lowered:
.L_overlay_start_0:
0x88: {  	s2 =	sld [smem:$0x3FD9]  }
0x89: {  	s3 =	sld [smem:$0x3FFE];
	_ =	sdelay $0x1  }
0x8a: {  	s1 =	srdreg.scid  }
0x8b: {  	s0 =	sand.u32 $0x1, s1  }
0x8c: {  	s16 =	sshll.u32 s0, $0xA;
	s2 =	sadd.s32 s3, s2  }
0x8d: {  	s2 =	sadd.s32 s2, s16  }
0x8e: {  	[smem:$0x3FC0] =	sst s2  }
0x8f: {  	_ = 	snop  }
0x90: {  	(tm) =	ssettm $0x1  }
0x91: {  	s17 =	sld [smem:$0x3FFB];
	_ =	sdelay $0x3  }
0x92: {  	_ =	strace s17  }
0x93: {  	s2 =	sld [smem:$0x3FFC];
	_ =	sdelay $0x3  }
0x94: {  	_ =	strace s2  }
0x95: {  	s2 =	sld [smem:$0x3FFD];
	_ =	sdelay $0x3  }
0x96: {  	_ =	strace s2  }
0x97: {  	_ =	strace $0x8FFFFFFF  }
0x98: {  	s18 =	sld [smem:$0x3FDB];
	_ =	sdelay $0x1  }
0x99: {  	s19 =	simm.s32 $_scs_section_size  }
0x9a: {  	s4 =	simm.s32 $_size__tile_overlayer_lowered;
	s5 =	simm.s32 $_tile_overlayer_lowered  }
0x9b: {  	s22 =	simm.s32 $0x1BFF;
	s21 =	sshll.u32 s5, $0x1;
	s2 =	sadd.s32 s19, s18  }
0x9c: {  	s6 =	simm.s32 $0x0;
	s20 =	sshll.u32 s4, $0x1;
	s4 =	sadd.s32 s21, s2  }
0x9d: {  	[timem:s6], [sflag:s22] =	dma.local [hbm:s4], s20  }
0x9e: {  	_ =	swait.ge [sflag:s22], s20  }
0x9f: {  	s3 =	ssub.s32 $0x0, s20;
	[sflag:s22] =	ssyncset.done $0x0  }
0xa0: {  	[sflag:s22] =	ssyncadd.s32 s3;
	_ =	sdelay $0x1  }
0xa1: {  	s23 =	simm.s32 $0x1B8B  }
0xa2: {  	_ =	swait.ge [sflag:s23], $0x1  }
0xa3: {  	[sflag:s23] =	ssyncset.done $0x0  }
0xa4: {  	s25 =	simm.s32 $0x1B8E;
	s24 =	sld [smem:$0x3FFE];
	[sflag:s23] =	ssyncadd.s32 $0xFFFFFFFF  }
0xa5: {  	s26 =	simm.s32 $execute0_lowered;
	[smem:$0x3FD2] =	sst s25  }
0xa6: {  	s4 =	sshll.u32 s26, $0x1;
	_ =	strace $0x80000046;
	[dreg:$0x1] =	wrdreg $0xFFFFFFFF  }
0xa7: {  	s28 =	simm.s32 $_size_execute0_lowered;
	s2 =	sadd.s32 s2, s4;
	[dreg:$0x0] =	wrdreg $0x0  }
0xa8: {  	s4 =	sshll.u32 s28, $0x1;
	[dreg:$0x2] =	wrdreg s2  }
0xa9: {  	[dreg:$0x3] =	wrdreg s4  }
0xaa: {  	[dreg:$0x4] =	wrdreg $0xC0  }
0xab: {  	_ =	task [dreg:s6], $0x5FFFF  }
0xac: {  	[dreg:$0x1] =	wrdreg $0xFFFFFFFF  }
0xad: {  	[dreg:$0x0] =	wrdreg $0x60  }
0xae: {  	[dreg:$0x2] =	wrdreg s24  }
0xaf: {  	[dreg:$0x3] =	wrdreg $0x18000  }
0xb0: {  	[dreg:$0x4] =	wrdreg $0x9  }
0xb1: {  	_ =	task.clear_ibuf [dreg:s6], $0x5FFFF;
	_ =	strace $0x90000046  }
0xb2: {  	s29 =	simm.s32 $0x9;
	_ =	strace $0x80000048  }
0xb3: {  	_ =	swait.ge [sflag:s29], $0x1  }
0xb4: {  	[sflag:s29] =	ssyncadd.s32 $0xFFFFFFFF  }
0xb5: {  	_ =	strace $0x90000048  }
0xb6: {  	_ =	sfence  }
0xb7: {  	s30 =	sld [smem:$0x0];
	_ =	sdelay $0x2  }
0xb8: {  	s31 =	sshll.u32 s1, $0xD;
	s1 =	sshrl.u32 s1, $0x2  }
0xb9: {  	s3 =	sand.u32 $0x4000, s31;
	s1 =	sadd.s32 s1, s30  }
0xba: {  	s0 =	sor.u32 s3, s0;
	s1 =	sshll.u32 s1, $0x11  }
0xbb: {  	s0 =	sor.u32 s1, s0  }
0xbc: {  	s0 =	sadd.s32 $0x8F2B, s0  }
0xbd: {  	[sflag:s0] =	ssyncadd.remote.s32 $0x1  }
0xbe: {  	_ =	sfence.sel $0xFFFF  }
0xbf: {  	[dreg:$0x0] =	wrdreg $0xFFFFFFFF;
	(pc) =	sbr.abs _section_cstart, $3  }
0xc0: {  	[dreg:$0x1] =	wrdreg $0xFFFFFFFF  }
0xc1: {  	_ =	task.clear_ibuf [dreg:s6], $0x2FFFF;
	_ =	strace $0x9FFFFFFF  }
0xc2: {  	(tm) =	ssettm $0x7FFFFFFF  }
0xc3: {  	_ =	shalt  }
tec
execute0_lowered:
.L_overlay_start_1:
0x0: {  	(tag) =	ssettag $0x1  }
0x1: {  	s0 =	rddreg [dreg:$0x0]  }
0x2: {  	s2 =	rddreg [dreg:$0x1];
	s31 =	simm.s32 $0x0  }
0x3: {  	[smem:$0x7FF] =	sst s31;
	s7 =	sadd.s32 $0xEA00, s0  }
0x4: {  	s19 =	simm.s32 $0x100;
	_ =	strace $0x80000047;
	[dreg:$0x3] =	wrdreg s7  }
0x5: {  	s20 =	simm.s32 $0x180;
	[dreg:$0x6] =	wrdreg s19  }
0x6: {  	s21 =	simm.s32 $0x200;
	[dreg:$0x7] =	wrdreg s20  }
0x7: {  	s1 =	srdreg.scid;
	s22 =	simm.s32 $0x280;
	[dreg:$0x8] =	wrdreg s21  }
0x8: {  	s17 =	stileid.u32;
	s24 =	simm.s32 $0x300;
	[dreg:$0x9] =	wrdreg s22  }
0x9: {  	s25 =	simm.s32 $0x380;
	s26 =	simm.s32 $0x400;
	[dreg:$0xa] =	wrdreg s24  }
0xa: {  	s8 =	simm.s32 $0x500;
	s9 =	simm.s32 $0x580;
	[dreg:$0xb] =	wrdreg s25  }
0xb: {  	s10 =	simm.s32 $0x600;
	s12 =	simm.s32 $0x680;
	[dreg:$0xc] =	wrdreg s26  }
0xc: {  	s13 =	simm.s32 $0x700;
	s14 =	simm.s32 $0x780;
	[dreg:$0xe] =	wrdreg s8  }
0xd: {  	s15 =	simm.s32 $0x800;
	s16 =	simm.s32 $0x880;
	[dreg:$0xf] =	wrdreg s9  }
0xe: {  	s28 =	simm.s32 $0xE00;
	s29 =	simm.s32 $0xE80;
	[dreg:$0x10] =	wrdreg s10  }
0xf: {  	s30 =	simm.s32 $0xF00;
	p0 =	por $0x0, $0x0;
	[dreg:$0x11] =	wrdreg s12  }
0x10: {  	s3 =	sand.u32 $0x1, s1;
	s18 =	sshll.u32 s17, $0x1;
	[dreg:$0x12] =	wrdreg s13  }
0x11: {  	s4 =	smul.u32 $0x1400, s17;
	s11 =	sshll.u32 s17, $0x6;
	[dreg:$0x13] =	wrdreg s14  }
0x12: {  	s1 =	sor.u32 s3, s18;
	s23 =	smul.u32 $0x2800, s3;
	[dreg:$0x14] =	wrdreg s15  }
0x13: {  	s3 =	ssub.s32 $0x2, s3;
	[dreg:$0x15] =	wrdreg s16;
	s18 =	simm.s32 $0x900  }
0x14: {  	s19 =	simm.s32 $0x980;
	s8 =	simm.s32 $0x80;
	s21 =	simm.s32 $0xA00  }
0x15: {  	s9 =	simm.s32 $0x1;
	s22 =	simm.s32 $0xA80;
	[dreg:$0x16] =	wrdreg s18  }
0x16: {  	s10 =	simm.s32 $0x2;
	s24 =	simm.s32 $0xB80;
	[dreg:$0x17] =	wrdreg s19  }
0x17: {  	s12 =	simm.s32 $0x4;
	s25 =	simm.s32 $0xC00;
	[dreg:$0x18] =	wrdreg s21  }
0x18: {  	s13 =	simm.s32 $0x5;
	s26 =	simm.s32 $0xC80;
	[dreg:$0x19] =	wrdreg s22  }
0x19: {  	s14 =	simm.s32 $0x6;
	s16 =	simm.s32 $0xD00;
	[dreg:$0x1b] =	wrdreg s24  }
0x1a: {  	s15 =	simm.s32 $0x7;
	s5 =	smul.u32 $0x280, s1;
	[dreg:$0x1c] =	wrdreg s25  }
0x1b: {  	s1 =	sshrl.u32 s4, $0x3;
	s7 =	sshrl.u32 s3, $0x1;
	[dreg:$0x1d] =	wrdreg s26  }
0x1c: {  	s4 =	sadd.s32 s4, s2;
	[dreg:$0x1e] =	wrdreg s16;
	s26 =	simm.s32 $0xD80  }
0x1d: {  	s18 =	simm.s32 $0xF80;
	s19 =	simm.s32 $0x1080;
	s6 =	sadd.s32 s1, s0  }
0x1e: {  	s21 =	simm.s32 $0x1180;
	s22 =	simm.s32 $0x1200;
	s6 =	sadd.s32 $0xC200, s6  }
0x1f: {  	s24 =	simm.s32 $0x1300;
	[dreg:$0x4] =	wrdreg s6;
	s6 =	simm.s32 $0x480  }
0x20: {  	s25 =	simm.s32 $0x1380;
	[dreg:$0xd] =	wrdreg s6;
	s6 =	ssub.s32 s3, s7  }
0x21: {  	s4 =	sshrl.u32 s4, $0x3;
	s5 =	sadd.s32 s5, s0;
	s20 =	smax.u32 s6, $0x1  }
0x22: {  	s0 =	sadd.s32 s23, s0;
	s23 =	simm.s32 $0xB00;
	p1 =	sne.s32 s20, $0x1  }
.Ltmp0:
0x23: {  	s5 =	sadd.s32 $0x7200, s5;
	[dreg:$0x1a] =	wrdreg s23;
	(pc) =	sbr.rel @!p1 .LBB2_1-.Ltmp0, $4  }
0x24: {  	s0 =	sadd.s32 $0xEC00, s0;
	s23 =	simm.s32 $0x1280;
	[dreg:$0x5] =	wrdreg s5  }
0x25: {  	s3 =	sor.u32 $0x1C09, s11;
	s5 =	simm.s32 $0x9;
	s11 =	simm.s32 $0x3  }
0x26: {  	s7 =	simm.s32 $0x8;
	s16 =	sadd.s32 s1, s0;
	s0 =	rddreg [dreg:$0x4]  }
0x27: {  	s6 =	simm.s32 $0x1400;
	s1 =	sadd.s32 $0xFFFFFFFF, s20;
	s20 =	simm.s32 $0x1100  }
0x28: {  	[spmem:s4], [sflag:s3] =	dma.local [hbm:s0], $0x280  }
0x29: {  	_ =	swait.ge [sflag:s5], $0x280  }
0x2a: {  	[sflag:s5] =	ssyncset.done $0x0  }
0x2b: {  	s17 =	rddreg [dreg:$0x3];
	[sflag:s5] =	ssyncadd.s32 $0xFFFFFD80  }
0x2c: {  	[tilespmem:s6], [sflag:$0x9] =	stream.linear.gather [hbm4b:s17+s31], $0x400, $0x38;
	[tilespmem:$0x2C00] =	vst v63  }
0x2d: {  	_ =	swait.ge [sflag:s5], $0x400  }
0x2e: {  	[sflag:s5] =	ssyncset.done $0x0  }
0x2f: {  	s17 =	rddreg [dreg:$0x5];
	[sflag:s5] =	ssyncadd.s32 $0xFFFFFC00  }
0x30: {  	[tilespmem:s31], [sflag:$0x9] =	stream.linear.gather [hbm4b:s17+s31], $0x1400, $0x38;
	[tilespmem:$0x2C00] =	vst v63  }
0x31: {  	_ =	swait.ge [sflag:s5], $0x1400  }
0x32: {  	[sflag:s5] =	ssyncset.done $0x0  }
0x33: {  	[sflag:s5] =	ssyncadd.s32 $0xFFFFEC00  }
0x34: {  	[bflag:$0x0] =	sbarrier.arrive $0xFFFF  }
0x35: {  	[spmem:s2] =	stream.indirect.scatter.add.f32 [tilespmem:s6], [sflag:$0x1], $0x8, s31, s8, $0xb8;
	[tilespmem:$0x2C00] =	vst v63  }
0x36: {  	_ = 	snop  }
0x37: {  	[spmem:s2] =	stream.indirect.scatter.add.f32 [tilespmem:s6], [sflag:$0x2], $0x8, s8, s8, $0xb8;
	[tilespmem:$0x2C00] =	vst v63  }
0x38: {  	s0 =	rddreg [dreg:$0x6]  }
0x39: {  	[spmem:s2] =	stream.indirect.scatter.add.f32 [tilespmem:s6], [sflag:$0x3], $0x8, s0, s8, $0xb8;
	[tilespmem:$0x2C00] =	vst v63  }
0x3a: {  	s17 =	smov.u32 s1;
	s1 =	rddreg [dreg:$0x7]  }
0x3b: {  	[spmem:s2] =	stream.indirect.scatter.add.f32 [tilespmem:s6], [sflag:$0x4], $0x8, s1, s8, $0xb8;
	[tilespmem:$0x2C00] =	vst v63  }
0x3c: {  	s0 =	rddreg [dreg:$0x8]  }
0x3d: {  	[spmem:s2] =	stream.indirect.scatter.add.f32 [tilespmem:s6], [sflag:$0x5], $0x8, s0, s8, $0xb8;
	[tilespmem:$0x2C00] =	vst v63  }
0x3e: {  	s1 =	rddreg [dreg:$0x9]  }
0x3f: {  	[spmem:s2] =	stream.indirect.scatter.add.f32 [tilespmem:s6], [sflag:$0x6], $0x8, s1, s8, $0xb8;
	[tilespmem:$0x2C00] =	vst v63  }
0x40: {  	s0 =	rddreg [dreg:$0xa]  }
0x41: {  	[spmem:s2] =	stream.indirect.scatter.add.f32 [tilespmem:s6], [sflag:$0x7], $0x8, s0, s8, $0xb8;
	[tilespmem:$0x2C00] =	vst v63  }
0x42: {  	s1 =	rddreg [dreg:$0xb]  }
0x43: {  	[spmem:s2] =	stream.indirect.scatter.add.f32 [tilespmem:s6], [sflag:$0x8], $0x8, s1, s8, $0xb8;
	[tilespmem:$0x2C00] =	vst v63  }
0x44: {  	_ =	swait.ge [sflag:s9], $0x400  }
0x45: {  	[sflag:s9] =	ssyncset.done $0x0  }
0x46: {  	[sflag:s9] =	ssyncadd.s32 $0xFFFFFC00  }
0x47: {  	_ =	swait.ge [sflag:s10], $0x400  }
0x48: {  	[sflag:s10] =	ssyncset.done $0x0  }
0x49: {  	[sflag:s10] =	ssyncadd.s32 $0xFFFFFC00  }
0x4a: {  	_ =	swait.ge [sflag:s11], $0x400  }
0x4b: {  	[sflag:s11] =	ssyncset.done $0x0  }
0x4c: {  	[sflag:s11] =	ssyncadd.s32 $0xFFFFFC00  }
0x4d: {  	_ =	swait.ge [sflag:s12], $0x400  }
0x4e: {  	[sflag:s12] =	ssyncset.done $0x0  }
0x4f: {  	[sflag:s12] =	ssyncadd.s32 $0xFFFFFC00  }
0x50: {  	_ =	swait.ge [sflag:s13], $0x400  }
0x51: {  	[sflag:s13] =	ssyncset.done $0x0  }
0x52: {  	[sflag:s13] =	ssyncadd.s32 $0xFFFFFC00  }
0x53: {  	_ =	swait.ge [sflag:s14], $0x400  }
0x54: {  	[sflag:s14] =	ssyncset.done $0x0  }
0x55: {  	[sflag:s14] =	ssyncadd.s32 $0xFFFFFC00  }
0x56: {  	_ =	swait.ge [sflag:s15], $0x400  }
0x57: {  	[sflag:s15] =	ssyncset.done $0x0  }
0x58: {  	[sflag:s15] =	ssyncadd.s32 $0xFFFFFC00  }
0x59: {  	_ =	swait.ge [sflag:s7], $0x400  }
0x5a: {  	[sflag:s7] =	ssyncset.done $0x0  }
0x5b: {  	s0 =	rddreg [dreg:$0xc];
	[sflag:s7] =	ssyncadd.s32 $0xFFFFFC00  }
0x5c: {  	[spmem:s2] =	stream.indirect.scatter.add.f32 [tilespmem:s6], [sflag:$0x1], $0x8, s0, s8, $0xb8;
	[tilespmem:$0x2C00] =	vst v63  }
0x5d: {  	s1 =	rddreg [dreg:$0xd]  }
0x5e: {  	[spmem:s2] =	stream.indirect.scatter.add.f32 [tilespmem:s6], [sflag:$0x2], $0x8, s1, s8, $0xb8;
	[tilespmem:$0x2C00] =	vst v63  }
0x5f: {  	s0 =	rddreg [dreg:$0xe]  }
0x60: {  	[spmem:s2] =	stream.indirect.scatter.add.f32 [tilespmem:s6], [sflag:$0x3], $0x8, s0, s8, $0xb8;
	[tilespmem:$0x2C00] =	vst v63  }
0x61: {  	s1 =	rddreg [dreg:$0xf]  }
0x62: {  	[spmem:s2] =	stream.indirect.scatter.add.f32 [tilespmem:s6], [sflag:$0x4], $0x8, s1, s8, $0xb8;
	[tilespmem:$0x2C00] =	vst v63  }
0x63: {  	s0 =	rddreg [dreg:$0x10]  }
0x64: {  	[spmem:s2] =	stream.indirect.scatter.add.f32 [tilespmem:s6], [sflag:$0x5], $0x8, s0, s8, $0xb8;
	[tilespmem:$0x2C00] =	vst v63  }
0x65: {  	s1 =	rddreg [dreg:$0x11]  }
0x66: {  	[spmem:s2] =	stream.indirect.scatter.add.f32 [tilespmem:s6], [sflag:$0x6], $0x8, s1, s8, $0xb8;
	[tilespmem:$0x2C00] =	vst v63  }
0x67: {  	s0 =	rddreg [dreg:$0x12]  }
0x68: {  	[spmem:s2] =	stream.indirect.scatter.add.f32 [tilespmem:s6], [sflag:$0x7], $0x8, s0, s8, $0xb8;
	[tilespmem:$0x2C00] =	vst v63  }
0x69: {  	s1 =	rddreg [dreg:$0x13]  }
0x6a: {  	[spmem:s2] =	stream.indirect.scatter.add.f32 [tilespmem:s6], [sflag:$0x8], $0x8, s1, s8, $0xb8;
	[tilespmem:$0x2C00] =	vst v63  }
0x6b: {  	_ =	swait.ge [sflag:s9], $0x400  }
0x6c: {  	[sflag:s9] =	ssyncset.done $0x0  }
0x6d: {  	[sflag:s9] =	ssyncadd.s32 $0xFFFFFC00  }
0x6e: {  	_ =	swait.ge [sflag:s10], $0x400  }
0x6f: {  	[sflag:s10] =	ssyncset.done $0x0  }
0x70: {  	[sflag:s10] =	ssyncadd.s32 $0xFFFFFC00  }
0x71: {  	_ =	swait.ge [sflag:s11], $0x400  }
0x72: {  	[sflag:s11] =	ssyncset.done $0x0  }
0x73: {  	[sflag:s11] =	ssyncadd.s32 $0xFFFFFC00  }
0x74: {  	_ =	swait.ge [sflag:s12], $0x400  }
0x75: {  	[sflag:s12] =	ssyncset.done $0x0  }
0x76: {  	[sflag:s12] =	ssyncadd.s32 $0xFFFFFC00  }
0x77: {  	_ =	swait.ge [sflag:s13], $0x400  }
0x78: {  	[sflag:s13] =	ssyncset.done $0x0  }
0x79: {  	[sflag:s13] =	ssyncadd.s32 $0xFFFFFC00  }
0x7a: {  	_ =	swait.ge [sflag:s14], $0x400  }
0x7b: {  	[sflag:s14] =	ssyncset.done $0x0  }
0x7c: {  	[sflag:s14] =	ssyncadd.s32 $0xFFFFFC00  }
0x7d: {  	_ =	swait.ge [sflag:s15], $0x400  }
0x7e: {  	[sflag:s15] =	ssyncset.done $0x0  }
0x7f: {  	[sflag:s15] =	ssyncadd.s32 $0xFFFFFC00  }
0x80: {  	_ =	swait.ge [sflag:s7], $0x400  }
0x81: {  	[sflag:s7] =	ssyncset.done $0x0  }
0x82: {  	s0 =	rddreg [dreg:$0x14];
	[sflag:s7] =	ssyncadd.s32 $0xFFFFFC00  }
0x83: {  	[spmem:s2] =	stream.indirect.scatter.add.f32 [tilespmem:s6], [sflag:$0x1], $0x8, s0, s8, $0xb8;
	[tilespmem:$0x2C00] =	vst v63  }
0x84: {  	s1 =	rddreg [dreg:$0x15]  }
0x85: {  	[spmem:s2] =	stream.indirect.scatter.add.f32 [tilespmem:s6], [sflag:$0x2], $0x8, s1, s8, $0xb8;
	[tilespmem:$0x2C00] =	vst v63  }
0x86: {  	s0 =	rddreg [dreg:$0x16]  }
0x87: {  	[spmem:s2] =	stream.indirect.scatter.add.f32 [tilespmem:s6], [sflag:$0x3], $0x8, s0, s8, $0xb8;
	[tilespmem:$0x2C00] =	vst v63  }
0x88: {  	s1 =	rddreg [dreg:$0x17]  }
0x89: {  	[spmem:s2] =	stream.indirect.scatter.add.f32 [tilespmem:s6], [sflag:$0x4], $0x8, s1, s8, $0xb8;
	[tilespmem:$0x2C00] =	vst v63  }
0x8a: {  	s0 =	rddreg [dreg:$0x18]  }
0x8b: {  	[spmem:s2] =	stream.indirect.scatter.add.f32 [tilespmem:s6], [sflag:$0x5], $0x8, s0, s8, $0xb8;
	[tilespmem:$0x2C00] =	vst v63  }
0x8c: {  	s1 =	rddreg [dreg:$0x19]  }
0x8d: {  	[spmem:s2] =	stream.indirect.scatter.add.f32 [tilespmem:s6], [sflag:$0x6], $0x8, s1, s8, $0xb8;
	[tilespmem:$0x2C00] =	vst v63  }
0x8e: {  	s0 =	rddreg [dreg:$0x1a]  }
0x8f: {  	[spmem:s2] =	stream.indirect.scatter.add.f32 [tilespmem:s6], [sflag:$0x7], $0x8, s0, s8, $0xb8;
	[tilespmem:$0x2C00] =	vst v63  }
0x90: {  	s1 =	rddreg [dreg:$0x1b]  }
0x91: {  	[spmem:s2] =	stream.indirect.scatter.add.f32 [tilespmem:s6], [sflag:$0x8], $0x8, s1, s8, $0xb8;
	[tilespmem:$0x2C00] =	vst v63  }
0x92: {  	_ =	swait.ge [sflag:s9], $0x400  }
0x93: {  	[sflag:s9] =	ssyncset.done $0x0  }
0x94: {  	[sflag:s9] =	ssyncadd.s32 $0xFFFFFC00  }
0x95: {  	_ =	swait.ge [sflag:s10], $0x400  }
0x96: {  	[sflag:s10] =	ssyncset.done $0x0  }
0x97: {  	[sflag:s10] =	ssyncadd.s32 $0xFFFFFC00  }
0x98: {  	_ =	swait.ge [sflag:s11], $0x400  }
0x99: {  	[sflag:s11] =	ssyncset.done $0x0  }
0x9a: {  	[sflag:s11] =	ssyncadd.s32 $0xFFFFFC00  }
0x9b: {  	_ =	swait.ge [sflag:s12], $0x400  }
0x9c: {  	[sflag:s12] =	ssyncset.done $0x0  }
0x9d: {  	[sflag:s12] =	ssyncadd.s32 $0xFFFFFC00  }
0x9e: {  	_ =	swait.ge [sflag:s13], $0x400  }
0x9f: {  	[sflag:s13] =	ssyncset.done $0x0  }
0xa0: {  	[sflag:s13] =	ssyncadd.s32 $0xFFFFFC00  }
0xa1: {  	_ =	swait.ge [sflag:s14], $0x400  }
0xa2: {  	[sflag:s14] =	ssyncset.done $0x0  }
0xa3: {  	[sflag:s14] =	ssyncadd.s32 $0xFFFFFC00  }
0xa4: {  	_ =	swait.ge [sflag:s15], $0x400  }
0xa5: {  	[sflag:s15] =	ssyncset.done $0x0  }
0xa6: {  	[sflag:s15] =	ssyncadd.s32 $0xFFFFFC00  }
0xa7: {  	_ =	swait.ge [sflag:s7], $0x400  }
0xa8: {  	[sflag:s7] =	ssyncset.done $0x0  }
0xa9: {  	s0 =	rddreg [dreg:$0x1c];
	[sflag:s7] =	ssyncadd.s32 $0xFFFFFC00  }
0xaa: {  	[spmem:s2] =	stream.indirect.scatter.add.f32 [tilespmem:s6], [sflag:$0x1], $0x8, s0, s8, $0xb8;
	[tilespmem:$0x2C00] =	vst v63  }
0xab: {  	s1 =	rddreg [dreg:$0x1d]  }
0xac: {  	[spmem:s2] =	stream.indirect.scatter.add.f32 [tilespmem:s6], [sflag:$0x2], $0x8, s1, s8, $0xb8;
	[tilespmem:$0x2C00] =	vst v63  }
0xad: {  	s0 =	rddreg [dreg:$0x1e]  }
0xae: {  	[spmem:s2] =	stream.indirect.scatter.add.f32 [tilespmem:s6], [sflag:$0x3], $0x8, s0, s8, $0xb8;
	[tilespmem:$0x2C00] =	vst v63  }
0xaf: {  	_ = 	snop  }
0xb0: {  	[spmem:s2] =	stream.indirect.scatter.add.f32 [tilespmem:s6], [sflag:$0x4], $0x8, s26, s8, $0xb8;
	[tilespmem:$0x2C00] =	vst v63  }
0xb1: {  	_ = 	snop  }
0xb2: {  	[spmem:s2] =	stream.indirect.scatter.add.f32 [tilespmem:s6], [sflag:$0x5], $0x8, s28, s8, $0xb8;
	[tilespmem:$0x2C00] =	vst v63  }
0xb3: {  	_ = 	snop  }
0xb4: {  	[spmem:s2] =	stream.indirect.scatter.add.f32 [tilespmem:s6], [sflag:$0x6], $0x8, s29, s8, $0xb8;
	[tilespmem:$0x2C00] =	vst v63  }
0xb5: {  	_ = 	snop  }
0xb6: {  	[spmem:s2] =	stream.indirect.scatter.add.f32 [tilespmem:s6], [sflag:$0x7], $0x8, s30, s8, $0xb8;
	[tilespmem:$0x2C00] =	vst v63  }
0xb7: {  	_ = 	snop  }
0xb8: {  	[spmem:s2] =	stream.indirect.scatter.add.f32 [tilespmem:s6], [sflag:$0x8], $0x8, s18, s8, $0xb8;
	[tilespmem:$0x2C00] =	vst v63  }
0xb9: {  	_ =	swait.ge [sflag:s9], $0x400  }
0xba: {  	[sflag:s9] =	ssyncset.done $0x0  }
0xbb: {  	[sflag:s9] =	ssyncadd.s32 $0xFFFFFC00  }
0xbc: {  	_ =	swait.ge [sflag:s10], $0x400  }
0xbd: {  	[sflag:s10] =	ssyncset.done $0x0  }
0xbe: {  	[sflag:s10] =	ssyncadd.s32 $0xFFFFFC00  }
0xbf: {  	_ =	swait.ge [sflag:s11], $0x400  }
0xc0: {  	[sflag:s11] =	ssyncset.done $0x0  }
0xc1: {  	[sflag:s11] =	ssyncadd.s32 $0xFFFFFC00  }
0xc2: {  	_ =	swait.ge [sflag:s12], $0x400  }
0xc3: {  	[sflag:s12] =	ssyncset.done $0x0  }
0xc4: {  	[sflag:s12] =	ssyncadd.s32 $0xFFFFFC00  }
0xc5: {  	_ =	swait.ge [sflag:s13], $0x400  }
0xc6: {  	[sflag:s13] =	ssyncset.done $0x0  }
0xc7: {  	[sflag:s13] =	ssyncadd.s32 $0xFFFFFC00  }
0xc8: {  	_ =	swait.ge [sflag:s14], $0x400  }
0xc9: {  	[sflag:s14] =	ssyncset.done $0x0  }
0xca: {  	[sflag:s14] =	ssyncadd.s32 $0xFFFFFC00  }
0xcb: {  	_ =	swait.ge [sflag:s15], $0x400  }
0xcc: {  	[sflag:s15] =	ssyncset.done $0x0  }
0xcd: {  	[sflag:s15] =	ssyncadd.s32 $0xFFFFFC00  }
0xce: {  	_ =	swait.ge [sflag:s7], $0x400  }
0xcf: {  	[sflag:s7] =	ssyncset.done $0x0  }
0xd0: {  	s1 =	simm.s32 $0x1000;
	[sflag:s7] =	ssyncadd.s32 $0xFFFFFC00  }
0xd1: {  	[spmem:s2] =	stream.indirect.scatter.add.f32 [tilespmem:s6], [sflag:$0x1], $0x8, s1, s8, $0xb8;
	[tilespmem:$0x2C00] =	vst v63  }
0xd2: {  	_ = 	snop  }
0xd3: {  	[spmem:s2] =	stream.indirect.scatter.add.f32 [tilespmem:s6], [sflag:$0x2], $0x8, s19, s8, $0xb8;
	[tilespmem:$0x2C00] =	vst v63  }
0xd4: {  	_ = 	snop  }
0xd5: {  	[spmem:s2] =	stream.indirect.scatter.add.f32 [tilespmem:s6], [sflag:$0x3], $0x8, s20, s8, $0xb8;
	[tilespmem:$0x2C00] =	vst v63  }
0xd6: {  	_ = 	snop  }
0xd7: {  	[spmem:s2] =	stream.indirect.scatter.add.f32 [tilespmem:s6], [sflag:$0x4], $0x8, s21, s8, $0xb8;
	[tilespmem:$0x2C00] =	vst v63  }
0xd8: {  	_ = 	snop  }
0xd9: {  	[spmem:s2] =	stream.indirect.scatter.add.f32 [tilespmem:s6], [sflag:$0x5], $0x8, s22, s8, $0xb8;
	[tilespmem:$0x2C00] =	vst v63  }
0xda: {  	_ = 	snop  }
0xdb: {  	[spmem:s2] =	stream.indirect.scatter.add.f32 [tilespmem:s6], [sflag:$0x6], $0x8, s23, s8, $0xb8;
	[tilespmem:$0x2C00] =	vst v63  }
0xdc: {  	_ = 	snop  }
0xdd: {  	[spmem:s2] =	stream.indirect.scatter.add.f32 [tilespmem:s6], [sflag:$0x7], $0x8, s24, s8, $0xb8;
	[tilespmem:$0x2C00] =	vst v63  }
0xde: {  	_ = 	snop  }
0xdf: {  	[spmem:s2] =	stream.indirect.scatter.add.f32 [tilespmem:s6], [sflag:$0x8], $0x8, s25, s8, $0xb8;
	[tilespmem:$0x2C00] =	vst v63  }
0xe0: {  	_ =	swait.ge [sflag:s9], $0x400  }
0xe1: {  	[sflag:s9] =	ssyncset.done $0x0  }
0xe2: {  	[sflag:s9] =	ssyncadd.s32 $0xFFFFFC00  }
0xe3: {  	_ =	swait.ge [sflag:s10], $0x400  }
0xe4: {  	[sflag:s10] =	ssyncset.done $0x0  }
0xe5: {  	[sflag:s10] =	ssyncadd.s32 $0xFFFFFC00  }
0xe6: {  	_ =	swait.ge [sflag:s11], $0x400  }
0xe7: {  	[sflag:s11] =	ssyncset.done $0x0  }
0xe8: {  	[sflag:s11] =	ssyncadd.s32 $0xFFFFFC00  }
0xe9: {  	_ =	swait.ge [sflag:s12], $0x400  }
0xea: {  	[sflag:s12] =	ssyncset.done $0x0  }
0xeb: {  	[sflag:s12] =	ssyncadd.s32 $0xFFFFFC00  }
0xec: {  	_ =	swait.ge [sflag:s13], $0x400  }
0xed: {  	[sflag:s13] =	ssyncset.done $0x0  }
0xee: {  	[sflag:s13] =	ssyncadd.s32 $0xFFFFFC00  }
0xef: {  	_ =	swait.ge [sflag:s14], $0x400  }
0xf0: {  	[sflag:s14] =	ssyncset.done $0x0  }
0xf1: {  	[sflag:s14] =	ssyncadd.s32 $0xFFFFFC00  }
0xf2: {  	_ =	swait.ge [sflag:s15], $0x400  }
0xf3: {  	[sflag:s15] =	ssyncset.done $0x0  }
0xf4: {  	[sflag:s15] =	ssyncadd.s32 $0xFFFFFC00  }
0xf5: {  	_ =	swait.ge [sflag:s7], $0x400  }
0xf6: {  	p1 =	sne.s32 s17, $0x1;
	[sflag:s7] =	ssyncset.done $0x0  }
.Ltmp1:
0xf7: {  	[sflag:s7] =	ssyncadd.s32 $0xFFFFFC00;
	(pc) =	sbr.rel @!p1 .LBB2_3-.Ltmp1, $4  }
0xf8: {  	[bflag:$0x0] =	sbarrier.arrive $0xFFFF  }
0xf9: {  	[hbm:s16], [sflag:s3] =	dma.local [spmem:s4], $0x280  }
0xfa: {  	p0 =	por $0x1, $0x1;
	_ =	swait.ge [sflag:s5], $0x280  }
0xfb: {  	s1 =	sadd.s32 $0xFFFFFFFF, s17;
	s0 =	rddreg [dreg:$0x4];
	[sflag:s5] =	ssyncset.done $0x0  }
.LBB2_4:
0xfc: {  	[sflag:s5] =	ssyncadd.s32 $0xFFFFFD80  }
0xfd: {  	[spmem:s4], [sflag:s3] =	dma.local [hbm:s0], $0x280  }
0xfe: {  	_ =	swait.ge [sflag:s5], $0x280  }
0xff: {  	[sflag:s5] =	ssyncset.done $0x0  }
0x100: {  	s17 =	rddreg [dreg:$0x3];
	[sflag:s5] =	ssyncadd.s32 $0xFFFFFD80  }
0x101: {  	[tilespmem:s6], [sflag:$0x9] =	stream.linear.gather [hbm4b:s17+s31], $0x400, $0x38;
	[tilespmem:$0x2C00] =	vst v63  }
0x102: {  	_ =	swait.ge [sflag:s5], $0x400  }
0x103: {  	[sflag:s5] =	ssyncset.done $0x0  }
0x104: {  	s17 =	rddreg [dreg:$0x5];
	[sflag:s5] =	ssyncadd.s32 $0xFFFFFC00  }
0x105: {  	[tilespmem:s31], [sflag:$0x9] =	stream.linear.gather [hbm4b:s17+s31], $0x1400, $0x38;
	[tilespmem:$0x2C00] =	vst v63  }
0x106: {  	_ =	swait.ge [sflag:s5], $0x1400  }
0x107: {  	[sflag:s5] =	ssyncset.done $0x0  }
0x108: {  	[sflag:s5] =	ssyncadd.s32 $0xFFFFEC00  }
0x109: {  	[bflag:$0x0] =	sbarrier.arrive $0xFFFF  }
0x10a: {  	[spmem:s2] =	stream.indirect.scatter.add.f32 [tilespmem:s6], [sflag:$0x1], $0x8, s31, s8, $0xb8;
	[tilespmem:$0x2C00] =	vst v63  }
0x10b: {  	_ = 	snop  }
0x10c: {  	[spmem:s2] =	stream.indirect.scatter.add.f32 [tilespmem:s6], [sflag:$0x2], $0x8, s8, s8, $0xb8;
	[tilespmem:$0x2C00] =	vst v63  }
0x10d: {  	s0 =	rddreg [dreg:$0x6]  }
0x10e: {  	[spmem:s2] =	stream.indirect.scatter.add.f32 [tilespmem:s6], [sflag:$0x3], $0x8, s0, s8, $0xb8;
	[tilespmem:$0x2C00] =	vst v63  }
0x10f: {  	s17 =	rddreg [dreg:$0x7]  }
0x110: {  	[spmem:s2] =	stream.indirect.scatter.add.f32 [tilespmem:s6], [sflag:$0x4], $0x8, s17, s8, $0xb8;
	[tilespmem:$0x2C00] =	vst v63  }
0x111: {  	s0 =	rddreg [dreg:$0x8]  }
0x112: {  	[spmem:s2] =	stream.indirect.scatter.add.f32 [tilespmem:s6], [sflag:$0x5], $0x8, s0, s8, $0xb8;
	[tilespmem:$0x2C00] =	vst v63  }
0x113: {  	s17 =	rddreg [dreg:$0x9]  }
0x114: {  	[spmem:s2] =	stream.indirect.scatter.add.f32 [tilespmem:s6], [sflag:$0x6], $0x8, s17, s8, $0xb8;
	[tilespmem:$0x2C00] =	vst v63  }
0x115: {  	s0 =	rddreg [dreg:$0xa]  }
0x116: {  	[spmem:s2] =	stream.indirect.scatter.add.f32 [tilespmem:s6], [sflag:$0x7], $0x8, s0, s8, $0xb8;
	[tilespmem:$0x2C00] =	vst v63  }
0x117: {  	s17 =	rddreg [dreg:$0xb]  }
0x118: {  	[spmem:s2] =	stream.indirect.scatter.add.f32 [tilespmem:s6], [sflag:$0x8], $0x8, s17, s8, $0xb8;
	[tilespmem:$0x2C00] =	vst v63  }
0x119: {  	_ =	swait.ge [sflag:s9], $0x400  }
0x11a: {  	[sflag:s9] =	ssyncset.done $0x0  }
0x11b: {  	[sflag:s9] =	ssyncadd.s32 $0xFFFFFC00  }
0x11c: {  	_ =	swait.ge [sflag:s10], $0x400  }
0x11d: {  	[sflag:s10] =	ssyncset.done $0x0  }
0x11e: {  	[sflag:s10] =	ssyncadd.s32 $0xFFFFFC00  }
0x11f: {  	_ =	swait.ge [sflag:s11], $0x400  }
0x120: {  	[sflag:s11] =	ssyncset.done $0x0  }
0x121: {  	[sflag:s11] =	ssyncadd.s32 $0xFFFFFC00  }
0x122: {  	_ =	swait.ge [sflag:s12], $0x400  }
0x123: {  	[sflag:s12] =	ssyncset.done $0x0  }
0x124: {  	[sflag:s12] =	ssyncadd.s32 $0xFFFFFC00  }
0x125: {  	_ =	swait.ge [sflag:s13], $0x400  }
0x126: {  	[sflag:s13] =	ssyncset.done $0x0  }
0x127: {  	[sflag:s13] =	ssyncadd.s32 $0xFFFFFC00  }
0x128: {  	_ =	swait.ge [sflag:s14], $0x400  }
0x129: {  	[sflag:s14] =	ssyncset.done $0x0  }
0x12a: {  	[sflag:s14] =	ssyncadd.s32 $0xFFFFFC00  }
0x12b: {  	_ =	swait.ge [sflag:s15], $0x400  }
0x12c: {  	[sflag:s15] =	ssyncset.done $0x0  }
0x12d: {  	[sflag:s15] =	ssyncadd.s32 $0xFFFFFC00  }
0x12e: {  	_ =	swait.ge [sflag:s7], $0x400  }
0x12f: {  	[sflag:s7] =	ssyncset.done $0x0  }
0x130: {  	s0 =	rddreg [dreg:$0xc];
	[sflag:s7] =	ssyncadd.s32 $0xFFFFFC00  }
0x131: {  	[spmem:s2] =	stream.indirect.scatter.add.f32 [tilespmem:s6], [sflag:$0x1], $0x8, s0, s8, $0xb8;
	[tilespmem:$0x2C00] =	vst v63  }
0x132: {  	s17 =	rddreg [dreg:$0xd]  }
0x133: {  	[spmem:s2] =	stream.indirect.scatter.add.f32 [tilespmem:s6], [sflag:$0x2], $0x8, s17, s8, $0xb8;
	[tilespmem:$0x2C00] =	vst v63  }
0x134: {  	s0 =	rddreg [dreg:$0xe]  }
0x135: {  	[spmem:s2] =	stream.indirect.scatter.add.f32 [tilespmem:s6], [sflag:$0x3], $0x8, s0, s8, $0xb8;
	[tilespmem:$0x2C00] =	vst v63  }
0x136: {  	s17 =	rddreg [dreg:$0xf]  }
0x137: {  	[spmem:s2] =	stream.indirect.scatter.add.f32 [tilespmem:s6], [sflag:$0x4], $0x8, s17, s8, $0xb8;
	[tilespmem:$0x2C00] =	vst v63  }
0x138: {  	s0 =	rddreg [dreg:$0x10]  }
0x139: {  	[spmem:s2] =	stream.indirect.scatter.add.f32 [tilespmem:s6], [sflag:$0x5], $0x8, s0, s8, $0xb8;
	[tilespmem:$0x2C00] =	vst v63  }
0x13a: {  	s17 =	rddreg [dreg:$0x11]  }
0x13b: {  	[spmem:s2] =	stream.indirect.scatter.add.f32 [tilespmem:s6], [sflag:$0x6], $0x8, s17, s8, $0xb8;
	[tilespmem:$0x2C00] =	vst v63  }
0x13c: {  	s0 =	rddreg [dreg:$0x12]  }
0x13d: {  	[spmem:s2] =	stream.indirect.scatter.add.f32 [tilespmem:s6], [sflag:$0x7], $0x8, s0, s8, $0xb8;
	[tilespmem:$0x2C00] =	vst v63  }
0x13e: {  	s17 =	rddreg [dreg:$0x13]  }
0x13f: {  	[spmem:s2] =	stream.indirect.scatter.add.f32 [tilespmem:s6], [sflag:$0x8], $0x8, s17, s8, $0xb8;
	[tilespmem:$0x2C00] =	vst v63  }
0x140: {  	_ =	swait.ge [sflag:s9], $0x400  }
0x141: {  	[sflag:s9] =	ssyncset.done $0x0  }
0x142: {  	[sflag:s9] =	ssyncadd.s32 $0xFFFFFC00  }
0x143: {  	_ =	swait.ge [sflag:s10], $0x400  }
0x144: {  	[sflag:s10] =	ssyncset.done $0x0  }
0x145: {  	[sflag:s10] =	ssyncadd.s32 $0xFFFFFC00  }
0x146: {  	_ =	swait.ge [sflag:s11], $0x400  }
0x147: {  	[sflag:s11] =	ssyncset.done $0x0  }
0x148: {  	[sflag:s11] =	ssyncadd.s32 $0xFFFFFC00  }
0x149: {  	_ =	swait.ge [sflag:s12], $0x400  }
0x14a: {  	[sflag:s12] =	ssyncset.done $0x0  }
0x14b: {  	[sflag:s12] =	ssyncadd.s32 $0xFFFFFC00  }
0x14c: {  	_ =	swait.ge [sflag:s13], $0x400  }
0x14d: {  	[sflag:s13] =	ssyncset.done $0x0  }
0x14e: {  	[sflag:s13] =	ssyncadd.s32 $0xFFFFFC00  }
0x14f: {  	_ =	swait.ge [sflag:s14], $0x400  }
0x150: {  	[sflag:s14] =	ssyncset.done $0x0  }
0x151: {  	[sflag:s14] =	ssyncadd.s32 $0xFFFFFC00  }
0x152: {  	_ =	swait.ge [sflag:s15], $0x400  }
0x153: {  	[sflag:s15] =	ssyncset.done $0x0  }
0x154: {  	[sflag:s15] =	ssyncadd.s32 $0xFFFFFC00  }
0x155: {  	_ =	swait.ge [sflag:s7], $0x400  }
0x156: {  	[sflag:s7] =	ssyncset.done $0x0  }
0x157: {  	s0 =	rddreg [dreg:$0x14];
	[sflag:s7] =	ssyncadd.s32 $0xFFFFFC00  }
0x158: {  	[spmem:s2] =	stream.indirect.scatter.add.f32 [tilespmem:s6], [sflag:$0x1], $0x8, s0, s8, $0xb8;
	[tilespmem:$0x2C00] =	vst v63  }
0x159: {  	s17 =	rddreg [dreg:$0x15]  }
0x15a: {  	[spmem:s2] =	stream.indirect.scatter.add.f32 [tilespmem:s6], [sflag:$0x2], $0x8, s17, s8, $0xb8;
	[tilespmem:$0x2C00] =	vst v63  }
0x15b: {  	s0 =	rddreg [dreg:$0x16]  }
0x15c: {  	[spmem:s2] =	stream.indirect.scatter.add.f32 [tilespmem:s6], [sflag:$0x3], $0x8, s0, s8, $0xb8;
	[tilespmem:$0x2C00] =	vst v63  }
0x15d: {  	s17 =	rddreg [dreg:$0x17]  }
0x15e: {  	[spmem:s2] =	stream.indirect.scatter.add.f32 [tilespmem:s6], [sflag:$0x4], $0x8, s17, s8, $0xb8;
	[tilespmem:$0x2C00] =	vst v63  }
0x15f: {  	s0 =	rddreg [dreg:$0x18]  }
0x160: {  	[spmem:s2] =	stream.indirect.scatter.add.f32 [tilespmem:s6], [sflag:$0x5], $0x8, s0, s8, $0xb8;
	[tilespmem:$0x2C00] =	vst v63  }
0x161: {  	s17 =	rddreg [dreg:$0x19]  }
0x162: {  	[spmem:s2] =	stream.indirect.scatter.add.f32 [tilespmem:s6], [sflag:$0x6], $0x8, s17, s8, $0xb8;
	[tilespmem:$0x2C00] =	vst v63  }
0x163: {  	s0 =	rddreg [dreg:$0x1a]  }
0x164: {  	[spmem:s2] =	stream.indirect.scatter.add.f32 [tilespmem:s6], [sflag:$0x7], $0x8, s0, s8, $0xb8;
	[tilespmem:$0x2C00] =	vst v63  }
0x165: {  	s17 =	rddreg [dreg:$0x1b]  }
0x166: {  	[spmem:s2] =	stream.indirect.scatter.add.f32 [tilespmem:s6], [sflag:$0x8], $0x8, s17, s8, $0xb8;
	[tilespmem:$0x2C00] =	vst v63  }
0x167: {  	_ =	swait.ge [sflag:s9], $0x400  }
0x168: {  	[sflag:s9] =	ssyncset.done $0x0  }
0x169: {  	[sflag:s9] =	ssyncadd.s32 $0xFFFFFC00  }
0x16a: {  	_ =	swait.ge [sflag:s10], $0x400  }
0x16b: {  	[sflag:s10] =	ssyncset.done $0x0  }
0x16c: {  	[sflag:s10] =	ssyncadd.s32 $0xFFFFFC00  }
0x16d: {  	_ =	swait.ge [sflag:s11], $0x400  }
0x16e: {  	[sflag:s11] =	ssyncset.done $0x0  }
0x16f: {  	[sflag:s11] =	ssyncadd.s32 $0xFFFFFC00  }
0x170: {  	_ =	swait.ge [sflag:s12], $0x400  }
0x171: {  	[sflag:s12] =	ssyncset.done $0x0  }
0x172: {  	[sflag:s12] =	ssyncadd.s32 $0xFFFFFC00  }
0x173: {  	_ =	swait.ge [sflag:s13], $0x400  }
0x174: {  	[sflag:s13] =	ssyncset.done $0x0  }
0x175: {  	[sflag:s13] =	ssyncadd.s32 $0xFFFFFC00  }
0x176: {  	_ =	swait.ge [sflag:s14], $0x400  }
0x177: {  	[sflag:s14] =	ssyncset.done $0x0  }
0x178: {  	[sflag:s14] =	ssyncadd.s32 $0xFFFFFC00  }
0x179: {  	_ =	swait.ge [sflag:s15], $0x400  }
0x17a: {  	[sflag:s15] =	ssyncset.done $0x0  }
0x17b: {  	[sflag:s15] =	ssyncadd.s32 $0xFFFFFC00  }
0x17c: {  	_ =	swait.ge [sflag:s7], $0x400  }
0x17d: {  	[sflag:s7] =	ssyncset.done $0x0  }
0x17e: {  	s0 =	rddreg [dreg:$0x1c];
	[sflag:s7] =	ssyncadd.s32 $0xFFFFFC00  }
0x17f: {  	[spmem:s2] =	stream.indirect.scatter.add.f32 [tilespmem:s6], [sflag:$0x1], $0x8, s0, s8, $0xb8;
	[tilespmem:$0x2C00] =	vst v63  }
0x180: {  	s17 =	rddreg [dreg:$0x1d]  }
0x181: {  	[spmem:s2] =	stream.indirect.scatter.add.f32 [tilespmem:s6], [sflag:$0x2], $0x8, s17, s8, $0xb8;
	[tilespmem:$0x2C00] =	vst v63  }
0x182: {  	s0 =	rddreg [dreg:$0x1e]  }
0x183: {  	[spmem:s2] =	stream.indirect.scatter.add.f32 [tilespmem:s6], [sflag:$0x3], $0x8, s0, s8, $0xb8;
	[tilespmem:$0x2C00] =	vst v63  }
0x184: {  	_ = 	snop  }
0x185: {  	[spmem:s2] =	stream.indirect.scatter.add.f32 [tilespmem:s6], [sflag:$0x4], $0x8, s26, s8, $0xb8;
	[tilespmem:$0x2C00] =	vst v63  }
0x186: {  	_ = 	snop  }
0x187: {  	[spmem:s2] =	stream.indirect.scatter.add.f32 [tilespmem:s6], [sflag:$0x5], $0x8, s28, s8, $0xb8;
	[tilespmem:$0x2C00] =	vst v63  }
0x188: {  	_ = 	snop  }
0x189: {  	[spmem:s2] =	stream.indirect.scatter.add.f32 [tilespmem:s6], [sflag:$0x6], $0x8, s29, s8, $0xb8;
	[tilespmem:$0x2C00] =	vst v63  }
0x18a: {  	_ = 	snop  }
0x18b: {  	[spmem:s2] =	stream.indirect.scatter.add.f32 [tilespmem:s6], [sflag:$0x7], $0x8, s30, s8, $0xb8;
	[tilespmem:$0x2C00] =	vst v63  }
0x18c: {  	_ = 	snop  }
0x18d: {  	[spmem:s2] =	stream.indirect.scatter.add.f32 [tilespmem:s6], [sflag:$0x8], $0x8, s18, s8, $0xb8;
	[tilespmem:$0x2C00] =	vst v63  }
0x18e: {  	_ =	swait.ge [sflag:s9], $0x400  }
0x18f: {  	[sflag:s9] =	ssyncset.done $0x0  }
0x190: {  	[sflag:s9] =	ssyncadd.s32 $0xFFFFFC00  }
0x191: {  	_ =	swait.ge [sflag:s10], $0x400  }
0x192: {  	[sflag:s10] =	ssyncset.done $0x0  }
0x193: {  	[sflag:s10] =	ssyncadd.s32 $0xFFFFFC00  }
0x194: {  	_ =	swait.ge [sflag:s11], $0x400  }
0x195: {  	[sflag:s11] =	ssyncset.done $0x0  }
0x196: {  	[sflag:s11] =	ssyncadd.s32 $0xFFFFFC00  }
0x197: {  	_ =	swait.ge [sflag:s12], $0x400  }
0x198: {  	[sflag:s12] =	ssyncset.done $0x0  }
0x199: {  	[sflag:s12] =	ssyncadd.s32 $0xFFFFFC00  }
0x19a: {  	_ =	swait.ge [sflag:s13], $0x400  }
0x19b: {  	[sflag:s13] =	ssyncset.done $0x0  }
0x19c: {  	[sflag:s13] =	ssyncadd.s32 $0xFFFFFC00  }
0x19d: {  	_ =	swait.ge [sflag:s14], $0x400  }
0x19e: {  	[sflag:s14] =	ssyncset.done $0x0  }
0x19f: {  	[sflag:s14] =	ssyncadd.s32 $0xFFFFFC00  }
0x1a0: {  	_ =	swait.ge [sflag:s15], $0x400  }
0x1a1: {  	[sflag:s15] =	ssyncset.done $0x0  }
0x1a2: {  	[sflag:s15] =	ssyncadd.s32 $0xFFFFFC00  }
0x1a3: {  	_ =	swait.ge [sflag:s7], $0x400  }
0x1a4: {  	[sflag:s7] =	ssyncset.done $0x0  }
0x1a5: {  	s17 =	simm.s32 $0x1000;
	[sflag:s7] =	ssyncadd.s32 $0xFFFFFC00  }
0x1a6: {  	[spmem:s2] =	stream.indirect.scatter.add.f32 [tilespmem:s6], [sflag:$0x1], $0x8, s17, s8, $0xb8;
	[tilespmem:$0x2C00] =	vst v63  }
0x1a7: {  	_ = 	snop  }
0x1a8: {  	[spmem:s2] =	stream.indirect.scatter.add.f32 [tilespmem:s6], [sflag:$0x2], $0x8, s19, s8, $0xb8;
	[tilespmem:$0x2C00] =	vst v63  }
0x1a9: {  	_ = 	snop  }
0x1aa: {  	[spmem:s2] =	stream.indirect.scatter.add.f32 [tilespmem:s6], [sflag:$0x3], $0x8, s20, s8, $0xb8;
	[tilespmem:$0x2C00] =	vst v63  }
0x1ab: {  	_ = 	snop  }
0x1ac: {  	[spmem:s2] =	stream.indirect.scatter.add.f32 [tilespmem:s6], [sflag:$0x4], $0x8, s21, s8, $0xb8;
	[tilespmem:$0x2C00] =	vst v63  }
0x1ad: {  	_ = 	snop  }
0x1ae: {  	[spmem:s2] =	stream.indirect.scatter.add.f32 [tilespmem:s6], [sflag:$0x5], $0x8, s22, s8, $0xb8;
	[tilespmem:$0x2C00] =	vst v63  }
0x1af: {  	_ = 	snop  }
0x1b0: {  	[spmem:s2] =	stream.indirect.scatter.add.f32 [tilespmem:s6], [sflag:$0x6], $0x8, s23, s8, $0xb8;
	[tilespmem:$0x2C00] =	vst v63  }
0x1b1: {  	_ = 	snop  }
0x1b2: {  	[spmem:s2] =	stream.indirect.scatter.add.f32 [tilespmem:s6], [sflag:$0x7], $0x8, s24, s8, $0xb8;
	[tilespmem:$0x2C00] =	vst v63  }
0x1b3: {  	_ = 	snop  }
0x1b4: {  	[spmem:s2] =	stream.indirect.scatter.add.f32 [tilespmem:s6], [sflag:$0x8], $0x8, s25, s8, $0xb8;
	[tilespmem:$0x2C00] =	vst v63  }
0x1b5: {  	_ =	swait.ge [sflag:s9], $0x400  }
0x1b6: {  	[sflag:s9] =	ssyncset.done $0x0  }
0x1b7: {  	[sflag:s9] =	ssyncadd.s32 $0xFFFFFC00  }
0x1b8: {  	_ =	swait.ge [sflag:s10], $0x400  }
0x1b9: {  	[sflag:s10] =	ssyncset.done $0x0  }
0x1ba: {  	[sflag:s10] =	ssyncadd.s32 $0xFFFFFC00  }
0x1bb: {  	_ =	swait.ge [sflag:s11], $0x400  }
0x1bc: {  	[sflag:s11] =	ssyncset.done $0x0  }
0x1bd: {  	[sflag:s11] =	ssyncadd.s32 $0xFFFFFC00  }
0x1be: {  	_ =	swait.ge [sflag:s12], $0x400  }
0x1bf: {  	[sflag:s12] =	ssyncset.done $0x0  }
0x1c0: {  	[sflag:s12] =	ssyncadd.s32 $0xFFFFFC00  }
0x1c1: {  	_ =	swait.ge [sflag:s13], $0x400  }
0x1c2: {  	[sflag:s13] =	ssyncset.done $0x0  }
0x1c3: {  	[sflag:s13] =	ssyncadd.s32 $0xFFFFFC00  }
0x1c4: {  	_ =	swait.ge [sflag:s14], $0x400  }
0x1c5: {  	[sflag:s14] =	ssyncset.done $0x0  }
0x1c6: {  	[sflag:s14] =	ssyncadd.s32 $0xFFFFFC00  }
0x1c7: {  	_ =	swait.ge [sflag:s15], $0x400  }
0x1c8: {  	[sflag:s15] =	ssyncset.done $0x0  }
0x1c9: {  	[sflag:s15] =	ssyncadd.s32 $0xFFFFFC00  }
0x1ca: {  	_ =	swait.ge [sflag:s7], $0x400  }
0x1cb: {  	p1 =	sne.s32 s1, $0x1;
	[sflag:s7] =	ssyncset.done $0x0  }
.Ltmp2:
0x1cc: {  	[sflag:s7] =	ssyncadd.s32 $0xFFFFFC00;
	(pc) =	sbr.rel @p1 .LBB2_4-.Ltmp2, $4  }
0x1cd: {  	[bflag:$0x0] =	sbarrier.arrive $0xFFFF  }
0x1ce: {  	[hbm:s16], [sflag:s3] =	dma.local [spmem:s4], $0x280  }
0x1cf: {  	_ =	swait.ge [sflag:s5], $0x280  }
0x1d0: {  	s1 =	sadd.s32 $0xFFFFFFFF, s1;
	s0 =	rddreg [dreg:$0x4];
	[sflag:s5] =	ssyncset.done $0x0  }
0x1d1: {  	s25 =	simm.s32 $0xF80  }
0x1d2: {  	s30 =	simm.s32 $0xF00;
	s29 =	simm.s32 $0xE80;
	s28 =	simm.s32 $0xE00  }
0x1d3: {  	s26 =	simm.s32 $0xD80;
	s24 =	simm.s32 $0x1300;
	s23 =	simm.s32 $0x1280  }
0x1d4: {  	s22 =	simm.s32 $0x1200;
	s21 =	simm.s32 $0x1180;
	s20 =	simm.s32 $0x1100  }
0x1d5: {  	s19 =	simm.s32 $0x1080;
	s18 =	simm.s32 $0x1000;
	s17 =	stileid.u32  }
.LBB2_6:
0x1d6: {  	[sflag:s5] =	ssyncadd.s32 @p0 $0xFFFFFD80  }
0x1d7: {  	[spmem:s4], [sflag:s3] =	dma.local [hbm:s0], $0x280  }
0x1d8: {  	_ =	swait.ge [sflag:s5], $0x280  }
0x1d9: {  	[sflag:s5] =	ssyncset.done $0x0  }
0x1da: {  	s1 =	rddreg [dreg:$0x3];
	[sflag:s5] =	ssyncadd.s32 $0xFFFFFD80  }
0x1db: {  	[tilespmem:s6], [sflag:$0x9] =	stream.linear.gather [hbm4b:s1+s31], $0x400, $0x38;
	[tilespmem:$0x2C00] =	vst v63  }
0x1dc: {  	_ =	swait.ge [sflag:s5], $0x400  }
0x1dd: {  	[sflag:s5] =	ssyncset.done $0x0  }
0x1de: {  	s1 =	rddreg [dreg:$0x5];
	[sflag:s5] =	ssyncadd.s32 $0xFFFFFC00  }
0x1df: {  	[tilespmem:s31], [sflag:$0x9] =	stream.linear.gather [hbm4b:s1+s31], $0x1400, $0x38;
	[tilespmem:$0x2C00] =	vst v63  }
0x1e0: {  	_ =	swait.ge [sflag:s5], $0x1400  }
0x1e1: {  	[sflag:s5] =	ssyncset.done $0x0  }
0x1e2: {  	[sflag:s5] =	ssyncadd.s32 $0xFFFFEC00  }
0x1e3: {  	[bflag:$0x0] =	sbarrier.arrive $0xFFFF  }
0x1e4: {  	[spmem:s2] =	stream.indirect.scatter.add.f32 [tilespmem:s6], [sflag:$0x1], $0x8, s31, s8, $0xb8;
	[tilespmem:$0x2C00] =	vst v63  }
0x1e5: {  	_ = 	snop  }
0x1e6: {  	[spmem:s2] =	stream.indirect.scatter.add.f32 [tilespmem:s6], [sflag:$0x2], $0x8, s8, s8, $0xb8;
	[tilespmem:$0x2C00] =	vst v63  }
0x1e7: {  	s31 =	rddreg [dreg:$0x6]  }
0x1e8: {  	[spmem:s2] =	stream.indirect.scatter.add.f32 [tilespmem:s6], [sflag:$0x3], $0x8, s31, s8, $0xb8;
	[tilespmem:$0x2C00] =	vst v63  }
0x1e9: {  	s1 =	rddreg [dreg:$0x7]  }
0x1ea: {  	[spmem:s2] =	stream.indirect.scatter.add.f32 [tilespmem:s6], [sflag:$0x4], $0x8, s1, s8, $0xb8;
	[tilespmem:$0x2C00] =	vst v63  }
0x1eb: {  	s0 =	rddreg [dreg:$0x8]  }
0x1ec: {  	[spmem:s2] =	stream.indirect.scatter.add.f32 [tilespmem:s6], [sflag:$0x5], $0x8, s0, s8, $0xb8;
	[tilespmem:$0x2C00] =	vst v63  }
0x1ed: {  	s31 =	rddreg [dreg:$0x9]  }
0x1ee: {  	[spmem:s2] =	stream.indirect.scatter.add.f32 [tilespmem:s6], [sflag:$0x6], $0x8, s31, s8, $0xb8;
	[tilespmem:$0x2C00] =	vst v63  }
0x1ef: {  	s0 =	rddreg [dreg:$0xa]  }
0x1f0: {  	[spmem:s2] =	stream.indirect.scatter.add.f32 [tilespmem:s6], [sflag:$0x7], $0x8, s0, s8, $0xb8;
	[tilespmem:$0x2C00] =	vst v63  }
0x1f1: {  	s31 =	rddreg [dreg:$0xb]  }
0x1f2: {  	[spmem:s2] =	stream.indirect.scatter.add.f32 [tilespmem:s6], [sflag:$0x8], $0x8, s31, s8, $0xb8;
	[tilespmem:$0x2C00] =	vst v63  }
0x1f3: {  	_ =	swait.ge [sflag:s9], $0x400  }
0x1f4: {  	[sflag:s9] =	ssyncset.done $0x0  }
0x1f5: {  	[sflag:s9] =	ssyncadd.s32 $0xFFFFFC00  }
0x1f6: {  	_ =	swait.ge [sflag:s10], $0x400  }
0x1f7: {  	[sflag:s10] =	ssyncset.done $0x0  }
0x1f8: {  	[sflag:s10] =	ssyncadd.s32 $0xFFFFFC00  }
0x1f9: {  	_ =	swait.ge [sflag:s11], $0x400  }
0x1fa: {  	[sflag:s11] =	ssyncset.done $0x0  }
0x1fb: {  	[sflag:s11] =	ssyncadd.s32 $0xFFFFFC00  }
0x1fc: {  	_ =	swait.ge [sflag:s12], $0x400  }
0x1fd: {  	[sflag:s12] =	ssyncset.done $0x0  }
0x1fe: {  	[sflag:s12] =	ssyncadd.s32 $0xFFFFFC00  }
0x1ff: {  	_ =	swait.ge [sflag:s13], $0x400  }
0x200: {  	[sflag:s13] =	ssyncset.done $0x0  }
0x201: {  	[sflag:s13] =	ssyncadd.s32 $0xFFFFFC00  }
0x202: {  	_ =	swait.ge [sflag:s14], $0x400  }
0x203: {  	[sflag:s14] =	ssyncset.done $0x0  }
0x204: {  	[sflag:s14] =	ssyncadd.s32 $0xFFFFFC00  }
0x205: {  	_ =	swait.ge [sflag:s15], $0x400  }
0x206: {  	[sflag:s15] =	ssyncset.done $0x0  }
0x207: {  	[sflag:s15] =	ssyncadd.s32 $0xFFFFFC00  }
0x208: {  	_ =	swait.ge [sflag:s7], $0x400  }
0x209: {  	[sflag:s7] =	ssyncset.done $0x0  }
0x20a: {  	s1 =	rddreg [dreg:$0xc];
	[sflag:s7] =	ssyncadd.s32 $0xFFFFFC00  }
0x20b: {  	[spmem:s2] =	stream.indirect.scatter.add.f32 [tilespmem:s6], [sflag:$0x1], $0x8, s1, s8, $0xb8;
	[tilespmem:$0x2C00] =	vst v63  }
0x20c: {  	s31 =	rddreg [dreg:$0xd]  }
0x20d: {  	[spmem:s2] =	stream.indirect.scatter.add.f32 [tilespmem:s6], [sflag:$0x2], $0x8, s31, s8, $0xb8;
	[tilespmem:$0x2C00] =	vst v63  }
0x20e: {  	s0 =	rddreg [dreg:$0xe]  }
0x20f: {  	[spmem:s2] =	stream.indirect.scatter.add.f32 [tilespmem:s6], [sflag:$0x3], $0x8, s0, s8, $0xb8;
	[tilespmem:$0x2C00] =	vst v63  }
0x210: {  	s31 =	rddreg [dreg:$0xf]  }
0x211: {  	[spmem:s2] =	stream.indirect.scatter.add.f32 [tilespmem:s6], [sflag:$0x4], $0x8, s31, s8, $0xb8;
	[tilespmem:$0x2C00] =	vst v63  }
0x212: {  	s0 =	rddreg [dreg:$0x10]  }
0x213: {  	[spmem:s2] =	stream.indirect.scatter.add.f32 [tilespmem:s6], [sflag:$0x5], $0x8, s0, s8, $0xb8;
	[tilespmem:$0x2C00] =	vst v63  }
0x214: {  	s31 =	rddreg [dreg:$0x11]  }
0x215: {  	[spmem:s2] =	stream.indirect.scatter.add.f32 [tilespmem:s6], [sflag:$0x6], $0x8, s31, s8, $0xb8;
	[tilespmem:$0x2C00] =	vst v63  }
0x216: {  	s0 =	rddreg [dreg:$0x12]  }
0x217: {  	[spmem:s2] =	stream.indirect.scatter.add.f32 [tilespmem:s6], [sflag:$0x7], $0x8, s0, s8, $0xb8;
	[tilespmem:$0x2C00] =	vst v63  }
0x218: {  	s31 =	rddreg [dreg:$0x13]  }
0x219: {  	[spmem:s2] =	stream.indirect.scatter.add.f32 [tilespmem:s6], [sflag:$0x8], $0x8, s31, s8, $0xb8;
	[tilespmem:$0x2C00] =	vst v63  }
0x21a: {  	_ =	swait.ge [sflag:s9], $0x400  }
0x21b: {  	[sflag:s9] =	ssyncset.done $0x0  }
0x21c: {  	[sflag:s9] =	ssyncadd.s32 $0xFFFFFC00  }
0x21d: {  	_ =	swait.ge [sflag:s10], $0x400  }
0x21e: {  	[sflag:s10] =	ssyncset.done $0x0  }
0x21f: {  	[sflag:s10] =	ssyncadd.s32 $0xFFFFFC00  }
0x220: {  	_ =	swait.ge [sflag:s11], $0x400  }
0x221: {  	[sflag:s11] =	ssyncset.done $0x0  }
0x222: {  	[sflag:s11] =	ssyncadd.s32 $0xFFFFFC00  }
0x223: {  	_ =	swait.ge [sflag:s12], $0x400  }
0x224: {  	[sflag:s12] =	ssyncset.done $0x0  }
0x225: {  	[sflag:s12] =	ssyncadd.s32 $0xFFFFFC00  }
0x226: {  	_ =	swait.ge [sflag:s13], $0x400  }
0x227: {  	[sflag:s13] =	ssyncset.done $0x0  }
0x228: {  	[sflag:s13] =	ssyncadd.s32 $0xFFFFFC00  }
0x229: {  	_ =	swait.ge [sflag:s14], $0x400  }
0x22a: {  	[sflag:s14] =	ssyncset.done $0x0  }
0x22b: {  	[sflag:s14] =	ssyncadd.s32 $0xFFFFFC00  }
0x22c: {  	_ =	swait.ge [sflag:s15], $0x400  }
0x22d: {  	[sflag:s15] =	ssyncset.done $0x0  }
0x22e: {  	[sflag:s15] =	ssyncadd.s32 $0xFFFFFC00  }
0x22f: {  	_ =	swait.ge [sflag:s7], $0x400  }
0x230: {  	[sflag:s7] =	ssyncset.done $0x0  }
0x231: {  	s1 =	rddreg [dreg:$0x14];
	[sflag:s7] =	ssyncadd.s32 $0xFFFFFC00  }
0x232: {  	[spmem:s2] =	stream.indirect.scatter.add.f32 [tilespmem:s6], [sflag:$0x1], $0x8, s1, s8, $0xb8;
	[tilespmem:$0x2C00] =	vst v63  }
0x233: {  	s31 =	rddreg [dreg:$0x15]  }
0x234: {  	[spmem:s2] =	stream.indirect.scatter.add.f32 [tilespmem:s6], [sflag:$0x2], $0x8, s31, s8, $0xb8;
	[tilespmem:$0x2C00] =	vst v63  }
0x235: {  	s0 =	rddreg [dreg:$0x16]  }
0x236: {  	[spmem:s2] =	stream.indirect.scatter.add.f32 [tilespmem:s6], [sflag:$0x3], $0x8, s0, s8, $0xb8;
	[tilespmem:$0x2C00] =	vst v63  }
0x237: {  	s31 =	rddreg [dreg:$0x17]  }
0x238: {  	[spmem:s2] =	stream.indirect.scatter.add.f32 [tilespmem:s6], [sflag:$0x4], $0x8, s31, s8, $0xb8;
	[tilespmem:$0x2C00] =	vst v63  }
0x239: {  	s0 =	rddreg [dreg:$0x18]  }
0x23a: {  	[spmem:s2] =	stream.indirect.scatter.add.f32 [tilespmem:s6], [sflag:$0x5], $0x8, s0, s8, $0xb8;
	[tilespmem:$0x2C00] =	vst v63  }
0x23b: {  	s31 =	rddreg [dreg:$0x19]  }
0x23c: {  	[spmem:s2] =	stream.indirect.scatter.add.f32 [tilespmem:s6], [sflag:$0x6], $0x8, s31, s8, $0xb8;
	[tilespmem:$0x2C00] =	vst v63  }
0x23d: {  	s0 =	rddreg [dreg:$0x1a]  }
0x23e: {  	[spmem:s2] =	stream.indirect.scatter.add.f32 [tilespmem:s6], [sflag:$0x7], $0x8, s0, s8, $0xb8;
	[tilespmem:$0x2C00] =	vst v63  }
0x23f: {  	s31 =	rddreg [dreg:$0x1b]  }
0x240: {  	[spmem:s2] =	stream.indirect.scatter.add.f32 [tilespmem:s6], [sflag:$0x8], $0x8, s31, s8, $0xb8;
	[tilespmem:$0x2C00] =	vst v63  }
0x241: {  	_ =	swait.ge [sflag:s9], $0x400  }
0x242: {  	[sflag:s9] =	ssyncset.done $0x0  }
0x243: {  	[sflag:s9] =	ssyncadd.s32 $0xFFFFFC00  }
0x244: {  	_ =	swait.ge [sflag:s10], $0x400  }
0x245: {  	[sflag:s10] =	ssyncset.done $0x0  }
0x246: {  	[sflag:s10] =	ssyncadd.s32 $0xFFFFFC00  }
0x247: {  	_ =	swait.ge [sflag:s11], $0x400  }
0x248: {  	[sflag:s11] =	ssyncset.done $0x0  }
0x249: {  	[sflag:s11] =	ssyncadd.s32 $0xFFFFFC00  }
0x24a: {  	_ =	swait.ge [sflag:s12], $0x400  }
0x24b: {  	[sflag:s12] =	ssyncset.done $0x0  }
0x24c: {  	[sflag:s12] =	ssyncadd.s32 $0xFFFFFC00  }
0x24d: {  	_ =	swait.ge [sflag:s13], $0x400  }
0x24e: {  	[sflag:s13] =	ssyncset.done $0x0  }
0x24f: {  	[sflag:s13] =	ssyncadd.s32 $0xFFFFFC00  }
0x250: {  	_ =	swait.ge [sflag:s14], $0x400  }
0x251: {  	[sflag:s14] =	ssyncset.done $0x0  }
0x252: {  	[sflag:s14] =	ssyncadd.s32 $0xFFFFFC00  }
0x253: {  	_ =	swait.ge [sflag:s15], $0x400  }
0x254: {  	[sflag:s15] =	ssyncset.done $0x0  }
0x255: {  	[sflag:s15] =	ssyncadd.s32 $0xFFFFFC00  }
0x256: {  	_ =	swait.ge [sflag:s7], $0x400  }
0x257: {  	[sflag:s7] =	ssyncset.done $0x0  }
0x258: {  	s31 =	rddreg [dreg:$0x1c];
	[sflag:s7] =	ssyncadd.s32 $0xFFFFFC00  }
0x259: {  	[spmem:s2] =	stream.indirect.scatter.add.f32 [tilespmem:s6], [sflag:$0x1], $0x8, s31, s8, $0xb8;
	[tilespmem:$0x2C00] =	vst v63  }
0x25a: {  	s1 =	rddreg [dreg:$0x1d]  }
0x25b: {  	[spmem:s2] =	stream.indirect.scatter.add.f32 [tilespmem:s6], [sflag:$0x2], $0x8, s1, s8, $0xb8;
	[tilespmem:$0x2C00] =	vst v63  }
0x25c: {  	s31 =	rddreg [dreg:$0x1e]  }
0x25d: {  	[spmem:s2] =	stream.indirect.scatter.add.f32 [tilespmem:s6], [sflag:$0x3], $0x8, s31, s8, $0xb8;
	[tilespmem:$0x2C00] =	vst v63  }
0x25e: {  	_ = 	snop  }
0x25f: {  	[spmem:s2] =	stream.indirect.scatter.add.f32 [tilespmem:s6], [sflag:$0x4], $0x8, s26, s8, $0xb8;
	[tilespmem:$0x2C00] =	vst v63  }
0x260: {  	_ = 	snop  }
0x261: {  	[spmem:s2] =	stream.indirect.scatter.add.f32 [tilespmem:s6], [sflag:$0x5], $0x8, s28, s8, $0xb8;
	[tilespmem:$0x2C00] =	vst v63  }
0x262: {  	_ = 	snop  }
0x263: {  	[spmem:s2] =	stream.indirect.scatter.add.f32 [tilespmem:s6], [sflag:$0x6], $0x8, s29, s8, $0xb8;
	[tilespmem:$0x2C00] =	vst v63  }
0x264: {  	_ = 	snop  }
0x265: {  	[spmem:s2] =	stream.indirect.scatter.add.f32 [tilespmem:s6], [sflag:$0x7], $0x8, s30, s8, $0xb8;
	[tilespmem:$0x2C00] =	vst v63  }
0x266: {  	_ = 	snop  }
0x267: {  	[spmem:s2] =	stream.indirect.scatter.add.f32 [tilespmem:s6], [sflag:$0x8], $0x8, s25, s8, $0xb8;
	[tilespmem:$0x2C00] =	vst v63  }
0x268: {  	_ =	swait.ge [sflag:s9], $0x400  }
0x269: {  	[sflag:s9] =	ssyncset.done $0x0  }
0x26a: {  	[sflag:s9] =	ssyncadd.s32 $0xFFFFFC00  }
0x26b: {  	_ =	swait.ge [sflag:s10], $0x400  }
0x26c: {  	[sflag:s10] =	ssyncset.done $0x0  }
0x26d: {  	[sflag:s10] =	ssyncadd.s32 $0xFFFFFC00  }
0x26e: {  	_ =	swait.ge [sflag:s11], $0x400  }
0x26f: {  	[sflag:s11] =	ssyncset.done $0x0  }
0x270: {  	[sflag:s11] =	ssyncadd.s32 $0xFFFFFC00  }
0x271: {  	_ =	swait.ge [sflag:s12], $0x400  }
0x272: {  	[sflag:s12] =	ssyncset.done $0x0  }
0x273: {  	[sflag:s12] =	ssyncadd.s32 $0xFFFFFC00  }
0x274: {  	_ =	swait.ge [sflag:s13], $0x400  }
0x275: {  	[sflag:s13] =	ssyncset.done $0x0  }
0x276: {  	[sflag:s13] =	ssyncadd.s32 $0xFFFFFC00  }
0x277: {  	_ =	swait.ge [sflag:s14], $0x400  }
0x278: {  	[sflag:s14] =	ssyncset.done $0x0  }
0x279: {  	[sflag:s14] =	ssyncadd.s32 $0xFFFFFC00  }
0x27a: {  	_ =	swait.ge [sflag:s15], $0x400  }
0x27b: {  	[sflag:s15] =	ssyncset.done $0x0  }
0x27c: {  	[sflag:s15] =	ssyncadd.s32 $0xFFFFFC00  }
0x27d: {  	_ =	swait.ge [sflag:s7], $0x400  }
0x27e: {  	[sflag:s7] =	ssyncset.done $0x0  }
0x27f: {  	[sflag:s7] =	ssyncadd.s32 $0xFFFFFC00  }
0x280: {  	[spmem:s2] =	stream.indirect.scatter.add.f32 [tilespmem:s6], [sflag:$0x1], $0x8, s18, s8, $0xb8;
	[tilespmem:$0x2C00] =	vst v63  }
0x281: {  	_ = 	snop  }
0x282: {  	[spmem:s2] =	stream.indirect.scatter.add.f32 [tilespmem:s6], [sflag:$0x2], $0x8, s19, s8, $0xb8;
	[tilespmem:$0x2C00] =	vst v63  }
0x283: {  	_ = 	snop  }
0x284: {  	[spmem:s2] =	stream.indirect.scatter.add.f32 [tilespmem:s6], [sflag:$0x3], $0x8, s20, s8, $0xb8;
	[tilespmem:$0x2C00] =	vst v63  }
0x285: {  	_ = 	snop  }
0x286: {  	[spmem:s2] =	stream.indirect.scatter.add.f32 [tilespmem:s6], [sflag:$0x4], $0x8, s21, s8, $0xb8;
	[tilespmem:$0x2C00] =	vst v63  }
0x287: {  	_ = 	snop  }
0x288: {  	[spmem:s2] =	stream.indirect.scatter.add.f32 [tilespmem:s6], [sflag:$0x5], $0x8, s22, s8, $0xb8;
	[tilespmem:$0x2C00] =	vst v63  }
0x289: {  	_ = 	snop  }
0x28a: {  	[spmem:s2] =	stream.indirect.scatter.add.f32 [tilespmem:s6], [sflag:$0x6], $0x8, s23, s8, $0xb8;
	[tilespmem:$0x2C00] =	vst v63  }
0x28b: {  	_ = 	snop  }
0x28c: {  	[spmem:s2] =	stream.indirect.scatter.add.f32 [tilespmem:s6], [sflag:$0x7], $0x8, s24, s8, $0xb8;
	[tilespmem:$0x2C00] =	vst v63  }
0x28d: {  	s31 =	simm.s32 $0x1380  }
0x28e: {  	[spmem:s2] =	stream.indirect.scatter.add.f32 [tilespmem:s6], [sflag:$0x8], $0x8, s31, s8, $0xb8;
	[tilespmem:$0x2C00] =	vst v63  }
0x28f: {  	_ =	swait.ge [sflag:s9], $0x400  }
0x290: {  	[sflag:s9] =	ssyncset.done $0x0  }
0x291: {  	[sflag:s9] =	ssyncadd.s32 $0xFFFFFC00  }
0x292: {  	_ =	swait.ge [sflag:s10], $0x400  }
0x293: {  	[sflag:s10] =	ssyncset.done $0x0  }
0x294: {  	[sflag:s10] =	ssyncadd.s32 $0xFFFFFC00  }
0x295: {  	_ =	swait.ge [sflag:s11], $0x400  }
0x296: {  	[sflag:s11] =	ssyncset.done $0x0  }
0x297: {  	[sflag:s11] =	ssyncadd.s32 $0xFFFFFC00  }
0x298: {  	_ =	swait.ge [sflag:s12], $0x400  }
0x299: {  	[sflag:s12] =	ssyncset.done $0x0  }
0x29a: {  	[sflag:s12] =	ssyncadd.s32 $0xFFFFFC00  }
0x29b: {  	_ =	swait.ge [sflag:s13], $0x400  }
0x29c: {  	[sflag:s13] =	ssyncset.done $0x0  }
0x29d: {  	[sflag:s13] =	ssyncadd.s32 $0xFFFFFC00  }
0x29e: {  	_ =	swait.ge [sflag:s14], $0x400  }
0x29f: {  	[sflag:s14] =	ssyncset.done $0x0  }
0x2a0: {  	[sflag:s14] =	ssyncadd.s32 $0xFFFFFC00  }
0x2a1: {  	_ =	swait.ge [sflag:s15], $0x400  }
0x2a2: {  	[sflag:s15] =	ssyncset.done $0x0  }
0x2a3: {  	[sflag:s15] =	ssyncadd.s32 $0xFFFFFC00  }
0x2a4: {  	_ =	swait.ge [sflag:s7], $0x400  }
0x2a5: {  	[sflag:s7] =	ssyncset.done $0x0  }
0x2a6: {  	[sflag:s7] =	ssyncadd.s32 $0xFFFFFC00  }
0x2a7: {  	[bflag:$0x0] =	sbarrier.arrive $0xFFFF  }
0x2a8: {  	[hbm:s16], [sflag:s3] =	dma.local [spmem:s4], $0x280  }
0x2a9: {  	_ =	swait.ge [sflag:s5], $0x280  }
0x2aa: {  	[sflag:s5] =	ssyncset.done $0x0  }
0x2ab: {  	[sflag:s5] =	ssyncadd.s32 $0xFFFFFD80  }
0x2ac: {  	_ =	sfence.sel $0x180000  }
0x2ad: {  	[bflag:$0x0] =	sbarrier.arrive $0xFFFF  }
0x2ae: {  	_ =	strace $0x90000047  }
0x2af: {  	[bflag:$0x2] =	sbarrier.arrive $0xFFFF  }
0x2b0: {  	p0 =	sne.s32 s17, $0x0;
	s0 =	rddreg [dreg:$0x2]  }
0x2b1: {  	s0 =	sadd.s32 @!p0 $0x100000, s0  }
0x2b2: {  	[sflag:s0] =	ssyncadd.tile.s32 @!p0 $0x1;
	_ =	shalt  }
.LBB2_1:
.Ltmp3:
0x2b3: {  	(pc) =	sbr.rel .LBB2_6-.Ltmp3, $4  }
0x2b4: {  	s25 =	simm.s32 $0xF80;
	s30 =	simm.s32 $0xF00;
	s29 =	simm.s32 $0xE80  }
0x2b5: {  	s28 =	simm.s32 $0xE00;
	s26 =	simm.s32 $0xD80;
	s24 =	simm.s32 $0x1300  }
0x2b6: {  	s23 =	simm.s32 $0x1280;
	s22 =	simm.s32 $0x1200;
	s21 =	simm.s32 $0x1180  }
0x2b7: {  	s20 =	simm.s32 $0x1100;
	s19 =	simm.s32 $0x1080;
	s18 =	simm.s32 $0x1000  }
.LBB2_3:
.Ltmp4:
0x2b8: {  	s25 =	simm.s32 $0xF80;
	(pc) =	sbr.rel .LBB2_6-.Ltmp4, $4  }
0x2b9: {  	s30 =	simm.s32 $0xF00;
	s29 =	simm.s32 $0xE80;
	s28 =	simm.s32 $0xE00  }
0x2ba: {  	s26 =	simm.s32 $0xD80;
	s24 =	simm.s32 $0x1300;
	s23 =	simm.s32 $0x1280  }
0x2bb: {  	s22 =	simm.s32 $0x1200;
	s21 =	simm.s32 $0x1180;
	s20 =	simm.s32 $0x1100  }
0x2bc: {  	s19 =	simm.s32 $0x1080;
	s18 =	simm.s32 $0x1000;
	s17 =	stileid.u32  }
.Lfunc_end2:
_tile_overlayer_lowered:
.L_overlay_start_2:
0x2bd: {  	(tag) =	ssettag $0x2  }
0x2be: {  	s0 =	rddreg [dreg:$0x0];
	s2 =	stileid.u32  }
0x2bf: {  	s1 =	rddreg [dreg:$0x1];
	p0 =	sne.s32 s2, $0x0  }
0x2c0: {  	s3 =	rddreg [dreg:$0x2];
	[bflag:$0x3] =	sbarrier.arrive $0xFFFF;
	s2 =	simm.s32 @!p0 $0x1C09  }
0x2c1: {  	[timem:s3], [sflag:s2] =	dma.local @!p0 [hbm:s0], s1  }
0x2c2: {  	s0 =	simm.s32 @!p0 $0x9  }
0x2c3: {  	_ =	swait.ge @!p0 [sflag:s0], s1  }
0x2c4: {  	s1 =	ssub.s32 @!p0 $0x0, s1;
	[sflag:s0] =	ssyncset.done @!p0 $0x0  }
0x2c5: {  	[sflag:s0] =	ssyncadd.s32 @!p0 s1  }
0x2c6: {  	[bflag:$0x3] =	sbarrier.arrive $0xFFFF  }
0x2c7: {  	_ =	shalt  }

</sc_bundles>
